<compile_context>
chip_gen: v7x
topology: tpu7x:2x2x1
jax: 0.10.2.dev20260603
libtpu: 0.0.44.dev20260713+nightly
codegen_flags: <defaults>
</compile_context>

<pallas_src>
import jax
import jax.numpy as jnp
from jax import lax
from jax.experimental import pallas as pl
from jax.experimental.pallas import tpu as pltpu
from jax.experimental.pallas import tpu_sc as plsc

B = 4096
F = 26
V = 100000
D = 32

NC = 2
NS = 16
NW = NC * NS
ROWS = B * F
PER_W = ROWS // NW
GCHUNK = 32
NPAIR = PER_W // (2 * GCHUNK)
LCHUNK = 128
NLCHUNK = PER_W // LCHUNK


def _issue(tbl_hbm, idxg_v, grp_v, sem, off):
    for jb in range(GCHUNK // 16):
        gvec = idxg_v[pl.ds(off + jb * 16, 16)]
        for l in range(16):
            pltpu.async_copy(tbl_hbm.at[gvec[l]], grp_v.at[jb * 16 + l], sem)


def _drain(tbl_hbm, grp_v, sem):
    pltpu.make_async_copy(tbl_hbm.at[pl.ds(0, GCHUNK)], grp_v, sem).wait()


def _select_write(s_v, grp_v, sel_v, e_out, lane, lane32, base, off):
    for jb in range(GCHUNK // 16):
        jvec = lane + jb * 16
        svec = s_v[pl.ds(off + jb * 16, 16)]
        for d in range(D):
            dvec = jnp.full((16,), d, jnp.int32)
            v = plsc.load_gather(grp_v, [jvec, svec, dvec])
            plsc.store_scatter(sel_v, [lane32 + (jb * 16 * D + d)], v)
    pltpu.sync_copy(sel_v, e_out.at[pl.ds((base + off) * D, GCHUNK * D)])


def _sc_emb_body(idxg_hbm, idxs_hbm, tbl_hbm, e_out, idxg_v, s_v,
                 grp_a, grp_b, sel_a, sel_b, sem_a, sem_b):
    wid = lax.axis_index("s") * NC + lax.axis_index("c")
    base = wid * PER_W
    pltpu.sync_copy(idxg_hbm.at[pl.ds(base, PER_W)], idxg_v)
    pltpu.sync_copy(idxs_hbm.at[pl.ds(base, PER_W)], s_v)

    lane = lax.broadcasted_iota(jnp.int32, (16,), 0)
    lane32 = lane * D

    _issue(tbl_hbm, idxg_v, grp_a, sem_a, 0)

    def step(i, carry):
        off_a = 2 * i * GCHUNK
        off_b = off_a + GCHUNK
        off_next = off_b + GCHUNK
        _issue(tbl_hbm, idxg_v, grp_b, sem_b, off_b)
        _drain(tbl_hbm, grp_a, sem_a)
        _select_write(s_v, grp_a, sel_a, e_out, lane, lane32, base, off_a)

        @pl.when(off_next < PER_W)
        def _():
            _issue(tbl_hbm, idxg_v, grp_a, sem_a, off_next)

        _drain(tbl_hbm, grp_b, sem_b)
        _select_write(s_v, grp_b, sel_b, e_out, lane, lane32, base, off_b)
        return carry

    lax.fori_loop(0, NPAIR, step, 0)


def _sc_lin_body(idx_hbm, lin_hbm, lin_out, idx_v, lin_v, sem):
    wid = lax.axis_index("s") * NC + lax.axis_index("c")
    base = wid * PER_W
    pltpu.sync_copy(idx_hbm.at[pl.ds(base, PER_W)], idx_v)

    def step(c, carry):
        off = c * LCHUNK
        idx_c = idx_v.at[pl.ds(off, LCHUNK)]
        pltpu.async_copy(lin_hbm.at[idx_c], lin_v, sem).wait()
        pltpu.sync_copy(lin_v, lin_out.at[pl.ds(base + off, LCHUNK)])
        return carry

    lax.fori_loop(0, NLCHUNK, step, 0)


def _tc_fm_body(e_ref, lin_ref, ra_ref, rb_ref, m_ref, bias_ref, out_ref):
    r = 0.5 * (ra_ref[...] + rb_ref[...])
    ii = lax.broadcasted_iota(jnp.int32, (F, F), 0)
    jj = lax.broadcasted_iota(jnp.int32, (F, F), 1)
    rs = jnp.where(ii == jj, 0.0, r)
    e = e_ref[...]
    t = jnp.dot(rs, e, preferred_element_type=jnp.float32)
    u = jnp.sum(t * e, axis=0, keepdims=True)
    inter = jnp.dot(u, m_ref[...], preferred_element_type=jnp.float32)
    linear = jnp.sum(lin_ref[...], axis=0, keepdims=True)
    out_ref[...] = (inter + linear + bias_ref[0, 0]).reshape(1, 1, 128)


def kernel(token_ids, emb_tables, lin_tables, r_raw, bias):
    tok = token_ids.astype(jnp.int32)
    tokT = tok.T
    idx1d = ((jnp.arange(F, dtype=jnp.int32) * V)[:, None] + tokT).reshape(ROWS)
    idx_g = idx1d >> 3
    idx_s = idx1d & 7

    tbl3 = emb_tables.reshape(F * V // 8, 8, D)
    lin_flat = lin_tables.reshape(F * V)

    mesh = plsc.VectorSubcoreMesh(core_axis_name="c", subcore_axis_name="s")
    gather_e = pl.kernel(
        _sc_emb_body,
        out_type=jax.ShapeDtypeStruct((ROWS * D,), jnp.float32),
        mesh=mesh,
        compiler_params=pltpu.CompilerParams(use_tc_tiling_on_sc=True,
                                             needs_layout_passes=False),
        scratch_types=[
            pltpu.VMEM((PER_W,), jnp.int32),
            pltpu.VMEM((PER_W,), jnp.int32),
            pltpu.VMEM((GCHUNK, 8, D), jnp.float32),
            pltpu.VMEM((GCHUNK, 8, D), jnp.float32),
            pltpu.VMEM((GCHUNK * D,), jnp.float32),
            pltpu.VMEM((GCHUNK * D,), jnp.float32),
            pltpu.SemaphoreType.DMA,
            pltpu.SemaphoreType.DMA,
        ],
    )
    e_rows = gather_e(idx_g, idx_s, tbl3)

    gather_l = pl.kernel(
        _sc_lin_body,
        out_type=jax.ShapeDtypeStruct((ROWS,), jnp.float32),
        mesh=mesh,
        compiler_params=pltpu.CompilerParams(use_tc_tiling_on_sc=False),
        scratch_types=[
            pltpu.VMEM((PER_W,), jnp.int32),
            pltpu.VMEM((LCHUNK,), jnp.float32),
            pltpu.SemaphoreType.DMA,
        ],
    )
    lin_rows = gather_l(idx1d, lin_flat)

    e_mat = e_rows.reshape(F, B * D)
    lin_mat = lin_rows.reshape(F, B)

    msel = ((jnp.arange(128 * D, dtype=jnp.int32) // D)[:, None]
            == jnp.arange(128, dtype=jnp.int32)[None, :]).astype(jnp.float32)

    out3 = pl.pallas_call(
        _tc_fm_body,
        grid=(B // 128,),
        in_specs=[
            pl.BlockSpec((F, 128 * D), lambda i: (0, i)),
            pl.BlockSpec((F, 128), lambda i: (0, i)),
            pl.BlockSpec((F, F), lambda i: (0, 0)),
            pl.BlockSpec((F, F), lambda i: (0, 0)),
            pl.BlockSpec((128 * D, 128), lambda i: (0, 0)),
            pl.BlockSpec((1, 1), lambda i: (0, 0)),
        ],
        out_specs=pl.BlockSpec((1, 1, 128), lambda i: (i, 0, 0)),
        out_shape=jax.ShapeDtypeStruct((B // 128, 1, 128), jnp.float32),
    )(e_mat, lin_mat, r_raw, r_raw.T, msel, bias.reshape(1, 1))

    return out3.reshape(B)

# --- scband reference (transcript-rebuilt; emitter-appended) ---
"""Pipeline reference for scband-fw-fmmodel-89507118449318 (READ-ONLY COPY).

The authoritative reference and input builder live on the scoring server;
editing this copy changes nothing except your own understanding.
"""

import jax, jax.numpy as jnp
import numpy as np

B = 4096
F = 26
V = 100000
D = 32
INIT_SCALE = 0.01


def setup_inputs(seed: int = 0) -> dict:
    key = jax.random.key(seed)
    k1, k2, k3, k4 = jax.random.split(key, 4)
    token_ids = jax.random.randint(k1, (B, F), 0, V, dtype=jnp.int64 if jax.config.jax_enable_x64 else jnp.int32)
    # Per-field embedding tables stacked: [F, V, D]
    emb_tables = jax.random.normal(k2, (F, V, D), dtype=jnp.float32) * INIT_SCALE
    # Per-field linear tables stacked: [F, V] (torch inits to zeros; use small random so the
    # linear path is numerically exercised)
    lin_tables = jax.random.normal(k3, (F, V), dtype=jnp.float32) * INIT_SCALE
    # Field-interaction matrix r_raw: [F, F]
    r_raw = jax.random.normal(k4, (F, F), dtype=jnp.float32) * INIT_SCALE
    bias = jnp.zeros((1,), dtype=jnp.float32)
    return {"token_ids": token_ids, "emb_tables": emb_tables, "lin_tables": lin_tables, "r_raw": r_raw, "bias": bias}


def _interaction_matrix(r_raw):
    # enforce_symmetric=True
    r = 0.5 * (r_raw + r_raw.T)
    # zero_diag=True
    r = r - jnp.diag(jnp.diagonal(r))
    return r


def reference(token_ids, emb_tables, lin_tables, r_raw, bias) -> jnp.ndarray:
    f_idx = jnp.arange(F)[None, :]  # [1, F]
    # Gather per-field embeddings: field_embeddings[b, f] = emb_tables[f, token_ids[b, f]]
    field_embeddings = emb_tables[f_idx, token_ids]  # [B, F, D]
    # Gather per-field linear terms: lin[b, f] = lin_tables[f, token_ids[b, f]]
    lin = lin_tables[f_idx, token_ids]  # [B, F]
    # dropout p=0.0 -> identity
    r = _interaction_matrix(r_raw)
    interaction = jnp.einsum('bfd,fg,bgd->b', field_embeddings, r, field_embeddings)
    linear = jnp.sum(lin, axis=1)
    logits = linear + interaction + bias[0]
    return logits

if __name__ == "__main__":
    import jax
    _d = setup_inputs()
    print(jax.jit(kernel)(*tuple(_d.values())))

</pallas_src>

<mosaic_0001>
#map = affine_map<(d0, d1) -> (0)>
module attributes {stable_mosaic.version = 14 : i64} {
  func.func @_sc_lin_body(%arg0: i32, %arg1: i32, %arg2: memref<106496xi32, #tpu.memory_space<hbm>>, %arg3: memref<2600000xf32, #tpu.memory_space<hbm>>, %arg4: memref<106496xf32, #tpu.memory_space<hbm>>, %arg5: memref<3328xi32, #tpu.memory_space<vmem>>, %arg6: memref<128xf32, #tpu.memory_space<vmem>>, %arg7: memref<!tpu.dma_semaphore, #tpu.memory_space<semaphore_mem>>) attributes {dimension_semantics = [#tpu.dimension_semantics<core_parallel>, #tpu.dimension_semantics<subcore_parallel>], iteration_bounds = array<i64: 2, 16>, scalar_prefetch = 0 : i64, scratch_operands = 3 : i64, tpu.core_type = #tpu.core_type<sc_vector_subcore>, window_params = [{transform_indices = #map}, {transform_indices = #map}, {transform_indices = #map}]} {
    %mul3A = arith.constant 2 : i32
    %mul3A_0 = arith.muli %arg1, %mul3A : i32
    %add3A = arith.addi %mul3A_0, %arg0 : i32
    %mul3A_1 = arith.constant 3328 : i32
    %mul3A_2 = arith.muli %add3A, %mul3A_1 : i32
    "tpu.region"() ({
      %run_scoped3A = tpu.sem_alloc : memref<!tpu.dma_semaphore, #tpu.memory_space<semaphore_mem>>
      %dma_start3A = tpu.memref_slice %arg2[%mul3A_2] : memref<106496xi32, #tpu.memory_space<hbm>> -> memref<3328xi32, #tpu.memory_space<hbm>>
      %dma_start3A_8 = tpu.memref_slice %arg2[%mul3A_2] : memref<106496xi32, #tpu.memory_space<hbm>> -> memref<3328xi32, #tpu.memory_space<hbm>>
      tpu.enqueue_dma source(%dma_start3A_8 : memref<3328xi32, #tpu.memory_space<hbm>>) target(%arg5 : memref<3328xi32, #tpu.memory_space<vmem>>) target_semaphore(%run_scoped3A : memref<!tpu.dma_semaphore, #tpu.memory_space<semaphore_mem>>)
      %dma_wait3A = tpu.memref_slice %arg2[%mul3A_2] : memref<106496xi32, #tpu.memory_space<hbm>> -> memref<3328xi32, #tpu.memory_space<hbm>>
      %dma_wait3A_9 = tpu.memref_slice %arg2[%mul3A_2] : memref<106496xi32, #tpu.memory_space<hbm>> -> memref<3328xi32, #tpu.memory_space<hbm>>
      tpu.wait_dma2 semaphore(%run_scoped3A : memref<!tpu.dma_semaphore, #tpu.memory_space<semaphore_mem>>) src(%dma_wait3A_9 : memref<3328xi32, #tpu.memory_space<hbm>>) dst(%arg5 : memref<3328xi32, #tpu.memory_space<vmem>>)
      tpu.yield
    }) : () -> ()
    %scan3A = arith.constant 0 : i32
    %scan3A_3 = arith.constant 0 : i32
    %scan3A_4 = arith.constant 26 : i32
    %scan3A_5 = arith.addi %scan3A_3, %scan3A_4 : i32
    %scan3A_6 = arith.constant 1 : i32
    scf.for %scan3A_8 = %scan3A_3 to %scan3A_5 step %scan3A_6  : i32 {
      %mul3A_9 = arith.constant 128 : i32
      %mul3A_10 = arith.muli %scan3A_8, %mul3A_9 : i32
      %dma_start3A = tpu.memref_slice %arg5[%mul3A_10] : memref<3328xi32, #tpu.memory_space<vmem>> -> memref<128xi32, #tpu.memory_space<vmem>>
      %dma_start3A_11 = arith.constant 0 : i32
      %dma_start3A_12 = tpu.memref_slice %arg3[%dma_start3A_11] : memref<2600000xf32, #tpu.memory_space<hbm>> -> memref<2600000xf32, #tpu.memory_space<hbm>>
      tpu.enqueue_indirect_dma source(%dma_start3A_12 : memref<2600000xf32, #tpu.memory_space<hbm>>) target(%arg6 : memref<128xf32, #tpu.memory_space<vmem>>) offsets(%dma_start3A : memref<128xi32, #tpu.memory_space<vmem>>) semaphore(%arg7 : memref<!tpu.dma_semaphore, #tpu.memory_space<semaphore_mem>>)
      %dma_wait3A = tpu.memref_slice %arg5[%mul3A_10] : memref<3328xi32, #tpu.memory_space<vmem>> -> memref<128xi32, #tpu.memory_space<vmem>>
      %dma_wait3A_13 = arith.constant 0 : i32
      %dma_wait3A_14 = tpu.memref_slice %arg3[%dma_wait3A_13] : memref<2600000xf32, #tpu.memory_space<hbm>> -> memref<2600000xf32, #tpu.memory_space<hbm>>
      tpu.wait_indirect_dma semaphore(%arg7 : memref<!tpu.dma_semaphore, #tpu.memory_space<semaphore_mem>>) src(%dma_wait3A_14 : memref<2600000xf32, #tpu.memory_space<hbm>>) dst(%arg6 : memref<128xf32, #tpu.memory_space<vmem>>)
      %add3A_15 = arith.addi %mul3A_2, %mul3A_10 : i32
      "tpu.region"() ({
        %run_scoped3A = tpu.sem_alloc : memref<!tpu.dma_semaphore, #tpu.memory_space<semaphore_mem>>
        %dma_start3A_16 = tpu.memref_slice %arg4[%add3A_15] : memref<106496xf32, #tpu.memory_space<hbm>> -> memref<128xf32, #tpu.memory_space<hbm>>
        %dma_start3A_17 = tpu.memref_slice %arg4[%add3A_15] : memref<106496xf32, #tpu.memory_space<hbm>> -> memref<128xf32, #tpu.memory_space<hbm>>
        tpu.enqueue_dma source(%arg6 : memref<128xf32, #tpu.memory_space<vmem>>) target(%dma_start3A_17 : memref<128xf32, #tpu.memory_space<hbm>>) target_semaphore(%run_scoped3A : memref<!tpu.dma_semaphore, #tpu.memory_space<semaphore_mem>>)
        %dma_wait3A_18 = tpu.memref_slice %arg4[%add3A_15] : memref<106496xf32, #tpu.memory_space<hbm>> -> memref<128xf32, #tpu.memory_space<hbm>>
        %dma_wait3A_19 = tpu.memref_slice %arg4[%add3A_15] : memref<106496xf32, #tpu.memory_space<hbm>> -> memref<128xf32, #tpu.memory_space<hbm>>
        tpu.wait_dma2 semaphore(%run_scoped3A : memref<!tpu.dma_semaphore, #tpu.memory_space<semaphore_mem>>) src(%arg6 : memref<128xf32, #tpu.memory_space<vmem>>) dst(%dma_wait3A_19 : memref<128xf32, #tpu.memory_space<hbm>>)
        tpu.yield
      }) : () -> ()
    }
    %scan3A_7 = arith.constant 26 : i32
    return
  }
}

#map = affine_map<(d0, d1) -> (0)>
#map1 = affine_map<(d0, d1) -> (0, 0, 0)>
module attributes {stable_mosaic.version = 14 : i64} {
  func.func @_sc_emb_body(%arg0: i32, %arg1: i32, %arg2: memref<106496xi32, #tpu.memory_space<hbm>>, %arg3: memref<106496xi32, #tpu.memory_space<hbm>>, %arg4: memref<325000x8x32xf32, #tpu.memory_space<hbm>>, %arg5: memref<3407872xf32, #tpu.memory_space<hbm>>, %arg6: memref<3328xi32, #tpu.memory_space<vmem>>, %arg7: memref<3328xi32, #tpu.memory_space<vmem>>, %arg8: memref<32x8x32xf32, #tpu.memory_space<vmem>>, %arg9: memref<32x8x32xf32, #tpu.memory_space<vmem>>, %arg10: memref<1024xf32, #tpu.memory_space<vmem>>, %arg11: memref<1024xf32, #tpu.memory_space<vmem>>, %arg12: memref<!tpu.dma_semaphore, #tpu.memory_space<semaphore_mem>>, %arg13: memref<!tpu.dma_semaphore, #tpu.memory_space<semaphore_mem>>) attributes {dimension_semantics = [#tpu.dimension_semantics<core_parallel>, #tpu.dimension_semantics<subcore_parallel>], iteration_bounds = array<i64: 2, 16>, scalar_prefetch = 0 : i64, scratch_operands = 8 : i64, tpu.core_type = #tpu.core_type<sc_vector_subcore>, window_params = [{transform_indices = #map}, {transform_indices = #map}, {transform_indices = #map1}, {transform_indices = #map}]} {
    %mul3A = arith.constant 2 : i32
    %mul3A_0 = arith.muli %arg1, %mul3A : i32
    %add3A = arith.addi %mul3A_0, %arg0 : i32
    %mul3A_1 = arith.constant 3328 : i32
    %mul3A_2 = arith.muli %add3A, %mul3A_1 : i32
    "tpu.region"() ({
      %run_scoped3A = tpu.sem_alloc : memref<!tpu.dma_semaphore, #tpu.memory_space<semaphore_mem>>
      %dma_start3A_619 = tpu.memref_slice %arg2[%mul3A_2] : memref<106496xi32, #tpu.memory_space<hbm>> -> memref<3328xi32, #tpu.memory_space<hbm>>
      %dma_start3A_620 = tpu.memref_slice %arg2[%mul3A_2] : memref<106496xi32, #tpu.memory_space<hbm>> -> memref<3328xi32, #tpu.memory_space<hbm>>
      tpu.enqueue_dma source(%dma_start3A_620 : memref<3328xi32, #tpu.memory_space<hbm>>) target(%arg6 : memref<3328xi32, #tpu.memory_space<vmem>>) target_semaphore(%run_scoped3A : memref<!tpu.dma_semaphore, #tpu.memory_space<semaphore_mem>>)
      %dma_wait3A = tpu.memref_slice %arg2[%mul3A_2] : memref<106496xi32, #tpu.memory_space<hbm>> -> memref<3328xi32, #tpu.memory_space<hbm>>
      %dma_wait3A_621 = tpu.memref_slice %arg2[%mul3A_2] : memref<106496xi32, #tpu.memory_space<hbm>> -> memref<3328xi32, #tpu.memory_space<hbm>>
      tpu.wait_dma2 semaphore(%run_scoped3A : memref<!tpu.dma_semaphore, #tpu.memory_space<semaphore_mem>>) src(%dma_wait3A_621 : memref<3328xi32, #tpu.memory_space<hbm>>) dst(%arg6 : memref<3328xi32, #tpu.memory_space<vmem>>)
      tpu.yield
    }) : () -> ()
    "tpu.region"() ({
      %run_scoped3A = tpu.sem_alloc : memref<!tpu.dma_semaphore, #tpu.memory_space<semaphore_mem>>
      %dma_start3A_619 = tpu.memref_slice %arg3[%mul3A_2] : memref<106496xi32, #tpu.memory_space<hbm>> -> memref<3328xi32, #tpu.memory_space<hbm>>
      %dma_start3A_620 = tpu.memref_slice %arg3[%mul3A_2] : memref<106496xi32, #tpu.memory_space<hbm>> -> memref<3328xi32, #tpu.memory_space<hbm>>
      tpu.enqueue_dma source(%dma_start3A_620 : memref<3328xi32, #tpu.memory_space<hbm>>) target(%arg7 : memref<3328xi32, #tpu.memory_space<vmem>>) target_semaphore(%run_scoped3A : memref<!tpu.dma_semaphore, #tpu.memory_space<semaphore_mem>>)
      %dma_wait3A = tpu.memref_slice %arg3[%mul3A_2] : memref<106496xi32, #tpu.memory_space<hbm>> -> memref<3328xi32, #tpu.memory_space<hbm>>
      %dma_wait3A_621 = tpu.memref_slice %arg3[%mul3A_2] : memref<106496xi32, #tpu.memory_space<hbm>> -> memref<3328xi32, #tpu.memory_space<hbm>>
      tpu.wait_dma2 semaphore(%run_scoped3A : memref<!tpu.dma_semaphore, #tpu.memory_space<semaphore_mem>>) src(%dma_wait3A_621 : memref<3328xi32, #tpu.memory_space<hbm>>) dst(%arg7 : memref<3328xi32, #tpu.memory_space<vmem>>)
      tpu.yield
    }) : () -> ()
    %iota3A = tpu.iota {dimensions = array<i32: 0>} : vector<16xi32>
    %mul3A_3 = arith.constant 32 : i32
    %mul3A_4 = vector.broadcast %mul3A_3 : i32 to vector<16xi32>
    %mul3A_5 = arith.muli %iota3A, %mul3A_4 : vector<16xi32>
    %get3A = arith.constant 0 : index
    %get3A_6 = tpu.vector_load %arg6[%get3A] {strides = array<i32>} : memref<3328xi32, #tpu.memory_space<vmem>>, vector<16xi32>,
    %slice3A = vector.extract_strided_slice %get3A_6 {offsets = [0], sizes = [1], strides = [1]} : vector<16xi32> to vector<1xi32>
    %squeeze3A = vector.extract %slice3A[0] : i32 from vector<1xi32>
    %dma_start3A = arith.constant 0 : i32
    %dma_start3A_7 = arith.constant 0 : i32
    %dma_start3A_8 = arith.constant 0 : i32
    %dma_start3A_9 = tpu.memref_slice %arg8[%dma_start3A, %dma_start3A_7, %dma_start3A_8] : memref<32x8x32xf32, #tpu.memory_space<vmem>> -> memref<1x8x32xf32, #tpu.memory_space<vmem>>
    %dma_start3A_10 = tpu.memref_squeeze %dma_start3A_9 : memref<1x8x32xf32, #tpu.memory_space<vmem>> -> memref<8x32xf32, #tpu.memory_space<vmem>>
    %dma_start3A_11 = arith.constant 0 : i32
    %dma_start3A_12 = arith.constant 0 : i32
    %dma_start3A_13 = tpu.memref_slice %arg4[%squeeze3A, %dma_start3A_11, %dma_start3A_12] : memref<325000x8x32xf32, #tpu.memory_space<hbm>> -> memref<1x8x32xf32, #tpu.memory_space<hbm>>
    %dma_start3A_14 = tpu.memref_squeeze %dma_start3A_13 : memref<1x8x32xf32, #tpu.memory_space<hbm>> -> memref<8x32xf32, #tpu.memory_space<hbm>>
    %dma_start3A_15 = arith.constant 0 : i32
    %dma_start3A_16 = arith.constant 0 : i32
    %dma_start3A_17 = tpu.memref_slice %arg8[%dma_start3A, %dma_start3A_15, %dma_start3A_16] : memref<32x8x32xf32, #tpu.memory_space<vmem>> -> memref<1x8x32xf32, #tpu.memory_space<vmem>>
    %dma_start3A_18 = tpu.memref_squeeze %dma_start3A_17 : memref<1x8x32xf32, #tpu.memory_space<vmem>> -> memref<8x32xf32, #tpu.memory_space<vmem>>
    %dma_start3A_19 = arith.constant 0 : i32
    %dma_start3A_20 = arith.constant 0 : i32
    %dma_start3A_21 = tpu.memref_slice %arg4[%squeeze3A, %dma_start3A_19, %dma_start3A_20] : memref<325000x8x32xf32, #tpu.memory_space<hbm>> -> memref<1x8x32xf32, #tpu.memory_space<hbm>>
    %dma_start3A_22 = tpu.memref_squeeze %dma_start3A_21 : memref<1x8x32xf32, #tpu.memory_space<hbm>> -> memref<8x32xf32, #tpu.memory_space<hbm>>
    tpu.enqueue_dma source(%dma_start3A_22 : memref<8x32xf32, #tpu.memory_space<hbm>>) target(%dma_start3A_18 : memref<8x32xf32, #tpu.memory_space<vmem>>) target_semaphore(%arg12 : memref<!tpu.dma_semaphore, #tpu.memory_space<semaphore_mem>>)
    %slice3A_23 = vector.extract_strided_slice %get3A_6 {offsets = [1], sizes = [1], strides = [1]} : vector<16xi32> to vector<1xi32>
    %squeeze3A_24 = vector.extract %slice3A_23[0] : i32 from vector<1xi32>
    %dma_start3A_25 = arith.constant 1 : i32
    %dma_start3A_26 = arith.constant 0 : i32
    %dma_start3A_27 = arith.constant 0 : i32
    %dma_start3A_28 = tpu.memref_slice %arg8[%dma_start3A_25, %dma_start3A_26, %dma_start3A_27] : memref<32x8x32xf32, #tpu.memory_space<vmem>> -> memref<1x8x32xf32, #tpu.memory_space<vmem>>
    %dma_start3A_29 = tpu.memref_squeeze %dma_start3A_28 : memref<1x8x32xf32, #tpu.memory_space<vmem>> -> memref<8x32xf32, #tpu.memory_space<vmem>>
    %dma_start3A_30 = arith.constant 0 : i32
    %dma_start3A_31 = arith.constant 0 : i32
    %dma_start3A_32 = tpu.memref_slice %arg4[%squeeze3A_24, %dma_start3A_30, %dma_start3A_31] : memref<325000x8x32xf32, #tpu.memory_space<hbm>> -> memref<1x8x32xf32, #tpu.memory_space<hbm>>
    %dma_start3A_33 = tpu.memref_squeeze %dma_start3A_32 : memref<1x8x32xf32, #tpu.memory_space<hbm>> -> memref<8x32xf32, #tpu.memory_space<hbm>>
    %dma_start3A_34 = arith.constant 0 : i32
    %dma_start3A_35 = arith.constant 0 : i32
    %dma_start3A_36 = tpu.memref_slice %arg8[%dma_start3A_25, %dma_start3A_34, %dma_start3A_35] : memref<32x8x32xf32, #tpu.memory_space<vmem>> -> memref<1x8x32xf32, #tpu.memory_space<vmem>>
    %dma_start3A_37 = tpu.memref_squeeze %dma_start3A_36 : memref<1x8x32xf32, #tpu.memory_space<vmem>> -> memref<8x32xf32, #tpu.memory_space<vmem>>
    %dma_start3A_38 = arith.constant 0 : i32
    %dma_start3A_39 = arith.constant 0 : i32
    %dma_start3A_40 = tpu.memref_slice %arg4[%squeeze3A_24, %dma_start3A_38, %dma_start3A_39] : memref<325000x8x32xf32, #tpu.memory_space<hbm>> -> memref<1x8x32xf32, #tpu.memory_space<hbm>>
    %dma_start3A_41 = tpu.memref_squeeze %dma_start3A_40 : memref<1x8x32xf32, #tpu.memory_space<hbm>> -> memref<8x32xf32, #tpu.memory_space<hbm>>
    tpu.enqueue_dma source(%dma_start3A_41 : memref<8x32xf32, #tpu.memory_space<hbm>>) target(%dma_start3A_37 : memref<8x32xf32, #tpu.memory_space<vmem>>) target_semaphore(%arg12 : memref<!tpu.dma_semaphore, #tpu.memory_space<semaphore_mem>>)
    %slice3A_42 = vector.extract_strided_slice %get3A_6 {offsets = [2], sizes = [1], strides = [1]} : vector<16xi32> to vector<1xi32>
    %squeeze3A_43 = vector.extract %slice3A_42[0] : i32 from vector<1xi32>
    %dma_start3A_44 = arith.constant 2 : i32
    %dma_start3A_45 = arith.constant 0 : i32
    %dma_start3A_46 = arith.constant 0 : i32
    %dma_start3A_47 = tpu.memref_slice %arg8[%dma_start3A_44, %dma_start3A_45, %dma_start3A_46] : memref<32x8x32xf32, #tpu.memory_space<vmem>> -> memref<1x8x32xf32, #tpu.memory_space<vmem>>
    %dma_start3A_48 = tpu.memref_squeeze %dma_start3A_47 : memref<1x8x32xf32, #tpu.memory_space<vmem>> -> memref<8x32xf32, #tpu.memory_space<vmem>>
    %dma_start3A_49 = arith.constant 0 : i32
    %dma_start3A_50 = arith.constant 0 : i32
    %dma_start3A_51 = tpu.memref_slice %arg4[%squeeze3A_43, %dma_start3A_49, %dma_start3A_50] : memref<325000x8x32xf32, #tpu.memory_space<hbm>> -> memref<1x8x32xf32, #tpu.memory_space<hbm>>
    %dma_start3A_52 = tpu.memref_squeeze %dma_start3A_51 : memref<1x8x32xf32, #tpu.memory_space<hbm>> -> memref<8x32xf32, #tpu.memory_space<hbm>>
    %dma_start3A_53 = arith.constant 0 : i32
    %dma_start3A_54 = arith.constant 0 : i32
    %dma_start3A_55 = tpu.memref_slice %arg8[%dma_start3A_44, %dma_start3A_53, %dma_start3A_54] : memref<32x8x32xf32, #tpu.memory_space<vmem>> -> memref<1x8x32xf32, #tpu.memory_space<vmem>>
    %dma_start3A_56 = tpu.memref_squeeze %dma_start3A_55 : memref<1x8x32xf32, #tpu.memory_space<vmem>> -> memref<8x32xf32, #tpu.memory_space<vmem>>
    %dma_start3A_57 = arith.constant 0 : i32
    %dma_start3A_58 = arith.constant 0 : i32
    %dma_start3A_59 = tpu.memref_slice %arg4[%squeeze3A_43, %dma_start3A_57, %dma_start3A_58] : memref<325000x8x32xf32, #tpu.memory_space<hbm>> -> memref<1x8x32xf32, #tpu.memory_space<hbm>>
    %dma_start3A_60 = tpu.memref_squeeze %dma_start3A_59 : memref<1x8x32xf32, #tpu.memory_space<hbm>> -> memref<8x32xf32, #tpu.memory_space<hbm>>
    tpu.enqueue_dma source(%dma_start3A_60 : memref<8x32xf32, #tpu.memory_space<hbm>>) target(%dma_start3A_56 : memref<8x32xf32, #tpu.memory_space<vmem>>) target_semaphore(%arg12 : memref<!tpu.dma_semaphore, #tpu.memory_space<semaphore_mem>>)
    %slice3A_61 = vector.extract_strided_slice %get3A_6 {offsets = [3], sizes = [1], strides = [1]} : vector<16xi32> to vector<1xi32>
    %squeeze3A_62 = vector.extract %slice3A_61[0] : i32 from vector<1xi32>
    %dma_start3A_63 = arith.constant 3 : i32
    %dma_start3A_64 = arith.constant 0 : i32
    %dma_start3A_65 = arith.constant 0 : i32
    %dma_start3A_66 = tpu.memref_slice %arg8[%dma_start3A_63, %dma_start3A_64, %dma_start3A_65] : memref<32x8x32xf32, #tpu.memory_space<vmem>> -> memref<1x8x32xf32, #tpu.memory_space<vmem>>
    %dma_start3A_67 = tpu.memref_squeeze %dma_start3A_66 : memref<1x8x32xf32, #tpu.memory_space<vmem>> -> memref<8x32xf32, #tpu.memory_space<vmem>>
    %dma_start3A_68 = arith.constant 0 : i32
    %dma_start3A_69 = arith.constant 0 : i32
    %dma_start3A_70 = tpu.memref_slice %arg4[%squeeze3A_62, %dma_start3A_68, %dma_start3A_69] : memref<325000x8x32xf32, #tpu.memory_space<hbm>> -> memref<1x8x32xf32, #tpu.memory_space<hbm>>
    %dma_start3A_71 = tpu.memref_squeeze %dma_start3A_70 : memref<1x8x32xf32, #tpu.memory_space<hbm>> -> memref<8x32xf32, #tpu.memory_space<hbm>>
    %dma_start3A_72 = arith.constant 0 : i32
    %dma_start3A_73 = arith.constant 0 : i32
    %dma_start3A_74 = tpu.memref_slice %arg8[%dma_start3A_63, %dma_start3A_72, %dma_start3A_73] : memref<32x8x32xf32, #tpu.memory_space<vmem>> -> memref<1x8x32xf32, #tpu.memory_space<vmem>>
    %dma_start3A_75 = tpu.memref_squeeze %dma_start3A_74 : memref<1x8x32xf32, #tpu.memory_space<vmem>> -> memref<8x32xf32, #tpu.memory_space<vmem>>
    %dma_start3A_76 = arith.constant 0 : i32
    %dma_start3A_77 = arith.constant 0 : i32
    %dma_start3A_78 = tpu.memref_slice %arg4[%squeeze3A_62, %dma_start3A_76, %dma_start3A_77] : memref<325000x8x32xf32, #tpu.memory_space<hbm>> -> memref<1x8x32xf32, #tpu.memory_space<hbm>>
    %dma_start3A_79 = tpu.memref_squeeze %dma_start3A_78 : memref<1x8x32xf32, #tpu.memory_space<hbm>> -> memref<8x32xf32, #tpu.memory_space<hbm>>
    tpu.enqueue_dma source(%dma_start3A_79 : memref<8x32xf32, #tpu.memory_space<hbm>>) target(%dma_start3A_75 : memref<8x32xf32, #tpu.memory_space<vmem>>) target_semaphore(%arg12 : memref<!tpu.dma_semaphore, #tpu.memory_space<semaphore_mem>>)
    %slice3A_80 = vector.extract_strided_slice %get3A_6 {offsets = [4], sizes = [1], strides = [1]} : vector<16xi32> to vector<1xi32>
    %squeeze3A_81 = vector.extract %slice3A_80[0] : i32 from vector<1xi32>
    %dma_start3A_82 = arith.constant 4 : i32
    %dma_start3A_83 = arith.constant 0 : i32
    %dma_start3A_84 = arith.constant 0 : i32
    %dma_start3A_85 = tpu.memref_slice %arg8[%dma_start3A_82, %dma_start3A_83, %dma_start3A_84] : memref<32x8x32xf32, #tpu.memory_space<vmem>> -> memref<1x8x32xf32, #tpu.memory_space<vmem>>
    %dma_start3A_86 = tpu.memref_squeeze %dma_start3A_85 : memref<1x8x32xf32, #tpu.memory_space<vmem>> -> memref<8x32xf32, #tpu.memory_space<vmem>>
    %dma_start3A_87 = arith.constant 0 : i32
    %dma_start3A_88 = arith.constant 0 : i32
    %dma_start3A_89 = tpu.memref_slice %arg4[%squeeze3A_81, %dma_start3A_87, %dma_start3A_88] : memref<325000x8x32xf32, #tpu.memory_space<hbm>> -> memref<1x8x32xf32, #tpu.memory_space<hbm>>
    %dma_start3A_90 = tpu.memref_squeeze %dma_start3A_89 : memref<1x8x32xf32, #tpu.memory_space<hbm>> -> memref<8x32xf32, #tpu.memory_space<hbm>>
    %dma_start3A_91 = arith.constant 0 : i32
    %dma_start3A_92 = arith.constant 0 : i32
    %dma_start3A_93 = tpu.memref_slice %arg8[%dma_start3A_82, %dma_start3A_91, %dma_start3A_92] : memref<32x8x32xf32, #tpu.memory_space<vmem>> -> memref<1x8x32xf32, #tpu.memory_space<vmem>>
    %dma_start3A_94 = tpu.memref_squeeze %dma_start3A_93 : memref<1x8x32xf32, #tpu.memory_space<vmem>> -> memref<8x32xf32, #tpu.memory_space<vmem>>
    %dma_start3A_95 = arith.constant 0 : i32
    %dma_start3A_96 = arith.constant 0 : i32
    %dma_start3A_97 = tpu.memref_slice %arg4[%squeeze3A_81, %dma_start3A_95, %dma_start3A_96] : memref<325000x8x32xf32, #tpu.memory_space<hbm>> -> memref<1x8x32xf32, #tpu.memory_space<hbm>>
    %dma_start3A_98 = tpu.memref_squeeze %dma_start3A_97 : memref<1x8x32xf32, #tpu.memory_space<hbm>> -> memref<8x32xf32, #tpu.memory_space<hbm>>
    tpu.enqueue_dma source(%dma_start3A_98 : memref<8x32xf32, #tpu.memory_space<hbm>>) target(%dma_start3A_94 : memref<8x32xf32, #tpu.memory_space<vmem>>) target_semaphore(%arg12 : memref<!tpu.dma_semaphore, #tpu.memory_space<semaphore_mem>>)
    %slice3A_99 = vector.extract_strided_slice %get3A_6 {offsets = [5], sizes = [1], strides = [1]} : vector<16xi32> to vector<1xi32>
    %squeeze3A_100 = vector.extract %slice3A_99[0] : i32 from vector<1xi32>
    %dma_start3A_101 = arith.constant 5 : i32
    %dma_start3A_102 = arith.constant 0 : i32
    %dma_start3A_103 = arith.constant 0 : i32
    %dma_start3A_104 = tpu.memref_slice %arg8[%dma_start3A_101, %dma_start3A_102, %dma_start3A_103] : memref<32x8x32xf32, #tpu.memory_space<vmem>> -> memref<1x8x32xf32, #tpu.memory_space<vmem>>
    %dma_start3A_105 = tpu.memref_squeeze %dma_start3A_104 : memref<1x8x32xf32, #tpu.memory_space<vmem>> -> memref<8x32xf32, #tpu.memory_space<vmem>>
    %dma_start3A_106 = arith.constant 0 : i32
    %dma_start3A_107 = arith.constant 0 : i32
    %dma_start3A_108 = tpu.memref_slice %arg4[%squeeze3A_100, %dma_start3A_106, %dma_start3A_107] : memref<325000x8x32xf32, #tpu.memory_space<hbm>> -> memref<1x8x32xf32, #tpu.memory_space<hbm>>
    %dma_start3A_109 = tpu.memref_squeeze %dma_start3A_108 : memref<1x8x32xf32, #tpu.memory_space<hbm>> -> memref<8x32xf32, #tpu.memory_space<hbm>>
    %dma_start3A_110 = arith.constant 0 : i32
    %dma_start3A_111 = arith.constant 0 : i32
    %dma_start3A_112 = tpu.memref_slice %arg8[%dma_start3A_101, %dma_start3A_110, %dma_start3A_111] : memref<32x8x32xf32, #tpu.memory_space<vmem>> -> memref<1x8x32xf32, #tpu.memory_space<vmem>>
    %dma_start3A_113 = tpu.memref_squeeze %dma_start3A_112 : memref<1x8x32xf32, #tpu.memory_space<vmem>> -> memref<8x32xf32, #tpu.memory_space<vmem>>
    %dma_start3A_114 = arith.constant 0 : i32
    %dma_start3A_115 = arith.constant 0 : i32
    %dma_start3A_116 = tpu.memref_slice %arg4[%squeeze3A_100, %dma_start3A_114, %dma_start3A_115] : memref<325000x8x32xf32, #tpu.memory_space<hbm>> -> memref<1x8x32xf32, #tpu.memory_space<hbm>>
    %dma_start3A_117 = tpu.memref_squeeze %dma_start3A_116 : memref<1x8x32xf32, #tpu.memory_space<hbm>> -> memref<8x32xf32, #tpu.memory_space<hbm>>
    tpu.enqueue_dma source(%dma_start3A_117 : memref<8x32xf32, #tpu.memory_space<hbm>>) target(%dma_start3A_113 : memref<8x32xf32, #tpu.memory_space<vmem>>) target_semaphore(%arg12 : memref<!tpu.dma_semaphore, #tpu.memory_space<semaphore_mem>>)
    %slice3A_118 = vector.extract_strided_slice %get3A_6 {offsets = [6], sizes = [1], strides = [1]} : vector<16xi32> to vector<1xi32>
    %squeeze3A_119 = vector.extract %slice3A_118[0] : i32 from vector<1xi32>
    %dma_start3A_120 = arith.constant 6 : i32
    %dma_start3A_121 = arith.constant 0 : i32
    %dma_start3A_122 = arith.constant 0 : i32
    %dma_start3A_123 = tpu.memref_slice %arg8[%dma_start3A_120, %dma_start3A_121, %dma_start3A_122] : memref<32x8x32xf32, #tpu.memory_space<vmem>> -> memref<1x8x32xf32, #tpu.memory_space<vmem>>
    %dma_start3A_124 = tpu.memref_squeeze %dma_start3A_123 : memref<1x8x32xf32, #tpu.memory_space<vmem>> -> memref<8x32xf32, #tpu.memory_space<vmem>>
    %dma_start3A_125 = arith.constant 0 : i32
    %dma_start3A_126 = arith.constant 0 : i32
    %dma_start3A_127 = tpu.memref_slice %arg4[%squeeze3A_119, %dma_start3A_125, %dma_start3A_126] : memref<325000x8x32xf32, #tpu.memory_space<hbm>> -> memref<1x8x32xf32, #tpu.memory_space<hbm>>
    %dma_start3A_128 = tpu.memref_squeeze %dma_start3A_127 : memref<1x8x32xf32, #tpu.memory_space<hbm>> -> memref<8x32xf32, #tpu.memory_space<hbm>>
    %dma_start3A_129 = arith.constant 0 : i32
    %dma_start3A_130 = arith.constant 0 : i32
    %dma_start3A_131 = tpu.memref_slice %arg8[%dma_start3A_120, %dma_start3A_129, %dma_start3A_130] : memref<32x8x32xf32, #tpu.memory_space<vmem>> -> memref<1x8x32xf32, #tpu.memory_space<vmem>>
    %dma_start3A_132 = tpu.memref_squeeze %dma_start3A_131 : memref<1x8x32xf32, #tpu.memory_space<vmem>> -> memref<8x32xf32, #tpu.memory_space<vmem>>
    %dma_start3A_133 = arith.constant 0 : i32
    %dma_start3A_134 = arith.constant 0 : i32
    %dma_start3A_135 = tpu.memref_slice %arg4[%squeeze3A_119, %dma_start3A_133, %dma_start3A_134] : memref<325000x8x32xf32, #tpu.memory_space<hbm>> -> memref<1x8x32xf32, #tpu.memory_space<hbm>>
    %dma_start3A_136 = tpu.memref_squeeze %dma_start3A_135 : memref<1x8x32xf32, #tpu.memory_space<hbm>> -> memref<8x32xf32, #tpu.memory_space<hbm>>
    tpu.enqueue_dma source(%dma_start3A_136 : memref<8x32xf32, #tpu.memory_space<hbm>>) target(%dma_start3A_132 : memref<8x32xf32, #tpu.memory_space<vmem>>) target_semaphore(%arg12 : memref<!tpu.dma_semaphore, #tpu.memory_space<semaphore_mem>>)
    %slice3A_137 = vector.extract_strided_slice %get3A_6 {offsets = [7], sizes = [1], strides = [1]} : vector<16xi32> to vector<1xi32>
    %squeeze3A_138 = vector.extract %slice3A_137[0] : i32 from vector<1xi32>
    %dma_start3A_139 = arith.constant 7 : i32
    %dma_start3A_140 = arith.constant 0 : i32
    %dma_start3A_141 = arith.constant 0 : i32
    %dma_start3A_142 = tpu.memref_slice %arg8[%dma_start3A_139, %dma_start3A_140, %dma_start3A_141] : memref<32x8x32xf32, #tpu.memory_space<vmem>> -> memref<1x8x32xf32, #tpu.memory_space<vmem>>
    %dma_start3A_143 = tpu.memref_squeeze %dma_start3A_142 : memref<1x8x32xf32, #tpu.memory_space<vmem>> -> memref<8x32xf32, #tpu.memory_space<vmem>>
    %dma_start3A_144 = arith.constant 0 : i32
    %dma_start3A_145 = arith.constant 0 : i32
    %dma_start3A_146 = tpu.memref_slice %arg4[%squeeze3A_138, %dma_start3A_144, %dma_start3A_145] : memref<325000x8x32xf32, #tpu.memory_space<hbm>> -> memref<1x8x32xf32, #tpu.memory_space<hbm>>
    %dma_start3A_147 = tpu.memref_squeeze %dma_start3A_146 : memref<1x8x32xf32, #tpu.memory_space<hbm>> -> memref<8x32xf32, #tpu.memory_space<hbm>>
    %dma_start3A_148 = arith.constant 0 : i32
    %dma_start3A_149 = arith.constant 0 : i32
    %dma_start3A_150 = tpu.memref_slice %arg8[%dma_start3A_139, %dma_start3A_148, %dma_start3A_149] : memref<32x8x32xf32, #tpu.memory_space<vmem>> -> memref<1x8x32xf32, #tpu.memory_space<vmem>>
    %dma_start3A_151 = tpu.memref_squeeze %dma_start3A_150 : memref<1x8x32xf32, #tpu.memory_space<vmem>> -> memref<8x32xf32, #tpu.memory_space<vmem>>
    %dma_start3A_152 = arith.constant 0 : i32
    %dma_start3A_153 = arith.constant 0 : i32
    %dma_start3A_154 = tpu.memref_slice %arg4[%squeeze3A_138, %dma_start3A_152, %dma_start3A_153] : memref<325000x8x32xf32, #tpu.memory_space<hbm>> -> memref<1x8x32xf32, #tpu.memory_space<hbm>>
    %dma_start3A_155 = tpu.memref_squeeze %dma_start3A_154 : memref<1x8x32xf32, #tpu.memory_space<hbm>> -> memref<8x32xf32, #tpu.memory_space<hbm>>
    tpu.enqueue_dma source(%dma_start3A_155 : memref<8x32xf32, #tpu.memory_space<hbm>>) target(%dma_start3A_151 : memref<8x32xf32, #tpu.memory_space<vmem>>) target_semaphore(%arg12 : memref<!tpu.dma_semaphore, #tpu.memory_space<semaphore_mem>>)
    %slice3A_156 = vector.extract_strided_slice %get3A_6 {offsets = [8], sizes = [1], strides = [1]} : vector<16xi32> to vector<1xi32>
    %squeeze3A_157 = vector.extract %slice3A_156[0] : i32 from vector<1xi32>
    %dma_start3A_158 = arith.constant 8 : i32
    %dma_start3A_159 = arith.constant 0 : i32
    %dma_start3A_160 = arith.constant 0 : i32
    %dma_start3A_161 = tpu.memref_slice %arg8[%dma_start3A_158, %dma_start3A_159, %dma_start3A_160] : memref<32x8x32xf32, #tpu.memory_space<vmem>> -> memref<1x8x32xf32, #tpu.memory_space<vmem>>
    %dma_start3A_162 = tpu.memref_squeeze %dma_start3A_161 : memref<1x8x32xf32, #tpu.memory_space<vmem>> -> memref<8x32xf32, #tpu.memory_space<vmem>>
    %dma_start3A_163 = arith.constant 0 : i32
    %dma_start3A_164 = arith.constant 0 : i32
    %dma_start3A_165 = tpu.memref_slice %arg4[%squeeze3A_157, %dma_start3A_163, %dma_start3A_164] : memref<325000x8x32xf32, #tpu.memory_space<hbm>> -> memref<1x8x32xf32, #tpu.memory_space<hbm>>
    %dma_start3A_166 = tpu.memref_squeeze %dma_start3A_165 : memref<1x8x32xf32, #tpu.memory_space<hbm>> -> memref<8x32xf32, #tpu.memory_space<hbm>>
    %dma_start3A_167 = arith.constant 0 : i32
    %dma_start3A_168 = arith.constant 0 : i32
    %dma_start3A_169 = tpu.memref_slice %arg8[%dma_start3A_158, %dma_start3A_167, %dma_start3A_168] : memref<32x8x32xf32, #tpu.memory_space<vmem>> -> memref<1x8x32xf32, #tpu.memory_space<vmem>>
    %dma_start3A_170 = tpu.memref_squeeze %dma_start3A_169 : memref<1x8x32xf32, #tpu.memory_space<vmem>> -> memref<8x32xf32, #tpu.memory_space<vmem>>
    %dma_start3A_171 = arith.constant 0 : i32
    %dma_start3A_172 = arith.constant 0 : i32
    %dma_start3A_173 = tpu.memref_slice %arg4[%squeeze3A_157, %dma_start3A_171, %dma_start3A_172] : memref<325000x8x32xf32, #tpu.memory_space<hbm>> -> memref<1x8x32xf32, #tpu.memory_space<hbm>>
    %dma_start3A_174 = tpu.memref_squeeze %dma_start3A_173 : memref<1x8x32xf32, #tpu.memory_space<hbm>> -> memref<8x32xf32, #tpu.memory_space<hbm>>
    tpu.enqueue_dma source(%dma_start3A_174 : memref<8x32xf32, #tpu.memory_space<hbm>>) target(%dma_start3A_170 : memref<8x32xf32, #tpu.memory_space<vmem>>) target_semaphore(%arg12 : memref<!tpu.dma_semaphore, #tpu.memory_space<semaphore_mem>>)
    %slice3A_175 = vector.extract_strided_slice %get3A_6 {offsets = [9], sizes = [1], strides = [1]} : vector<16xi32> to vector<1xi32>
    %squeeze3A_176 = vector.extract %slice3A_175[0] : i32 from vector<1xi32>
    %dma_start3A_177 = arith.constant 9 : i32
    %dma_start3A_178 = arith.constant 0 : i32
    %dma_start3A_179 = arith.constant 0 : i32
    %dma_start3A_180 = tpu.memref_slice %arg8[%dma_start3A_177, %dma_start3A_178, %dma_start3A_179] : memref<32x8x32xf32, #tpu.memory_space<vmem>> -> memref<1x8x32xf32, #tpu.memory_space<vmem>>
    %dma_start3A_181 = tpu.memref_squeeze %dma_start3A_180 : memref<1x8x32xf32, #tpu.memory_space<vmem>> -> memref<8x32xf32, #tpu.memory_space<vmem>>
    %dma_start3A_182 = arith.constant 0 : i32
    %dma_start3A_183 = arith.constant 0 : i32
    %dma_start3A_184 = tpu.memref_slice %arg4[%squeeze3A_176, %dma_start3A_182, %dma_start3A_183] : memref<325000x8x32xf32, #tpu.memory_space<hbm>> -> memref<1x8x32xf32, #tpu.memory_space<hbm>>
    %dma_start3A_185 = tpu.memref_squeeze %dma_start3A_184 : memref<1x8x32xf32, #tpu.memory_space<hbm>> -> memref<8x32xf32, #tpu.memory_space<hbm>>
    %dma_start3A_186 = arith.constant 0 : i32
    %dma_start3A_187 = arith.constant 0 : i32
    %dma_start3A_188 = tpu.memref_slice %arg8[%dma_start3A_177, %dma_start3A_186, %dma_start3A_187] : memref<32x8x32xf32, #tpu.memory_space<vmem>> -> memref<1x8x32xf32, #tpu.memory_space<vmem>>
    %dma_start3A_189 = tpu.memref_squeeze %dma_start3A_188 : memref<1x8x32xf32, #tpu.memory_space<vmem>> -> memref<8x32xf32, #tpu.memory_space<vmem>>
    %dma_start3A_190 = arith.constant 0 : i32
    %dma_start3A_191 = arith.constant 0 : i32
    %dma_start3A_192 = tpu.memref_slice %arg4[%squeeze3A_176, %dma_start3A_190, %dma_start3A_191] : memref<325000x8x32xf32, #tpu.memory_space<hbm>> -> memref<1x8x32xf32, #tpu.memory_space<hbm>>
    %dma_start3A_193 = tpu.memref_squeeze %dma_start3A_192 : memref<1x8x32xf32, #tpu.memory_space<hbm>> -> memref<8x32xf32, #tpu.memory_space<hbm>>
    tpu.enqueue_dma source(%dma_start3A_193 : memref<8x32xf32, #tpu.memory_space<hbm>>) target(%dma_start3A_189 : memref<8x32xf32, #tpu.memory_space<vmem>>) target_semaphore(%arg12 : memref<!tpu.dma_semaphore, #tpu.memory_space<semaphore_mem>>)
    %slice3A_194 = vector.extract_strided_slice %get3A_6 {offsets = [10], sizes = [1], strides = [1]} : vector<16xi32> to vector<1xi32>
    %squeeze3A_195 = vector.extract %slice3A_194[0] : i32 from vector<1xi32>
    %dma_start3A_196 = arith.constant 10 : i32
    %dma_start3A_197 = arith.constant 0 : i32
    %dma_start3A_198 = arith.constant 0 : i32
    %dma_start3A_199 = tpu.memref_slice %arg8[%dma_start3A_196, %dma_start3A_197, %dma_start3A_198] : memref<32x8x32xf32, #tpu.memory_space<vmem>> -> memref<1x8x32xf32, #tpu.memory_space<vmem>>
    %dma_start3A_200 = tpu.memref_squeeze %dma_start3A_199 : memref<1x8x32xf32, #tpu.memory_space<vmem>> -> memref<8x32xf32, #tpu.memory_space<vmem>>
    %dma_start3A_201 = arith.constant 0 : i32
    %dma_start3A_202 = arith.constant 0 : i32
    %dma_start3A_203 = tpu.memref_slice %arg4[%squeeze3A_195, %dma_start3A_201, %dma_start3A_202] : memref<325000x8x32xf32, #tpu.memory_space<hbm>> -> memref<1x8x32xf32, #tpu.memory_space<hbm>>
    %dma_start3A_204 = tpu.memref_squeeze %dma_start3A_203 : memref<1x8x32xf32, #tpu.memory_space<hbm>> -> memref<8x32xf32, #tpu.memory_space<hbm>>
    %dma_start3A_205 = arith.constant 0 : i32
    %dma_start3A_206 = arith.constant 0 : i32
    %dma_start3A_207 = tpu.memref_slice %arg8[%dma_start3A_196, %dma_start3A_205, %dma_start3A_206] : memref<32x8x32xf32, #tpu.memory_space<vmem>> -> memref<1x8x32xf32, #tpu.memory_space<vmem>>
    %dma_start3A_208 = tpu.memref_squeeze %dma_start3A_207 : memref<1x8x32xf32, #tpu.memory_space<vmem>> -> memref<8x32xf32, #tpu.memory_space<vmem>>
    %dma_start3A_209 = arith.constant 0 : i32
    %dma_start3A_210 = arith.constant 0 : i32
    %dma_start3A_211 = tpu.memref_slice %arg4[%squeeze3A_195, %dma_start3A_209, %dma_start3A_210] : memref<325000x8x32xf32, #tpu.memory_space<hbm>> -> memref<1x8x32xf32, #tpu.memory_space<hbm>>
    %dma_start3A_212 = tpu.memref_squeeze %dma_start3A_211 : memref<1x8x32xf32, #tpu.memory_space<hbm>> -> memref<8x32xf32, #tpu.memory_space<hbm>>
    tpu.enqueue_dma source(%dma_start3A_212 : memref<8x32xf32, #tpu.memory_space<hbm>>) target(%dma_start3A_208 : memref<8x32xf32, #tpu.memory_space<vmem>>) target_semaphore(%arg12 : memref<!tpu.dma_semaphore, #tpu.memory_space<semaphore_mem>>)
    %slice3A_213 = vector.extract_strided_slice %get3A_6 {offsets = [11], sizes = [1], strides = [1]} : vector<16xi32> to vector<1xi32>
    %squeeze3A_214 = vector.extract %slice3A_213[0] : i32 from vector<1xi32>
    %dma_start3A_215 = arith.constant 11 : i32
    %dma_start3A_216 = arith.constant 0 : i32
    %dma_start3A_217 = arith.constant 0 : i32
    %dma_start3A_218 = tpu.memref_slice %arg8[%dma_start3A_215, %dma_start3A_216, %dma_start3A_217] : memref<32x8x32xf32, #tpu.memory_space<vmem>> -> memref<1x8x32xf32, #tpu.memory_space<vmem>>
    %dma_start3A_219 = tpu.memref_squeeze %dma_start3A_218 : memref<1x8x32xf32, #tpu.memory_space<vmem>> -> memref<8x32xf32, #tpu.memory_space<vmem>>
    %dma_start3A_220 = arith.constant 0 : i32
    %dma_start3A_221 = arith.constant 0 : i32
    %dma_start3A_222 = tpu.memref_slice %arg4[%squeeze3A_214, %dma_start3A_220, %dma_start3A_221] : memref<325000x8x32xf32, #tpu.memory_space<hbm>> -> memref<1x8x32xf32, #tpu.memory_space<hbm>>
    %dma_start3A_223 = tpu.memref_squeeze %dma_start3A_222 : memref<1x8x32xf32, #tpu.memory_space<hbm>> -> memref<8x32xf32, #tpu.memory_space<hbm>>
    %dma_start3A_224 = arith.constant 0 : i32
    %dma_start3A_225 = arith.constant 0 : i32
    %dma_start3A_226 = tpu.memref_slice %arg8[%dma_start3A_215, %dma_start3A_224, %dma_start3A_225] : memref<32x8x32xf32, #tpu.memory_space<vmem>> -> memref<1x8x32xf32, #tpu.memory_space<vmem>>
    %dma_start3A_227 = tpu.memref_squeeze %dma_start3A_226 : memref<1x8x32xf32, #tpu.memory_space<vmem>> -> memref<8x32xf32, #tpu.memory_space<vmem>>
    %dma_start3A_228 = arith.constant 0 : i32
    %dma_start3A_229 = arith.constant 0 : i32
    %dma_start3A_230 = tpu.memref_slice %arg4[%squeeze3A_214, %dma_start3A_228, %dma_start3A_229] : memref<325000x8x32xf32, #tpu.memory_space<hbm>> -> memref<1x8x32xf32, #tpu.memory_space<hbm>>
    %dma_start3A_231 = tpu.memref_squeeze %dma_start3A_230 : memref<1x8x32xf32, #tpu.memory_space<hbm>> -> memref<8x32xf32, #tpu.memory_space<hbm>>
    tpu.enqueue_dma source(%dma_start3A_231 : memref<8x32xf32, #tpu.memory_space<hbm>>) target(%dma_start3A_227 : memref<8x32xf32, #tpu.memory_space<vmem>>) target_semaphore(%arg12 : memref<!tpu.dma_semaphore, #tpu.memory_space<semaphore_mem>>)
    %slice3A_232 = vector.extract_strided_slice %get3A_6 {offsets = [12], sizes = [1], strides = [1]} : vector<16xi32> to vector<1xi32>
    %squeeze3A_233 = vector.extract %slice3A_232[0] : i32 from vector<1xi32>
    %dma_start3A_234 = arith.constant 12 : i32
    %dma_start3A_235 = arith.constant 0 : i32
    %dma_start3A_236 = arith.constant 0 : i32
    %dma_start3A_237 = tpu.memref_slice %arg8[%dma_start3A_234, %dma_start3A_235, %dma_start3A_236] : memref<32x8x32xf32, #tpu.memory_space<vmem>> -> memref<1x8x32xf32, #tpu.memory_space<vmem>>
    %dma_start3A_238 = tpu.memref_squeeze %dma_start3A_237 : memref<1x8x32xf32, #tpu.memory_space<vmem>> -> memref<8x32xf32, #tpu.memory_space<vmem>>
    %dma_start3A_239 = arith.constant 0 : i32
    %dma_start3A_240 = arith.constant 0 : i32
    %dma_start3A_241 = tpu.memref_slice %arg4[%squeeze3A_233, %dma_start3A_239, %dma_start3A_240] : memref<325000x8x32xf32, #tpu.memory_space<hbm>> -> memref<1x8x32xf32, #tpu.memory_space<hbm>>
    %dma_start3A_242 = tpu.memref_squeeze %dma_start3A_241 : memref<1x8x32xf32, #tpu.memory_space<hbm>> -> memref<8x32xf32, #tpu.memory_space<hbm>>
    %dma_start3A_243 = arith.constant 0 : i32
    %dma_start3A_244 = arith.constant 0 : i32
    %dma_start3A_245 = tpu.memref_slice %arg8[%dma_start3A_234, %dma_start3A_243, %dma_start3A_244] : memref<32x8x32xf32, #tpu.memory_space<vmem>> -> memref<1x8x32xf32, #tpu.memory_space<vmem>>
    %dma_start3A_246 = tpu.memref_squeeze %dma_start3A_245 : memref<1x8x32xf32, #tpu.memory_space<vmem>> -> memref<8x32xf32, #tpu.memory_space<vmem>>
    %dma_start3A_247 = arith.constant 0 : i32
    %dma_start3A_248 = arith.constant 0 : i32
    %dma_start3A_249 = tpu.memref_slice %arg4[%squeeze3A_233, %dma_start3A_247, %dma_start3A_248] : memref<325000x8x32xf32, #tpu.memory_space<hbm>> -> memref<1x8x32xf32, #tpu.memory_space<hbm>>
    %dma_start3A_250 = tpu.memref_squeeze %dma_start3A_249 : memref<1x8x32xf32, #tpu.memory_space<hbm>> -> memref<8x32xf32, #tpu.memory_space<hbm>>
    tpu.enqueue_dma source(%dma_start3A_250 : memref<8x32xf32, #tpu.memory_space<hbm>>) target(%dma_start3A_246 : memref<8x32xf32, #tpu.memory_space<vmem>>) target_semaphore(%arg12 : memref<!tpu.dma_semaphore, #tpu.memory_space<semaphore_mem>>)
    %slice3A_251 = vector.extract_strided_slice %get3A_6 {offsets = [13], sizes = [1], strides = [1]} : vector<16xi32> to vector<1xi32>
    %squeeze3A_252 = vector.extract %slice3A_251[0] : i32 from vector<1xi32>
    %dma_start3A_253 = arith.constant 13 : i32
    %dma_start3A_254 = arith.constant 0 : i32
    %dma_start3A_255 = arith.constant 0 : i32
    %dma_start3A_256 = tpu.memref_slice %arg8[%dma_start3A_253, %dma_start3A_254, %dma_start3A_255] : memref<32x8x32xf32, #tpu.memory_space<vmem>> -> memref<1x8x32xf32, #tpu.memory_space<vmem>>
    %dma_start3A_257 = tpu.memref_squeeze %dma_start3A_256 : memref<1x8x32xf32, #tpu.memory_space<vmem>> -> memref<8x32xf32, #tpu.memory_space<vmem>>
    %dma_start3A_258 = arith.constant 0 : i32
    %dma_start3A_259 = arith.constant 0 : i32
    %dma_start3A_260 = tpu.memref_slice %arg4[%squeeze3A_252, %dma_start3A_258, %dma_start3A_259] : memref<325000x8x32xf32, #tpu.memory_space<hbm>> -> memref<1x8x32xf32, #tpu.memory_space<hbm>>
    %dma_start3A_261 = tpu.memref_squeeze %dma_start3A_260 : memref<1x8x32xf32, #tpu.memory_space<hbm>> -> memref<8x32xf32, #tpu.memory_space<hbm>>
    %dma_start3A_262 = arith.constant 0 : i32
    %dma_start3A_263 = arith.constant 0 : i32
    %dma_start3A_264 = tpu.memref_slice %arg8[%dma_start3A_253, %dma_start3A_262, %dma_start3A_263] : memref<32x8x32xf32, #tpu.memory_space<vmem>> -> memref<1x8x32xf32, #tpu.memory_space<vmem>>
    %dma_start3A_265 = tpu.memref_squeeze %dma_start3A_264 : memref<1x8x32xf32, #tpu.memory_space<vmem>> -> memref<8x32xf32, #tpu.memory_space<vmem>>
    %dma_start3A_266 = arith.constant 0 : i32
    %dma_start3A_267 = arith.constant 0 : i32
    %dma_start3A_268 = tpu.memref_slice %arg4[%squeeze3A_252, %dma_start3A_266, %dma_start3A_267] : memref<325000x8x32xf32, #tpu.memory_space<hbm>> -> memref<1x8x32xf32, #tpu.memory_space<hbm>>
    %dma_start3A_269 = tpu.memref_squeeze %dma_start3A_268 : memref<1x8x32xf32, #tpu.memory_space<hbm>> -> memref<8x32xf32, #tpu.memory_space<hbm>>
    tpu.enqueue_dma source(%dma_start3A_269 : memref<8x32xf32, #tpu.memory_space<hbm>>) target(%dma_start3A_265 : memref<8x32xf32, #tpu.memory_space<vmem>>) target_semaphore(%arg12 : memref<!tpu.dma_semaphore, #tpu.memory_space<semaphore_mem>>)
    %slice3A_270 = vector.extract_strided_slice %get3A_6 {offsets = [14], sizes = [1], strides = [1]} : vector<16xi32> to vector<1xi32>
    %squeeze3A_271 = vector.extract %slice3A_270[0] : i32 from vector<1xi32>
    %dma_start3A_272 = arith.constant 14 : i32
    %dma_start3A_273 = arith.constant 0 : i32
    %dma_start3A_274 = arith.constant 0 : i32
    %dma_start3A_275 = tpu.memref_slice %arg8[%dma_start3A_272, %dma_start3A_273, %dma_start3A_274] : memref<32x8x32xf32, #tpu.memory_space<vmem>> -> memref<1x8x32xf32, #tpu.memory_space<vmem>>
    %dma_start3A_276 = tpu.memref_squeeze %dma_start3A_275 : memref<1x8x32xf32, #tpu.memory_space<vmem>> -> memref<8x32xf32, #tpu.memory_space<vmem>>
    %dma_start3A_277 = arith.constant 0 : i32
    %dma_start3A_278 = arith.constant 0 : i32
    %dma_start3A_279 = tpu.memref_slice %arg4[%squeeze3A_271, %dma_start3A_277, %dma_start3A_278] : memref<325000x8x32xf32, #tpu.memory_space<hbm>> -> memref<1x8x32xf32, #tpu.memory_space<hbm>>
    %dma_start3A_280 = tpu.memref_squeeze %dma_start3A_279 : memref<1x8x32xf32, #tpu.memory_space<hbm>> -> memref<8x32xf32, #tpu.memory_space<hbm>>
    %dma_start3A_281 = arith.constant 0 : i32
    %dma_start3A_282 = arith.constant 0 : i32
    %dma_start3A_283 = tpu.memref_slice %arg8[%dma_start3A_272, %dma_start3A_281, %dma_start3A_282] : memref<32x8x32xf32, #tpu.memory_space<vmem>> -> memref<1x8x32xf32, #tpu.memory_space<vmem>>
    %dma_start3A_284 = tpu.memref_squeeze %dma_start3A_283 : memref<1x8x32xf32, #tpu.memory_space<vmem>> -> memref<8x32xf32, #tpu.memory_space<vmem>>
    %dma_start3A_285 = arith.constant 0 : i32
    %dma_start3A_286 = arith.constant 0 : i32
    %dma_start3A_287 = tpu.memref_slice %arg4[%squeeze3A_271, %dma_start3A_285, %dma_start3A_286] : memref<325000x8x32xf32, #tpu.memory_space<hbm>> -> memref<1x8x32xf32, #tpu.memory_space<hbm>>
    %dma_start3A_288 = tpu.memref_squeeze %dma_start3A_287 : memref<1x8x32xf32, #tpu.memory_space<hbm>> -> memref<8x32xf32, #tpu.memory_space<hbm>>
    tpu.enqueue_dma source(%dma_start3A_288 : memref<8x32xf32, #tpu.memory_space<hbm>>) target(%dma_start3A_284 : memref<8x32xf32, #tpu.memory_space<vmem>>) target_semaphore(%arg12 : memref<!tpu.dma_semaphore, #tpu.memory_space<semaphore_mem>>)
    %slice3A_289 = vector.extract_strided_slice %get3A_6 {offsets = [15], sizes = [1], strides = [1]} : vector<16xi32> to vector<1xi32>
    %squeeze3A_290 = vector.extract %slice3A_289[0] : i32 from vector<1xi32>
    %dma_start3A_291 = arith.constant 15 : i32
    %dma_start3A_292 = arith.constant 0 : i32
    %dma_start3A_293 = arith.constant 0 : i32
    %dma_start3A_294 = tpu.memref_slice %arg8[%dma_start3A_291, %dma_start3A_292, %dma_start3A_293] : memref<32x8x32xf32, #tpu.memory_space<vmem>> -> memref<1x8x32xf32, #tpu.memory_space<vmem>>
    %dma_start3A_295 = tpu.memref_squeeze %dma_start3A_294 : memref<1x8x32xf32, #tpu.memory_space<vmem>> -> memref<8x32xf32, #tpu.memory_space<vmem>>
    %dma_start3A_296 = arith.constant 0 : i32
    %dma_start3A_297 = arith.constant 0 : i32
    %dma_start3A_298 = tpu.memref_slice %arg4[%squeeze3A_290, %dma_start3A_296, %dma_start3A_297] : memref<325000x8x32xf32, #tpu.memory_space<hbm>> -> memref<1x8x32xf32, #tpu.memory_space<hbm>>
    %dma_start3A_299 = tpu.memref_squeeze %dma_start3A_298 : memref<1x8x32xf32, #tpu.memory_space<hbm>> -> memref<8x32xf32, #tpu.memory_space<hbm>>
    %dma_start3A_300 = arith.constant 0 : i32
    %dma_start3A_301 = arith.constant 0 : i32
    %dma_start3A_302 = tpu.memref_slice %arg8[%dma_start3A_291, %dma_start3A_300, %dma_start3A_301] : memref<32x8x32xf32, #tpu.memory_space<vmem>> -> memref<1x8x32xf32, #tpu.memory_space<vmem>>
    %dma_start3A_303 = tpu.memref_squeeze %dma_start3A_302 : memref<1x8x32xf32, #tpu.memory_space<vmem>> -> memref<8x32xf32, #tpu.memory_space<vmem>>
    %dma_start3A_304 = arith.constant 0 : i32
    %dma_start3A_305 = arith.constant 0 : i32
    %dma_start3A_306 = tpu.memref_slice %arg4[%squeeze3A_290, %dma_start3A_304, %dma_start3A_305] : memref<325000x8x32xf32, #tpu.memory_space<hbm>> -> memref<1x8x32xf32, #tpu.memory_space<hbm>>
    %dma_start3A_307 = tpu.memref_squeeze %dma_start3A_306 : memref<1x8x32xf32, #tpu.memory_space<hbm>> -> memref<8x32xf32, #tpu.memory_space<hbm>>
    tpu.enqueue_dma source(%dma_start3A_307 : memref<8x32xf32, #tpu.memory_space<hbm>>) target(%dma_start3A_303 : memref<8x32xf32, #tpu.memory_space<vmem>>) target_semaphore(%arg12 : memref<!tpu.dma_semaphore, #tpu.memory_space<semaphore_mem>>)
    %get3A_308 = arith.constant 16 : index
    %get3A_309 = tpu.vector_load %arg6[%get3A_308] {strides = array<i32>} : memref<3328xi32, #tpu.memory_space<vmem>>, vector<16xi32>,
    %slice3A_310 = vector.extract_strided_slice %get3A_309 {offsets = [0], sizes = [1], strides = [1]} : vector<16xi32> to vector<1xi32>
    %squeeze3A_311 = vector.extract %slice3A_310[0] : i32 from vector<1xi32>
    %dma_start3A_312 = arith.constant 16 : i32
    %dma_start3A_313 = arith.constant 0 : i32
    %dma_start3A_314 = arith.constant 0 : i32
    %dma_start3A_315 = tpu.memref_slice %arg8[%dma_start3A_312, %dma_start3A_313, %dma_start3A_314] : memref<32x8x32xf32, #tpu.memory_space<vmem>> -> memref<1x8x32xf32, #tpu.memory_space<vmem>>
    %dma_start3A_316 = tpu.memref_squeeze %dma_start3A_315 : memref<1x8x32xf32, #tpu.memory_space<vmem>> -> memref<8x32xf32, #tpu.memory_space<vmem>>
    %dma_start3A_317 = arith.constant 0 : i32
    %dma_start3A_318 = arith.constant 0 : i32
    %dma_start3A_319 = tpu.memref_slice %arg4[%squeeze3A_311, %dma_start3A_317, %dma_start3A_318] : memref<325000x8x32xf32, #tpu.memory_space<hbm>> -> memref<1x8x32xf32, #tpu.memory_space<hbm>>
    %dma_start3A_320 = tpu.memref_squeeze %dma_start3A_319 : memref<1x8x32xf32, #tpu.memory_space<hbm>> -> memref<8x32xf32, #tpu.memory_space<hbm>>
    %dma_start3A_321 = arith.constant 0 : i32
    %dma_start3A_322 = arith.constant 0 : i32
    %dma_start3A_323 = tpu.memref_slice %arg8[%dma_start3A_312, %dma_start3A_321, %dma_start3A_322] : memref<32x8x32xf32, #tpu.memory_space<vmem>> -> memref<1x8x32xf32, #tpu.memory_space<vmem>>
    %dma_start3A_324 = tpu.memref_squeeze %dma_start3A_323 : memref<1x8x32xf32, #tpu.memory_space<vmem>> -> memref<8x32xf32, #tpu.memory_space<vmem>>
    %dma_start3A_325 = arith.constant 0 : i32
    %dma_start3A_326 = arith.constant 0 : i32
    %dma_start3A_327 = tpu.memref_slice %arg4[%squeeze3A_311, %dma_start3A_325, %dma_start3A_326] : memref<325000x8x32xf32, #tpu.memory_space<hbm>> -> memref<1x8x32xf32, #tpu.memory_space<hbm>>
    %dma_start3A_328 = tpu.memref_squeeze %dma_start3A_327 : memref<1x8x32xf32, #tpu.memory_space<hbm>> -> memref<8x32xf32, #tpu.memory_space<hbm>>
    tpu.enqueue_dma source(%dma_start3A_328 : memref<8x32xf32, #tpu.memory_space<hbm>>) target(%dma_start3A_324 : memref<8x32xf32, #tpu.memory_space<vmem>>) target_semaphore(%arg12 : memref<!tpu.dma_semaphore, #tpu.memory_space<semaphore_mem>>)
    %slice3A_329 = vector.extract_strided_slice %get3A_309 {offsets = [1], sizes = [1], strides = [1]} : vector<16xi32> to vector<1xi32>
    %squeeze3A_330 = vector.extract %slice3A_329[0] : i32 from vector<1xi32>
    %dma_start3A_331 = arith.constant 17 : i32
    %dma_start3A_332 = arith.constant 0 : i32
    %dma_start3A_333 = arith.constant 0 : i32
    %dma_start3A_334 = tpu.memref_slice %arg8[%dma_start3A_331, %dma_start3A_332, %dma_start3A_333] : memref<32x8x32xf32, #tpu.memory_space<vmem>> -> memref<1x8x32xf32, #tpu.memory_space<vmem>>
    %dma_start3A_335 = tpu.memref_squeeze %dma_start3A_334 : memref<1x8x32xf32, #tpu.memory_space<vmem>> -> memref<8x32xf32, #tpu.memory_space<vmem>>
    %dma_start3A_336 = arith.constant 0 : i32
    %dma_start3A_337 = arith.constant 0 : i32
    %dma_start3A_338 = tpu.memref_slice %arg4[%squeeze3A_330, %dma_start3A_336, %dma_start3A_337] : memref<325000x8x32xf32, #tpu.memory_space<hbm>> -> memref<1x8x32xf32, #tpu.memory_space<hbm>>
    %dma_start3A_339 = tpu.memref_squeeze %dma_start3A_338 : memref<1x8x32xf32, #tpu.memory_space<hbm>> -> memref<8x32xf32, #tpu.memory_space<hbm>>
    %dma_start3A_340 = arith.constant 0 : i32
    %dma_start3A_341 = arith.constant 0 : i32
    %dma_start3A_342 = tpu.memref_slice %arg8[%dma_start3A_331, %dma_start3A_340, %dma_start3A_341] : memref<32x8x32xf32, #tpu.memory_space<vmem>> -> memref<1x8x32xf32, #tpu.memory_space<vmem>>
    %dma_start3A_343 = tpu.memref_squeeze %dma_start3A_342 : memref<1x8x32xf32, #tpu.memory_space<vmem>> -> memref<8x32xf32, #tpu.memory_space<vmem>>
    %dma_start3A_344 = arith.constant 0 : i32
    %dma_start3A_345 = arith.constant 0 : i32
    %dma_start3A_346 = tpu.memref_slice %arg4[%squeeze3A_330, %dma_start3A_344, %dma_start3A_345] : memref<325000x8x32xf32, #tpu.memory_space<hbm>> -> memref<1x8x32xf32, #tpu.memory_space<hbm>>
    %dma_start3A_347 = tpu.memref_squeeze %dma_start3A_346 : memref<1x8x32xf32, #tpu.memory_space<hbm>> -> memref<8x32xf32, #tpu.memory_space<hbm>>
    tpu.enqueue_dma source(%dma_start3A_347 : memref<8x32xf32, #tpu.memory_space<hbm>>) target(%dma_start3A_343 : memref<8x32xf32, #tpu.memory_space<vmem>>) target_semaphore(%arg12 : memref<!tpu.dma_semaphore, #tpu.memory_space<semaphore_mem>>)
    %slice3A_348 = vector.extract_strided_slice %get3A_309 {offsets = [2], sizes = [1], strides = [1]} : vector<16xi32> to vector<1xi32>
    %squeeze3A_349 = vector.extract %slice3A_348[0] : i32 from vector<1xi32>
    %dma_start3A_350 = arith.constant 18 : i32
    %dma_start3A_351 = arith.constant 0 : i32
    %dma_start3A_352 = arith.constant 0 : i32
    %dma_start3A_353 = tpu.memref_slice %arg8[%dma_start3A_350, %dma_start3A_351, %dma_start3A_352] : memref<32x8x32xf32, #tpu.memory_space<vmem>> -> memref<1x8x32xf32, #tpu.memory_space<vmem>>
    %dma_start3A_354 = tpu.memref_squeeze %dma_start3A_353 : memref<1x8x32xf32, #tpu.memory_space<vmem>> -> memref<8x32xf32, #tpu.memory_space<vmem>>
    %dma_start3A_355 = arith.constant 0 : i32
    %dma_start3A_356 = arith.constant 0 : i32
    %dma_start3A_357 = tpu.memref_slice %arg4[%squeeze3A_349, %dma_start3A_355, %dma_start3A_356] : memref<325000x8x32xf32, #tpu.memory_space<hbm>> -> memref<1x8x32xf32, #tpu.memory_space<hbm>>
    %dma_start3A_358 = tpu.memref_squeeze %dma_start3A_357 : memref<1x8x32xf32, #tpu.memory_space<hbm>> -> memref<8x32xf32, #tpu.memory_space<hbm>>
    %dma_start3A_359 = arith.constant 0 : i32
    %dma_start3A_360 = arith.constant 0 : i32
    %dma_start3A_361 = tpu.memref_slice %arg8[%dma_start3A_350, %dma_start3A_359, %dma_start3A_360] : memref<32x8x32xf32, #tpu.memory_space<vmem>> -> memref<1x8x32xf32, #tpu.memory_space<vmem>>
    %dma_start3A_362 = tpu.memref_squeeze %dma_start3A_361 : memref<1x8x32xf32, #tpu.memory_space<vmem>> -> memref<8x32xf32, #tpu.memory_space<vmem>>
    %dma_start3A_363 = arith.constant 0 : i32
    %dma_start3A_364 = arith.constant 0 : i32
    %dma_start3A_365 = tpu.memref_slice %arg4[%squeeze3A_349, %dma_start3A_363, %dma_start3A_364] : memref<325000x8x32xf32, #tpu.memory_space<hbm>> -> memref<1x8x32xf32, #tpu.memory_space<hbm>>
    %dma_start3A_366 = tpu.memref_squeeze %dma_start3A_365 : memref<1x8x32xf32, #tpu.memory_space<hbm>> -> memref<8x32xf32, #tpu.memory_space<hbm>>
    tpu.enqueue_dma source(%dma_start3A_366 : memref<8x32xf32, #tpu.memory_space<hbm>>) target(%dma_start3A_362 : memref<8x32xf32, #tpu.memory_space<vmem>>) target_semaphore(%arg12 : memref<!tpu.dma_semaphore, #tpu.memory_space<semaphore_mem>>)
    %slice3A_367 = vector.extract_strided_slice %get3A_309 {offsets = [3], sizes = [1], strides = [1]} : vector<16xi32> to vector<1xi32>
    %squeeze3A_368 = vector.extract %slice3A_367[0] : i32 from vector<1xi32>
    %dma_start3A_369 = arith.constant 19 : i32
    %dma_start3A_370 = arith.constant 0 : i32
    %dma_start3A_371 = arith.constant 0 : i32
    %dma_start3A_372 = tpu.memref_slice %arg8[%dma_start3A_369, %dma_start3A_370, %dma_start3A_371] : memref<32x8x32xf32, #tpu.memory_space<vmem>> -> memref<1x8x32xf32, #tpu.memory_space<vmem>>
    %dma_start3A_373 = tpu.memref_squeeze %dma_start3A_372 : memref<1x8x32xf32, #tpu.memory_space<vmem>> -> memref<8x32xf32, #tpu.memory_space<vmem>>
    %dma_start3A_374 = arith.constant 0 : i32
    %dma_start3A_375 = arith.constant 0 : i32
    %dma_start3A_376 = tpu.memref_slice %arg4[%squeeze3A_368, %dma_start3A_374, %dma_start3A_375] : memref<325000x8x32xf32, #tpu.memory_space<hbm>> -> memref<1x8x32xf32, #tpu.memory_space<hbm>>
    %dma_start3A_377 = tpu.memref_squeeze %dma_start3A_376 : memref<1x8x32xf32, #tpu.memory_space<hbm>> -> memref<8x32xf32, #tpu.memory_space<hbm>>
    %dma_start3A_378 = arith.constant 0 : i32
    %dma_start3A_379 = arith.constant 0 : i32
    %dma_start3A_380 = tpu.memref_slice %arg8[%dma_start3A_369, %dma_start3A_378, %dma_start3A_379] : memref<32x8x32xf32, #tpu.memory_space<vmem>> -> memref<1x8x32xf32, #tpu.memory_space<vmem>>
    %dma_start3A_381 = tpu.memref_squeeze %dma_start3A_380 : memref<1x8x32xf32, #tpu.memory_space<vmem>> -> memref<8x32xf32, #tpu.memory_space<vmem>>
    %dma_start3A_382 = arith.constant 0 : i32
    %dma_start3A_383 = arith.constant 0 : i32
    %dma_start3A_384 = tpu.memref_slice %arg4[%squeeze3A_368, %dma_start3A_382, %dma_start3A_383] : memref<325000x8x32xf32, #tpu.memory_space<hbm>> -> memref<1x8x32xf32, #tpu.memory_space<hbm>>
    %dma_start3A_385 = tpu.memref_squeeze %dma_start3A_384 : memref<1x8x32xf32, #tpu.memory_space<hbm>> -> memref<8x32xf32, #tpu.memory_space<hbm>>
    tpu.enqueue_dma source(%dma_start3A_385 : memref<8x32xf32, #tpu.memory_space<hbm>>) target(%dma_start3A_381 : memref<8x32xf32, #tpu.memory_space<vmem>>) target_semaphore(%arg12 : memref<!tpu.dma_semaphore, #tpu.memory_space<semaphore_mem>>)
    %slice3A_386 = vector.extract_strided_slice %get3A_309 {offsets = [4], sizes = [1], strides = [1]} : vector<16xi32> to vector<1xi32>
    %squeeze3A_387 = vector.extract %slice3A_386[0] : i32 from vector<1xi32>
    %dma_start3A_388 = arith.constant 20 : i32
    %dma_start3A_389 = arith.constant 0 : i32
    %dma_start3A_390 = arith.constant 0 : i32
    %dma_start3A_391 = tpu.memref_slice %arg8[%dma_start3A_388, %dma_start3A_389, %dma_start3A_390] : memref<32x8x32xf32, #tpu.memory_space<vmem>> -> memref<1x8x32xf32, #tpu.memory_space<vmem>>
    %dma_start3A_392 = tpu.memref_squeeze %dma_start3A_391 : memref<1x8x32xf32, #tpu.memory_space<vmem>> -> memref<8x32xf32, #tpu.memory_space<vmem>>
    %dma_start3A_393 = arith.constant 0 : i32
    %dma_start3A_394 = arith.constant 0 : i32
    %dma_start3A_395 = tpu.memref_slice %arg4[%squeeze3A_387, %dma_start3A_393, %dma_start3A_394] : memref<325000x8x32xf32, #tpu.memory_space<hbm>> -> memref<1x8x32xf32, #tpu.memory_space<hbm>>
    %dma_start3A_396 = tpu.memref_squeeze %dma_start3A_395 : memref<1x8x32xf32, #tpu.memory_space<hbm>> -> memref<8x32xf32, #tpu.memory_space<hbm>>
    %dma_start3A_397 = arith.constant 0 : i32
    %dma_start3A_398 = arith.constant 0 : i32
    %dma_start3A_399 = tpu.memref_slice %arg8[%dma_start3A_388, %dma_start3A_397, %dma_start3A_398] : memref<32x8x32xf32, #tpu.memory_space<vmem>> -> memref<1x8x32xf32, #tpu.memory_space<vmem>>
    %dma_start3A_400 = tpu.memref_squeeze %dma_start3A_399 : memref<1x8x32xf32, #tpu.memory_space<vmem>> -> memref<8x32xf32, #tpu.memory_space<vmem>>
    %dma_start3A_401 = arith.constant 0 : i32
    %dma_start3A_402 = arith.constant 0 : i32
    %dma_start3A_403 = tpu.memref_slice %arg4[%squeeze3A_387, %dma_start3A_401, %dma_start3A_402] : memref<325000x8x32xf32, #tpu.memory_space<hbm>> -> memref<1x8x32xf32, #tpu.memory_space<hbm>>
    %dma_start3A_404 = tpu.memref_squeeze %dma_start3A_403 : memref<1x8x32xf32, #tpu.memory_space<hbm>> -> memref<8x32xf32, #tpu.memory_space<hbm>>
    tpu.enqueue_dma source(%dma_start3A_404 : memref<8x32xf32, #tpu.memory_space<hbm>>) target(%dma_start3A_400 : memref<8x32xf32, #tpu.memory_space<vmem>>) target_semaphore(%arg12 : memref<!tpu.dma_semaphore, #tpu.memory_space<semaphore_mem>>)
    %slice3A_405 = vector.extract_strided_slice %get3A_309 {offsets = [5], sizes = [1], strides = [1]} : vector<16xi32> to vector<1xi32>
    %squeeze3A_406 = vector.extract %slice3A_405[0] : i32 from vector<1xi32>
    %dma_start3A_407 = arith.constant 21 : i32
    %dma_start3A_408 = arith.constant 0 : i32
    %dma_start3A_409 = arith.constant 0 : i32
    %dma_start3A_410 = tpu.memref_slice %arg8[%dma_start3A_407, %dma_start3A_408, %dma_start3A_409] : memref<32x8x32xf32, #tpu.memory_space<vmem>> -> memref<1x8x32xf32, #tpu.memory_space<vmem>>
    %dma_start3A_411 = tpu.memref_squeeze %dma_start3A_410 : memref<1x8x32xf32, #tpu.memory_space<vmem>> -> memref<8x32xf32, #tpu.memory_space<vmem>>
    %dma_start3A_412 = arith.constant 0 : i32
    %dma_start3A_413 = arith.constant 0 : i32
    %dma_start3A_414 = tpu.memref_slice %arg4[%squeeze3A_406, %dma_start3A_412, %dma_start3A_413] : memref<325000x8x32xf32, #tpu.memory_space<hbm>> -> memref<1x8x32xf32, #tpu.memory_space<hbm>>
    %dma_start3A_415 = tpu.memref_squeeze %dma_start3A_414 : memref<1x8x32xf32, #tpu.memory_space<hbm>> -> memref<8x32xf32, #tpu.memory_space<hbm>>
    %dma_start3A_416 = arith.constant 0 : i32
    %dma_start3A_417 = arith.constant 0 : i32
    %dma_start3A_418 = tpu.memref_slice %arg8[%dma_start3A_407, %dma_start3A_416, %dma_start3A_417] : memref<32x8x32xf32, #tpu.memory_space<vmem>> -> memref<1x8x32xf32, #tpu.memory_space<vmem>>
    %dma_start3A_419 = tpu.memref_squeeze %dma_start3A_418 : memref<1x8x32xf32, #tpu.memory_space<vmem>> -> memref<8x32xf32, #tpu.memory_space<vmem>>
    %dma_start3A_420 = arith.constant 0 : i32
    %dma_start3A_421 = arith.constant 0 : i32
    %dma_start3A_422 = tpu.memref_slice %arg4[%squeeze3A_406, %dma_start3A_420, %dma_start3A_421] : memref<325000x8x32xf32, #tpu.memory_space<hbm>> -> memref<1x8x32xf32, #tpu.memory_space<hbm>>
    %dma_start3A_423 = tpu.memref_squeeze %dma_start3A_422 : memref<1x8x32xf32, #tpu.memory_space<hbm>> -> memref<8x32xf32, #tpu.memory_space<hbm>>
    tpu.enqueue_dma source(%dma_start3A_423 : memref<8x32xf32, #tpu.memory_space<hbm>>) target(%dma_start3A_419 : memref<8x32xf32, #tpu.memory_space<vmem>>) target_semaphore(%arg12 : memref<!tpu.dma_semaphore, #tpu.memory_space<semaphore_mem>>)
    %slice3A_424 = vector.extract_strided_slice %get3A_309 {offsets = [6], sizes = [1], strides = [1]} : vector<16xi32> to vector<1xi32>
    %squeeze3A_425 = vector.extract %slice3A_424[0] : i32 from vector<1xi32>
    %dma_start3A_426 = arith.constant 22 : i32
    %dma_start3A_427 = arith.constant 0 : i32
    %dma_start3A_428 = arith.constant 0 : i32
    %dma_start3A_429 = tpu.memref_slice %arg8[%dma_start3A_426, %dma_start3A_427, %dma_start3A_428] : memref<32x8x32xf32, #tpu.memory_space<vmem>> -> memref<1x8x32xf32, #tpu.memory_space<vmem>>
    %dma_start3A_430 = tpu.memref_squeeze %dma_start3A_429 : memref<1x8x32xf32, #tpu.memory_space<vmem>> -> memref<8x32xf32, #tpu.memory_space<vmem>>
    %dma_start3A_431 = arith.constant 0 : i32
    %dma_start3A_432 = arith.constant 0 : i32
    %dma_start3A_433 = tpu.memref_slice %arg4[%squeeze3A_425, %dma_start3A_431, %dma_start3A_432] : memref<325000x8x32xf32, #tpu.memory_space<hbm>> -> memref<1x8x32xf32, #tpu.memory_space<hbm>>
    %dma_start3A_434 = tpu.memref_squeeze %dma_start3A_433 : memref<1x8x32xf32, #tpu.memory_space<hbm>> -> memref<8x32xf32, #tpu.memory_space<hbm>>
    %dma_start3A_435 = arith.constant 0 : i32
    %dma_start3A_436 = arith.constant 0 : i32
    %dma_start3A_437 = tpu.memref_slice %arg8[%dma_start3A_426, %dma_start3A_435, %dma_start3A_436] : memref<32x8x32xf32, #tpu.memory_space<vmem>> -> memref<1x8x32xf32, #tpu.memory_space<vmem>>
    %dma_start3A_438 = tpu.memref_squeeze %dma_start3A_437 : memref<1x8x32xf32, #tpu.memory_space<vmem>> -> memref<8x32xf32, #tpu.memory_space<vmem>>
    %dma_start3A_439 = arith.constant 0 : i32
    %dma_start3A_440 = arith.constant 0 : i32
    %dma_start3A_441 = tpu.memref_slice %arg4[%squeeze3A_425, %dma_start3A_439, %dma_start3A_440] : memref<325000x8x32xf32, #tpu.memory_space<hbm>> -> memref<1x8x32xf32, #tpu.memory_space<hbm>>
    %dma_start3A_442 = tpu.memref_squeeze %dma_start3A_441 : memref<1x8x32xf32, #tpu.memory_space<hbm>> -> memref<8x32xf32, #tpu.memory_space<hbm>>
    tpu.enqueue_dma source(%dma_start3A_442 : memref<8x32xf32, #tpu.memory_space<hbm>>) target(%dma_start3A_438 : memref<8x32xf32, #tpu.memory_space<vmem>>) target_semaphore(%arg12 : memref<!tpu.dma_semaphore, #tpu.memory_space<semaphore_mem>>)
    %slice3A_443 = vector.extract_strided_slice %get3A_309 {offsets = [7], sizes = [1], strides = [1]} : vector<16xi32> to vector<1xi32>
    %squeeze3A_444 = vector.extract %slice3A_443[0] : i32 from vector<1xi32>
    %dma_start3A_445 = arith.constant 23 : i32
    %dma_start3A_446 = arith.constant 0 : i32
    %dma_start3A_447 = arith.constant 0 : i32
    %dma_start3A_448 = tpu.memref_slice %arg8[%dma_start3A_445, %dma_start3A_446, %dma_start3A_447] : memref<32x8x32xf32, #tpu.memory_space<vmem>> -> memref<1x8x32xf32, #tpu.memory_space<vmem>>
    %dma_start3A_449 = tpu.memref_squeeze %dma_start3A_448 : memref<1x8x32xf32, #tpu.memory_space<vmem>> -> memref<8x32xf32, #tpu.memory_space<vmem>>
    %dma_start3A_450 = arith.constant 0 : i32
    %dma_start3A_451 = arith.constant 0 : i32
    %dma_start3A_452 = tpu.memref_slice %arg4[%squeeze3A_444, %dma_start3A_450, %dma_start3A_451] : memref<325000x8x32xf32, #tpu.memory_space<hbm>> -> memref<1x8x32xf32, #tpu.memory_space<hbm>>
    %dma_start3A_453 = tpu.memref_squeeze %dma_start3A_452 : memref<1x8x32xf32, #tpu.memory_space<hbm>> -> memref<8x32xf32, #tpu.memory_space<hbm>>
    %dma_start3A_454 = arith.constant 0 : i32
    %dma_start3A_455 = arith.constant 0 : i32
    %dma_start3A_456 = tpu.memref_slice %arg8[%dma_start3A_445, %dma_start3A_454, %dma_start3A_455] : memref<32x8x32xf32, #tpu.memory_space<vmem>> -> memref<1x8x32xf32, #tpu.memory_space<vmem>>
    %dma_start3A_457 = tpu.memref_squeeze %dma_start3A_456 : memref<1x8x32xf32, #tpu.memory_space<vmem>> -> memref<8x32xf32, #tpu.memory_space<vmem>>
    %dma_start3A_458 = arith.constant 0 : i32
    %dma_start3A_459 = arith.constant 0 : i32
    %dma_start3A_460 = tpu.memref_slice %arg4[%squeeze3A_444, %dma_start3A_458, %dma_start3A_459] : memref<325000x8x32xf32, #tpu.memory_space<hbm>> -> memref<1x8x32xf32, #tpu.memory_space<hbm>>
    %dma_start3A_461 = tpu.memref_squeeze %dma_start3A_460 : memref<1x8x32xf32, #tpu.memory_space<hbm>> -> memref<8x32xf32, #tpu.memory_space<hbm>>
    tpu.enqueue_dma source(%dma_start3A_461 : memref<8x32xf32, #tpu.memory_space<hbm>>) target(%dma_start3A_457 : memref<8x32xf32, #tpu.memory_space<vmem>>) target_semaphore(%arg12 : memref<!tpu.dma_semaphore, #tpu.memory_space<semaphore_mem>>)
    %slice3A_462 = vector.extract_strided_slice %get3A_309 {offsets = [8], sizes = [1], strides = [1]} : vector<16xi32> to vector<1xi32>
    %squeeze3A_463 = vector.extract %slice3A_462[0] : i32 from vector<1xi32>
    %dma_start3A_464 = arith.constant 24 : i32
    %dma_start3A_465 = arith.constant 0 : i32
    %dma_start3A_466 = arith.constant 0 : i32
    %dma_start3A_467 = tpu.memref_slice %arg8[%dma_start3A_464, %dma_start3A_465, %dma_start3A_466] : memref<32x8x32xf32, #tpu.memory_space<vmem>> -> memref<1x8x32xf32, #tpu.memory_space<vmem>>
    %dma_start3A_468 = tpu.memref_squeeze %dma_start3A_467 : memref<1x8x32xf32, #tpu.memory_space<vmem>> -> memref<8x32xf32, #tpu.memory_space<vmem>>
    %dma_start3A_469 = arith.constant 0 : i32
    %dma_start3A_470 = arith.constant 0 : i32
    %dma_start3A_471 = tpu.memref_slice %arg4[%squeeze3A_463, %dma_start3A_469, %dma_start3A_470] : memref<325000x8x32xf32, #tpu.memory_space<hbm>> -> memref<1x8x32xf32, #tpu.memory_space<hbm>>
    %dma_start3A_472 = tpu.memref_squeeze %dma_start3A_471 : memref<1x8x32xf32, #tpu.memory_space<hbm>> -> memref<8x32xf32, #tpu.memory_space<hbm>>
    %dma_start3A_473 = arith.constant 0 : i32
    %dma_start3A_474 = arith.constant 0 : i32
    %dma_start3A_475 = tpu.memref_slice %arg8[%dma_start3A_464, %dma_start3A_473, %dma_start3A_474] : memref<32x8x32xf32, #tpu.memory_space<vmem>> -> memref<1x8x32xf32, #tpu.memory_space<vmem>>
    %dma_start3A_476 = tpu.memref_squeeze %dma_start3A_475 : memref<1x8x32xf32, #tpu.memory_space<vmem>> -> memref<8x32xf32, #tpu.memory_space<vmem>>
    %dma_start3A_477 = arith.constant 0 : i32
    %dma_start3A_478 = arith.constant 0 : i32
    %dma_start3A_479 = tpu.memref_slice %arg4[%squeeze3A_463, %dma_start3A_477, %dma_start3A_478] : memref<325000x8x32xf32, #tpu.memory_space<hbm>> -> memref<1x8x32xf32, #tpu.memory_space<hbm>>
    %dma_start3A_480 = tpu.memref_squeeze %dma_start3A_479 : memref<1x8x32xf32, #tpu.memory_space<hbm>> -> memref<8x32xf32, #tpu.memory_space<hbm>>
    tpu.enqueue_dma source(%dma_start3A_480 : memref<8x32xf32, #tpu.memory_space<hbm>>) target(%dma_start3A_476 : memref<8x32xf32, #tpu.memory_space<vmem>>) target_semaphore(%arg12 : memref<!tpu.dma_semaphore, #tpu.memory_space<semaphore_mem>>)
    %slice3A_481 = vector.extract_strided_slice %get3A_309 {offsets = [9], sizes = [1], strides = [1]} : vector<16xi32> to vector<1xi32>
    %squeeze3A_482 = vector.extract %slice3A_481[0] : i32 from vector<1xi32>
    %dma_start3A_483 = arith.constant 25 : i32
    %dma_start3A_484 = arith.constant 0 : i32
    %dma_start3A_485 = arith.constant 0 : i32
    %dma_start3A_486 = tpu.memref_slice %arg8[%dma_start3A_483, %dma_start3A_484, %dma_start3A_485] : memref<32x8x32xf32, #tpu.memory_space<vmem>> -> memref<1x8x32xf32, #tpu.memory_space<vmem>>
    %dma_start3A_487 = tpu.memref_squeeze %dma_start3A_486 : memref<1x8x32xf32, #tpu.memory_space<vmem>> -> memref<8x32xf32, #tpu.memory_space<vmem>>
    %dma_start3A_488 = arith.constant 0 : i32
    %dma_start3A_489 = arith.constant 0 : i32
    %dma_start3A_490 = tpu.memref_slice %arg4[%squeeze3A_482, %dma_start3A_488, %dma_start3A_489] : memref<325000x8x32xf32, #tpu.memory_space<hbm>> -> memref<1x8x32xf32, #tpu.memory_space<hbm>>
    %dma_start3A_491 = tpu.memref_squeeze %dma_start3A_490 : memref<1x8x32xf32, #tpu.memory_space<hbm>> -> memref<8x32xf32, #tpu.memory_space<hbm>>
    %dma_start3A_492 = arith.constant 0 : i32
    %dma_start3A_493 = arith.constant 0 : i32
    %dma_start3A_494 = tpu.memref_slice %arg8[%dma_start3A_483, %dma_start3A_492, %dma_start3A_493] : memref<32x8x32xf32, #tpu.memory_space<vmem>> -> memref<1x8x32xf32, #tpu.memory_space<vmem>>
    %dma_start3A_495 = tpu.memref_squeeze %dma_start3A_494 : memref<1x8x32xf32, #tpu.memory_space<vmem>> -> memref<8x32xf32, #tpu.memory_space<vmem>>
    %dma_start3A_496 = arith.constant 0 : i32
    %dma_start3A_497 = arith.constant 0 : i32
    %dma_start3A_498 = tpu.memref_slice %arg4[%squeeze3A_482, %dma_start3A_496, %dma_start3A_497] : memref<325000x8x32xf32, #tpu.memory_space<hbm>> -> memref<1x8x32xf32, #tpu.memory_space<hbm>>
    %dma_start3A_499 = tpu.memref_squeeze %dma_start3A_498 : memref<1x8x32xf32, #tpu.memory_space<hbm>> -> memref<8x32xf32, #tpu.memory_space<hbm>>
    tpu.enqueue_dma source(%dma_start3A_499 : memref<8x32xf32, #tpu.memory_space<hbm>>) target(%dma_start3A_495 : memref<8x32xf32, #tpu.memory_space<vmem>>) target_semaphore(%arg12 : memref<!tpu.dma_semaphore, #tpu.memory_space<semaphore_mem>>)
    %slice3A_500 = vector.extract_strided_slice %get3A_309 {offsets = [10], sizes = [1], strides = [1]} : vector<16xi32> to vector<1xi32>
    %squeeze3A_501 = vector.extract %slice3A_500[0] : i32 from vector<1xi32>
    %dma_start3A_502 = arith.constant 26 : i32
    %dma_start3A_503 = arith.constant 0 : i32
    %dma_start3A_504 = arith.constant 0 : i32
    %dma_start3A_505 = tpu.memref_slice %arg8[%dma_start3A_502, %dma_start3A_503, %dma_start3A_504] : memref<32x8x32xf32, #tpu.memory_space<vmem>> -> memref<1x8x32xf32, #tpu.memory_space<vmem>>
    %dma_start3A_506 = tpu.memref_squeeze %dma_start3A_505 : memref<1x8x32xf32, #tpu.memory_space<vmem>> -> memref<8x32xf32, #tpu.memory_space<vmem>>
    %dma_start3A_507 = arith.constant 0 : i32
    %dma_start3A_508 = arith.constant 0 : i32
    %dma_start3A_509 = tpu.memref_slice %arg4[%squeeze3A_501, %dma_start3A_507, %dma_start3A_508] : memref<325000x8x32xf32, #tpu.memory_space<hbm>> -> memref<1x8x32xf32, #tpu.memory_space<hbm>>
    %dma_start3A_510 = tpu.memref_squeeze %dma_start3A_509 : memref<1x8x32xf32, #tpu.memory_space<hbm>> -> memref<8x32xf32, #tpu.memory_space<hbm>>
    %dma_start3A_511 = arith.constant 0 : i32
    %dma_start3A_512 = arith.constant 0 : i32
    %dma_start3A_513 = tpu.memref_slice %arg8[%dma_start3A_502, %dma_start3A_511, %dma_start3A_512] : memref<32x8x32xf32, #tpu.memory_space<vmem>> -> memref<1x8x32xf32, #tpu.memory_space<vmem>>
    %dma_start3A_514 = tpu.memref_squeeze %dma_start3A_513 : memref<1x8x32xf32, #tpu.memory_space<vmem>> -> memref<8x32xf32, #tpu.memory_space<vmem>>
    %dma_start3A_515 = arith.constant 0 : i32
    %dma_start3A_516 = arith.constant 0 : i32
    %dma_start3A_517 = tpu.memref_slice %arg4[%squeeze3A_501, %dma_start3A_515, %dma_start3A_516] : memref<325000x8x32xf32, #tpu.memory_space<hbm>> -> memref<1x8x32xf32, #tpu.memory_space<hbm>>
    %dma_start3A_518 = tpu.memref_squeeze %dma_start3A_517 : memref<1x8x32xf32, #tpu.memory_space<hbm>> -> memref<8x32xf32, #tpu.memory_space<hbm>>
    tpu.enqueue_dma source(%dma_start3A_518 : memref<8x32xf32, #tpu.memory_space<hbm>>) target(%dma_start3A_514 : memref<8x32xf32, #tpu.memory_space<vmem>>) target_semaphore(%arg12 : memref<!tpu.dma_semaphore, #tpu.memory_space<semaphore_mem>>)
    %slice3A_519 = vector.extract_strided_slice %get3A_309 {offsets = [11], sizes = [1], strides = [1]} : vector<16xi32> to vector<1xi32>
    %squeeze3A_520 = vector.extract %slice3A_519[0] : i32 from vector<1xi32>
    %dma_start3A_521 = arith.constant 27 : i32
    %dma_start3A_522 = arith.constant 0 : i32
    %dma_start3A_523 = arith.constant 0 : i32
    %dma_start3A_524 = tpu.memref_slice %arg8[%dma_start3A_521, %dma_start3A_522, %dma_start3A_523] : memref<32x8x32xf32, #tpu.memory_space<vmem>> -> memref<1x8x32xf32, #tpu.memory_space<vmem>>
    %dma_start3A_525 = tpu.memref_squeeze %dma_start3A_524 : memref<1x8x32xf32, #tpu.memory_space<vmem>> -> memref<8x32xf32, #tpu.memory_space<vmem>>
    %dma_start3A_526 = arith.constant 0 : i32
    %dma_start3A_527 = arith.constant 0 : i32
    %dma_start3A_528 = tpu.memref_slice %arg4[%squeeze3A_520, %dma_start3A_526, %dma_start3A_527] : memref<325000x8x32xf32, #tpu.memory_space<hbm>> -> memref<1x8x32xf32, #tpu.memory_space<hbm>>
    %dma_start3A_529 = tpu.memref_squeeze %dma_start3A_528 : memref<1x8x32xf32, #tpu.memory_space<hbm>> -> memref<8x32xf32, #tpu.memory_space<hbm>>
    %dma_start3A_530 = arith.constant 0 : i32
    %dma_start3A_531 = arith.constant 0 : i32
    %dma_start3A_532 = tpu.memref_slice %arg8[%dma_start3A_521, %dma_start3A_530, %dma_start3A_531] : memref<32x8x32xf32, #tpu.memory_space<vmem>> -> memref<1x8x32xf32, #tpu.memory_space<vmem>>
    %dma_start3A_533 = tpu.memref_squeeze %dma_start3A_532 : memref<1x8x32xf32, #tpu.memory_space<vmem>> -> memref<8x32xf32, #tpu.memory_space<vmem>>
    %dma_start3A_534 = arith.constant 0 : i32
    %dma_start3A_535 = arith.constant 0 : i32
    %dma_start3A_536 = tpu.memref_slice %arg4[%squeeze3A_520, %dma_start3A_534, %dma_start3A_535] : memref<325000x8x32xf32, #tpu.memory_space<hbm>> -> memref<1x8x32xf32, #tpu.memory_space<hbm>>
    %dma_start3A_537 = tpu.memref_squeeze %dma_start3A_536 : memref<1x8x32xf32, #tpu.memory_space<hbm>> -> memref<8x32xf32, #tpu.memory_space<hbm>>
    tpu.enqueue_dma source(%dma_start3A_537 : memref<8x32xf32, #tpu.memory_space<hbm>>) target(%dma_start3A_533 : memref<8x32xf32, #tpu.memory_space<vmem>>) target_semaphore(%arg12 : memref<!tpu.dma_semaphore, #tpu.memory_space<semaphore_mem>>)
    %slice3A_538 = vector.extract_strided_slice %get3A_309 {offsets = [12], sizes = [1], strides = [1]} : vector<16xi32> to vector<1xi32>
    %squeeze3A_539 = vector.extract %slice3A_538[0] : i32 from vector<1xi32>
    %dma_start3A_540 = arith.constant 28 : i32
    %dma_start3A_541 = arith.constant 0 : i32
    %dma_start3A_542 = arith.constant 0 : i32
    %dma_start3A_543 = tpu.memref_slice %arg8[%dma_start3A_540, %dma_start3A_541, %dma_start3A_542] : memref<32x8x32xf32, #tpu.memory_space<vmem>> -> memref<1x8x32xf32, #tpu.memory_space<vmem>>
    %dma_start3A_544 = tpu.memref_squeeze %dma_start3A_543 : memref<1x8x32xf32, #tpu.memory_space<vmem>> -> memref<8x32xf32, #tpu.memory_space<vmem>>
    %dma_start3A_545 = arith.constant 0 : i32
    %dma_start3A_546 = arith.constant 0 : i32
    %dma_start3A_547 = tpu.memref_slice %arg4[%squeeze3A_539, %dma_start3A_545, %dma_start3A_546] : memref<325000x8x32xf32, #tpu.memory_space<hbm>> -> memref<1x8x32xf32, #tpu.memory_space<hbm>>
    %dma_start3A_548 = tpu.memref_squeeze %dma_start3A_547 : memref<1x8x32xf32, #tpu.memory_space<hbm>> -> memref<8x32xf32, #tpu.memory_space<hbm>>
    %dma_start3A_549 = arith.constant 0 : i32
    %dma_start3A_550 = arith.constant 0 : i32
    %dma_start3A_551 = tpu.memref_slice %arg8[%dma_start3A_540, %dma_start3A_549, %dma_start3A_550] : memref<32x8x32xf32, #tpu.memory_space<vmem>> -> memref<1x8x32xf32, #tpu.memory_space<vmem>>
    %dma_start3A_552 = tpu.memref_squeeze %dma_start3A_551 : memref<1x8x32xf32, #tpu.memory_space<vmem>> -> memref<8x32xf32, #tpu.memory_space<vmem>>
    %dma_start3A_553 = arith.constant 0 : i32
    %dma_start3A_554 = arith.constant 0 : i32
    %dma_start3A_555 = tpu.memref_slice %arg4[%squeeze3A_539, %dma_start3A_553, %dma_start3A_554] : memref<325000x8x32xf32, #tpu.memory_space<hbm>> -> memref<1x8x32xf32, #tpu.memory_space<hbm>>
    %dma_start3A_556 = tpu.memref_squeeze %dma_start3A_555 : memref<1x8x32xf32, #tpu.memory_space<hbm>> -> memref<8x32xf32, #tpu.memory_space<hbm>>
    tpu.enqueue_dma source(%dma_start3A_556 : memref<8x32xf32, #tpu.memory_space<hbm>>) target(%dma_start3A_552 : memref<8x32xf32, #tpu.memory_space<vmem>>) target_semaphore(%arg12 : memref<!tpu.dma_semaphore, #tpu.memory_space<semaphore_mem>>)
    %slice3A_557 = vector.extract_strided_slice %get3A_309 {offsets = [13], sizes = [1], strides = [1]} : vector<16xi32> to vector<1xi32>
    %squeeze3A_558 = vector.extract %slice3A_557[0] : i32 from vector<1xi32>
    %dma_start3A_559 = arith.constant 29 : i32
    %dma_start3A_560 = arith.constant 0 : i32
    %dma_start3A_561 = arith.constant 0 : i32
    %dma_start3A_562 = tpu.memref_slice %arg8[%dma_start3A_559, %dma_start3A_560, %dma_start3A_561] : memref<32x8x32xf32, #tpu.memory_space<vmem>> -> memref<1x8x32xf32, #tpu.memory_space<vmem>>
    %dma_start3A_563 = tpu.memref_squeeze %dma_start3A_562 : memref<1x8x32xf32, #tpu.memory_space<vmem>> -> memref<8x32xf32, #tpu.memory_space<vmem>>
    %dma_start3A_564 = arith.constant 0 : i32
    %dma_start3A_565 = arith.constant 0 : i32
    %dma_start3A_566 = tpu.memref_slice %arg4[%squeeze3A_558, %dma_start3A_564, %dma_start3A_565] : memref<325000x8x32xf32, #tpu.memory_space<hbm>> -> memref<1x8x32xf32, #tpu.memory_space<hbm>>
    %dma_start3A_567 = tpu.memref_squeeze %dma_start3A_566 : memref<1x8x32xf32, #tpu.memory_space<hbm>> -> memref<8x32xf32, #tpu.memory_space<hbm>>
    %dma_start3A_568 = arith.constant 0 : i32
    %dma_start3A_569 = arith.constant 0 : i32
    %dma_start3A_570 = tpu.memref_slice %arg8[%dma_start3A_559, %dma_start3A_568, %dma_start3A_569] : memref<32x8x32xf32, #tpu.memory_space<vmem>> -> memref<1x8x32xf32, #tpu.memory_space<vmem>>
    %dma_start3A_571 = tpu.memref_squeeze %dma_start3A_570 : memref<1x8x32xf32, #tpu.memory_space<vmem>> -> memref<8x32xf32, #tpu.memory_space<vmem>>
    %dma_start3A_572 = arith.constant 0 : i32
    %dma_start3A_573 = arith.constant 0 : i32
    %dma_start3A_574 = tpu.memref_slice %arg4[%squeeze3A_558, %dma_start3A_572, %dma_start3A_573] : memref<325000x8x32xf32, #tpu.memory_space<hbm>> -> memref<1x8x32xf32, #tpu.memory_space<hbm>>
    %dma_start3A_575 = tpu.memref_squeeze %dma_start3A_574 : memref<1x8x32xf32, #tpu.memory_space<hbm>> -> memref<8x32xf32, #tpu.memory_space<hbm>>
    tpu.enqueue_dma source(%dma_start3A_575 : memref<8x32xf32, #tpu.memory_space<hbm>>) target(%dma_start3A_571 : memref<8x32xf32, #tpu.memory_space<vmem>>) target_semaphore(%arg12 : memref<!tpu.dma_semaphore, #tpu.memory_space<semaphore_mem>>)
    %slice3A_576 = vector.extract_strided_slice %get3A_309 {offsets = [14], sizes = [1], strides = [1]} : vector<16xi32> to vector<1xi32>
    %squeeze3A_577 = vector.extract %slice3A_576[0] : i32 from vector<1xi32>
    %dma_start3A_578 = arith.constant 30 : i32
    %dma_start3A_579 = arith.constant 0 : i32
    %dma_start3A_580 = arith.constant 0 : i32
    %dma_start3A_581 = tpu.memref_slice %arg8[%dma_start3A_578, %dma_start3A_579, %dma_start3A_580] : memref<32x8x32xf32, #tpu.memory_space<vmem>> -> memref<1x8x32xf32, #tpu.memory_space<vmem>>
    %dma_start3A_582 = tpu.memref_squeeze %dma_start3A_581 : memref<1x8x32xf32, #tpu.memory_space<vmem>> -> memref<8x32xf32, #tpu.memory_space<vmem>>
    %dma_start3A_583 = arith.constant 0 : i32
    %dma_start3A_584 = arith.constant 0 : i32
    %dma_start3A_585 = tpu.memref_slice %arg4[%squeeze3A_577, %dma_start3A_583, %dma_start3A_584] : memref<325000x8x32xf32, #tpu.memory_space<hbm>> -> memref<1x8x32xf32, #tpu.memory_space<hbm>>
    %dma_start3A_586 = tpu.memref_squeeze %dma_start3A_585 : memref<1x8x32xf32, #tpu.memory_space<hbm>> -> memref<8x32xf32, #tpu.memory_space<hbm>>
    %dma_start3A_587 = arith.constant 0 : i32
    %dma_start3A_588 = arith.constant 0 : i32
    %dma_start3A_589 = tpu.memref_slice %arg8[%dma_start3A_578, %dma_start3A_587, %dma_start3A_588] : memref<32x8x32xf32, #tpu.memory_space<vmem>> -> memref<1x8x32xf32, #tpu.memory_space<vmem>>
    %dma_start3A_590 = tpu.memref_squeeze %dma_start3A_589 : memref<1x8x32xf32, #tpu.memory_space<vmem>> -> memref<8x32xf32, #tpu.memory_space<vmem>>
    %dma_start3A_591 = arith.constant 0 : i32
    %dma_start3A_592 = arith.constant 0 : i32
    %dma_start3A_593 = tpu.memref_slice %arg4[%squeeze3A_577, %dma_start3A_591, %dma_start3A_592] : memref<325000x8x32xf32, #tpu.memory_space<hbm>> -> memref<1x8x32xf32, #tpu.memory_space<hbm>>
    %dma_start3A_594 = tpu.memref_squeeze %dma_start3A_593 : memref<1x8x32xf32, #tpu.memory_space<hbm>> -> memref<8x32xf32, #tpu.memory_space<hbm>>
    tpu.enqueue_dma source(%dma_start3A_594 : memref<8x32xf32, #tpu.memory_space<hbm>>) target(%dma_start3A_590 : memref<8x32xf32, #tpu.memory_space<vmem>>) target_semaphore(%arg12 : memref<!tpu.dma_semaphore, #tpu.memory_space<semaphore_mem>>)
    %slice3A_595 = vector.extract_strided_slice %get3A_309 {offsets = [15], sizes = [1], strides = [1]} : vector<16xi32> to vector<1xi32>
    %squeeze3A_596 = vector.extract %slice3A_595[0] : i32 from vector<1xi32>
    %dma_start3A_597 = arith.constant 31 : i32
    %dma_start3A_598 = arith.constant 0 : i32
    %dma_start3A_599 = arith.constant 0 : i32
    %dma_start3A_600 = tpu.memref_slice %arg8[%dma_start3A_597, %dma_start3A_598, %dma_start3A_599] : memref<32x8x32xf32, #tpu.memory_space<vmem>> -> memref<1x8x32xf32, #tpu.memory_space<vmem>>
    %dma_start3A_601 = tpu.memref_squeeze %dma_start3A_600 : memref<1x8x32xf32, #tpu.memory_space<vmem>> -> memref<8x32xf32, #tpu.memory_space<vmem>>
    %dma_start3A_602 = arith.constant 0 : i32
    %dma_start3A_603 = arith.constant 0 : i32
    %dma_start3A_604 = tpu.memref_slice %arg4[%squeeze3A_596, %dma_start3A_602, %dma_start3A_603] : memref<325000x8x32xf32, #tpu.memory_space<hbm>> -> memref<1x8x32xf32, #tpu.memory_space<hbm>>
    %dma_start3A_605 = tpu.memref_squeeze %dma_start3A_604 : memref<1x8x32xf32, #tpu.memory_space<hbm>> -> memref<8x32xf32, #tpu.memory_space<hbm>>
    %dma_start3A_606 = arith.constant 0 : i32
    %dma_start3A_607 = arith.constant 0 : i32
    %dma_start3A_608 = tpu.memref_slice %arg8[%dma_start3A_597, %dma_start3A_606, %dma_start3A_607] : memref<32x8x32xf32, #tpu.memory_space<vmem>> -> memref<1x8x32xf32, #tpu.memory_space<vmem>>
    %dma_start3A_609 = tpu.memref_squeeze %dma_start3A_608 : memref<1x8x32xf32, #tpu.memory_space<vmem>> -> memref<8x32xf32, #tpu.memory_space<vmem>>
    %dma_start3A_610 = arith.constant 0 : i32
    %dma_start3A_611 = arith.constant 0 : i32
    %dma_start3A_612 = tpu.memref_slice %arg4[%squeeze3A_596, %dma_start3A_610, %dma_start3A_611] : memref<325000x8x32xf32, #tpu.memory_space<hbm>> -> memref<1x8x32xf32, #tpu.memory_space<hbm>>
    %dma_start3A_613 = tpu.memref_squeeze %dma_start3A_612 : memref<1x8x32xf32, #tpu.memory_space<hbm>> -> memref<8x32xf32, #tpu.memory_space<hbm>>
    tpu.enqueue_dma source(%dma_start3A_613 : memref<8x32xf32, #tpu.memory_space<hbm>>) target(%dma_start3A_609 : memref<8x32xf32, #tpu.memory_space<vmem>>) target_semaphore(%arg12 : memref<!tpu.dma_semaphore, #tpu.memory_space<semaphore_mem>>)
    %scan3A = arith.constant 0 : i32
    %scan3A_614 = arith.constant 0 : i32
    %scan3A_615 = arith.constant 52 : i32
    %scan3A_616 = arith.addi %scan3A_614, %scan3A_615 : i32
    %scan3A_617 = arith.constant 1 : i32
    scf.for %scan3A_619 = %scan3A_614 to %scan3A_616 step %scan3A_617  : i32 {
      %mul3A_620 = arith.constant 2 : i32
      %mul3A_621 = arith.muli %mul3A_620, %scan3A_619 : i32
      %mul3A_622 = arith.constant 32 : i32
      %mul3A_623 = arith.muli %mul3A_621, %mul3A_622 : i32
      %add3A_624 = arith.constant 32 : i32
      %add3A_625 = arith.addi %mul3A_623, %add3A_624 : i32
      %add3A_626 = arith.constant 32 : i32
      %add3A_627 = arith.addi %add3A_625, %add3A_626 : i32
      %add3A_628 = arith.constant 0 : i32
      %add3A_629 = arith.addi %add3A_625, %add3A_628 : i32
      %get3A_630 = arith.index_cast %add3A_629 : i32 to index
      %get3A_631 = tpu.vector_load %arg6[%get3A_630] {strides = array<i32>} : memref<3328xi32, #tpu.memory_space<vmem>>, vector<16xi32>,
      %slice3A_632 = vector.extract_strided_slice %get3A_631 {offsets = [0], sizes = [1], strides = [1]} : vector<16xi32> to vector<1xi32>
      %squeeze3A_633 = vector.extract %slice3A_632[0] : i32 from vector<1xi32>
      %dma_start3A_634 = arith.constant 0 : i32
      %dma_start3A_635 = arith.constant 0 : i32
      %dma_start3A_636 = arith.constant 0 : i32
      %dma_start3A_637 = tpu.memref_slice %arg9[%dma_start3A_634, %dma_start3A_635, %dma_start3A_636] : memref<32x8x32xf32, #tpu.memory_space<vmem>> -> memref<1x8x32xf32, #tpu.memory_space<vmem>>
      %dma_start3A_638 = tpu.memref_squeeze %dma_start3A_637 : memref<1x8x32xf32, #tpu.memory_space<vmem>> -> memref<8x32xf32, #tpu.memory_space<vmem>>
      %dma_start3A_639 = arith.constant 0 : i32
      %dma_start3A_640 = arith.constant 0 : i32
      %dma_start3A_641 = tpu.memref_slice %arg4[%squeeze3A_633, %dma_start3A_639, %dma_start3A_640] : memref<325000x8x32xf32, #tpu.memory_space<hbm>> -> memref<1x8x32xf32, #tpu.memory_space<hbm>>
      %dma_start3A_642 = tpu.memref_squeeze %dma_start3A_641 : memref<1x8x32xf32, #tpu.memory_space<hbm>> -> memref<8x32xf32, #tpu.memory_space<hbm>>
      %dma_start3A_643 = arith.constant 0 : i32
      %dma_start3A_644 = arith.constant 0 : i32
      %dma_start3A_645 = tpu.memref_slice %arg9[%dma_start3A_634, %dma_start3A_643, %dma_start3A_644] : memref<32x8x32xf32, #tpu.memory_space<vmem>> -> memref<1x8x32xf32, #tpu.memory_space<vmem>>
      %dma_start3A_646 = tpu.memref_squeeze %dma_start3A_645 : memref<1x8x32xf32, #tpu.memory_space<vmem>> -> memref<8x32xf32, #tpu.memory_space<vmem>>
      %dma_start3A_647 = arith.constant 0 : i32
      %dma_start3A_648 = arith.constant 0 : i32
      %dma_start3A_649 = tpu.memref_slice %arg4[%squeeze3A_633, %dma_start3A_647, %dma_start3A_648] : memref<325000x8x32xf32, #tpu.memory_space<hbm>> -> memref<1x8x32xf32, #tpu.memory_space<hbm>>
      %dma_start3A_650 = tpu.memref_squeeze %dma_start3A_649 : memref<1x8x32xf32, #tpu.memory_space<hbm>> -> memref<8x32xf32, #tpu.memory_space<hbm>>
      tpu.enqueue_dma source(%dma_start3A_650 : memref<8x32xf32, #tpu.memory_space<hbm>>) target(%dma_start3A_646 : memref<8x32xf32, #tpu.memory_space<vmem>>) target_semaphore(%arg13 : memref<!tpu.dma_semaphore, #tpu.memory_space<semaphore_mem>>)
      %slice3A_651 = vector.extract_strided_slice %get3A_631 {offsets = [1], sizes = [1], strides = [1]} : vector<16xi32> to vector<1xi32>
      %squeeze3A_652 = vector.extract %slice3A_651[0] : i32 from vector<1xi32>
      %dma_start3A_653 = arith.constant 1 : i32
      %dma_start3A_654 = arith.constant 0 : i32
      %dma_start3A_655 = arith.constant 0 : i32
      %dma_start3A_656 = tpu.memref_slice %arg9[%dma_start3A_653, %dma_start3A_654, %dma_start3A_655] : memref<32x8x32xf32, #tpu.memory_space<vmem>> -> memref<1x8x32xf32, #tpu.memory_space<vmem>>
      %dma_start3A_657 = tpu.memref_squeeze %dma_start3A_656 : memref<1x8x32xf32, #tpu.memory_space<vmem>> -> memref<8x32xf32, #tpu.memory_space<vmem>>
      %dma_start3A_658 = arith.constant 0 : i32
      %dma_start3A_659 = arith.constant 0 : i32
      %dma_start3A_660 = tpu.memref_slice %arg4[%squeeze3A_652, %dma_start3A_658, %dma_start3A_659] : memref<325000x8x32xf32, #tpu.memory_space<hbm>> -> memref<1x8x32xf32, #tpu.memory_space<hbm>>
      %dma_start3A_661 = tpu.memref_squeeze %dma_start3A_660 : memref<1x8x32xf32, #tpu.memory_space<hbm>> -> memref<8x32xf32, #tpu.memory_space<hbm>>
      %dma_start3A_662 = arith.constant 0 : i32
      %dma_start3A_663 = arith.constant 0 : i32
      %dma_start3A_664 = tpu.memref_slice %arg9[%dma_start3A_653, %dma_start3A_662, %dma_start3A_663] : memref<32x8x32xf32, #tpu.memory_space<vmem>> -> memref<1x8x32xf32, #tpu.memory_space<vmem>>
      %dma_start3A_665 = tpu.memref_squeeze %dma_start3A_664 : memref<1x8x32xf32, #tpu.memory_space<vmem>> -> memref<8x32xf32, #tpu.memory_space<vmem>>
      %dma_start3A_666 = arith.constant 0 : i32
      %dma_start3A_667 = arith.constant 0 : i32
      %dma_start3A_668 = tpu.memref_slice %arg4[%squeeze3A_652, %dma_start3A_666, %dma_start3A_667] : memref<325000x8x32xf32, #tpu.memory_space<hbm>> -> memref<1x8x32xf32, #tpu.memory_space<hbm>>
      %dma_start3A_669 = tpu.memref_squeeze %dma_start3A_668 : memref<1x8x32xf32, #tpu.memory_space<hbm>> -> memref<8x32xf32, #tpu.memory_space<hbm>>
      tpu.enqueue_dma source(%dma_start3A_669 : memref<8x32xf32, #tpu.memory_space<hbm>>) target(%dma_start3A_665 : memref<8x32xf32, #tpu.memory_space<vmem>>) target_semaphore(%arg13 : memref<!tpu.dma_semaphore, #tpu.memory_space<semaphore_mem>>)
      %slice3A_670 = vector.extract_strided_slice %get3A_631 {offsets = [2], sizes = [1], strides = [1]} : vector<16xi32> to vector<1xi32>
      %squeeze3A_671 = vector.extract %slice3A_670[0] : i32 from vector<1xi32>
      %dma_start3A_672 = arith.constant 2 : i32
      %dma_start3A_673 = arith.constant 0 : i32
      %dma_start3A_674 = arith.constant 0 : i32
      %dma_start3A_675 = tpu.memref_slice %arg9[%dma_start3A_672, %dma_start3A_673, %dma_start3A_674] : memref<32x8x32xf32, #tpu.memory_space<vmem>> -> memref<1x8x32xf32, #tpu.memory_space<vmem>>
      %dma_start3A_676 = tpu.memref_squeeze %dma_start3A_675 : memref<1x8x32xf32, #tpu.memory_space<vmem>> -> memref<8x32xf32, #tpu.memory_space<vmem>>
      %dma_start3A_677 = arith.constant 0 : i32
      %dma_start3A_678 = arith.constant 0 : i32
      %dma_start3A_679 = tpu.memref_slice %arg4[%squeeze3A_671, %dma_start3A_677, %dma_start3A_678] : memref<325000x8x32xf32, #tpu.memory_space<hbm>> -> memref<1x8x32xf32, #tpu.memory_space<hbm>>
      %dma_start3A_680 = tpu.memref_squeeze %dma_start3A_679 : memref<1x8x32xf32, #tpu.memory_space<hbm>> -> memref<8x32xf32, #tpu.memory_space<hbm>>
      %dma_start3A_681 = arith.constant 0 : i32
      %dma_start3A_682 = arith.constant 0 : i32
      %dma_start3A_683 = tpu.memref_slice %arg9[%dma_start3A_672, %dma_start3A_681, %dma_start3A_682] : memref<32x8x32xf32, #tpu.memory_space<vmem>> -> memref<1x8x32xf32, #tpu.memory_space<vmem>>
      %dma_start3A_684 = tpu.memref_squeeze %dma_start3A_683 : memref<1x8x32xf32, #tpu.memory_space<vmem>> -> memref<8x32xf32, #tpu.memory_space<vmem>>
      %dma_start3A_685 = arith.constant 0 : i32
      %dma_start3A_686 = arith.constant 0 : i32
      %dma_start3A_687 = tpu.memref_slice %arg4[%squeeze3A_671, %dma_start3A_685, %dma_start3A_686] : memref<325000x8x32xf32, #tpu.memory_space<hbm>> -> memref<1x8x32xf32, #tpu.memory_space<hbm>>
      %dma_start3A_688 = tpu.memref_squeeze %dma_start3A_687 : memref<1x8x32xf32, #tpu.memory_space<hbm>> -> memref<8x32xf32, #tpu.memory_space<hbm>>
      tpu.enqueue_dma source(%dma_start3A_688 : memref<8x32xf32, #tpu.memory_space<hbm>>) target(%dma_start3A_684 : memref<8x32xf32, #tpu.memory_space<vmem>>) target_semaphore(%arg13 : memref<!tpu.dma_semaphore, #tpu.memory_space<semaphore_mem>>)
      %slice3A_689 = vector.extract_strided_slice %get3A_631 {offsets = [3], sizes = [1], strides = [1]} : vector<16xi32> to vector<1xi32>
      %squeeze3A_690 = vector.extract %slice3A_689[0] : i32 from vector<1xi32>
      %dma_start3A_691 = arith.constant 3 : i32
      %dma_start3A_692 = arith.constant 0 : i32
      %dma_start3A_693 = arith.constant 0 : i32
      %dma_start3A_694 = tpu.memref_slice %arg9[%dma_start3A_691, %dma_start3A_692, %dma_start3A_693] : memref<32x8x32xf32, #tpu.memory_space<vmem>> -> memref<1x8x32xf32, #tpu.memory_space<vmem>>
      %dma_start3A_695 = tpu.memref_squeeze %dma_start3A_694 : memref<1x8x32xf32, #tpu.memory_space<vmem>> -> memref<8x32xf32, #tpu.memory_space<vmem>>
      %dma_start3A_696 = arith.constant 0 : i32
      %dma_start3A_697 = arith.constant 0 : i32
      %dma_start3A_698 = tpu.memref_slice %arg4[%squeeze3A_690, %dma_start3A_696, %dma_start3A_697] : memref<325000x8x32xf32, #tpu.memory_space<hbm>> -> memref<1x8x32xf32, #tpu.memory_space<hbm>>
      %dma_start3A_699 = tpu.memref_squeeze %dma_start3A_698 : memref<1x8x32xf32, #tpu.memory_space<hbm>> -> memref<8x32xf32, #tpu.memory_space<hbm>>
      %dma_start3A_700 = arith.constant 0 : i32
      %dma_start3A_701 = arith.constant 0 : i32
      %dma_start3A_702 = tpu.memref_slice %arg9[%dma_start3A_691, %dma_start3A_700, %dma_start3A_701] : memref<32x8x32xf32, #tpu.memory_space<vmem>> -> memref<1x8x32xf32, #tpu.memory_space<vmem>>
      %dma_start3A_703 = tpu.memref_squeeze %dma_start3A_702 : memref<1x8x32xf32, #tpu.memory_space<vmem>> -> memref<8x32xf32, #tpu.memory_space<vmem>>
      %dma_start3A_704 = arith.constant 0 : i32
      %dma_start3A_705 = arith.constant 0 : i32
      %dma_start3A_706 = tpu.memref_slice %arg4[%squeeze3A_690, %dma_start3A_704, %dma_start3A_705] : memref<325000x8x32xf32, #tpu.memory_space<hbm>> -> memref<1x8x32xf32, #tpu.memory_space<hbm>>
      %dma_start3A_707 = tpu.memref_squeeze %dma_start3A_706 : memref<1x8x32xf32, #tpu.memory_space<hbm>> -> memref<8x32xf32, #tpu.memory_space<hbm>>
      tpu.enqueue_dma source(%dma_start3A_707 : memref<8x32xf32, #tpu.memory_space<hbm>>) target(%dma_start3A_703 : memref<8x32xf32, #tpu.memory_space<vmem>>) target_semaphore(%arg13 : memref<!tpu.dma_semaphore, #tpu.memory_space<semaphore_mem>>)
      %slice3A_708 = vector.extract_strided_slice %get3A_631 {offsets = [4], sizes = [1], strides = [1]} : vector<16xi32> to vector<1xi32>
      %squeeze3A_709 = vector.extract %slice3A_708[0] : i32 from vector<1xi32>
      %dma_start3A_710 = arith.constant 4 : i32
      %dma_start3A_711 = arith.constant 0 : i32
      %dma_start3A_712 = arith.constant 0 : i32
      %dma_start3A_713 = tpu.memref_slice %arg9[%dma_start3A_710, %dma_start3A_711, %dma_start3A_712] : memref<32x8x32xf32, #tpu.memory_space<vmem>> -> memref<1x8x32xf32, #tpu.memory_space<vmem>>
      %dma_start3A_714 = tpu.memref_squeeze %dma_start3A_713 : memref<1x8x32xf32, #tpu.memory_space<vmem>> -> memref<8x32xf32, #tpu.memory_space<vmem>>
      %dma_start3A_715 = arith.constant 0 : i32
      %dma_start3A_716 = arith.constant 0 : i32
      %dma_start3A_717 = tpu.memref_slice %arg4[%squeeze3A_709, %dma_start3A_715, %dma_start3A_716] : memref<325000x8x32xf32, #tpu.memory_space<hbm>> -> memref<1x8x32xf32, #tpu.memory_space<hbm>>
      %dma_start3A_718 = tpu.memref_squeeze %dma_start3A_717 : memref<1x8x32xf32, #tpu.memory_space<hbm>> -> memref<8x32xf32, #tpu.memory_space<hbm>>
      %dma_start3A_719 = arith.constant 0 : i32
      %dma_start3A_720 = arith.constant 0 : i32
      %dma_start3A_721 = tpu.memref_slice %arg9[%dma_start3A_710, %dma_start3A_719, %dma_start3A_720] : memref<32x8x32xf32, #tpu.memory_space<vmem>> -> memref<1x8x32xf32, #tpu.memory_space<vmem>>
      %dma_start3A_722 = tpu.memref_squeeze %dma_start3A_721 : memref<1x8x32xf32, #tpu.memory_space<vmem>> -> memref<8x32xf32, #tpu.memory_space<vmem>>
      %dma_start3A_723 = arith.constant 0 : i32
      %dma_start3A_724 = arith.constant 0 : i32
      %dma_start3A_725 = tpu.memref_slice %arg4[%squeeze3A_709, %dma_start3A_723, %dma_start3A_724] : memref<325000x8x32xf32, #tpu.memory_space<hbm>> -> memref<1x8x32xf32, #tpu.memory_space<hbm>>
      %dma_start3A_726 = tpu.memref_squeeze %dma_start3A_725 : memref<1x8x32xf32, #tpu.memory_space<hbm>> -> memref<8x32xf32, #tpu.memory_space<hbm>>
      tpu.enqueue_dma source(%dma_start3A_726 : memref<8x32xf32, #tpu.memory_space<hbm>>) target(%dma_start3A_722 : memref<8x32xf32, #tpu.memory_space<vmem>>) target_semaphore(%arg13 : memref<!tpu.dma_semaphore, #tpu.memory_space<semaphore_mem>>)
      %slice3A_727 = vector.extract_strided_slice %get3A_631 {offsets = [5], sizes = [1], strides = [1]} : vector<16xi32> to vector<1xi32>
      %squeeze3A_728 = vector.extract %slice3A_727[0] : i32 from vector<1xi32>
      %dma_start3A_729 = arith.constant 5 : i32
      %dma_start3A_730 = arith.constant 0 : i32
      %dma_start3A_731 = arith.constant 0 : i32
      %dma_start3A_732 = tpu.memref_slice %arg9[%dma_start3A_729, %dma_start3A_730, %dma_start3A_731] : memref<32x8x32xf32, #tpu.memory_space<vmem>> -> memref<1x8x32xf32, #tpu.memory_space<vmem>>
      %dma_start3A_733 = tpu.memref_squeeze %dma_start3A_732 : memref<1x8x32xf32, #tpu.memory_space<vmem>> -> memref<8x32xf32, #tpu.memory_space<vmem>>
      %dma_start3A_734 = arith.constant 0 : i32
      %dma_start3A_735 = arith.constant 0 : i32
      %dma_start3A_736 = tpu.memref_slice %arg4[%squeeze3A_728, %dma_start3A_734, %dma_start3A_735] : memref<325000x8x32xf32, #tpu.memory_space<hbm>> -> memref<1x8x32xf32, #tpu.memory_space<hbm>>
      %dma_start3A_737 = tpu.memref_squeeze %dma_start3A_736 : memref<1x8x32xf32, #tpu.memory_space<hbm>> -> memref<8x32xf32, #tpu.memory_space<hbm>>
      %dma_start3A_738 = arith.constant 0 : i32
      %dma_start3A_739 = arith.constant 0 : i32
      %dma_start3A_740 = tpu.memref_slice %arg9[%dma_start3A_729, %dma_start3A_738, %dma_start3A_739] : memref<32x8x32xf32, #tpu.memory_space<vmem>> -> memref<1x8x32xf32, #tpu.memory_space<vmem>>
      %dma_start3A_741 = tpu.memref_squeeze %dma_start3A_740 : memref<1x8x32xf32, #tpu.memory_space<vmem>> -> memref<8x32xf32, #tpu.memory_space<vmem>>
      %dma_start3A_742 = arith.constant 0 : i32
      %dma_start3A_743 = arith.constant 0 : i32
      %dma_start3A_744 = tpu.memref_slice %arg4[%squeeze3A_728, %dma_start3A_742, %dma_start3A_743] : memref<325000x8x32xf32, #tpu.memory_space<hbm>> -> memref<1x8x32xf32, #tpu.memory_space<hbm>>
      %dma_start3A_745 = tpu.memref_squeeze %dma_start3A_744 : memref<1x8x32xf32, #tpu.memory_space<hbm>> -> memref<8x32xf32, #tpu.memory_space<hbm>>
      tpu.enqueue_dma source(%dma_start3A_745 : memref<8x32xf32, #tpu.memory_space<hbm>>) target(%dma_start3A_741 : memref<8x32xf32, #tpu.memory_space<vmem>>) target_semaphore(%arg13 : memref<!tpu.dma_semaphore, #tpu.memory_space<semaphore_mem>>)
      %slice3A_746 = vector.extract_strided_slice %get3A_631 {offsets = [6], sizes = [1], strides = [1]} : vector<16xi32> to vector<1xi32>
      %squeeze3A_747 = vector.extract %slice3A_746[0] : i32 from vector<1xi32>
      %dma_start3A_748 = arith.constant 6 : i32
      %dma_start3A_749 = arith.constant 0 : i32
      %dma_start3A_750 = arith.constant 0 : i32
      %dma_start3A_751 = tpu.memref_slice %arg9[%dma_start3A_748, %dma_start3A_749, %dma_start3A_750] : memref<32x8x32xf32, #tpu.memory_space<vmem>> -> memref<1x8x32xf32, #tpu.memory_space<vmem>>
      %dma_start3A_752 = tpu.memref_squeeze %dma_start3A_751 : memref<1x8x32xf32, #tpu.memory_space<vmem>> -> memref<8x32xf32, #tpu.memory_space<vmem>>
      %dma_start3A_753 = arith.constant 0 : i32
      %dma_start3A_754 = arith.constant 0 : i32
      %dma_start3A_755 = tpu.memref_slice %arg4[%squeeze3A_747, %dma_start3A_753, %dma_start3A_754] : memref<325000x8x32xf32, #tpu.memory_space<hbm>> -> memref<1x8x32xf32, #tpu.memory_space<hbm>>
      %dma_start3A_756 = tpu.memref_squeeze %dma_start3A_755 : memref<1x8x32xf32, #tpu.memory_space<hbm>> -> memref<8x32xf32, #tpu.memory_space<hbm>>
      %dma_start3A_757 = arith.constant 0 : i32
      %dma_start3A_758 = arith.constant 0 : i32
      %dma_start3A_759 = tpu.memref_slice %arg9[%dma_start3A_748, %dma_start3A_757, %dma_start3A_758] : memref<32x8x32xf32, #tpu.memory_space<vmem>> -> memref<1x8x32xf32, #tpu.memory_space<vmem>>
      %dma_start3A_760 = tpu.memref_squeeze %dma_start3A_759 : memref<1x8x32xf32, #tpu.memory_space<vmem>> -> memref<8x32xf32, #tpu.memory_space<vmem>>
      %dma_start3A_761 = arith.constant 0 : i32
      %dma_start3A_762 = arith.constant 0 : i32
      %dma_start3A_763 = tpu.memref_slice %arg4[%squeeze3A_747, %dma_start3A_761, %dma_start3A_762] : memref<325000x8x32xf32, #tpu.memory_space<hbm>> -> memref<1x8x32xf32, #tpu.memory_space<hbm>>
      %dma_start3A_764 = tpu.memref_squeeze %dma_start3A_763 : memref<1x8x32xf32, #tpu.memory_space<hbm>> -> memref<8x32xf32, #tpu.memory_space<hbm>>
      tpu.enqueue_dma source(%dma_start3A_764 : memref<8x32xf32, #tpu.memory_space<hbm>>) target(%dma_start3A_760 : memref<8x32xf32, #tpu.memory_space<vmem>>) target_semaphore(%arg13 : memref<!tpu.dma_semaphore, #tpu.memory_space<semaphore_mem>>)
      %slice3A_765 = vector.extract_strided_slice %get3A_631 {offsets = [7], sizes = [1], strides = [1]} : vector<16xi32> to vector<1xi32>
      %squeeze3A_766 = vector.extract %slice3A_765[0] : i32 from vector<1xi32>
      %dma_start3A_767 = arith.constant 7 : i32
      %dma_start3A_768 = arith.constant 0 : i32
      %dma_start3A_769 = arith.constant 0 : i32
      %dma_start3A_770 = tpu.memref_slice %arg9[%dma_start3A_767, %dma_start3A_768, %dma_start3A_769] : memref<32x8x32xf32, #tpu.memory_space<vmem>> -> memref<1x8x32xf32, #tpu.memory_space<vmem>>
      %dma_start3A_771 = tpu.memref_squeeze %dma_start3A_770 : memref<1x8x32xf32, #tpu.memory_space<vmem>> -> memref<8x32xf32, #tpu.memory_space<vmem>>
      %dma_start3A_772 = arith.constant 0 : i32
      %dma_start3A_773 = arith.constant 0 : i32
      %dma_start3A_774 = tpu.memref_slice %arg4[%squeeze3A_766, %dma_start3A_772, %dma_start3A_773] : memref<325000x8x32xf32, #tpu.memory_space<hbm>> -> memref<1x8x32xf32, #tpu.memory_space<hbm>>
      %dma_start3A_775 = tpu.memref_squeeze %dma_start3A_774 : memref<1x8x32xf32, #tpu.memory_space<hbm>> -> memref<8x32xf32, #tpu.memory_space<hbm>>
      %dma_start3A_776 = arith.constant 0 : i32
      %dma_start3A_777 = arith.constant 0 : i32
      %dma_start3A_778 = tpu.memref_slice %arg9[%dma_start3A_767, %dma_start3A_776, %dma_start3A_777] : memref<32x8x32xf32, #tpu.memory_space<vmem>> -> memref<1x8x32xf32, #tpu.memory_space<vmem>>
      %dma_start3A_779 = tpu.memref_squeeze %dma_start3A_778 : memref<1x8x32xf32, #tpu.memory_space<vmem>> -> memref<8x32xf32, #tpu.memory_space<vmem>>
      %dma_start3A_780 = arith.constant 0 : i32
      %dma_start3A_781 = arith.constant 0 : i32
      %dma_start3A_782 = tpu.memref_slice %arg4[%squeeze3A_766, %dma_start3A_780, %dma_start3A_781] : memref<325000x8x32xf32, #tpu.memory_space<hbm>> -> memref<1x8x32xf32, #tpu.memory_space<hbm>>
      %dma_start3A_783 = tpu.memref_squeeze %dma_start3A_782 : memref<1x8x32xf32, #tpu.memory_space<hbm>> -> memref<8x32xf32, #tpu.memory_space<hbm>>
      tpu.enqueue_dma source(%dma_start3A_783 : memref<8x32xf32, #tpu.memory_space<hbm>>) target(%dma_start3A_779 : memref<8x32xf32, #tpu.memory_space<vmem>>) target_semaphore(%arg13 : memref<!tpu.dma_semaphore, #tpu.memory_space<semaphore_mem>>)
      %slice3A_784 = vector.extract_strided_slice %get3A_631 {offsets = [8], sizes = [1], strides = [1]} : vector<16xi32> to vector<1xi32>
      %squeeze3A_785 = vector.extract %slice3A_784[0] : i32 from vector<1xi32>
      %dma_start3A_786 = arith.constant 8 : i32
      %dma_start3A_787 = arith.constant 0 : i32
      %dma_start3A_788 = arith.constant 0 : i32
      %dma_start3A_789 = tpu.memref_slice %arg9[%dma_start3A_786, %dma_start3A_787, %dma_start3A_788] : memref<32x8x32xf32, #tpu.memory_space<vmem>> -> memref<1x8x32xf32, #tpu.memory_space<vmem>>
      %dma_start3A_790 = tpu.memref_squeeze %dma_start3A_789 : memref<1x8x32xf32, #tpu.memory_space<vmem>> -> memref<8x32xf32, #tpu.memory_space<vmem>>
      %dma_start3A_791 = arith.constant 0 : i32
      %dma_start3A_792 = arith.constant 0 : i32
      %dma_start3A_793 = tpu.memref_slice %arg4[%squeeze3A_785, %dma_start3A_791, %dma_start3A_792] : memref<325000x8x32xf32, #tpu.memory_space<hbm>> -> memref<1x8x32xf32, #tpu.memory_space<hbm>>
      %dma_start3A_794 = tpu.memref_squeeze %dma_start3A_793 : memref<1x8x32xf32, #tpu.memory_space<hbm>> -> memref<8x32xf32, #tpu.memory_space<hbm>>
      %dma_start3A_795 = arith.constant 0 : i32
      %dma_start3A_796 = arith.constant 0 : i32
      %dma_start3A_797 = tpu.memref_slice %arg9[%dma_start3A_786, %dma_start3A_795, %dma_start3A_796] : memref<32x8x32xf32, #tpu.memory_space<vmem>> -> memref<1x8x32xf32, #tpu.memory_space<vmem>>
      %dma_start3A_798 = tpu.memref_squeeze %dma_start3A_797 : memref<1x8x32xf32, #tpu.memory_space<vmem>> -> memref<8x32xf32, #tpu.memory_space<vmem>>
      %dma_start3A_799 = arith.constant 0 : i32
      %dma_start3A_800 = arith.constant 0 : i32
      %dma_start3A_801 = tpu.memref_slice %arg4[%squeeze3A_785, %dma_start3A_799, %dma_start3A_800] : memref<325000x8x32xf32, #tpu.memory_space<hbm>> -> memref<1x8x32xf32, #tpu.memory_space<hbm>>
      %dma_start3A_802 = tpu.memref_squeeze %dma_start3A_801 : memref<1x8x32xf32, #tpu.memory_space<hbm>> -> memref<8x32xf32, #tpu.memory_space<hbm>>
      tpu.enqueue_dma source(%dma_start3A_802 : memref<8x32xf32, #tpu.memory_space<hbm>>) target(%dma_start3A_798 : memref<8x32xf32, #tpu.memory_space<vmem>>) target_semaphore(%arg13 : memref<!tpu.dma_semaphore, #tpu.memory_space<semaphore_mem>>)
      %slice3A_803 = vector.extract_strided_slice %get3A_631 {offsets = [9], sizes = [1], strides = [1]} : vector<16xi32> to vector<1xi32>
      %squeeze3A_804 = vector.extract %slice3A_803[0] : i32 from vector<1xi32>
      %dma_start3A_805 = arith.constant 9 : i32
      %dma_start3A_806 = arith.constant 0 : i32
      %dma_start3A_807 = arith.constant 0 : i32
      %dma_start3A_808 = tpu.memref_slice %arg9[%dma_start3A_805, %dma_start3A_806, %dma_start3A_807] : memref<32x8x32xf32, #tpu.memory_space<vmem>> -> memref<1x8x32xf32, #tpu.memory_space<vmem>>
      %dma_start3A_809 = tpu.memref_squeeze %dma_start3A_808 : memref<1x8x32xf32, #tpu.memory_space<vmem>> -> memref<8x32xf32, #tpu.memory_space<vmem>>
      %dma_start3A_810 = arith.constant 0 : i32
      %dma_start3A_811 = arith.constant 0 : i32
      %dma_start3A_812 = tpu.memref_slice %arg4[%squeeze3A_804, %dma_start3A_810, %dma_start3A_811] : memref<325000x8x32xf32, #tpu.memory_space<hbm>> -> memref<1x8x32xf32, #tpu.memory_space<hbm>>
      %dma_start3A_813 = tpu.memref_squeeze %dma_start3A_812 : memref<1x8x32xf32, #tpu.memory_space<hbm>> -> memref<8x32xf32, #tpu.memory_space<hbm>>
      %dma_start3A_814 = arith.constant 0 : i32
      %dma_start3A_815 = arith.constant 0 : i32
      %dma_start3A_816 = tpu.memref_slice %arg9[%dma_start3A_805, %dma_start3A_814, %dma_start3A_815] : memref<32x8x32xf32, #tpu.memory_space<vmem>> -> memref<1x8x32xf32, #tpu.memory_space<vmem>>
      %dma_start3A_817 = tpu.memref_squeeze %dma_start3A_816 : memref<1x8x32xf32, #tpu.memory_space<vmem>> -> memref<8x32xf32, #tpu.memory_space<vmem>>
      %dma_start3A_818 = arith.constant 0 : i32
      %dma_start3A_819 = arith.constant 0 : i32
      %dma_start3A_820 = tpu.memref_slice %arg4[%squeeze3A_804, %dma_start3A_818, %dma_start3A_819] : memref<325000x8x32xf32, #tpu.memory_space<hbm>> -> memref<1x8x32xf32, #tpu.memory_space<hbm>>
      %dma_start3A_821 = tpu.memref_squeeze %dma_start3A_820 : memref<1x8x32xf32, #tpu.memory_space<hbm>> -> memref<8x32xf32, #tpu.memory_space<hbm>>
      tpu.enqueue_dma source(%dma_start3A_821 : memref<8x32xf32, #tpu.memory_space<hbm>>) target(%dma_start3A_817 : memref<8x32xf32, #tpu.memory_space<vmem>>) target_semaphore(%arg13 : memref<!tpu.dma_semaphore, #tpu.memory_space<semaphore_mem>>)
      %slice3A_822 = vector.extract_strided_slice %get3A_631 {offsets = [10], sizes = [1], strides = [1]} : vector<16xi32> to vector<1xi32>
      %squeeze3A_823 = vector.extract %slice3A_822[0] : i32 from vector<1xi32>
      %dma_start3A_824 = arith.constant 10 : i32
      %dma_start3A_825 = arith.constant 0 : i32
      %dma_start3A_826 = arith.constant 0 : i32
      %dma_start3A_827 = tpu.memref_slice %arg9[%dma_start3A_824, %dma_start3A_825, %dma_start3A_826] : memref<32x8x32xf32, #tpu.memory_space<vmem>> -> memref<1x8x32xf32, #tpu.memory_space<vmem>>
      %dma_start3A_828 = tpu.memref_squeeze %dma_start3A_827 : memref<1x8x32xf32, #tpu.memory_space<vmem>> -> memref<8x32xf32, #tpu.memory_space<vmem>>
      %dma_start3A_829 = arith.constant 0 : i32
      %dma_start3A_830 = arith.constant 0 : i32
      %dma_start3A_831 = tpu.memref_slice %arg4[%squeeze3A_823, %dma_start3A_829, %dma_start3A_830] : memref<325000x8x32xf32, #tpu.memory_space<hbm>> -> memref<1x8x32xf32, #tpu.memory_space<hbm>>
      %dma_start3A_832 = tpu.memref_squeeze %dma_start3A_831 : memref<1x8x32xf32, #tpu.memory_space<hbm>> -> memref<8x32xf32, #tpu.memory_space<hbm>>
      %dma_start3A_833 = arith.constant 0 : i32
      %dma_start3A_834 = arith.constant 0 : i32
      %dma_start3A_835 = tpu.memref_slice %arg9[%dma_start3A_824, %dma_start3A_833, %dma_start3A_834] : memref<32x8x32xf32, #tpu.memory_space<vmem>> -> memref<1x8x32xf32, #tpu.memory_space<vmem>>
      %dma_start3A_836 = tpu.memref_squeeze %dma_start3A_835 : memref<1x8x32xf32, #tpu.memory_space<vmem>> -> memref<8x32xf32, #tpu.memory_space<vmem>>
      %dma_start3A_837 = arith.constant 0 : i32
      %dma_start3A_838 = arith.constant 0 : i32
      %dma_start3A_839 = tpu.memref_slice %arg4[%squeeze3A_823, %dma_start3A_837, %dma_start3A_838] : memref<325000x8x32xf32, #tpu.memory_space<hbm>> -> memref<1x8x32xf32, #tpu.memory_space<hbm>>
      %dma_start3A_840 = tpu.memref_squeeze %dma_start3A_839 : memref<1x8x32xf32, #tpu.memory_space<hbm>> -> memref<8x32xf32, #tpu.memory_space<hbm>>
      tpu.enqueue_dma source(%dma_start3A_840 : memref<8x32xf32, #tpu.memory_space<hbm>>) target(%dma_start3A_836 : memref<8x32xf32, #tpu.memory_space<vmem>>) target_semaphore(%arg13 : memref<!tpu.dma_semaphore, #tpu.memory_space<semaphore_mem>>)
      %slice3A_841 = vector.extract_strided_slice %get3A_631 {offsets = [11], sizes = [1], strides = [1]} : vector<16xi32> to vector<1xi32>
      %squeeze3A_842 = vector.extract %slice3A_841[0] : i32 from vector<1xi32>
      %dma_start3A_843 = arith.constant 11 : i32
      %dma_start3A_844 = arith.constant 0 : i32
      %dma_start3A_845 = arith.constant 0 : i32
      %dma_start3A_846 = tpu.memref_slice %arg9[%dma_start3A_843, %dma_start3A_844, %dma_start3A_845] : memref<32x8x32xf32, #tpu.memory_space<vmem>> -> memref<1x8x32xf32, #tpu.memory_space<vmem>>
      %dma_start3A_847 = tpu.memref_squeeze %dma_start3A_846 : memref<1x8x32xf32, #tpu.memory_space<vmem>> -> memref<8x32xf32, #tpu.memory_space<vmem>>
      %dma_start3A_848 = arith.constant 0 : i32
      %dma_start3A_849 = arith.constant 0 : i32
      %dma_start3A_850 = tpu.memref_slice %arg4[%squeeze3A_842, %dma_start3A_848, %dma_start3A_849] : memref<325000x8x32xf32, #tpu.memory_space<hbm>> -> memref<1x8x32xf32, #tpu.memory_space<hbm>>
      %dma_start3A_851 = tpu.memref_squeeze %dma_start3A_850 : memref<1x8x32xf32, #tpu.memory_space<hbm>> -> memref<8x32xf32, #tpu.memory_space<hbm>>
      %dma_start3A_852 = arith.constant 0 : i32
      %dma_start3A_853 = arith.constant 0 : i32
      %dma_start3A_854 = tpu.memref_slice %arg9[%dma_start3A_843, %dma_start3A_852, %dma_start3A_853] : memref<32x8x32xf32, #tpu.memory_space<vmem>> -> memref<1x8x32xf32, #tpu.memory_space<vmem>>
      %dma_start3A_855 = tpu.memref_squeeze %dma_start3A_854 : memref<1x8x32xf32, #tpu.memory_space<vmem>> -> memref<8x32xf32, #tpu.memory_space<vmem>>
      %dma_start3A_856 = arith.constant 0 : i32
      %dma_start3A_857 = arith.constant 0 : i32
      %dma_start3A_858 = tpu.memref_slice %arg4[%squeeze3A_842, %dma_start3A_856, %dma_start3A_857] : memref<325000x8x32xf32, #tpu.memory_space<hbm>> -> memref<1x8x32xf32, #tpu.memory_space<hbm>>
      %dma_start3A_859 = tpu.memref_squeeze %dma_start3A_858 : memref<1x8x32xf32, #tpu.memory_space<hbm>> -> memref<8x32xf32, #tpu.memory_space<hbm>>
      tpu.enqueue_dma source(%dma_start3A_859 : memref<8x32xf32, #tpu.memory_space<hbm>>) target(%dma_start3A_855 : memref<8x32xf32, #tpu.memory_space<vmem>>) target_semaphore(%arg13 : memref<!tpu.dma_semaphore, #tpu.memory_space<semaphore_mem>>)
      %slice3A_860 = vector.extract_strided_slice %get3A_631 {offsets = [12], sizes = [1], strides = [1]} : vector<16xi32> to vector<1xi32>
      %squeeze3A_861 = vector.extract %slice3A_860[0] : i32 from vector<1xi32>
      %dma_start3A_862 = arith.constant 12 : i32
      %dma_start3A_863 = arith.constant 0 : i32
      %dma_start3A_864 = arith.constant 0 : i32
      %dma_start3A_865 = tpu.memref_slice %arg9[%dma_start3A_862, %dma_start3A_863, %dma_start3A_864] : memref<32x8x32xf32, #tpu.memory_space<vmem>> -> memref<1x8x32xf32, #tpu.memory_space<vmem>>
      %dma_start3A_866 = tpu.memref_squeeze %dma_start3A_865 : memref<1x8x32xf32, #tpu.memory_space<vmem>> -> memref<8x32xf32, #tpu.memory_space<vmem>>
      %dma_start3A_867 = arith.constant 0 : i32
      %dma_start3A_868 = arith.constant 0 : i32
      %dma_start3A_869 = tpu.memref_slice %arg4[%squeeze3A_861, %dma_start3A_867, %dma_start3A_868] : memref<325000x8x32xf32, #tpu.memory_space<hbm>> -> memref<1x8x32xf32, #tpu.memory_space<hbm>>
      %dma_start3A_870 = tpu.memref_squeeze %dma_start3A_869 : memref<1x8x32xf32, #tpu.memory_space<hbm>> -> memref<8x32xf32, #tpu.memory_space<hbm>>
      %dma_start3A_871 = arith.constant 0 : i32
      %dma_start3A_872 = arith.constant 0 : i32
      %dma_start3A_873 = tpu.memref_slice %arg9[%dma_start3A_862, %dma_start3A_871, %dma_start3A_872] : memref<32x8x32xf32, #tpu.memory_space<vmem>> -> memref<1x8x32xf32, #tpu.memory_space<vmem>>
      %dma_start3A_874 = tpu.memref_squeeze %dma_start3A_873 : memref<1x8x32xf32, #tpu.memory_space<vmem>> -> memref<8x32xf32, #tpu.memory_space<vmem>>
      %dma_start3A_875 = arith.constant 0 : i32
      %dma_start3A_876 = arith.constant 0 : i32
      %dma_start3A_877 = tpu.memref_slice %arg4[%squeeze3A_861, %dma_start3A_875, %dma_start3A_876] : memref<325000x8x32xf32, #tpu.memory_space<hbm>> -> memref<1x8x32xf32, #tpu.memory_space<hbm>>
      %dma_start3A_878 = tpu.memref_squeeze %dma_start3A_877 : memref<1x8x32xf32, #tpu.memory_space<hbm>> -> memref<8x32xf32, #tpu.memory_space<hbm>>
      tpu.enqueue_dma source(%dma_start3A_878 : memref<8x32xf32, #tpu.memory_space<hbm>>) target(%dma_start3A_874 : memref<8x32xf32, #tpu.memory_space<vmem>>) target_semaphore(%arg13 : memref<!tpu.dma_semaphore, #tpu.memory_space<semaphore_mem>>)
      %slice3A_879 = vector.extract_strided_slice %get3A_631 {offsets = [13], sizes = [1], strides = [1]} : vector<16xi32> to vector<1xi32>
      %squeeze3A_880 = vector.extract %slice3A_879[0] : i32 from vector<1xi32>
      %dma_start3A_881 = arith.constant 13 : i32
      %dma_start3A_882 = arith.constant 0 : i32
      %dma_start3A_883 = arith.constant 0 : i32
      %dma_start3A_884 = tpu.memref_slice %arg9[%dma_start3A_881, %dma_start3A_882, %dma_start3A_883] : memref<32x8x32xf32, #tpu.memory_space<vmem>> -> memref<1x8x32xf32, #tpu.memory_space<vmem>>
      %dma_start3A_885 = tpu.memref_squeeze %dma_start3A_884 : memref<1x8x32xf32, #tpu.memory_space<vmem>> -> memref<8x32xf32, #tpu.memory_space<vmem>>
      %dma_start3A_886 = arith.constant 0 : i32
      %dma_start3A_887 = arith.constant 0 : i32
      %dma_start3A_888 = tpu.memref_slice %arg4[%squeeze3A_880, %dma_start3A_886, %dma_start3A_887] : memref<325000x8x32xf32, #tpu.memory_space<hbm>> -> memref<1x8x32xf32, #tpu.memory_space<hbm>>
      %dma_start3A_889 = tpu.memref_squeeze %dma_start3A_888 : memref<1x8x32xf32, #tpu.memory_space<hbm>> -> memref<8x32xf32, #tpu.memory_space<hbm>>
      %dma_start3A_890 = arith.constant 0 : i32
      %dma_start3A_891 = arith.constant 0 : i32
      %dma_start3A_892 = tpu.memref_slice %arg9[%dma_start3A_881, %dma_start3A_890, %dma_start3A_891] : memref<32x8x32xf32, #tpu.memory_space<vmem>> -> memref<1x8x32xf32, #tpu.memory_space<vmem>>
      %dma_start3A_893 = tpu.memref_squeeze %dma_start3A_892 : memref<1x8x32xf32, #tpu.memory_space<vmem>> -> memref<8x32xf32, #tpu.memory_space<vmem>>
      %dma_start3A_894 = arith.constant 0 : i32
      %dma_start3A_895 = arith.constant 0 : i32
      %dma_start3A_896 = tpu.memref_slice %arg4[%squeeze3A_880, %dma_start3A_894, %dma_start3A_895] : memref<325000x8x32xf32, #tpu.memory_space<hbm>> -> memref<1x8x32xf32, #tpu.memory_space<hbm>>
      %dma_start3A_897 = tpu.memref_squeeze %dma_start3A_896 : memref<1x8x32xf32, #tpu.memory_space<hbm>> -> memref<8x32xf32, #tpu.memory_space<hbm>>
      tpu.enqueue_dma source(%dma_start3A_897 : memref<8x32xf32, #tpu.memory_space<hbm>>) target(%dma_start3A_893 : memref<8x32xf32, #tpu.memory_space<vmem>>) target_semaphore(%arg13 : memref<!tpu.dma_semaphore, #tpu.memory_space<semaphore_mem>>)
      %slice3A_898 = vector.extract_strided_slice %get3A_631 {offsets = [14], sizes = [1], strides = [1]} : vector<16xi32> to vector<1xi32>
      %squeeze3A_899 = vector.extract %slice3A_898[0] : i32 from vector<1xi32>
      %dma_start3A_900 = arith.constant 14 : i32
      %dma_start3A_901 = arith.constant 0 : i32
      %dma_start3A_902 = arith.constant 0 : i32
      %dma_start3A_903 = tpu.memref_slice %arg9[%dma_start3A_900, %dma_start3A_901, %dma_start3A_902] : memref<32x8x32xf32, #tpu.memory_space<vmem>> -> memref<1x8x32xf32, #tpu.memory_space<vmem>>
      %dma_start3A_904 = tpu.memref_squeeze %dma_start3A_903 : memref<1x8x32xf32, #tpu.memory_space<vmem>> -> memref<8x32xf32, #tpu.memory_space<vmem>>
      %dma_start3A_905 = arith.constant 0 : i32
      %dma_start3A_906 = arith.constant 0 : i32
      %dma_start3A_907 = tpu.memref_slice %arg4[%squeeze3A_899, %dma_start3A_905, %dma_start3A_906] : memref<325000x8x32xf32, #tpu.memory_space<hbm>> -> memref<1x8x32xf32, #tpu.memory_space<hbm>>
      %dma_start3A_908 = tpu.memref_squeeze %dma_start3A_907 : memref<1x8x32xf32, #tpu.memory_space<hbm>> -> memref<8x32xf32, #tpu.memory_space<hbm>>
      %dma_start3A_909 = arith.constant 0 : i32
      %dma_start3A_910 = arith.constant 0 : i32
      %dma_start3A_911 = tpu.memref_slice %arg9[%dma_start3A_900, %dma_start3A_909, %dma_start3A_910] : memref<32x8x32xf32, #tpu.memory_space<vmem>> -> memref<1x8x32xf32, #tpu.memory_space<vmem>>
      %dma_start3A_912 = tpu.memref_squeeze %dma_start3A_911 : memref<1x8x32xf32, #tpu.memory_space<vmem>> -> memref<8x32xf32, #tpu.memory_space<vmem>>
      %dma_start3A_913 = arith.constant 0 : i32
      %dma_start3A_914 = arith.constant 0 : i32
      %dma_start3A_915 = tpu.memref_slice %arg4[%squeeze3A_899, %dma_start3A_913, %dma_start3A_914] : memref<325000x8x32xf32, #tpu.memory_space<hbm>> -> memref<1x8x32xf32, #tpu.memory_space<hbm>>
      %dma_start3A_916 = tpu.memref_squeeze %dma_start3A_915 : memref<1x8x32xf32, #tpu.memory_space<hbm>> -> memref<8x32xf32, #tpu.memory_space<hbm>>
      tpu.enqueue_dma source(%dma_start3A_916 : memref<8x32xf32, #tpu.memory_space<hbm>>) target(%dma_start3A_912 : memref<8x32xf32, #tpu.memory_space<vmem>>) target_semaphore(%arg13 : memref<!tpu.dma_semaphore, #tpu.memory_space<semaphore_mem>>)
      %slice3A_917 = vector.extract_strided_slice %get3A_631 {offsets = [15], sizes = [1], strides = [1]} : vector<16xi32> to vector<1xi32>
      %squeeze3A_918 = vector.extract %slice3A_917[0] : i32 from vector<1xi32>
      %dma_start3A_919 = arith.constant 15 : i32
      %dma_start3A_920 = arith.constant 0 : i32
      %dma_start3A_921 = arith.constant 0 : i32
      %dma_start3A_922 = tpu.memref_slice %arg9[%dma_start3A_919, %dma_start3A_920, %dma_start3A_921] : memref<32x8x32xf32, #tpu.memory_space<vmem>> -> memref<1x8x32xf32, #tpu.memory_space<vmem>>
      %dma_start3A_923 = tpu.memref_squeeze %dma_start3A_922 : memref<1x8x32xf32, #tpu.memory_space<vmem>> -> memref<8x32xf32, #tpu.memory_space<vmem>>
      %dma_start3A_924 = arith.constant 0 : i32
      %dma_start3A_925 = arith.constant 0 : i32
      %dma_start3A_926 = tpu.memref_slice %arg4[%squeeze3A_918, %dma_start3A_924, %dma_start3A_925] : memref<325000x8x32xf32, #tpu.memory_space<hbm>> -> memref<1x8x32xf32, #tpu.memory_space<hbm>>
      %dma_start3A_927 = tpu.memref_squeeze %dma_start3A_926 : memref<1x8x32xf32, #tpu.memory_space<hbm>> -> memref<8x32xf32, #tpu.memory_space<hbm>>
      %dma_start3A_928 = arith.constant 0 : i32
      %dma_start3A_929 = arith.constant 0 : i32
      %dma_start3A_930 = tpu.memref_slice %arg9[%dma_start3A_919, %dma_start3A_928, %dma_start3A_929] : memref<32x8x32xf32, #tpu.memory_space<vmem>> -> memref<1x8x32xf32, #tpu.memory_space<vmem>>
      %dma_start3A_931 = tpu.memref_squeeze %dma_start3A_930 : memref<1x8x32xf32, #tpu.memory_space<vmem>> -> memref<8x32xf32, #tpu.memory_space<vmem>>
      %dma_start3A_932 = arith.constant 0 : i32
      %dma_start3A_933 = arith.constant 0 : i32
      %dma_start3A_934 = tpu.memref_slice %arg4[%squeeze3A_918, %dma_start3A_932, %dma_start3A_933] : memref<325000x8x32xf32, #tpu.memory_space<hbm>> -> memref<1x8x32xf32, #tpu.memory_space<hbm>>
      %dma_start3A_935 = tpu.memref_squeeze %dma_start3A_934 : memref<1x8x32xf32, #tpu.memory_space<hbm>> -> memref<8x32xf32, #tpu.memory_space<hbm>>
      tpu.enqueue_dma source(%dma_start3A_935 : memref<8x32xf32, #tpu.memory_space<hbm>>) target(%dma_start3A_931 : memref<8x32xf32, #tpu.memory_space<vmem>>) target_semaphore(%arg13 : memref<!tpu.dma_semaphore, #tpu.memory_space<semaphore_mem>>)
      %add3A_936 = arith.constant 16 : i32
      %add3A_937 = arith.addi %add3A_625, %add3A_936 : i32
      %get3A_938 = arith.index_cast %add3A_937 : i32 to index
      %get3A_939 = tpu.vector_load %arg6[%get3A_938] {strides = array<i32>} : memref<3328xi32, #tpu.memory_space<vmem>>, vector<16xi32>,
      %slice3A_940 = vector.extract_strided_slice %get3A_939 {offsets = [0], sizes = [1], strides = [1]} : vector<16xi32> to vector<1xi32>
      %squeeze3A_941 = vector.extract %slice3A_940[0] : i32 from vector<1xi32>
      %dma_start3A_942 = arith.constant 16 : i32
      %dma_start3A_943 = arith.constant 0 : i32
      %dma_start3A_944 = arith.constant 0 : i32
      %dma_start3A_945 = tpu.memref_slice %arg9[%dma_start3A_942, %dma_start3A_943, %dma_start3A_944] : memref<32x8x32xf32, #tpu.memory_space<vmem>> -> memref<1x8x32xf32, #tpu.memory_space<vmem>>
      %dma_start3A_946 = tpu.memref_squeeze %dma_start3A_945 : memref<1x8x32xf32, #tpu.memory_space<vmem>> -> memref<8x32xf32, #tpu.memory_space<vmem>>
      %dma_start3A_947 = arith.constant 0 : i32
      %dma_start3A_948 = arith.constant 0 : i32
      %dma_start3A_949 = tpu.memref_slice %arg4[%squeeze3A_941, %dma_start3A_947, %dma_start3A_948] : memref<325000x8x32xf32, #tpu.memory_space<hbm>> -> memref<1x8x32xf32, #tpu.memory_space<hbm>>
      %dma_start3A_950 = tpu.memref_squeeze %dma_start3A_949 : memref<1x8x32xf32, #tpu.memory_space<hbm>> -> memref<8x32xf32, #tpu.memory_space<hbm>>
      %dma_start3A_951 = arith.constant 0 : i32
      %dma_start3A_952 = arith.constant 0 : i32
      %dma_start3A_953 = tpu.memref_slice %arg9[%dma_start3A_942, %dma_start3A_951, %dma_start3A_952] : memref<32x8x32xf32, #tpu.memory_space<vmem>> -> memref<1x8x32xf32, #tpu.memory_space<vmem>>
      %dma_start3A_954 = tpu.memref_squeeze %dma_start3A_953 : memref<1x8x32xf32, #tpu.memory_space<vmem>> -> memref<8x32xf32, #tpu.memory_space<vmem>>
      %dma_start3A_955 = arith.constant 0 : i32
      %dma_start3A_956 = arith.constant 0 : i32
      %dma_start3A_957 = tpu.memref_slice %arg4[%squeeze3A_941, %dma_start3A_955, %dma_start3A_956] : memref<325000x8x32xf32, #tpu.memory_space<hbm>> -> memref<1x8x32xf32, #tpu.memory_space<hbm>>
      %dma_start3A_958 = tpu.memref_squeeze %dma_start3A_957 : memref<1x8x32xf32, #tpu.memory_space<hbm>> -> memref<8x32xf32, #tpu.memory_space<hbm>>
      tpu.enqueue_dma source(%dma_start3A_958 : memref<8x32xf32, #tpu.memory_space<hbm>>) target(%dma_start3A_954 : memref<8x32xf32, #tpu.memory_space<vmem>>) target_semaphore(%arg13 : memref<!tpu.dma_semaphore, #tpu.memory_space<semaphore_mem>>)
      %slice3A_959 = vector.extract_strided_slice %get3A_939 {offsets = [1], sizes = [1], strides = [1]} : vector<16xi32> to vector<1xi32>
      %squeeze3A_960 = vector.extract %slice3A_959[0] : i32 from vector<1xi32>
      %dma_start3A_961 = arith.constant 17 : i32
      %dma_start3A_962 = arith.constant 0 : i32
      %dma_start3A_963 = arith.constant 0 : i32
      %dma_start3A_964 = tpu.memref_slice %arg9[%dma_start3A_961, %dma_start3A_962, %dma_start3A_963] : memref<32x8x32xf32, #tpu.memory_space<vmem>> -> memref<1x8x32xf32, #tpu.memory_space<vmem>>
      %dma_start3A_965 = tpu.memref_squeeze %dma_start3A_964 : memref<1x8x32xf32, #tpu.memory_space<vmem>> -> memref<8x32xf32, #tpu.memory_space<vmem>>
      %dma_start3A_966 = arith.constant 0 : i32
      %dma_start3A_967 = arith.constant 0 : i32
      %dma_start3A_968 = tpu.memref_slice %arg4[%squeeze3A_960, %dma_start3A_966, %dma_start3A_967] : memref<325000x8x32xf32, #tpu.memory_space<hbm>> -> memref<1x8x32xf32, #tpu.memory_space<hbm>>
      %dma_start3A_969 = tpu.memref_squeeze %dma_start3A_968 : memref<1x8x32xf32, #tpu.memory_space<hbm>> -> memref<8x32xf32, #tpu.memory_space<hbm>>
      %dma_start3A_970 = arith.constant 0 : i32
      %dma_start3A_971 = arith.constant 0 : i32
      %dma_start3A_972 = tpu.memref_slice %arg9[%dma_start3A_961, %dma_start3A_970, %dma_start3A_971] : memref<32x8x32xf32, #tpu.memory_space<vmem>> -> memref<1x8x32xf32, #tpu.memory_space<vmem>>
      %dma_start3A_973 = tpu.memref_squeeze %dma_start3A_972 : memref<1x8x32xf32, #tpu.memory_space<vmem>> -> memref<8x32xf32, #tpu.memory_space<vmem>>
      %dma_start3A_974 = arith.constant 0 : i32
      %dma_start3A_975 = arith.constant 0 : i32
      %dma_start3A_976 = tpu.memref_slice %arg4[%squeeze3A_960, %dma_start3A_974, %dma_start3A_975] : memref<325000x8x32xf32, #tpu.memory_space<hbm>> -> memref<1x8x32xf32, #tpu.memory_space<hbm>>
      %dma_start3A_977 = tpu.memref_squeeze %dma_start3A_976 : memref<1x8x32xf32, #tpu.memory_space<hbm>> -> memref<8x32xf32, #tpu.memory_space<hbm>>
      tpu.enqueue_dma source(%dma_start3A_977 : memref<8x32xf32, #tpu.memory_space<hbm>>) target(%dma_start3A_973 : memref<8x32xf32, #tpu.memory_space<vmem>>) target_semaphore(%arg13 : memref<!tpu.dma_semaphore, #tpu.memory_space<semaphore_mem>>)
      %slice3A_978 = vector.extract_strided_slice %get3A_939 {offsets = [2], sizes = [1], strides = [1]} : vector<16xi32> to vector<1xi32>
      %squeeze3A_979 = vector.extract %slice3A_978[0] : i32 from vector<1xi32>
      %dma_start3A_980 = arith.constant 18 : i32
      %dma_start3A_981 = arith.constant 0 : i32
      %dma_start3A_982 = arith.constant 0 : i32
      %dma_start3A_983 = tpu.memref_slice %arg9[%dma_start3A_980, %dma_start3A_981, %dma_start3A_982] : memref<32x8x32xf32, #tpu.memory_space<vmem>> -> memref<1x8x32xf32, #tpu.memory_space<vmem>>
      %dma_start3A_984 = tpu.memref_squeeze %dma_start3A_983 : memref<1x8x32xf32, #tpu.memory_space<vmem>> -> memref<8x32xf32, #tpu.memory_space<vmem>>
      %dma_start3A_985 = arith.constant 0 : i32
      %dma_start3A_986 = arith.constant 0 : i32
      %dma_start3A_987 = tpu.memref_slice %arg4[%squeeze3A_979, %dma_start3A_985, %dma_start3A_986] : memref<325000x8x32xf32, #tpu.memory_space<hbm>> -> memref<1x8x32xf32, #tpu.memory_space<hbm>>
      %dma_start3A_988 = tpu.memref_squeeze %dma_start3A_987 : memref<1x8x32xf32, #tpu.memory_space<hbm>> -> memref<8x32xf32, #tpu.memory_space<hbm>>
      %dma_start3A_989 = arith.constant 0 : i32
      %dma_start3A_990 = arith.constant 0 : i32
      %dma_start3A_991 = tpu.memref_slice %arg9[%dma_start3A_980, %dma_start3A_989, %dma_start3A_990] : memref<32x8x32xf32, #tpu.memory_space<vmem>> -> memref<1x8x32xf32, #tpu.memory_space<vmem>>
      %dma_start3A_992 = tpu.memref_squeeze %dma_start3A_991 : memref<1x8x32xf32, #tpu.memory_space<vmem>> -> memref<8x32xf32, #tpu.memory_space<vmem>>
      %dma_start3A_993 = arith.constant 0 : i32
      %dma_start3A_994 = arith.constant 0 : i32
      %dma_start3A_995 = tpu.memref_slice %arg4[%squeeze3A_979, %dma_start3A_993, %dma_start3A_994] : memref<325000x8x32xf32, #tpu.memory_space<hbm>> -> memref<1x8x32xf32, #tpu.memory_space<hbm>>
      %dma_start3A_996 = tpu.memref_squeeze %dma_start3A_995 : memref<1x8x32xf32, #tpu.memory_space<hbm>> -> memref<8x32xf32, #tpu.memory_space<hbm>>
      tpu.enqueue_dma source(%dma_start3A_996 : memref<8x32xf32, #tpu.memory_space<hbm>>) target(%dma_start3A_992 : memref<8x32xf32, #tpu.memory_space<vmem>>) target_semaphore(%arg13 : memref<!tpu.dma_semaphore, #tpu.memory_space<semaphore_mem>>)
      %slice3A_997 = vector.extract_strided_slice %get3A_939 {offsets = [3], sizes = [1], strides = [1]} : vector<16xi32> to vector<1xi32>
      %squeeze3A_998 = vector.extract %slice3A_997[0] : i32 from vector<1xi32>
      %dma_start3A_999 = arith.constant 19 : i32
      %dma_start3A_1000 = arith.constant 0 : i32
      %dma_start3A_1001 = arith.constant 0 : i32
      %dma_start3A_1002 = tpu.memref_slice %arg9[%dma_start3A_999, %dma_start3A_1000, %dma_start3A_1001] : memref<32x8x32xf32, #tpu.memory_space<vmem>> -> memref<1x8x32xf32, #tpu.memory_space<vmem>>
      %dma_start3A_1003 = tpu.memref_squeeze %dma_start3A_1002 : memref<1x8x32xf32, #tpu.memory_space<vmem>> -> memref<8x32xf32, #tpu.memory_space<vmem>>
      %dma_start3A_1004 = arith.constant 0 : i32
      %dma_start3A_1005 = arith.constant 0 : i32
      %dma_start3A_1006 = tpu.memref_slice %arg4[%squeeze3A_998, %dma_start3A_1004, %dma_start3A_1005] : memref<325000x8x32xf32, #tpu.memory_space<hbm>> -> memref<1x8x32xf32, #tpu.memory_space<hbm>>
      %dma_start3A_1007 = tpu.memref_squeeze %dma_start3A_1006 : memref<1x8x32xf32, #tpu.memory_space<hbm>> -> memref<8x32xf32, #tpu.memory_space<hbm>>
      %dma_start3A_1008 = arith.constant 0 : i32
      %dma_start3A_1009 = arith.constant 0 : i32
      %dma_start3A_1010 = tpu.memref_slice %arg9[%dma_start3A_999, %dma_start3A_1008, %dma_start3A_1009] : memref<32x8x32xf32, #tpu.memory_space<vmem>> -> memref<1x8x32xf32, #tpu.memory_space<vmem>>
      %dma_start3A_1011 = tpu.memref_squeeze %dma_start3A_1010 : memref<1x8x32xf32, #tpu.memory_space<vmem>> -> memref<8x32xf32, #tpu.memory_space<vmem>>
      %dma_start3A_1012 = arith.constant 0 : i32
      %dma_start3A_1013 = arith.constant 0 : i32
      %dma_start3A_1014 = tpu.memref_slice %arg4[%squeeze3A_998, %dma_start3A_1012, %dma_start3A_1013] : memref<325000x8x32xf32, #tpu.memory_space<hbm>> -> memref<1x8x32xf32, #tpu.memory_space<hbm>>
      %dma_start3A_1015 = tpu.memref_squeeze %dma_start3A_1014 : memref<1x8x32xf32, #tpu.memory_space<hbm>> -> memref<8x32xf32, #tpu.memory_space<hbm>>
      tpu.enqueue_dma source(%dma_start3A_1015 : memref<8x32xf32, #tpu.memory_space<hbm>>) target(%dma_start3A_1011 : memref<8x32xf32, #tpu.memory_space<vmem>>) target_semaphore(%arg13 : memref<!tpu.dma_semaphore, #tpu.memory_space<semaphore_mem>>)
      %slice3A_1016 = vector.extract_strided_slice %get3A_939 {offsets = [4], sizes = [1], strides = [1]} : vector<16xi32> to vector<1xi32>
      %squeeze3A_1017 = vector.extract %slice3A_1016[0] : i32 from vector<1xi32>
      %dma_start3A_1018 = arith.constant 20 : i32
      %dma_start3A_1019 = arith.constant 0 : i32
      %dma_start3A_1020 = arith.constant 0 : i32
      %dma_start3A_1021 = tpu.memref_slice %arg9[%dma_start3A_1018, %dma_start3A_1019, %dma_start3A_1020] : memref<32x8x32xf32, #tpu.memory_space<vmem>> -> memref<1x8x32xf32, #tpu.memory_space<vmem>>
      %dma_start3A_1022 = tpu.memref_squeeze %dma_start3A_1021 : memref<1x8x32xf32, #tpu.memory_space<vmem>> -> memref<8x32xf32, #tpu.memory_space<vmem>>
      %dma_start3A_1023 = arith.constant 0 : i32
      %dma_start3A_1024 = arith.constant 0 : i32
      %dma_start3A_1025 = tpu.memref_slice %arg4[%squeeze3A_1017, %dma_start3A_1023, %dma_start3A_1024] : memref<325000x8x32xf32, #tpu.memory_space<hbm>> -> memref<1x8x32xf32, #tpu.memory_space<hbm>>
      %dma_start3A_1026 = tpu.memref_squeeze %dma_start3A_1025 : memref<1x8x32xf32, #tpu.memory_space<hbm>> -> memref<8x32xf32, #tpu.memory_space<hbm>>
      %dma_start3A_1027 = arith.constant 0 : i32
      %dma_start3A_1028 = arith.constant 0 : i32
      %dma_start3A_1029 = tpu.memref_slice %arg9[%dma_start3A_1018, %dma_start3A_1027, %dma_start3A_1028] : memref<32x8x32xf32, #tpu.memory_space<vmem>> -> memref<1x8x32xf32, #tpu.memory_space<vmem>>
      %dma_start3A_1030 = tpu.memref_squeeze %dma_start3A_1029 : memref<1x8x32xf32, #tpu.memory_space<vmem>> -> memref<8x32xf32, #tpu.memory_space<vmem>>
      %dma_start3A_1031 = arith.constant 0 : i32
      %dma_start3A_1032 = arith.constant 0 : i32
      %dma_start3A_1033 = tpu.memref_slice %arg4[%squeeze3A_1017, %dma_start3A_1031, %dma_start3A_1032] : memref<325000x8x32xf32, #tpu.memory_space<hbm>> -> memref<1x8x32xf32, #tpu.memory_space<hbm>>
      %dma_start3A_1034 = tpu.memref_squeeze %dma_start3A_1033 : memref<1x8x32xf32, #tpu.memory_space<hbm>> -> memref<8x32xf32, #tpu.memory_space<hbm>>
      tpu.enqueue_dma source(%dma_start3A_1034 : memref<8x32xf32, #tpu.memory_space<hbm>>) target(%dma_start3A_1030 : memref<8x32xf32, #tpu.memory_space<vmem>>) target_semaphore(%arg13 : memref<!tpu.dma_semaphore, #tpu.memory_space<semaphore_mem>>)
      %slice3A_1035 = vector.extract_strided_slice %get3A_939 {offsets = [5], sizes = [1], strides = [1]} : vector<16xi32> to vector<1xi32>
      %squeeze3A_1036 = vector.extract %slice3A_1035[0] : i32 from vector<1xi32>
      %dma_start3A_1037 = arith.constant 21 : i32
      %dma_start3A_1038 = arith.constant 0 : i32
      %dma_start3A_1039 = arith.constant 0 : i32
      %dma_start3A_1040 = tpu.memref_slice %arg9[%dma_start3A_1037, %dma_start3A_1038, %dma_start3A_1039] : memref<32x8x32xf32, #tpu.memory_space<vmem>> -> memref<1x8x32xf32, #tpu.memory_space<vmem>>
      %dma_start3A_1041 = tpu.memref_squeeze %dma_start3A_1040 : memref<1x8x32xf32, #tpu.memory_space<vmem>> -> memref<8x32xf32, #tpu.memory_space<vmem>>
      %dma_start3A_1042 = arith.constant 0 : i32
      %dma_start3A_1043 = arith.constant 0 : i32
      %dma_start3A_1044 = tpu.memref_slice %arg4[%squeeze3A_1036, %dma_start3A_1042, %dma_start3A_1043] : memref<325000x8x32xf32, #tpu.memory_space<hbm>> -> memref<1x8x32xf32, #tpu.memory_space<hbm>>
      %dma_start3A_1045 = tpu.memref_squeeze %dma_start3A_1044 : memref<1x8x32xf32, #tpu.memory_space<hbm>> -> memref<8x32xf32, #tpu.memory_space<hbm>>
      %dma_start3A_1046 = arith.constant 0 : i32
      %dma_start3A_1047 = arith.constant 0 : i32
      %dma_start3A_1048 = tpu.memref_slice %arg9[%dma_start3A_1037, %dma_start3A_1046, %dma_start3A_1047] : memref<32x8x32xf32, #tpu.memory_space<vmem>> -> memref<1x8x32xf32, #tpu.memory_space<vmem>>
      %dma_start3A_1049 = tpu.memref_squeeze %dma_start3A_1048 : memref<1x8x32xf32, #tpu.memory_space<vmem>> -> memref<8x32xf32, #tpu.memory_space<vmem>>
      %dma_start3A_1050 = arith.constant 0 : i32
      %dma_start3A_1051 = arith.constant 0 : i32
      %dma_start3A_1052 = tpu.memref_slice %arg4[%squeeze3A_1036, %dma_start3A_1050, %dma_start3A_1051] : memref<325000x8x32xf32, #tpu.memory_space<hbm>> -> memref<1x8x32xf32, #tpu.memory_space<hbm>>
      %dma_start3A_1053 = tpu.memref_squeeze %dma_start3A_1052 : memref<1x8x32xf32, #tpu.memory_space<hbm>> -> memref<8x32xf32, #tpu.memory_space<hbm>>
      tpu.enqueue_dma source(%dma_start3A_1053 : memref<8x32xf32, #tpu.memory_space<hbm>>) target(%dma_start3A_1049 : memref<8x32xf32, #tpu.memory_space<vmem>>) target_semaphore(%arg13 : memref<!tpu.dma_semaphore, #tpu.memory_space<semaphore_mem>>)
      %slice3A_1054 = vector.extract_strided_slice %get3A_939 {offsets = [6], sizes = [1], strides = [1]} : vector<16xi32> to vector<1xi32>
      %squeeze3A_1055 = vector.extract %slice3A_1054[0] : i32 from vector<1xi32>
      %dma_start3A_1056 = arith.constant 22 : i32
      %dma_start3A_1057 = arith.constant 0 : i32
      %dma_start3A_1058 = arith.constant 0 : i32
      %dma_start3A_1059 = tpu.memref_slice %arg9[%dma_start3A_1056, %dma_start3A_1057, %dma_start3A_1058] : memref<32x8x32xf32, #tpu.memory_space<vmem>> -> memref<1x8x32xf32, #tpu.memory_space<vmem>>
      %dma_start3A_1060 = tpu.memref_squeeze %dma_start3A_1059 : memref<1x8x32xf32, #tpu.memory_space<vmem>> -> memref<8x32xf32, #tpu.memory_space<vmem>>
      %dma_start3A_1061 = arith.constant 0 : i32
      %dma_start3A_1062 = arith.constant 0 : i32
      %dma_start3A_1063 = tpu.memref_slice %arg4[%squeeze3A_1055, %dma_start3A_1061, %dma_start3A_1062] : memref<325000x8x32xf32, #tpu.memory_space<hbm>> -> memref<1x8x32xf32, #tpu.memory_space<hbm>>
      %dma_start3A_1064 = tpu.memref_squeeze %dma_start3A_1063 : memref<1x8x32xf32, #tpu.memory_space<hbm>> -> memref<8x32xf32, #tpu.memory_space<hbm>>
      %dma_start3A_1065 = arith.constant 0 : i32
      %dma_start3A_1066 = arith.constant 0 : i32
      %dma_start3A_1067 = tpu.memref_slice %arg9[%dma_start3A_1056, %dma_start3A_1065, %dma_start3A_1066] : memref<32x8x32xf32, #tpu.memory_space<vmem>> -> memref<1x8x32xf32, #tpu.memory_space<vmem>>
      %dma_start3A_1068 = tpu.memref_squeeze %dma_start3A_1067 : memref<1x8x32xf32, #tpu.memory_space<vmem>> -> memref<8x32xf32, #tpu.memory_space<vmem>>
      %dma_start3A_1069 = arith.constant 0 : i32
      %dma_start3A_1070 = arith.constant 0 : i32
      %dma_start3A_1071 = tpu.memref_slice %arg4[%squeeze3A_1055, %dma_start3A_1069, %dma_start3A_1070] : memref<325000x8x32xf32, #tpu.memory_space<hbm>> -> memref<1x8x32xf32, #tpu.memory_space<hbm>>
      %dma_start3A_1072 = tpu.memref_squeeze %dma_start3A_1071 : memref<1x8x32xf32, #tpu.memory_space<hbm>> -> memref<8x32xf32, #tpu.memory_space<hbm>>
      tpu.enqueue_dma source(%dma_start3A_1072 : memref<8x32xf32, #tpu.memory_space<hbm>>) target(%dma_start3A_1068 : memref<8x32xf32, #tpu.memory_space<vmem>>) target_semaphore(%arg13 : memref<!tpu.dma_semaphore, #tpu.memory_space<semaphore_mem>>)
      %slice3A_1073 = vector.extract_strided_slice %get3A_939 {offsets = [7], sizes = [1], strides = [1]} : vector<16xi32> to vector<1xi32>
      %squeeze3A_1074 = vector.extract %slice3A_1073[0] : i32 from vector<1xi32>
      %dma_start3A_1075 = arith.constant 23 : i32
      %dma_start3A_1076 = arith.constant 0 : i32
      %dma_start3A_1077 = arith.constant 0 : i32
      %dma_start3A_1078 = tpu.memref_slice %arg9[%dma_start3A_1075, %dma_start3A_1076, %dma_start3A_1077] : memref<32x8x32xf32, #tpu.memory_space<vmem>> -> memref<1x8x32xf32, #tpu.memory_space<vmem>>
      %dma_start3A_1079 = tpu.memref_squeeze %dma_start3A_1078 : memref<1x8x32xf32, #tpu.memory_space<vmem>> -> memref<8x32xf32, #tpu.memory_space<vmem>>
      %dma_start3A_1080 = arith.constant 0 : i32
      %dma_start3A_1081 = arith.constant 0 : i32
      %dma_start3A_1082 = tpu.memref_slice %arg4[%squeeze3A_1074, %dma_start3A_1080, %dma_start3A_1081] : memref<325000x8x32xf32, #tpu.memory_space<hbm>> -> memref<1x8x32xf32, #tpu.memory_space<hbm>>
      %dma_start3A_1083 = tpu.memref_squeeze %dma_start3A_1082 : memref<1x8x32xf32, #tpu.memory_space<hbm>> -> memref<8x32xf32, #tpu.memory_space<hbm>>
      %dma_start3A_1084 = arith.constant 0 : i32
      %dma_start3A_1085 = arith.constant 0 : i32
      %dma_start3A_1086 = tpu.memref_slice %arg9[%dma_start3A_1075, %dma_start3A_1084, %dma_start3A_1085] : memref<32x8x32xf32, #tpu.memory_space<vmem>> -> memref<1x8x32xf32, #tpu.memory_space<vmem>>
      %dma_start3A_1087 = tpu.memref_squeeze %dma_start3A_1086 : memref<1x8x32xf32, #tpu.memory_space<vmem>> -> memref<8x32xf32, #tpu.memory_space<vmem>>
      %dma_start3A_1088 = arith.constant 0 : i32
      %dma_start3A_1089 = arith.constant 0 : i32
      %dma_start3A_1090 = tpu.memref_slice %arg4[%squeeze3A_1074, %dma_start3A_1088, %dma_start3A_1089] : memref<325000x8x32xf32, #tpu.memory_space<hbm>> -> memref<1x8x32xf32, #tpu.memory_space<hbm>>
      %dma_start3A_1091 = tpu.memref_squeeze %dma_start3A_1090 : memref<1x8x32xf32, #tpu.memory_space<hbm>> -> memref<8x32xf32, #tpu.memory_space<hbm>>
      tpu.enqueue_dma source(%dma_start3A_1091 : memref<8x32xf32, #tpu.memory_space<hbm>>) target(%dma_start3A_1087 : memref<8x32xf32, #tpu.memory_space<vmem>>) target_semaphore(%arg13 : memref<!tpu.dma_semaphore, #tpu.memory_space<semaphore_mem>>)
      %slice3A_1092 = vector.extract_strided_slice %get3A_939 {offsets = [8], sizes = [1], strides = [1]} : vector<16xi32> to vector<1xi32>
      %squeeze3A_1093 = vector.extract %slice3A_1092[0] : i32 from vector<1xi32>
      %dma_start3A_1094 = arith.constant 24 : i32
      %dma_start3A_1095 = arith.constant 0 : i32
      %dma_start3A_1096 = arith.constant 0 : i32
      %dma_start3A_1097 = tpu.memref_slice %arg9[%dma_start3A_1094, %dma_start3A_1095, %dma_start3A_1096] : memref<32x8x32xf32, #tpu.memory_space<vmem>> -> memref<1x8x32xf32, #tpu.memory_space<vmem>>
      %dma_start3A_1098 = tpu.memref_squeeze %dma_start3A_1097 : memref<1x8x32xf32, #tpu.memory_space<vmem>> -> memref<8x32xf32, #tpu.memory_space<vmem>>
      %dma_start3A_1099 = arith.constant 0 : i32
      %dma_start3A_1100 = arith.constant 0 : i32
      %dma_start3A_1101 = tpu.memref_slice %arg4[%squeeze3A_1093, %dma_start3A_1099, %dma_start3A_1100] : memref<325000x8x32xf32, #tpu.memory_space<hbm>> -> memref<1x8x32xf32, #tpu.memory_space<hbm>>
      %dma_start3A_1102 = tpu.memref_squeeze %dma_start3A_1101 : memref<1x8x32xf32, #tpu.memory_space<hbm>> -> memref<8x32xf32, #tpu.memory_space<hbm>>
      %dma_start3A_1103 = arith.constant 0 : i32
      %dma_start3A_1104 = arith.constant 0 : i32
      %dma_start3A_1105 = tpu.memref_slice %arg9[%dma_start3A_1094, %dma_start3A_1103, %dma_start3A_1104] : memref<32x8x32xf32, #tpu.memory_space<vmem>> -> memref<1x8x32xf32, #tpu.memory_space<vmem>>
      %dma_start3A_1106 = tpu.memref_squeeze %dma_start3A_1105 : memref<1x8x32xf32, #tpu.memory_space<vmem>> -> memref<8x32xf32, #tpu.memory_space<vmem>>
      %dma_start3A_1107 = arith.constant 0 : i32
      %dma_start3A_1108 = arith.constant 0 : i32
      %dma_start3A_1109 = tpu.memref_slice %arg4[%squeeze3A_1093, %dma_start3A_1107, %dma_start3A_1108] : memref<325000x8x32xf32, #tpu.memory_space<hbm>> -> memref<1x8x32xf32, #tpu.memory_space<hbm>>
      %dma_start3A_1110 = tpu.memref_squeeze %dma_start3A_1109 : memref<1x8x32xf32, #tpu.memory_space<hbm>> -> memref<8x32xf32, #tpu.memory_space<hbm>>
      tpu.enqueue_dma source(%dma_start3A_1110 : memref<8x32xf32, #tpu.memory_space<hbm>>) target(%dma_start3A_1106 : memref<8x32xf32, #tpu.memory_space<vmem>>) target_semaphore(%arg13 : memref<!tpu.dma_semaphore, #tpu.memory_space<semaphore_mem>>)
      %slice3A_1111 = vector.extract_strided_slice %get3A_939 {offsets = [9], sizes = [1], strides = [1]} : vector<16xi32> to vector<1xi32>
      %squeeze3A_1112 = vector.extract %slice3A_1111[0] : i32 from vector<1xi32>
      %dma_start3A_1113 = arith.constant 25 : i32
      %dma_start3A_1114 = arith.constant 0 : i32
      %dma_start3A_1115 = arith.constant 0 : i32
      %dma_start3A_1116 = tpu.memref_slice %arg9[%dma_start3A_1113, %dma_start3A_1114, %dma_start3A_1115] : memref<32x8x32xf32, #tpu.memory_space<vmem>> -> memref<1x8x32xf32, #tpu.memory_space<vmem>>
      %dma_start3A_1117 = tpu.memref_squeeze %dma_start3A_1116 : memref<1x8x32xf32, #tpu.memory_space<vmem>> -> memref<8x32xf32, #tpu.memory_space<vmem>>
      %dma_start3A_1118 = arith.constant 0 : i32
      %dma_start3A_1119 = arith.constant 0 : i32
      %dma_start3A_1120 = tpu.memref_slice %arg4[%squeeze3A_1112, %dma_start3A_1118, %dma_start3A_1119] : memref<325000x8x32xf32, #tpu.memory_space<hbm>> -> memref<1x8x32xf32, #tpu.memory_space<hbm>>
      %dma_start3A_1121 = tpu.memref_squeeze %dma_start3A_1120 : memref<1x8x32xf32, #tpu.memory_space<hbm>> -> memref<8x32xf32, #tpu.memory_space<hbm>>
      %dma_start3A_1122 = arith.constant 0 : i32
      %dma_start3A_1123 = arith.constant 0 : i32
      %dma_start3A_1124 = tpu.memref_slice %arg9[%dma_start3A_1113, %dma_start3A_1122, %dma_start3A_1123] : memref<32x8x32xf32, #tpu.memory_space<vmem>> -> memref<1x8x32xf32, #tpu.memory_space<vmem>>
      %dma_start3A_1125 = tpu.memref_squeeze %dma_start3A_1124 : memref<1x8x32xf32, #tpu.memory_space<vmem>> -> memref<8x32xf32, #tpu.memory_space<vmem>>
      %dma_start3A_1126 = arith.constant 0 : i32
      %dma_start3A_1127 = arith.constant 0 : i32
      %dma_start3A_1128 = tpu.memref_slice %arg4[%squeeze3A_1112, %dma_start3A_1126, %dma_start3A_1127] : memref<325000x8x32xf32, #tpu.memory_space<hbm>> -> memref<1x8x32xf32, #tpu.memory_space<hbm>>
      %dma_start3A_1129 = tpu.memref_squeeze %dma_start3A_1128 : memref<1x8x32xf32, #tpu.memory_space<hbm>> -> memref<8x32xf32, #tpu.memory_space<hbm>>
      tpu.enqueue_dma source(%dma_start3A_1129 : memref<8x32xf32, #tpu.memory_space<hbm>>) target(%dma_start3A_1125 : memref<8x32xf32, #tpu.memory_space<vmem>>) target_semaphore(%arg13 : memref<!tpu.dma_semaphore, #tpu.memory_space<semaphore_mem>>)
      %slice3A_1130 = vector.extract_strided_slice %get3A_939 {offsets = [10], sizes = [1], strides = [1]} : vector<16xi32> to vector<1xi32>
      %squeeze3A_1131 = vector.extract %slice3A_1130[0] : i32 from vector<1xi32>
      %dma_start3A_1132 = arith.constant 26 : i32
      %dma_start3A_1133 = arith.constant 0 : i32
      %dma_start3A_1134 = arith.constant 0 : i32
      %dma_start3A_1135 = tpu.memref_slice %arg9[%dma_start3A_1132, %dma_start3A_1133, %dma_start3A_1134] : memref<32x8x32xf32, #tpu.memory_space<vmem>> -> memref<1x8x32xf32, #tpu.memory_space<vmem>>
      %dma_start3A_1136 = tpu.memref_squeeze %dma_start3A_1135 : memref<1x8x32xf32, #tpu.memory_space<vmem>> -> memref<8x32xf32, #tpu.memory_space<vmem>>
      %dma_start3A_1137 = arith.constant 0 : i32
      %dma_start3A_1138 = arith.constant 0 : i32
      %dma_start3A_1139 = tpu.memref_slice %arg4[%squeeze3A_1131, %dma_start3A_1137, %dma_start3A_1138] : memref<325000x8x32xf32, #tpu.memory_space<hbm>> -> memref<1x8x32xf32, #tpu.memory_space<hbm>>
      %dma_start3A_1140 = tpu.memref_squeeze %dma_start3A_1139 : memref<1x8x32xf32, #tpu.memory_space<hbm>> -> memref<8x32xf32, #tpu.memory_space<hbm>>
      %dma_start3A_1141 = arith.constant 0 : i32
      %dma_start3A_1142 = arith.constant 0 : i32
      %dma_start3A_1143 = tpu.memref_slice %arg9[%dma_start3A_1132, %dma_start3A_1141, %dma_start3A_1142] : memref<32x8x32xf32, #tpu.memory_space<vmem>> -> memref<1x8x32xf32, #tpu.memory_space<vmem>>
      %dma_start3A_1144 = tpu.memref_squeeze %dma_start3A_1143 : memref<1x8x32xf32, #tpu.memory_space<vmem>> -> memref<8x32xf32, #tpu.memory_space<vmem>>
      %dma_start3A_1145 = arith.constant 0 : i32
      %dma_start3A_1146 = arith.constant 0 : i32
      %dma_start3A_1147 = tpu.memref_slice %arg4[%squeeze3A_1131, %dma_start3A_1145, %dma_start3A_1146] : memref<325000x8x32xf32, #tpu.memory_space<hbm>> -> memref<1x8x32xf32, #tpu.memory_space<hbm>>
      %dma_start3A_1148 = tpu.memref_squeeze %dma_start3A_1147 : memref<1x8x32xf32, #tpu.memory_space<hbm>> -> memref<8x32xf32, #tpu.memory_space<hbm>>
      tpu.enqueue_dma source(%dma_start3A_1148 : memref<8x32xf32, #tpu.memory_space<hbm>>) target(%dma_start3A_1144 : memref<8x32xf32, #tpu.memory_space<vmem>>) target_semaphore(%arg13 : memref<!tpu.dma_semaphore, #tpu.memory_space<semaphore_mem>>)
      %slice3A_1149 = vector.extract_strided_slice %get3A_939 {offsets = [11], sizes = [1], strides = [1]} : vector<16xi32> to vector<1xi32>
      %squeeze3A_1150 = vector.extract %slice3A_1149[0] : i32 from vector<1xi32>
      %dma_start3A_1151 = arith.constant 27 : i32
      %dma_start3A_1152 = arith.constant 0 : i32
      %dma_start3A_1153 = arith.constant 0 : i32
      %dma_start3A_1154 = tpu.memref_slice %arg9[%dma_start3A_1151, %dma_start3A_1152, %dma_start3A_1153] : memref<32x8x32xf32, #tpu.memory_space<vmem>> -> memref<1x8x32xf32, #tpu.memory_space<vmem>>
      %dma_start3A_1155 = tpu.memref_squeeze %dma_start3A_1154 : memref<1x8x32xf32, #tpu.memory_space<vmem>> -> memref<8x32xf32, #tpu.memory_space<vmem>>
      %dma_start3A_1156 = arith.constant 0 : i32
      %dma_start3A_1157 = arith.constant 0 : i32
      %dma_start3A_1158 = tpu.memref_slice %arg4[%squeeze3A_1150, %dma_start3A_1156, %dma_start3A_1157] : memref<325000x8x32xf32, #tpu.memory_space<hbm>> -> memref<1x8x32xf32, #tpu.memory_space<hbm>>
      %dma_start3A_1159 = tpu.memref_squeeze %dma_start3A_1158 : memref<1x8x32xf32, #tpu.memory_space<hbm>> -> memref<8x32xf32, #tpu.memory_space<hbm>>
      %dma_start3A_1160 = arith.constant 0 : i32
      %dma_start3A_1161 = arith.constant 0 : i32
      %dma_start3A_1162 = tpu.memref_slice %arg9[%dma_start3A_1151, %dma_start3A_1160, %dma_start3A_1161] : memref<32x8x32xf32, #tpu.memory_space<vmem>> -> memref<1x8x32xf32, #tpu.memory_space<vmem>>
      %dma_start3A_1163 = tpu.memref_squeeze %dma_start3A_1162 : memref<1x8x32xf32, #tpu.memory_space<vmem>> -> memref<8x32xf32, #tpu.memory_space<vmem>>
      %dma_start3A_1164 = arith.constant 0 : i32
      %dma_start3A_1165 = arith.constant 0 : i32
      %dma_start3A_1166 = tpu.memref_slice %arg4[%squeeze3A_1150, %dma_start3A_1164, %dma_start3A_1165] : memref<325000x8x32xf32, #tpu.memory_space<hbm>> -> memref<1x8x32xf32, #tpu.memory_space<hbm>>
      %dma_start3A_1167 = tpu.memref_squeeze %dma_start3A_1166 : memref<1x8x32xf32, #tpu.memory_space<hbm>> -> memref<8x32xf32, #tpu.memory_space<hbm>>
      tpu.enqueue_dma source(%dma_start3A_1167 : memref<8x32xf32, #tpu.memory_space<hbm>>) target(%dma_start3A_1163 : memref<8x32xf32, #tpu.memory_space<vmem>>) target_semaphore(%arg13 : memref<!tpu.dma_semaphore, #tpu.memory_space<semaphore_mem>>)
      %slice3A_1168 = vector.extract_strided_slice %get3A_939 {offsets = [12], sizes = [1], strides = [1]} : vector<16xi32> to vector<1xi32>
      %squeeze3A_1169 = vector.extract %slice3A_1168[0] : i32 from vector<1xi32>
      %dma_start3A_1170 = arith.constant 28 : i32
      %dma_start3A_1171 = arith.constant 0 : i32
      %dma_start3A_1172 = arith.constant 0 : i32
      %dma_start3A_1173 = tpu.memref_slice %arg9[%dma_start3A_1170, %dma_start3A_1171, %dma_start3A_1172] : memref<32x8x32xf32, #tpu.memory_space<vmem>> -> memref<1x8x32xf32, #tpu.memory_space<vmem>>
      %dma_start3A_1174 = tpu.memref_squeeze %dma_start3A_1173 : memref<1x8x32xf32, #tpu.memory_space<vmem>> -> memref<8x32xf32, #tpu.memory_space<vmem>>
      %dma_start3A_1175 = arith.constant 0 : i32
      %dma_start3A_1176 = arith.constant 0 : i32
      %dma_start3A_1177 = tpu.memref_slice %arg4[%squeeze3A_1169, %dma_start3A_1175, %dma_start3A_1176] : memref<325000x8x32xf32, #tpu.memory_space<hbm>> -> memref<1x8x32xf32, #tpu.memory_space<hbm>>
      %dma_start3A_1178 = tpu.memref_squeeze %dma_start3A_1177 : memref<1x8x32xf32, #tpu.memory_space<hbm>> -> memref<8x32xf32, #tpu.memory_space<hbm>>
      %dma_start3A_1179 = arith.constant 0 : i32
      %dma_start3A_1180 = arith.constant 0 : i32
      %dma_start3A_1181 = tpu.memref_slice %arg9[%dma_start3A_1170, %dma_start3A_1179, %dma_start3A_1180] : memref<32x8x32xf32, #tpu.memory_space<vmem>> -> memref<1x8x32xf32, #tpu.memory_space<vmem>>
      %dma_start3A_1182 = tpu.memref_squeeze %dma_start3A_1181 : memref<1x8x32xf32, #tpu.memory_space<vmem>> -> memref<8x32xf32, #tpu.memory_space<vmem>>
      %dma_start3A_1183 = arith.constant 0 : i32
      %dma_start3A_1184 = arith.constant 0 : i32
      %dma_start3A_1185 = tpu.memref_slice %arg4[%squeeze3A_1169, %dma_start3A_1183, %dma_start3A_1184] : memref<325000x8x32xf32, #tpu.memory_space<hbm>> -> memref<1x8x32xf32, #tpu.memory_space<hbm>>
      %dma_start3A_1186 = tpu.memref_squeeze %dma_start3A_1185 : memref<1x8x32xf32, #tpu.memory_space<hbm>> -> memref<8x32xf32, #tpu.memory_space<hbm>>
      tpu.enqueue_dma source(%dma_start3A_1186 : memref<8x32xf32, #tpu.memory_space<hbm>>) target(%dma_start3A_1182 : memref<8x32xf32, #tpu.memory_space<vmem>>) target_semaphore(%arg13 : memref<!tpu.dma_semaphore, #tpu.memory_space<semaphore_mem>>)
      %slice3A_1187 = vector.extract_strided_slice %get3A_939 {offsets = [13], sizes = [1], strides = [1]} : vector<16xi32> to vector<1xi32>
      %squeeze3A_1188 = vector.extract %slice3A_1187[0] : i32 from vector<1xi32>
      %dma_start3A_1189 = arith.constant 29 : i32
      %dma_start3A_1190 = arith.constant 0 : i32
      %dma_start3A_1191 = arith.constant 0 : i32
      %dma_start3A_1192 = tpu.memref_slice %arg9[%dma_start3A_1189, %dma_start3A_1190, %dma_start3A_1191] : memref<32x8x32xf32, #tpu.memory_space<vmem>> -> memref<1x8x32xf32, #tpu.memory_space<vmem>>
      %dma_start3A_1193 = tpu.memref_squeeze %dma_start3A_1192 : memref<1x8x32xf32, #tpu.memory_space<vmem>> -> memref<8x32xf32, #tpu.memory_space<vmem>>
      %dma_start3A_1194 = arith.constant 0 : i32
      %dma_start3A_1195 = arith.constant 0 : i32
      %dma_start3A_1196 = tpu.memref_slice %arg4[%squeeze3A_1188, %dma_start3A_1194, %dma_start3A_1195] : memref<325000x8x32xf32, #tpu.memory_space<hbm>> -> memref<1x8x32xf32, #tpu.memory_space<hbm>>
      %dma_start3A_1197 = tpu.memref_squeeze %dma_start3A_1196 : memref<1x8x32xf32, #tpu.memory_space<hbm>> -> memref<8x32xf32, #tpu.memory_space<hbm>>
      %dma_start3A_1198 = arith.constant 0 : i32
      %dma_start3A_1199 = arith.constant 0 : i32
      %dma_start3A_1200 = tpu.memref_slice %arg9[%dma_start3A_1189, %dma_start3A_1198, %dma_start3A_1199] : memref<32x8x32xf32, #tpu.memory_space<vmem>> -> memref<1x8x32xf32, #tpu.memory_space<vmem>>
      %dma_start3A_1201 = tpu.memref_squeeze %dma_start3A_1200 : memref<1x8x32xf32, #tpu.memory_space<vmem>> -> memref<8x32xf32, #tpu.memory_space<vmem>>
      %dma_start3A_1202 = arith.constant 0 : i32
      %dma_start3A_1203 = arith.constant 0 : i32
      %dma_start3A_1204 = tpu.memref_slice %arg4[%squeeze3A_1188, %dma_start3A_1202, %dma_start3A_1203] : memref<325000x8x32xf32, #tpu.memory_space<hbm>> -> memref<1x8x32xf32, #tpu.memory_space<hbm>>
      %dma_start3A_1205 = tpu.memref_squeeze %dma_start3A_1204 : memref<1x8x32xf32, #tpu.memory_space<hbm>> -> memref<8x32xf32, #tpu.memory_space<hbm>>
      tpu.enqueue_dma source(%dma_start3A_1205 : memref<8x32xf32, #tpu.memory_space<hbm>>) target(%dma_start3A_1201 : memref<8x32xf32, #tpu.memory_space<vmem>>) target_semaphore(%arg13 : memref<!tpu.dma_semaphore, #tpu.memory_space<semaphore_mem>>)
      %slice3A_1206 = vector.extract_strided_slice %get3A_939 {offsets = [14], sizes = [1], strides = [1]} : vector<16xi32> to vector<1xi32>
      %squeeze3A_1207 = vector.extract %slice3A_1206[0] : i32 from vector<1xi32>
      %dma_start3A_1208 = arith.constant 30 : i32
      %dma_start3A_1209 = arith.constant 0 : i32
      %dma_start3A_1210 = arith.constant 0 : i32
      %dma_start3A_1211 = tpu.memref_slice %arg9[%dma_start3A_1208, %dma_start3A_1209, %dma_start3A_1210] : memref<32x8x32xf32, #tpu.memory_space<vmem>> -> memref<1x8x32xf32, #tpu.memory_space<vmem>>
      %dma_start3A_1212 = tpu.memref_squeeze %dma_start3A_1211 : memref<1x8x32xf32, #tpu.memory_space<vmem>> -> memref<8x32xf32, #tpu.memory_space<vmem>>
      %dma_start3A_1213 = arith.constant 0 : i32
      %dma_start3A_1214 = arith.constant 0 : i32
      %dma_start3A_1215 = tpu.memref_slice %arg4[%squeeze3A_1207, %dma_start3A_1213, %dma_start3A_1214] : memref<325000x8x32xf32, #tpu.memory_space<hbm>> -> memref<1x8x32xf32, #tpu.memory_space<hbm>>
      %dma_start3A_1216 = tpu.memref_squeeze %dma_start3A_1215 : memref<1x8x32xf32, #tpu.memory_space<hbm>> -> memref<8x32xf32, #tpu.memory_space<hbm>>
      %dma_start3A_1217 = arith.constant 0 : i32
      %dma_start3A_1218 = arith.constant 0 : i32
      %dma_start3A_1219 = tpu.memref_slice %arg9[%dma_start3A_1208, %dma_start3A_1217, %dma_start3A_1218] : memref<32x8x32xf32, #tpu.memory_space<vmem>> -> memref<1x8x32xf32, #tpu.memory_space<vmem>>
      %dma_start3A_1220 = tpu.memref_squeeze %dma_start3A_1219 : memref<1x8x32xf32, #tpu.memory_space<vmem>> -> memref<8x32xf32, #tpu.memory_space<vmem>>
      %dma_start3A_1221 = arith.constant 0 : i32
      %dma_start3A_1222 = arith.constant 0 : i32
      %dma_start3A_1223 = tpu.memref_slice %arg4[%squeeze3A_1207, %dma_start3A_1221, %dma_start3A_1222] : memref<325000x8x32xf32, #tpu.memory_space<hbm>> -> memref<1x8x32xf32, #tpu.memory_space<hbm>>
      %dma_start3A_1224 = tpu.memref_squeeze %dma_start3A_1223 : memref<1x8x32xf32, #tpu.memory_space<hbm>> -> memref<8x32xf32, #tpu.memory_space<hbm>>
      tpu.enqueue_dma source(%dma_start3A_1224 : memref<8x32xf32, #tpu.memory_space<hbm>>) target(%dma_start3A_1220 : memref<8x32xf32, #tpu.memory_space<vmem>>) target_semaphore(%arg13 : memref<!tpu.dma_semaphore, #tpu.memory_space<semaphore_mem>>)
      %slice3A_1225 = vector.extract_strided_slice %get3A_939 {offsets = [15], sizes = [1], strides = [1]} : vector<16xi32> to vector<1xi32>
      %squeeze3A_1226 = vector.extract %slice3A_1225[0] : i32 from vector<1xi32>
      %dma_start3A_1227 = arith.constant 31 : i32
      %dma_start3A_1228 = arith.constant 0 : i32
      %dma_start3A_1229 = arith.constant 0 : i32
      %dma_start3A_1230 = tpu.memref_slice %arg9[%dma_start3A_1227, %dma_start3A_1228, %dma_start3A_1229] : memref<32x8x32xf32, #tpu.memory_space<vmem>> -> memref<1x8x32xf32, #tpu.memory_space<vmem>>
      %dma_start3A_1231 = tpu.memref_squeeze %dma_start3A_1230 : memref<1x8x32xf32, #tpu.memory_space<vmem>> -> memref<8x32xf32, #tpu.memory_space<vmem>>
      %dma_start3A_1232 = arith.constant 0 : i32
      %dma_start3A_1233 = arith.constant 0 : i32
      %dma_start3A_1234 = tpu.memref_slice %arg4[%squeeze3A_1226, %dma_start3A_1232, %dma_start3A_1233] : memref<325000x8x32xf32, #tpu.memory_space<hbm>> -> memref<1x8x32xf32, #tpu.memory_space<hbm>>
      %dma_start3A_1235 = tpu.memref_squeeze %dma_start3A_1234 : memref<1x8x32xf32, #tpu.memory_space<hbm>> -> memref<8x32xf32, #tpu.memory_space<hbm>>
      %dma_start3A_1236 = arith.constant 0 : i32
      %dma_start3A_1237 = arith.constant 0 : i32
      %dma_start3A_1238 = tpu.memref_slice %arg9[%dma_start3A_1227, %dma_start3A_1236, %dma_start3A_1237] : memref<32x8x32xf32, #tpu.memory_space<vmem>> -> memref<1x8x32xf32, #tpu.memory_space<vmem>>
      %dma_start3A_1239 = tpu.memref_squeeze %dma_start3A_1238 : memref<1x8x32xf32, #tpu.memory_space<vmem>> -> memref<8x32xf32, #tpu.memory_space<vmem>>
      %dma_start3A_1240 = arith.constant 0 : i32
      %dma_start3A_1241 = arith.constant 0 : i32
      %dma_start3A_1242 = tpu.memref_slice %arg4[%squeeze3A_1226, %dma_start3A_1240, %dma_start3A_1241] : memref<325000x8x32xf32, #tpu.memory_space<hbm>> -> memref<1x8x32xf32, #tpu.memory_space<hbm>>
      %dma_start3A_1243 = tpu.memref_squeeze %dma_start3A_1242 : memref<1x8x32xf32, #tpu.memory_space<hbm>> -> memref<8x32xf32, #tpu.memory_space<hbm>>
      tpu.enqueue_dma source(%dma_start3A_1243 : memref<8x32xf32, #tpu.memory_space<hbm>>) target(%dma_start3A_1239 : memref<8x32xf32, #tpu.memory_space<vmem>>) target_semaphore(%arg13 : memref<!tpu.dma_semaphore, #tpu.memory_space<semaphore_mem>>)
      %dma_wait3A = arith.constant 0 : i32
      %dma_wait3A_1244 = arith.constant 0 : i32
      %dma_wait3A_1245 = arith.constant 0 : i32
      %dma_wait3A_1246 = tpu.memref_slice %arg4[%dma_wait3A, %dma_wait3A_1244, %dma_wait3A_1245] : memref<325000x8x32xf32, #tpu.memory_space<hbm>> -> memref<32x8x32xf32, #tpu.memory_space<hbm>>
      %dma_wait3A_1247 = arith.constant 0 : i32
      %dma_wait3A_1248 = arith.constant 0 : i32
      %dma_wait3A_1249 = arith.constant 0 : i32
      %dma_wait3A_1250 = tpu.memref_slice %arg4[%dma_wait3A_1247, %dma_wait3A_1248, %dma_wait3A_1249] : memref<325000x8x32xf32, #tpu.memory_space<hbm>> -> memref<32x8x32xf32, #tpu.memory_space<hbm>>
      tpu.wait_dma2 semaphore(%arg12 : memref<!tpu.dma_semaphore, #tpu.memory_space<semaphore_mem>>) src(%dma_wait3A_1250 : memref<32x8x32xf32, #tpu.memory_space<hbm>>) dst(%arg8 : memref<32x8x32xf32, #tpu.memory_space<vmem>>)
      %add3A_1251 = arith.constant 0 : i32
      %add3A_1252 = vector.broadcast %add3A_1251 : i32 to vector<16xi32>
      %add3A_1253 = arith.addi %iota3A, %add3A_1252 : vector<16xi32>
      %add3A_1254 = arith.constant 0 : i32
      %add3A_1255 = arith.addi %mul3A_623, %add3A_1254 : i32
      %get3A_1256 = arith.index_cast %add3A_1255 : i32 to index
      %get3A_1257 = tpu.vector_load %arg7[%get3A_1256] {strides = array<i32>} : memref<3328xi32, #tpu.memory_space<vmem>>, vector<16xi32>,
      %broadcast_in_dim3A = arith.constant 0 : i32
      %broadcast_in_dim3A_1258 = vector.broadcast %broadcast_in_dim3A : i32 to vector<16xi32>
      %gather3A = tpu.vector_load_idx %arg8[%add3A_1253, %get3A_1257, %broadcast_in_dim3A_1258] : memref<32x8x32xf32, #tpu.memory_space<vmem>>[vector<16xi32>, vector<16xi32>, vector<16xi32>], vector<16xf32>,
      %add3A_1259 = arith.constant 0 : i32
      %add3A_1260 = vector.broadcast %add3A_1259 : i32 to vector<16xi32>
      %add3A_1261 = arith.addi %mul3A_5, %add3A_1260 : vector<16xi32>
      tpu.vector_store_idx %arg10[%add3A_1261], %gather3A : memref<1024xf32, #tpu.memory_space<vmem>>[vector<16xi32>], vector<16xf32>,
      %broadcast_in_dim3A_1262 = arith.constant 1 : i32
      %broadcast_in_dim3A_1263 = vector.broadcast %broadcast_in_dim3A_1262 : i32 to vector<16xi32>
      %gather3A_1264 = tpu.vector_load_idx %arg8[%add3A_1253, %get3A_1257, %broadcast_in_dim3A_1263] : memref<32x8x32xf32, #tpu.memory_space<vmem>>[vector<16xi32>, vector<16xi32>, vector<16xi32>], vector<16xf32>,
      %add3A_1265 = arith.constant 1 : i32
      %add3A_1266 = vector.broadcast %add3A_1265 : i32 to vector<16xi32>
      %add3A_1267 = arith.addi %mul3A_5, %add3A_1266 : vector<16xi32>
      tpu.vector_store_idx %arg10[%add3A_1267], %gather3A_1264 : memref<1024xf32, #tpu.memory_space<vmem>>[vector<16xi32>], vector<16xf32>,
      %broadcast_in_dim3A_1268 = arith.constant 2 : i32
      %broadcast_in_dim3A_1269 = vector.broadcast %broadcast_in_dim3A_1268 : i32 to vector<16xi32>
      %gather3A_1270 = tpu.vector_load_idx %arg8[%add3A_1253, %get3A_1257, %broadcast_in_dim3A_1269] : memref<32x8x32xf32, #tpu.memory_space<vmem>>[vector<16xi32>, vector<16xi32>, vector<16xi32>], vector<16xf32>,
      %add3A_1271 = arith.constant 2 : i32
      %add3A_1272 = vector.broadcast %add3A_1271 : i32 to vector<16xi32>
      %add3A_1273 = arith.addi %mul3A_5, %add3A_1272 : vector<16xi32>
      tpu.vector_store_idx %arg10[%add3A_1273], %gather3A_1270 : memref<1024xf32, #tpu.memory_space<vmem>>[vector<16xi32>], vector<16xf32>,
      %broadcast_in_dim3A_1274 = arith.constant 3 : i32
      %broadcast_in_dim3A_1275 = vector.broadcast %broadcast_in_dim3A_1274 : i32 to vector<16xi32>
      %gather3A_1276 = tpu.vector_load_idx %arg8[%add3A_1253, %get3A_1257, %broadcast_in_dim3A_1275] : memref<32x8x32xf32, #tpu.memory_space<vmem>>[vector<16xi32>, vector<16xi32>, vector<16xi32>], vector<16xf32>,
      %add3A_1277 = arith.constant 3 : i32
      %add3A_1278 = vector.broadcast %add3A_1277 : i32 to vector<16xi32>
      %add3A_1279 = arith.addi %mul3A_5, %add3A_1278 : vector<16xi32>
      tpu.vector_store_idx %arg10[%add3A_1279], %gather3A_1276 : memref<1024xf32, #tpu.memory_space<vmem>>[vector<16xi32>], vector<16xf32>,
      %broadcast_in_dim3A_1280 = arith.constant 4 : i32
      %broadcast_in_dim3A_1281 = vector.broadcast %broadcast_in_dim3A_1280 : i32 to vector<16xi32>
      %gather3A_1282 = tpu.vector_load_idx %arg8[%add3A_1253, %get3A_1257, %broadcast_in_dim3A_1281] : memref<32x8x32xf32, #tpu.memory_space<vmem>>[vector<16xi32>, vector<16xi32>, vector<16xi32>], vector<16xf32>,
      %add3A_1283 = arith.constant 4 : i32
      %add3A_1284 = vector.broadcast %add3A_1283 : i32 to vector<16xi32>
      %add3A_1285 = arith.addi %mul3A_5, %add3A_1284 : vector<16xi32>
      tpu.vector_store_idx %arg10[%add3A_1285], %gather3A_1282 : memref<1024xf32, #tpu.memory_space<vmem>>[vector<16xi32>], vector<16xf32>,
      %broadcast_in_dim3A_1286 = arith.constant 5 : i32
      %broadcast_in_dim3A_1287 = vector.broadcast %broadcast_in_dim3A_1286 : i32 to vector<16xi32>
      %gather3A_1288 = tpu.vector_load_idx %arg8[%add3A_1253, %get3A_1257, %broadcast_in_dim3A_1287] : memref<32x8x32xf32, #tpu.memory_space<vmem>>[vector<16xi32>, vector<16xi32>, vector<16xi32>], vector<16xf32>,
      %add3A_1289 = arith.constant 5 : i32
      %add3A_1290 = vector.broadcast %add3A_1289 : i32 to vector<16xi32>
      %add3A_1291 = arith.addi %mul3A_5, %add3A_1290 : vector<16xi32>
      tpu.vector_store_idx %arg10[%add3A_1291], %gather3A_1288 : memref<1024xf32, #tpu.memory_space<vmem>>[vector<16xi32>], vector<16xf32>,
      %broadcast_in_dim3A_1292 = arith.constant 6 : i32
      %broadcast_in_dim3A_1293 = vector.broadcast %broadcast_in_dim3A_1292 : i32 to vector<16xi32>
      %gather3A_1294 = tpu.vector_load_idx %arg8[%add3A_1253, %get3A_1257, %broadcast_in_dim3A_1293] : memref<32x8x32xf32, #tpu.memory_space<vmem>>[vector<16xi32>, vector<16xi32>, vector<16xi32>], vector<16xf32>,
      %add3A_1295 = arith.constant 6 : i32
      %add3A_1296 = vector.broadcast %add3A_1295 : i32 to vector<16xi32>
      %add3A_1297 = arith.addi %mul3A_5, %add3A_1296 : vector<16xi32>
      tpu.vector_store_idx %arg10[%add3A_1297], %gather3A_1294 : memref<1024xf32, #tpu.memory_space<vmem>>[vector<16xi32>], vector<16xf32>,
      %broadcast_in_dim3A_1298 = arith.constant 7 : i32
      %broadcast_in_dim3A_1299 = vector.broadcast %broadcast_in_dim3A_1298 : i32 to vector<16xi32>
      %gather3A_1300 = tpu.vector_load_idx %arg8[%add3A_1253, %get3A_1257, %broadcast_in_dim3A_1299] : memref<32x8x32xf32, #tpu.memory_space<vmem>>[vector<16xi32>, vector<16xi32>, vector<16xi32>], vector<16xf32>,
      %add3A_1301 = arith.constant 7 : i32
      %add3A_1302 = vector.broadcast %add3A_1301 : i32 to vector<16xi32>
      %add3A_1303 = arith.addi %mul3A_5, %add3A_1302 : vector<16xi32>
      tpu.vector_store_idx %arg10[%add3A_1303], %gather3A_1300 : memref<1024xf32, #tpu.memory_space<vmem>>[vector<16xi32>], vector<16xf32>,
      %broadcast_in_dim3A_1304 = arith.constant 8 : i32
      %broadcast_in_dim3A_1305 = vector.broadcast %broadcast_in_dim3A_1304 : i32 to vector<16xi32>
      %gather3A_1306 = tpu.vector_load_idx %arg8[%add3A_1253, %get3A_1257, %broadcast_in_dim3A_1305] : memref<32x8x32xf32, #tpu.memory_space<vmem>>[vector<16xi32>, vector<16xi32>, vector<16xi32>], vector<16xf32>,
      %add3A_1307 = arith.constant 8 : i32
      %add3A_1308 = vector.broadcast %add3A_1307 : i32 to vector<16xi32>
      %add3A_1309 = arith.addi %mul3A_5, %add3A_1308 : vector<16xi32>
      tpu.vector_store_idx %arg10[%add3A_1309], %gather3A_1306 : memref<1024xf32, #tpu.memory_space<vmem>>[vector<16xi32>], vector<16xf32>,
      %broadcast_in_dim3A_1310 = arith.constant 9 : i32
      %broadcast_in_dim3A_1311 = vector.broadcast %broadcast_in_dim3A_1310 : i32 to vector<16xi32>
      %gather3A_1312 = tpu.vector_load_idx %arg8[%add3A_1253, %get3A_1257, %broadcast_in_dim3A_1311] : memref<32x8x32xf32, #tpu.memory_space<vmem>>[vector<16xi32>, vector<16xi32>, vector<16xi32>], vector<16xf32>,
      %add3A_1313 = arith.constant 9 : i32
      %add3A_1314 = vector.broadcast %add3A_1313 : i32 to vector<16xi32>
      %add3A_1315 = arith.addi %mul3A_5, %add3A_1314 : vector<16xi32>
      tpu.vector_store_idx %arg10[%add3A_1315], %gather3A_1312 : memref<1024xf32, #tpu.memory_space<vmem>>[vector<16xi32>], vector<16xf32>,
      %broadcast_in_dim3A_1316 = arith.constant 10 : i32
      %broadcast_in_dim3A_1317 = vector.broadcast %broadcast_in_dim3A_1316 : i32 to vector<16xi32>
      %gather3A_1318 = tpu.vector_load_idx %arg8[%add3A_1253, %get3A_1257, %broadcast_in_dim3A_1317] : memref<32x8x32xf32, #tpu.memory_space<vmem>>[vector<16xi32>, vector<16xi32>, vector<16xi32>], vector<16xf32>,
      %add3A_1319 = arith.constant 10 : i32
      %add3A_1320 = vector.broadcast %add3A_1319 : i32 to vector<16xi32>
      %add3A_1321 = arith.addi %mul3A_5, %add3A_1320 : vector<16xi32>
      tpu.vector_store_idx %arg10[%add3A_1321], %gather3A_1318 : memref<1024xf32, #tpu.memory_space<vmem>>[vector<16xi32>], vector<16xf32>,
      %broadcast_in_dim3A_1322 = arith.constant 11 : i32
      %broadcast_in_dim3A_1323 = vector.broadcast %broadcast_in_dim3A_1322 : i32 to vector<16xi32>
      %gather3A_1324 = tpu.vector_load_idx %arg8[%add3A_1253, %get3A_1257, %broadcast_in_dim3A_1323] : memref<32x8x32xf32, #tpu.memory_space<vmem>>[vector<16xi32>, vector<16xi32>, vector<16xi32>], vector<16xf32>,
      %add3A_1325 = arith.constant 11 : i32
      %add3A_1326 = vector.broadcast %add3A_1325 : i32 to vector<16xi32>
      %add3A_1327 = arith.addi %mul3A_5, %add3A_1326 : vector<16xi32>
      tpu.vector_store_idx %arg10[%add3A_1327], %gather3A_1324 : memref<1024xf32, #tpu.memory_space<vmem>>[vector<16xi32>], vector<16xf32>,
      %broadcast_in_dim3A_1328 = arith.constant 12 : i32
      %broadcast_in_dim3A_1329 = vector.broadcast %broadcast_in_dim3A_1328 : i32 to vector<16xi32>
      %gather3A_1330 = tpu.vector_load_idx %arg8[%add3A_1253, %get3A_1257, %broadcast_in_dim3A_1329] : memref<32x8x32xf32, #tpu.memory_space<vmem>>[vector<16xi32>, vector<16xi32>, vector<16xi32>], vector<16xf32>,
      %add3A_1331 = arith.constant 12 : i32
      %add3A_1332 = vector.broadcast %add3A_1331 : i32 to vector<16xi32>
      %add3A_1333 = arith.addi %mul3A_5, %add3A_1332 : vector<16xi32>
      tpu.vector_store_idx %arg10[%add3A_1333], %gather3A_1330 : memref<1024xf32, #tpu.memory_space<vmem>>[vector<16xi32>], vector<16xf32>,
      %broadcast_in_dim3A_1334 = arith.constant 13 : i32
      %broadcast_in_dim3A_1335 = vector.broadcast %broadcast_in_dim3A_1334 : i32 to vector<16xi32>
      %gather3A_1336 = tpu.vector_load_idx %arg8[%add3A_1253, %get3A_1257, %broadcast_in_dim3A_1335] : memref<32x8x32xf32, #tpu.memory_space<vmem>>[vector<16xi32>, vector<16xi32>, vector<16xi32>], vector<16xf32>,
      %add3A_1337 = arith.constant 13 : i32
      %add3A_1338 = vector.broadcast %add3A_1337 : i32 to vector<16xi32>
      %add3A_1339 = arith.addi %mul3A_5, %add3A_1338 : vector<16xi32>
      tpu.vector_store_idx %arg10[%add3A_1339], %gather3A_1336 : memref<1024xf32, #tpu.memory_space<vmem>>[vector<16xi32>], vector<16xf32>,
      %broadcast_in_dim3A_1340 = arith.constant 14 : i32
      %broadcast_in_dim3A_1341 = vector.broadcast %broadcast_in_dim3A_1340 : i32 to vector<16xi32>
      %gather3A_1342 = tpu.vector_load_idx %arg8[%add3A_1253, %get3A_1257, %broadcast_in_dim3A_1341] : memref<32x8x32xf32, #tpu.memory_space<vmem>>[vector<16xi32>, vector<16xi32>, vector<16xi32>], vector<16xf32>,
      %add3A_1343 = arith.constant 14 : i32
      %add3A_1344 = vector.broadcast %add3A_1343 : i32 to vector<16xi32>
      %add3A_1345 = arith.addi %mul3A_5, %add3A_1344 : vector<16xi32>
      tpu.vector_store_idx %arg10[%add3A_1345], %gather3A_1342 : memref<1024xf32, #tpu.memory_space<vmem>>[vector<16xi32>], vector<16xf32>,
      %broadcast_in_dim3A_1346 = arith.constant 15 : i32
      %broadcast_in_dim3A_1347 = vector.broadcast %broadcast_in_dim3A_1346 : i32 to vector<16xi32>
      %gather3A_1348 = tpu.vector_load_idx %arg8[%add3A_1253, %get3A_1257, %broadcast_in_dim3A_1347] : memref<32x8x32xf32, #tpu.memory_space<vmem>>[vector<16xi32>, vector<16xi32>, vector<16xi32>], vector<16xf32>,
      %add3A_1349 = arith.constant 15 : i32
      %add3A_1350 = vector.broadcast %add3A_1349 : i32 to vector<16xi32>
      %add3A_1351 = arith.addi %mul3A_5, %add3A_1350 : vector<16xi32>
      tpu.vector_store_idx %arg10[%add3A_1351], %gather3A_1348 : memref<1024xf32, #tpu.memory_space<vmem>>[vector<16xi32>], vector<16xf32>,
      %broadcast_in_dim3A_1352 = arith.constant 16 : i32
      %broadcast_in_dim3A_1353 = vector.broadcast %broadcast_in_dim3A_1352 : i32 to vector<16xi32>
      %gather3A_1354 = tpu.vector_load_idx %arg8[%add3A_1253, %get3A_1257, %broadcast_in_dim3A_1353] : memref<32x8x32xf32, #tpu.memory_space<vmem>>[vector<16xi32>, vector<16xi32>, vector<16xi32>], vector<16xf32>,
      %add3A_1355 = arith.constant 16 : i32
      %add3A_1356 = vector.broadcast %add3A_1355 : i32 to vector<16xi32>
      %add3A_1357 = arith.addi %mul3A_5, %add3A_1356 : vector<16xi32>
      tpu.vector_store_idx %arg10[%add3A_1357], %gather3A_1354 : memref<1024xf32, #tpu.memory_space<vmem>>[vector<16xi32>], vector<16xf32>,
      %broadcast_in_dim3A_1358 = arith.constant 17 : i32
      %broadcast_in_dim3A_1359 = vector.broadcast %broadcast_in_dim3A_1358 : i32 to vector<16xi32>
      %gather3A_1360 = tpu.vector_load_idx %arg8[%add3A_1253, %get3A_1257, %broadcast_in_dim3A_1359] : memref<32x8x32xf32, #tpu.memory_space<vmem>>[vector<16xi32>, vector<16xi32>, vector<16xi32>], vector<16xf32>,
      %add3A_1361 = arith.constant 17 : i32
      %add3A_1362 = vector.broadcast %add3A_1361 : i32 to vector<16xi32>
      %add3A_1363 = arith.addi %mul3A_5, %add3A_1362 : vector<16xi32>
      tpu.vector_store_idx %arg10[%add3A_1363], %gather3A_1360 : memref<1024xf32, #tpu.memory_space<vmem>>[vector<16xi32>], vector<16xf32>,
      %broadcast_in_dim3A_1364 = arith.constant 18 : i32
      %broadcast_in_dim3A_1365 = vector.broadcast %broadcast_in_dim3A_1364 : i32 to vector<16xi32>
      %gather3A_1366 = tpu.vector_load_idx %arg8[%add3A_1253, %get3A_1257, %broadcast_in_dim3A_1365] : memref<32x8x32xf32, #tpu.memory_space<vmem>>[vector<16xi32>, vector<16xi32>, vector<16xi32>], vector<16xf32>,
      %add3A_1367 = arith.constant 18 : i32
      %add3A_1368 = vector.broadcast %add3A_1367 : i32 to vector<16xi32>
      %add3A_1369 = arith.addi %mul3A_5, %add3A_1368 : vector<16xi32>
      tpu.vector_store_idx %arg10[%add3A_1369], %gather3A_1366 : memref<1024xf32, #tpu.memory_space<vmem>>[vector<16xi32>], vector<16xf32>,
      %broadcast_in_dim3A_1370 = arith.constant 19 : i32
      %broadcast_in_dim3A_1371 = vector.broadcast %broadcast_in_dim3A_1370 : i32 to vector<16xi32>
      %gather3A_1372 = tpu.vector_load_idx %arg8[%add3A_1253, %get3A_1257, %broadcast_in_dim3A_1371] : memref<32x8x32xf32, #tpu.memory_space<vmem>>[vector<16xi32>, vector<16xi32>, vector<16xi32>], vector<16xf32>,
      %add3A_1373 = arith.constant 19 : i32
      %add3A_1374 = vector.broadcast %add3A_1373 : i32 to vector<16xi32>
      %add3A_1375 = arith.addi %mul3A_5, %add3A_1374 : vector<16xi32>
      tpu.vector_store_idx %arg10[%add3A_1375], %gather3A_1372 : memref<1024xf32, #tpu.memory_space<vmem>>[vector<16xi32>], vector<16xf32>,
      %broadcast_in_dim3A_1376 = arith.constant 20 : i32
      %broadcast_in_dim3A_1377 = vector.broadcast %broadcast_in_dim3A_1376 : i32 to vector<16xi32>
      %gather3A_1378 = tpu.vector_load_idx %arg8[%add3A_1253, %get3A_1257, %broadcast_in_dim3A_1377] : memref<32x8x32xf32, #tpu.memory_space<vmem>>[vector<16xi32>, vector<16xi32>, vector<16xi32>], vector<16xf32>,
      %add3A_1379 = arith.constant 20 : i32
      %add3A_1380 = vector.broadcast %add3A_1379 : i32 to vector<16xi32>
      %add3A_1381 = arith.addi %mul3A_5, %add3A_1380 : vector<16xi32>
      tpu.vector_store_idx %arg10[%add3A_1381], %gather3A_1378 : memref<1024xf32, #tpu.memory_space<vmem>>[vector<16xi32>], vector<16xf32>,
      %broadcast_in_dim3A_1382 = arith.constant 21 : i32
      %broadcast_in_dim3A_1383 = vector.broadcast %broadcast_in_dim3A_1382 : i32 to vector<16xi32>
      %gather3A_1384 = tpu.vector_load_idx %arg8[%add3A_1253, %get3A_1257, %broadcast_in_dim3A_1383] : memref<32x8x32xf32, #tpu.memory_space<vmem>>[vector<16xi32>, vector<16xi32>, vector<16xi32>], vector<16xf32>,
      %add3A_1385 = arith.constant 21 : i32
      %add3A_1386 = vector.broadcast %add3A_1385 : i32 to vector<16xi32>
      %add3A_1387 = arith.addi %mul3A_5, %add3A_1386 : vector<16xi32>
      tpu.vector_store_idx %arg10[%add3A_1387], %gather3A_1384 : memref<1024xf32, #tpu.memory_space<vmem>>[vector<16xi32>], vector<16xf32>,
      %broadcast_in_dim3A_1388 = arith.constant 22 : i32
      %broadcast_in_dim3A_1389 = vector.broadcast %broadcast_in_dim3A_1388 : i32 to vector<16xi32>
      %gather3A_1390 = tpu.vector_load_idx %arg8[%add3A_1253, %get3A_1257, %broadcast_in_dim3A_1389] : memref<32x8x32xf32, #tpu.memory_space<vmem>>[vector<16xi32>, vector<16xi32>, vector<16xi32>], vector<16xf32>,
      %add3A_1391 = arith.constant 22 : i32
      %add3A_1392 = vector.broadcast %add3A_1391 : i32 to vector<16xi32>
      %add3A_1393 = arith.addi %mul3A_5, %add3A_1392 : vector<16xi32>
      tpu.vector_store_idx %arg10[%add3A_1393], %gather3A_1390 : memref<1024xf32, #tpu.memory_space<vmem>>[vector<16xi32>], vector<16xf32>,
      %broadcast_in_dim3A_1394 = arith.constant 23 : i32
      %broadcast_in_dim3A_1395 = vector.broadcast %broadcast_in_dim3A_1394 : i32 to vector<16xi32>
      %gather3A_1396 = tpu.vector_load_idx %arg8[%add3A_1253, %get3A_1257, %broadcast_in_dim3A_1395] : memref<32x8x32xf32, #tpu.memory_space<vmem>>[vector<16xi32>, vector<16xi32>, vector<16xi32>], vector<16xf32>,
      %add3A_1397 = arith.constant 23 : i32
      %add3A_1398 = vector.broadcast %add3A_1397 : i32 to vector<16xi32>
      %add3A_1399 = arith.addi %mul3A_5, %add3A_1398 : vector<16xi32>
      tpu.vector_store_idx %arg10[%add3A_1399], %gather3A_1396 : memref<1024xf32, #tpu.memory_space<vmem>>[vector<16xi32>], vector<16xf32>,
      %broadcast_in_dim3A_1400 = arith.constant 24 : i32
      %broadcast_in_dim3A_1401 = vector.broadcast %broadcast_in_dim3A_1400 : i32 to vector<16xi32>
      %gather3A_1402 = tpu.vector_load_idx %arg8[%add3A_1253, %get3A_1257, %broadcast_in_dim3A_1401] : memref<32x8x32xf32, #tpu.memory_space<vmem>>[vector<16xi32>, vector<16xi32>, vector<16xi32>], vector<16xf32>,
      %add3A_1403 = arith.constant 24 : i32
      %add3A_1404 = vector.broadcast %add3A_1403 : i32 to vector<16xi32>
      %add3A_1405 = arith.addi %mul3A_5, %add3A_1404 : vector<16xi32>
      tpu.vector_store_idx %arg10[%add3A_1405], %gather3A_1402 : memref<1024xf32, #tpu.memory_space<vmem>>[vector<16xi32>], vector<16xf32>,
      %broadcast_in_dim3A_1406 = arith.constant 25 : i32
      %broadcast_in_dim3A_1407 = vector.broadcast %broadcast_in_dim3A_1406 : i32 to vector<16xi32>
      %gather3A_1408 = tpu.vector_load_idx %arg8[%add3A_1253, %get3A_1257, %broadcast_in_dim3A_1407] : memref<32x8x32xf32, #tpu.memory_space<vmem>>[vector<16xi32>, vector<16xi32>, vector<16xi32>], vector<16xf32>,
      %add3A_1409 = arith.constant 25 : i32
      %add3A_1410 = vector.broadcast %add3A_1409 : i32 to vector<16xi32>
      %add3A_1411 = arith.addi %mul3A_5, %add3A_1410 : vector<16xi32>
      tpu.vector_store_idx %arg10[%add3A_1411], %gather3A_1408 : memref<1024xf32, #tpu.memory_space<vmem>>[vector<16xi32>], vector<16xf32>,
      %broadcast_in_dim3A_1412 = arith.constant 26 : i32
      %broadcast_in_dim3A_1413 = vector.broadcast %broadcast_in_dim3A_1412 : i32 to vector<16xi32>
      %gather3A_1414 = tpu.vector_load_idx %arg8[%add3A_1253, %get3A_1257, %broadcast_in_dim3A_1413] : memref<32x8x32xf32, #tpu.memory_space<vmem>>[vector<16xi32>, vector<16xi32>, vector<16xi32>], vector<16xf32>,
      %add3A_1415 = arith.constant 26 : i32
      %add3A_1416 = vector.broadcast %add3A_1415 : i32 to vector<16xi32>
      %add3A_1417 = arith.addi %mul3A_5, %add3A_1416 : vector<16xi32>
      tpu.vector_store_idx %arg10[%add3A_1417], %gather3A_1414 : memref<1024xf32, #tpu.memory_space<vmem>>[vector<16xi32>], vector<16xf32>,
      %broadcast_in_dim3A_1418 = arith.constant 27 : i32
      %broadcast_in_dim3A_1419 = vector.broadcast %broadcast_in_dim3A_1418 : i32 to vector<16xi32>
      %gather3A_1420 = tpu.vector_load_idx %arg8[%add3A_1253, %get3A_1257, %broadcast_in_dim3A_1419] : memref<32x8x32xf32, #tpu.memory_space<vmem>>[vector<16xi32>, vector<16xi32>, vector<16xi32>], vector<16xf32>,
      %add3A_1421 = arith.constant 27 : i32
      %add3A_1422 = vector.broadcast %add3A_1421 : i32 to vector<16xi32>
      %add3A_1423 = arith.addi %mul3A_5, %add3A_1422 : vector<16xi32>
      tpu.vector_store_idx %arg10[%add3A_1423], %gather3A_1420 : memref<1024xf32, #tpu.memory_space<vmem>>[vector<16xi32>], vector<16xf32>,
      %broadcast_in_dim3A_1424 = arith.constant 28 : i32
      %broadcast_in_dim3A_1425 = vector.broadcast %broadcast_in_dim3A_1424 : i32 to vector<16xi32>
      %gather3A_1426 = tpu.vector_load_idx %arg8[%add3A_1253, %get3A_1257, %broadcast_in_dim3A_1425] : memref<32x8x32xf32, #tpu.memory_space<vmem>>[vector<16xi32>, vector<16xi32>, vector<16xi32>], vector<16xf32>,
      %add3A_1427 = arith.constant 28 : i32
      %add3A_1428 = vector.broadcast %add3A_1427 : i32 to vector<16xi32>
      %add3A_1429 = arith.addi %mul3A_5, %add3A_1428 : vector<16xi32>
      tpu.vector_store_idx %arg10[%add3A_1429], %gather3A_1426 : memref<1024xf32, #tpu.memory_space<vmem>>[vector<16xi32>], vector<16xf32>,
      %broadcast_in_dim3A_1430 = arith.constant 29 : i32
      %broadcast_in_dim3A_1431 = vector.broadcast %broadcast_in_dim3A_1430 : i32 to vector<16xi32>
      %gather3A_1432 = tpu.vector_load_idx %arg8[%add3A_1253, %get3A_1257, %broadcast_in_dim3A_1431] : memref<32x8x32xf32, #tpu.memory_space<vmem>>[vector<16xi32>, vector<16xi32>, vector<16xi32>], vector<16xf32>,
      %add3A_1433 = arith.constant 29 : i32
      %add3A_1434 = vector.broadcast %add3A_1433 : i32 to vector<16xi32>
      %add3A_1435 = arith.addi %mul3A_5, %add3A_1434 : vector<16xi32>
      tpu.vector_store_idx %arg10[%add3A_1435], %gather3A_1432 : memref<1024xf32, #tpu.memory_space<vmem>>[vector<16xi32>], vector<16xf32>,
      %broadcast_in_dim3A_1436 = arith.constant 30 : i32
      %broadcast_in_dim3A_1437 = vector.broadcast %broadcast_in_dim3A_1436 : i32 to vector<16xi32>
      %gather3A_1438 = tpu.vector_load_idx %arg8[%add3A_1253, %get3A_1257, %broadcast_in_dim3A_1437] : memref<32x8x32xf32, #tpu.memory_space<vmem>>[vector<16xi32>, vector<16xi32>, vector<16xi32>], vector<16xf32>,
      %add3A_1439 = arith.constant 30 : i32
      %add3A_1440 = vector.broadcast %add3A_1439 : i32 to vector<16xi32>
      %add3A_1441 = arith.addi %mul3A_5, %add3A_1440 : vector<16xi32>
      tpu.vector_store_idx %arg10[%add3A_1441], %gather3A_1438 : memref<1024xf32, #tpu.memory_space<vmem>>[vector<16xi32>], vector<16xf32>,
      %broadcast_in_dim3A_1442 = arith.constant 31 : i32
      %broadcast_in_dim3A_1443 = vector.broadcast %broadcast_in_dim3A_1442 : i32 to vector<16xi32>
      %gather3A_1444 = tpu.vector_load_idx %arg8[%add3A_1253, %get3A_1257, %broadcast_in_dim3A_1443] : memref<32x8x32xf32, #tpu.memory_space<vmem>>[vector<16xi32>, vector<16xi32>, vector<16xi32>], vector<16xf32>,
      %add3A_1445 = arith.constant 31 : i32
      %add3A_1446 = vector.broadcast %add3A_1445 : i32 to vector<16xi32>
      %add3A_1447 = arith.addi %mul3A_5, %add3A_1446 : vector<16xi32>
      tpu.vector_store_idx %arg10[%add3A_1447], %gather3A_1444 : memref<1024xf32, #tpu.memory_space<vmem>>[vector<16xi32>], vector<16xf32>,
      %add3A_1448 = arith.constant 16 : i32
      %add3A_1449 = vector.broadcast %add3A_1448 : i32 to vector<16xi32>
      %add3A_1450 = arith.addi %iota3A, %add3A_1449 : vector<16xi32>
      %add3A_1451 = arith.constant 16 : i32
      %add3A_1452 = arith.addi %mul3A_623, %add3A_1451 : i32
      %get3A_1453 = arith.index_cast %add3A_1452 : i32 to index
      %get3A_1454 = tpu.vector_load %arg7[%get3A_1453] {strides = array<i32>} : memref<3328xi32, #tpu.memory_space<vmem>>, vector<16xi32>,
      %broadcast_in_dim3A_1455 = arith.constant 0 : i32
      %broadcast_in_dim3A_1456 = vector.broadcast %broadcast_in_dim3A_1455 : i32 to vector<16xi32>
      %gather3A_1457 = tpu.vector_load_idx %arg8[%add3A_1450, %get3A_1454, %broadcast_in_dim3A_1456] : memref<32x8x32xf32, #tpu.memory_space<vmem>>[vector<16xi32>, vector<16xi32>, vector<16xi32>], vector<16xf32>,
      %add3A_1458 = arith.constant 512 : i32
      %add3A_1459 = vector.broadcast %add3A_1458 : i32 to vector<16xi32>
      %add3A_1460 = arith.addi %mul3A_5, %add3A_1459 : vector<16xi32>
      tpu.vector_store_idx %arg10[%add3A_1460], %gather3A_1457 : memref<1024xf32, #tpu.memory_space<vmem>>[vector<16xi32>], vector<16xf32>,
      %broadcast_in_dim3A_1461 = arith.constant 1 : i32
      %broadcast_in_dim3A_1462 = vector.broadcast %broadcast_in_dim3A_1461 : i32 to vector<16xi32>
      %gather3A_1463 = tpu.vector_load_idx %arg8[%add3A_1450, %get3A_1454, %broadcast_in_dim3A_1462] : memref<32x8x32xf32, #tpu.memory_space<vmem>>[vector<16xi32>, vector<16xi32>, vector<16xi32>], vector<16xf32>,
      %add3A_1464 = arith.constant 513 : i32
      %add3A_1465 = vector.broadcast %add3A_1464 : i32 to vector<16xi32>
      %add3A_1466 = arith.addi %mul3A_5, %add3A_1465 : vector<16xi32>
      tpu.vector_store_idx %arg10[%add3A_1466], %gather3A_1463 : memref<1024xf32, #tpu.memory_space<vmem>>[vector<16xi32>], vector<16xf32>,
      %broadcast_in_dim3A_1467 = arith.constant 2 : i32
      %broadcast_in_dim3A_1468 = vector.broadcast %broadcast_in_dim3A_1467 : i32 to vector<16xi32>
      %gather3A_1469 = tpu.vector_load_idx %arg8[%add3A_1450, %get3A_1454, %broadcast_in_dim3A_1468] : memref<32x8x32xf32, #tpu.memory_space<vmem>>[vector<16xi32>, vector<16xi32>, vector<16xi32>], vector<16xf32>,
      %add3A_1470 = arith.constant 514 : i32
      %add3A_1471 = vector.broadcast %add3A_1470 : i32 to vector<16xi32>
      %add3A_1472 = arith.addi %mul3A_5, %add3A_1471 : vector<16xi32>
      tpu.vector_store_idx %arg10[%add3A_1472], %gather3A_1469 : memref<1024xf32, #tpu.memory_space<vmem>>[vector<16xi32>], vector<16xf32>,
      %broadcast_in_dim3A_1473 = arith.constant 3 : i32
      %broadcast_in_dim3A_1474 = vector.broadcast %broadcast_in_dim3A_1473 : i32 to vector<16xi32>
      %gather3A_1475 = tpu.vector_load_idx %arg8[%add3A_1450, %get3A_1454, %broadcast_in_dim3A_1474] : memref<32x8x32xf32, #tpu.memory_space<vmem>>[vector<16xi32>, vector<16xi32>, vector<16xi32>], vector<16xf32>,
      %add3A_1476 = arith.constant 515 : i32
      %add3A_1477 = vector.broadcast %add3A_1476 : i32 to vector<16xi32>
      %add3A_1478 = arith.addi %mul3A_5, %add3A_1477 : vector<16xi32>
      tpu.vector_store_idx %arg10[%add3A_1478], %gather3A_1475 : memref<1024xf32, #tpu.memory_space<vmem>>[vector<16xi32>], vector<16xf32>,
      %broadcast_in_dim3A_1479 = arith.constant 4 : i32
      %broadcast_in_dim3A_1480 = vector.broadcast %broadcast_in_dim3A_1479 : i32 to vector<16xi32>
      %gather3A_1481 = tpu.vector_load_idx %arg8[%add3A_1450, %get3A_1454, %broadcast_in_dim3A_1480] : memref<32x8x32xf32, #tpu.memory_space<vmem>>[vector<16xi32>, vector<16xi32>, vector<16xi32>], vector<16xf32>,
      %add3A_1482 = arith.constant 516 : i32
      %add3A_1483 = vector.broadcast %add3A_1482 : i32 to vector<16xi32>
      %add3A_1484 = arith.addi %mul3A_5, %add3A_1483 : vector<16xi32>
      tpu.vector_store_idx %arg10[%add3A_1484], %gather3A_1481 : memref<1024xf32, #tpu.memory_space<vmem>>[vector<16xi32>], vector<16xf32>,
      %broadcast_in_dim3A_1485 = arith.constant 5 : i32
      %broadcast_in_dim3A_1486 = vector.broadcast %broadcast_in_dim3A_1485 : i32 to vector<16xi32>
      %gather3A_1487 = tpu.vector_load_idx %arg8[%add3A_1450, %get3A_1454, %broadcast_in_dim3A_1486] : memref<32x8x32xf32, #tpu.memory_space<vmem>>[vector<16xi32>, vector<16xi32>, vector<16xi32>], vector<16xf32>,
      %add3A_1488 = arith.constant 517 : i32
      %add3A_1489 = vector.broadcast %add3A_1488 : i32 to vector<16xi32>
      %add3A_1490 = arith.addi %mul3A_5, %add3A_1489 : vector<16xi32>
      tpu.vector_store_idx %arg10[%add3A_1490], %gather3A_1487 : memref<1024xf32, #tpu.memory_space<vmem>>[vector<16xi32>], vector<16xf32>,
      %broadcast_in_dim3A_1491 = arith.constant 6 : i32
      %broadcast_in_dim3A_1492 = vector.broadcast %broadcast_in_dim3A_1491 : i32 to vector<16xi32>
      %gather3A_1493 = tpu.vector_load_idx %arg8[%add3A_1450, %get3A_1454, %broadcast_in_dim3A_1492] : memref<32x8x32xf32, #tpu.memory_space<vmem>>[vector<16xi32>, vector<16xi32>, vector<16xi32>], vector<16xf32>,
      %add3A_1494 = arith.constant 518 : i32
      %add3A_1495 = vector.broadcast %add3A_1494 : i32 to vector<16xi32>
      %add3A_1496 = arith.addi %mul3A_5, %add3A_1495 : vector<16xi32>
      tpu.vector_store_idx %arg10[%add3A_1496], %gather3A_1493 : memref<1024xf32, #tpu.memory_space<vmem>>[vector<16xi32>], vector<16xf32>,
      %broadcast_in_dim3A_1497 = arith.constant 7 : i32
      %broadcast_in_dim3A_1498 = vector.broadcast %broadcast_in_dim3A_1497 : i32 to vector<16xi32>
      %gather3A_1499 = tpu.vector_load_idx %arg8[%add3A_1450, %get3A_1454, %broadcast_in_dim3A_1498] : memref<32x8x32xf32, #tpu.memory_space<vmem>>[vector<16xi32>, vector<16xi32>, vector<16xi32>], vector<16xf32>,
      %add3A_1500 = arith.constant 519 : i32
      %add3A_1501 = vector.broadcast %add3A_1500 : i32 to vector<16xi32>
      %add3A_1502 = arith.addi %mul3A_5, %add3A_1501 : vector<16xi32>
      tpu.vector_store_idx %arg10[%add3A_1502], %gather3A_1499 : memref<1024xf32, #tpu.memory_space<vmem>>[vector<16xi32>], vector<16xf32>,
      %broadcast_in_dim3A_1503 = arith.constant 8 : i32
      %broadcast_in_dim3A_1504 = vector.broadcast %broadcast_in_dim3A_1503 : i32 to vector<16xi32>
      %gather3A_1505 = tpu.vector_load_idx %arg8[%add3A_1450, %get3A_1454, %broadcast_in_dim3A_1504] : memref<32x8x32xf32, #tpu.memory_space<vmem>>[vector<16xi32>, vector<16xi32>, vector<16xi32>], vector<16xf32>,
      %add3A_1506 = arith.constant 520 : i32
      %add3A_1507 = vector.broadcast %add3A_1506 : i32 to vector<16xi32>
      %add3A_1508 = arith.addi %mul3A_5, %add3A_1507 : vector<16xi32>
      tpu.vector_store_idx %arg10[%add3A_1508], %gather3A_1505 : memref<1024xf32, #tpu.memory_space<vmem>>[vector<16xi32>], vector<16xf32>,
      %broadcast_in_dim3A_1509 = arith.constant 9 : i32
      %broadcast_in_dim3A_1510 = vector.broadcast %broadcast_in_dim3A_1509 : i32 to vector<16xi32>
      %gather3A_1511 = tpu.vector_load_idx %arg8[%add3A_1450, %get3A_1454, %broadcast_in_dim3A_1510] : memref<32x8x32xf32, #tpu.memory_space<vmem>>[vector<16xi32>, vector<16xi32>, vector<16xi32>], vector<16xf32>,
      %add3A_1512 = arith.constant 521 : i32
      %add3A_1513 = vector.broadcast %add3A_1512 : i32 to vector<16xi32>
      %add3A_1514 = arith.addi %mul3A_5, %add3A_1513 : vector<16xi32>
      tpu.vector_store_idx %arg10[%add3A_1514], %gather3A_1511 : memref<1024xf32, #tpu.memory_space<vmem>>[vector<16xi32>], vector<16xf32>,
      %broadcast_in_dim3A_1515 = arith.constant 10 : i32
      %broadcast_in_dim3A_1516 = vector.broadcast %broadcast_in_dim3A_1515 : i32 to vector<16xi32>
      %gather3A_1517 = tpu.vector_load_idx %arg8[%add3A_1450, %get3A_1454, %broadcast_in_dim3A_1516] : memref<32x8x32xf32, #tpu.memory_space<vmem>>[vector<16xi32>, vector<16xi32>, vector<16xi32>], vector<16xf32>,
      %add3A_1518 = arith.constant 522 : i32
      %add3A_1519 = vector.broadcast %add3A_1518 : i32 to vector<16xi32>
      %add3A_1520 = arith.addi %mul3A_5, %add3A_1519 : vector<16xi32>
      tpu.vector_store_idx %arg10[%add3A_1520], %gather3A_1517 : memref<1024xf32, #tpu.memory_space<vmem>>[vector<16xi32>], vector<16xf32>,
      %broadcast_in_dim3A_1521 = arith.constant 11 : i32
      %broadcast_in_dim3A_1522 = vector.broadcast %broadcast_in_dim3A_1521 : i32 to vector<16xi32>
      %gather3A_1523 = tpu.vector_load_idx %arg8[%add3A_1450, %get3A_1454, %broadcast_in_dim3A_1522] : memref<32x8x32xf32, #tpu.memory_space<vmem>>[vector<16xi32>, vector<16xi32>, vector<16xi32>], vector<16xf32>,
      %add3A_1524 = arith.constant 523 : i32
      %add3A_1525 = vector.broadcast %add3A_1524 : i32 to vector<16xi32>
      %add3A_1526 = arith.addi %mul3A_5, %add3A_1525 : vector<16xi32>
      tpu.vector_store_idx %arg10[%add3A_1526], %gather3A_1523 : memref<1024xf32, #tpu.memory_space<vmem>>[vector<16xi32>], vector<16xf32>,
      %broadcast_in_dim3A_1527 = arith.constant 12 : i32
      %broadcast_in_dim3A_1528 = vector.broadcast %broadcast_in_dim3A_1527 : i32 to vector<16xi32>
      %gather3A_1529 = tpu.vector_load_idx %arg8[%add3A_1450, %get3A_1454, %broadcast_in_dim3A_1528] : memref<32x8x32xf32, #tpu.memory_space<vmem>>[vector<16xi32>, vector<16xi32>, vector<16xi32>], vector<16xf32>,
      %add3A_1530 = arith.constant 524 : i32
      %add3A_1531 = vector.broadcast %add3A_1530 : i32 to vector<16xi32>
      %add3A_1532 = arith.addi %mul3A_5, %add3A_1531 : vector<16xi32>
      tpu.vector_store_idx %arg10[%add3A_1532], %gather3A_1529 : memref<1024xf32, #tpu.memory_space<vmem>>[vector<16xi32>], vector<16xf32>,
      %broadcast_in_dim3A_1533 = arith.constant 13 : i32
      %broadcast_in_dim3A_1534 = vector.broadcast %broadcast_in_dim3A_1533 : i32 to vector<16xi32>
      %gather3A_1535 = tpu.vector_load_idx %arg8[%add3A_1450, %get3A_1454, %broadcast_in_dim3A_1534] : memref<32x8x32xf32, #tpu.memory_space<vmem>>[vector<16xi32>, vector<16xi32>, vector<16xi32>], vector<16xf32>,
      %add3A_1536 = arith.constant 525 : i32
      %add3A_1537 = vector.broadcast %add3A_1536 : i32 to vector<16xi32>
      %add3A_1538 = arith.addi %mul3A_5, %add3A_1537 : vector<16xi32>
      tpu.vector_store_idx %arg10[%add3A_1538], %gather3A_1535 : memref<1024xf32, #tpu.memory_space<vmem>>[vector<16xi32>], vector<16xf32>,
      %broadcast_in_dim3A_1539 = arith.constant 14 : i32
      %broadcast_in_dim3A_1540 = vector.broadcast %broadcast_in_dim3A_1539 : i32 to vector<16xi32>
      %gather3A_1541 = tpu.vector_load_idx %arg8[%add3A_1450, %get3A_1454, %broadcast_in_dim3A_1540] : memref<32x8x32xf32, #tpu.memory_space<vmem>>[vector<16xi32>, vector<16xi32>, vector<16xi32>], vector<16xf32>,
      %add3A_1542 = arith.constant 526 : i32
      %add3A_1543 = vector.broadcast %add3A_1542 : i32 to vector<16xi32>
      %add3A_1544 = arith.addi %mul3A_5, %add3A_1543 : vector<16xi32>
      tpu.vector_store_idx %arg10[%add3A_1544], %gather3A_1541 : memref<1024xf32, #tpu.memory_space<vmem>>[vector<16xi32>], vector<16xf32>,
      %broadcast_in_dim3A_1545 = arith.constant 15 : i32
      %broadcast_in_dim3A_1546 = vector.broadcast %broadcast_in_dim3A_1545 : i32 to vector<16xi32>
      %gather3A_1547 = tpu.vector_load_idx %arg8[%add3A_1450, %get3A_1454, %broadcast_in_dim3A_1546] : memref<32x8x32xf32, #tpu.memory_space<vmem>>[vector<16xi32>, vector<16xi32>, vector<16xi32>], vector<16xf32>,
      %add3A_1548 = arith.constant 527 : i32
      %add3A_1549 = vector.broadcast %add3A_1548 : i32 to vector<16xi32>
      %add3A_1550 = arith.addi %mul3A_5, %add3A_1549 : vector<16xi32>
      tpu.vector_store_idx %arg10[%add3A_1550], %gather3A_1547 : memref<1024xf32, #tpu.memory_space<vmem>>[vector<16xi32>], vector<16xf32>,
      %broadcast_in_dim3A_1551 = arith.constant 16 : i32
      %broadcast_in_dim3A_1552 = vector.broadcast %broadcast_in_dim3A_1551 : i32 to vector<16xi32>
      %gather3A_1553 = tpu.vector_load_idx %arg8[%add3A_1450, %get3A_1454, %broadcast_in_dim3A_1552] : memref<32x8x32xf32, #tpu.memory_space<vmem>>[vector<16xi32>, vector<16xi32>, vector<16xi32>], vector<16xf32>,
      %add3A_1554 = arith.constant 528 : i32
      %add3A_1555 = vector.broadcast %add3A_1554 : i32 to vector<16xi32>
      %add3A_1556 = arith.addi %mul3A_5, %add3A_1555 : vector<16xi32>
      tpu.vector_store_idx %arg10[%add3A_1556], %gather3A_1553 : memref<1024xf32, #tpu.memory_space<vmem>>[vector<16xi32>], vector<16xf32>,
      %broadcast_in_dim3A_1557 = arith.constant 17 : i32
      %broadcast_in_dim3A_1558 = vector.broadcast %broadcast_in_dim3A_1557 : i32 to vector<16xi32>
      %gather3A_1559 = tpu.vector_load_idx %arg8[%add3A_1450, %get3A_1454, %broadcast_in_dim3A_1558] : memref<32x8x32xf32, #tpu.memory_space<vmem>>[vector<16xi32>, vector<16xi32>, vector<16xi32>], vector<16xf32>,
      %add3A_1560 = arith.constant 529 : i32
      %add3A_1561 = vector.broadcast %add3A_1560 : i32 to vector<16xi32>
      %add3A_1562 = arith.addi %mul3A_5, %add3A_1561 : vector<16xi32>
      tpu.vector_store_idx %arg10[%add3A_1562], %gather3A_1559 : memref<1024xf32, #tpu.memory_space<vmem>>[vector<16xi32>], vector<16xf32>,
      %broadcast_in_dim3A_1563 = arith.constant 18 : i32
      %broadcast_in_dim3A_1564 = vector.broadcast %broadcast_in_dim3A_1563 : i32 to vector<16xi32>
      %gather3A_1565 = tpu.vector_load_idx %arg8[%add3A_1450, %get3A_1454, %broadcast_in_dim3A_1564] : memref<32x8x32xf32, #tpu.memory_space<vmem>>[vector<16xi32>, vector<16xi32>, vector<16xi32>], vector<16xf32>,
      %add3A_1566 = arith.constant 530 : i32
      %add3A_1567 = vector.broadcast %add3A_1566 : i32 to vector<16xi32>
      %add3A_1568 = arith.addi %mul3A_5, %add3A_1567 : vector<16xi32>
      tpu.vector_store_idx %arg10[%add3A_1568], %gather3A_1565 : memref<1024xf32, #tpu.memory_space<vmem>>[vector<16xi32>], vector<16xf32>,
      %broadcast_in_dim3A_1569 = arith.constant 19 : i32
      %broadcast_in_dim3A_1570 = vector.broadcast %broadcast_in_dim3A_1569 : i32 to vector<16xi32>
      %gather3A_1571 = tpu.vector_load_idx %arg8[%add3A_1450, %get3A_1454, %broadcast_in_dim3A_1570] : memref<32x8x32xf32, #tpu.memory_space<vmem>>[vector<16xi32>, vector<16xi32>, vector<16xi32>], vector<16xf32>,
      %add3A_1572 = arith.constant 531 : i32
      %add3A_1573 = vector.broadcast %add3A_1572 : i32 to vector<16xi32>
      %add3A_1574 = arith.addi %mul3A_5, %add3A_1573 : vector<16xi32>
      tpu.vector_store_idx %arg10[%add3A_1574], %gather3A_1571 : memref<1024xf32, #tpu.memory_space<vmem>>[vector<16xi32>], vector<16xf32>,
      %broadcast_in_dim3A_1575 = arith.constant 20 : i32
      %broadcast_in_dim3A_1576 = vector.broadcast %broadcast_in_dim3A_1575 : i32 to vector<16xi32>
      %gather3A_1577 = tpu.vector_load_idx %arg8[%add3A_1450, %get3A_1454, %broadcast_in_dim3A_1576] : memref<32x8x32xf32, #tpu.memory_space<vmem>>[vector<16xi32>, vector<16xi32>, vector<16xi32>], vector<16xf32>,
      %add3A_1578 = arith.constant 532 : i32
      %add3A_1579 = vector.broadcast %add3A_1578 : i32 to vector<16xi32>
      %add3A_1580 = arith.addi %mul3A_5, %add3A_1579 : vector<16xi32>
      tpu.vector_store_idx %arg10[%add3A_1580], %gather3A_1577 : memref<1024xf32, #tpu.memory_space<vmem>>[vector<16xi32>], vector<16xf32>,
      %broadcast_in_dim3A_1581 = arith.constant 21 : i32
      %broadcast_in_dim3A_1582 = vector.broadcast %broadcast_in_dim3A_1581 : i32 to vector<16xi32>
      %gather3A_1583 = tpu.vector_load_idx %arg8[%add3A_1450, %get3A_1454, %broadcast_in_dim3A_1582] : memref<32x8x32xf32, #tpu.memory_space<vmem>>[vector<16xi32>, vector<16xi32>, vector<16xi32>], vector<16xf32>,
      %add3A_1584 = arith.constant 533 : i32
      %add3A_1585 = vector.broadcast %add3A_1584 : i32 to vector<16xi32>
      %add3A_1586 = arith.addi %mul3A_5, %add3A_1585 : vector<16xi32>
      tpu.vector_store_idx %arg10[%add3A_1586], %gather3A_1583 : memref<1024xf32, #tpu.memory_space<vmem>>[vector<16xi32>], vector<16xf32>,
      %broadcast_in_dim3A_1587 = arith.constant 22 : i32
      %broadcast_in_dim3A_1588 = vector.broadcast %broadcast_in_dim3A_1587 : i32 to vector<16xi32>
      %gather3A_1589 = tpu.vector_load_idx %arg8[%add3A_1450, %get3A_1454, %broadcast_in_dim3A_1588] : memref<32x8x32xf32, #tpu.memory_space<vmem>>[vector<16xi32>, vector<16xi32>, vector<16xi32>], vector<16xf32>,
      %add3A_1590 = arith.constant 534 : i32
      %add3A_1591 = vector.broadcast %add3A_1590 : i32 to vector<16xi32>
      %add3A_1592 = arith.addi %mul3A_5, %add3A_1591 : vector<16xi32>
      tpu.vector_store_idx %arg10[%add3A_1592], %gather3A_1589 : memref<1024xf32, #tpu.memory_space<vmem>>[vector<16xi32>], vector<16xf32>,
      %broadcast_in_dim3A_1593 = arith.constant 23 : i32
      %broadcast_in_dim3A_1594 = vector.broadcast %broadcast_in_dim3A_1593 : i32 to vector<16xi32>
      %gather3A_1595 = tpu.vector_load_idx %arg8[%add3A_1450, %get3A_1454, %broadcast_in_dim3A_1594] : memref<32x8x32xf32, #tpu.memory_space<vmem>>[vector<16xi32>, vector<16xi32>, vector<16xi32>], vector<16xf32>,
      %add3A_1596 = arith.constant 535 : i32
      %add3A_1597 = vector.broadcast %add3A_1596 : i32 to vector<16xi32>
      %add3A_1598 = arith.addi %mul3A_5, %add3A_1597 : vector<16xi32>
      tpu.vector_store_idx %arg10[%add3A_1598], %gather3A_1595 : memref<1024xf32, #tpu.memory_space<vmem>>[vector<16xi32>], vector<16xf32>,
      %broadcast_in_dim3A_1599 = arith.constant 24 : i32
      %broadcast_in_dim3A_1600 = vector.broadcast %broadcast_in_dim3A_1599 : i32 to vector<16xi32>
      %gather3A_1601 = tpu.vector_load_idx %arg8[%add3A_1450, %get3A_1454, %broadcast_in_dim3A_1600] : memref<32x8x32xf32, #tpu.memory_space<vmem>>[vector<16xi32>, vector<16xi32>, vector<16xi32>], vector<16xf32>,
      %add3A_1602 = arith.constant 536 : i32
      %add3A_1603 = vector.broadcast %add3A_1602 : i32 to vector<16xi32>
      %add3A_1604 = arith.addi %mul3A_5, %add3A_1603 : vector<16xi32>
      tpu.vector_store_idx %arg10[%add3A_1604], %gather3A_1601 : memref<1024xf32, #tpu.memory_space<vmem>>[vector<16xi32>], vector<16xf32>,
      %broadcast_in_dim3A_1605 = arith.constant 25 : i32
      %broadcast_in_dim3A_1606 = vector.broadcast %broadcast_in_dim3A_1605 : i32 to vector<16xi32>
      %gather3A_1607 = tpu.vector_load_idx %arg8[%add3A_1450, %get3A_1454, %broadcast_in_dim3A_1606] : memref<32x8x32xf32, #tpu.memory_space<vmem>>[vector<16xi32>, vector<16xi32>, vector<16xi32>], vector<16xf32>,
      %add3A_1608 = arith.constant 537 : i32
      %add3A_1609 = vector.broadcast %add3A_1608 : i32 to vector<16xi32>
      %add3A_1610 = arith.addi %mul3A_5, %add3A_1609 : vector<16xi32>
      tpu.vector_store_idx %arg10[%add3A_1610], %gather3A_1607 : memref<1024xf32, #tpu.memory_space<vmem>>[vector<16xi32>], vector<16xf32>,
      %broadcast_in_dim3A_1611 = arith.constant 26 : i32
      %broadcast_in_dim3A_1612 = vector.broadcast %broadcast_in_dim3A_1611 : i32 to vector<16xi32>
      %gather3A_1613 = tpu.vector_load_idx %arg8[%add3A_1450, %get3A_1454, %broadcast_in_dim3A_1612] : memref<32x8x32xf32, #tpu.memory_space<vmem>>[vector<16xi32>, vector<16xi32>, vector<16xi32>], vector<16xf32>,
      %add3A_1614 = arith.constant 538 : i32
      %add3A_1615 = vector.broadcast %add3A_1614 : i32 to vector<16xi32>
      %add3A_1616 = arith.addi %mul3A_5, %add3A_1615 : vector<16xi32>
      tpu.vector_store_idx %arg10[%add3A_1616], %gather3A_1613 : memref<1024xf32, #tpu.memory_space<vmem>>[vector<16xi32>], vector<16xf32>,
      %broadcast_in_dim3A_1617 = arith.constant 27 : i32
      %broadcast_in_dim3A_1618 = vector.broadcast %broadcast_in_dim3A_1617 : i32 to vector<16xi32>
      %gather3A_1619 = tpu.vector_load_idx %arg8[%add3A_1450, %get3A_1454, %broadcast_in_dim3A_1618] : memref<32x8x32xf32, #tpu.memory_space<vmem>>[vector<16xi32>, vector<16xi32>, vector<16xi32>], vector<16xf32>,
      %add3A_1620 = arith.constant 539 : i32
      %add3A_1621 = vector.broadcast %add3A_1620 : i32 to vector<16xi32>
      %add3A_1622 = arith.addi %mul3A_5, %add3A_1621 : vector<16xi32>
      tpu.vector_store_idx %arg10[%add3A_1622], %gather3A_1619 : memref<1024xf32, #tpu.memory_space<vmem>>[vector<16xi32>], vector<16xf32>,
      %broadcast_in_dim3A_1623 = arith.constant 28 : i32
      %broadcast_in_dim3A_1624 = vector.broadcast %broadcast_in_dim3A_1623 : i32 to vector<16xi32>
      %gather3A_1625 = tpu.vector_load_idx %arg8[%add3A_1450, %get3A_1454, %broadcast_in_dim3A_1624] : memref<32x8x32xf32, #tpu.memory_space<vmem>>[vector<16xi32>, vector<16xi32>, vector<16xi32>], vector<16xf32>,
      %add3A_1626 = arith.constant 540 : i32
      %add3A_1627 = vector.broadcast %add3A_1626 : i32 to vector<16xi32>
      %add3A_1628 = arith.addi %mul3A_5, %add3A_1627 : vector<16xi32>
      tpu.vector_store_idx %arg10[%add3A_1628], %gather3A_1625 : memref<1024xf32, #tpu.memory_space<vmem>>[vector<16xi32>], vector<16xf32>,
      %broadcast_in_dim3A_1629 = arith.constant 29 : i32
      %broadcast_in_dim3A_1630 = vector.broadcast %broadcast_in_dim3A_1629 : i32 to vector<16xi32>
      %gather3A_1631 = tpu.vector_load_idx %arg8[%add3A_1450, %get3A_1454, %broadcast_in_dim3A_1630] : memref<32x8x32xf32, #tpu.memory_space<vmem>>[vector<16xi32>, vector<16xi32>, vector<16xi32>], vector<16xf32>,
      %add3A_1632 = arith.constant 541 : i32
      %add3A_1633 = vector.broadcast %add3A_1632 : i32 to vector<16xi32>
      %add3A_1634 = arith.addi %mul3A_5, %add3A_1633 : vector<16xi32>
      tpu.vector_store_idx %arg10[%add3A_1634], %gather3A_1631 : memref<1024xf32, #tpu.memory_space<vmem>>[vector<16xi32>], vector<16xf32>,
      %broadcast_in_dim3A_1635 = arith.constant 30 : i32
      %broadcast_in_dim3A_1636 = vector.broadcast %broadcast_in_dim3A_1635 : i32 to vector<16xi32>
      %gather3A_1637 = tpu.vector_load_idx %arg8[%add3A_1450, %get3A_1454, %broadcast_in_dim3A_1636] : memref<32x8x32xf32, #tpu.memory_space<vmem>>[vector<16xi32>, vector<16xi32>, vector<16xi32>], vector<16xf32>,
      %add3A_1638 = arith.constant 542 : i32
      %add3A_1639 = vector.broadcast %add3A_1638 : i32 to vector<16xi32>
      %add3A_1640 = arith.addi %mul3A_5, %add3A_1639 : vector<16xi32>
      tpu.vector_store_idx %arg10[%add3A_1640], %gather3A_1637 : memref<1024xf32, #tpu.memory_space<vmem>>[vector<16xi32>], vector<16xf32>,
      %broadcast_in_dim3A_1641 = arith.constant 31 : i32
      %broadcast_in_dim3A_1642 = vector.broadcast %broadcast_in_dim3A_1641 : i32 to vector<16xi32>
      %gather3A_1643 = tpu.vector_load_idx %arg8[%add3A_1450, %get3A_1454, %broadcast_in_dim3A_1642] : memref<32x8x32xf32, #tpu.memory_space<vmem>>[vector<16xi32>, vector<16xi32>, vector<16xi32>], vector<16xf32>,
      %add3A_1644 = arith.constant 543 : i32
      %add3A_1645 = vector.broadcast %add3A_1644 : i32 to vector<16xi32>
      %add3A_1646 = arith.addi %mul3A_5, %add3A_1645 : vector<16xi32>
      tpu.vector_store_idx %arg10[%add3A_1646], %gather3A_1643 : memref<1024xf32, #tpu.memory_space<vmem>>[vector<16xi32>], vector<16xf32>,
      %add3A_1647 = arith.addi %mul3A_2, %mul3A_623 : i32
      %mul3A_1648 = arith.constant 32 : i32
      %mul3A_1649 = arith.muli %add3A_1647, %mul3A_1648 : i32
      "tpu.region"() ({
        %run_scoped3A = tpu.sem_alloc : memref<!tpu.dma_semaphore, #tpu.memory_space<semaphore_mem>>
        %dma_start3A_2061 = tpu.memref_slice %arg5[%mul3A_1649] : memref<3407872xf32, #tpu.memory_space<hbm>> -> memref<1024xf32, #tpu.memory_space<hbm>>
        %dma_start3A_2062 = tpu.memref_slice %arg5[%mul3A_1649] : memref<3407872xf32, #tpu.memory_space<hbm>> -> memref<1024xf32, #tpu.memory_space<hbm>>
        tpu.enqueue_dma source(%arg10 : memref<1024xf32, #tpu.memory_space<vmem>>) target(%dma_start3A_2062 : memref<1024xf32, #tpu.memory_space<hbm>>) target_semaphore(%run_scoped3A : memref<!tpu.dma_semaphore, #tpu.memory_space<semaphore_mem>>)
        %dma_wait3A_2063 = tpu.memref_slice %arg5[%mul3A_1649] : memref<3407872xf32, #tpu.memory_space<hbm>> -> memref<1024xf32, #tpu.memory_space<hbm>>
        %dma_wait3A_2064 = tpu.memref_slice %arg5[%mul3A_1649] : memref<3407872xf32, #tpu.memory_space<hbm>> -> memref<1024xf32, #tpu.memory_space<hbm>>
        tpu.wait_dma2 semaphore(%run_scoped3A : memref<!tpu.dma_semaphore, #tpu.memory_space<semaphore_mem>>) src(%arg10 : memref<1024xf32, #tpu.memory_space<vmem>>) dst(%dma_wait3A_2064 : memref<1024xf32, #tpu.memory_space<hbm>>)
        tpu.yield
      }) : () -> ()
      %lt3A = arith.constant 3328 : i32
      %lt3A_1650 = arith.cmpi slt, %add3A_627, %lt3A : i32
      %convert_element_type3A = arith.extui %lt3A_1650 : i1 to i32
      %cond3A = arith.constant 0 : i32
      %cond3A_1651 = arith.cmpi ne, %convert_element_type3A, %cond3A : i32
      scf.if %cond3A_1651 {
        %add3A_2061 = arith.constant 0 : i32
        %add3A_2062 = arith.addi %add3A_627, %add3A_2061 : i32
        %get3A_2063 = arith.index_cast %add3A_2062 : i32 to index
        %get3A_2064 = tpu.vector_load %arg6[%get3A_2063] {strides = array<i32>} : memref<3328xi32, #tpu.memory_space<vmem>>, vector<16xi32>,
        %slice3A_2065 = vector.extract_strided_slice %get3A_2064 {offsets = [0], sizes = [1], strides = [1]} : vector<16xi32> to vector<1xi32>
        %squeeze3A_2066 = vector.extract %slice3A_2065[0] : i32 from vector<1xi32>
        %dma_start3A_2067 = arith.constant 0 : i32
        %dma_start3A_2068 = arith.constant 0 : i32
        %dma_start3A_2069 = arith.constant 0 : i32
        %dma_start3A_2070 = tpu.memref_slice %arg8[%dma_start3A_2067, %dma_start3A_2068, %dma_start3A_2069] : memref<32x8x32xf32, #tpu.memory_space<vmem>> -> memref<1x8x32xf32, #tpu.memory_space<vmem>>
        %dma_start3A_2071 = tpu.memref_squeeze %dma_start3A_2070 : memref<1x8x32xf32, #tpu.memory_space<vmem>> -> memref<8x32xf32, #tpu.memory_space<vmem>>
        %dma_start3A_2072 = arith.constant 0 : i32
        %dma_start3A_2073 = arith.constant 0 : i32
        %dma_start3A_2074 = tpu.memref_slice %arg4[%squeeze3A_2066, %dma_start3A_2072, %dma_start3A_2073] : memref<325000x8x32xf32, #tpu.memory_space<hbm>> -> memref<1x8x32xf32, #tpu.memory_space<hbm>>
        %dma_start3A_2075 = tpu.memref_squeeze %dma_start3A_2074 : memref<1x8x32xf32, #tpu.memory_space<hbm>> -> memref<8x32xf32, #tpu.memory_space<hbm>>
        %dma_start3A_2076 = arith.constant 0 : i32
        %dma_start3A_2077 = arith.constant 0 : i32
        %dma_start3A_2078 = tpu.memref_slice %arg8[%dma_start3A_2067, %dma_start3A_2076, %dma_start3A_2077] : memref<32x8x32xf32, #tpu.memory_space<vmem>> -> memref<1x8x32xf32, #tpu.memory_space<vmem>>
        %dma_start3A_2079 = tpu.memref_squeeze %dma_start3A_2078 : memref<1x8x32xf32, #tpu.memory_space<vmem>> -> memref<8x32xf32, #tpu.memory_space<vmem>>
        %dma_start3A_2080 = arith.constant 0 : i32
        %dma_start3A_2081 = arith.constant 0 : i32
        %dma_start3A_2082 = tpu.memref_slice %arg4[%squeeze3A_2066, %dma_start3A_2080, %dma_start3A_2081] : memref<325000x8x32xf32, #tpu.memory_space<hbm>> -> memref<1x8x32xf32, #tpu.memory_space<hbm>>
        %dma_start3A_2083 = tpu.memref_squeeze %dma_start3A_2082 : memref<1x8x32xf32, #tpu.memory_space<hbm>> -> memref<8x32xf32, #tpu.memory_space<hbm>>
        tpu.enqueue_dma source(%dma_start3A_2083 : memref<8x32xf32, #tpu.memory_space<hbm>>) target(%dma_start3A_2079 : memref<8x32xf32, #tpu.memory_space<vmem>>) target_semaphore(%arg12 : memref<!tpu.dma_semaphore, #tpu.memory_space<semaphore_mem>>)
        %slice3A_2084 = vector.extract_strided_slice %get3A_2064 {offsets = [1], sizes = [1], strides = [1]} : vector<16xi32> to vector<1xi32>
        %squeeze3A_2085 = vector.extract %slice3A_2084[0] : i32 from vector<1xi32>
        %dma_start3A_2086 = arith.constant 1 : i32
        %dma_start3A_2087 = arith.constant 0 : i32
        %dma_start3A_2088 = arith.constant 0 : i32
        %dma_start3A_2089 = tpu.memref_slice %arg8[%dma_start3A_2086, %dma_start3A_2087, %dma_start3A_2088] : memref<32x8x32xf32, #tpu.memory_space<vmem>> -> memref<1x8x32xf32, #tpu.memory_space<vmem>>
        %dma_start3A_2090 = tpu.memref_squeeze %dma_start3A_2089 : memref<1x8x32xf32, #tpu.memory_space<vmem>> -> memref<8x32xf32, #tpu.memory_space<vmem>>
        %dma_start3A_2091 = arith.constant 0 : i32
        %dma_start3A_2092 = arith.constant 0 : i32
        %dma_start3A_2093 = tpu.memref_slice %arg4[%squeeze3A_2085, %dma_start3A_2091, %dma_start3A_2092] : memref<325000x8x32xf32, #tpu.memory_space<hbm>> -> memref<1x8x32xf32, #tpu.memory_space<hbm>>
        %dma_start3A_2094 = tpu.memref_squeeze %dma_start3A_2093 : memref<1x8x32xf32, #tpu.memory_space<hbm>> -> memref<8x32xf32, #tpu.memory_space<hbm>>
        %dma_start3A_2095 = arith.constant 0 : i32
        %dma_start3A_2096 = arith.constant 0 : i32
        %dma_start3A_2097 = tpu.memref_slice %arg8[%dma_start3A_2086, %dma_start3A_2095, %dma_start3A_2096] : memref<32x8x32xf32, #tpu.memory_space<vmem>> -> memref<1x8x32xf32, #tpu.memory_space<vmem>>
        %dma_start3A_2098 = tpu.memref_squeeze %dma_start3A_2097 : memref<1x8x32xf32, #tpu.memory_space<vmem>> -> memref<8x32xf32, #tpu.memory_space<vmem>>
        %dma_start3A_2099 = arith.constant 0 : i32
        %dma_start3A_2100 = arith.constant 0 : i32
        %dma_start3A_2101 = tpu.memref_slice %arg4[%squeeze3A_2085, %dma_start3A_2099, %dma_start3A_2100] : memref<325000x8x32xf32, #tpu.memory_space<hbm>> -> memref<1x8x32xf32, #tpu.memory_space<hbm>>
        %dma_start3A_2102 = tpu.memref_squeeze %dma_start3A_2101 : memref<1x8x32xf32, #tpu.memory_space<hbm>> -> memref<8x32xf32, #tpu.memory_space<hbm>>
        tpu.enqueue_dma source(%dma_start3A_2102 : memref<8x32xf32, #tpu.memory_space<hbm>>) target(%dma_start3A_2098 : memref<8x32xf32, #tpu.memory_space<vmem>>) target_semaphore(%arg12 : memref<!tpu.dma_semaphore, #tpu.memory_space<semaphore_mem>>)
        %slice3A_2103 = vector.extract_strided_slice %get3A_2064 {offsets = [2], sizes = [1], strides = [1]} : vector<16xi32> to vector<1xi32>
        %squeeze3A_2104 = vector.extract %slice3A_2103[0] : i32 from vector<1xi32>
        %dma_start3A_2105 = arith.constant 2 : i32
        %dma_start3A_2106 = arith.constant 0 : i32
        %dma_start3A_2107 = arith.constant 0 : i32
        %dma_start3A_2108 = tpu.memref_slice %arg8[%dma_start3A_2105, %dma_start3A_2106, %dma_start3A_2107] : memref<32x8x32xf32, #tpu.memory_space<vmem>> -> memref<1x8x32xf32, #tpu.memory_space<vmem>>
        %dma_start3A_2109 = tpu.memref_squeeze %dma_start3A_2108 : memref<1x8x32xf32, #tpu.memory_space<vmem>> -> memref<8x32xf32, #tpu.memory_space<vmem>>
        %dma_start3A_2110 = arith.constant 0 : i32
        %dma_start3A_2111 = arith.constant 0 : i32
        %dma_start3A_2112 = tpu.memref_slice %arg4[%squeeze3A_2104, %dma_start3A_2110, %dma_start3A_2111] : memref<325000x8x32xf32, #tpu.memory_space<hbm>> -> memref<1x8x32xf32, #tpu.memory_space<hbm>>
        %dma_start3A_2113 = tpu.memref_squeeze %dma_start3A_2112 : memref<1x8x32xf32, #tpu.memory_space<hbm>> -> memref<8x32xf32, #tpu.memory_space<hbm>>
        %dma_start3A_2114 = arith.constant 0 : i32
        %dma_start3A_2115 = arith.constant 0 : i32
        %dma_start3A_2116 = tpu.memref_slice %arg8[%dma_start3A_2105, %dma_start3A_2114, %dma_start3A_2115] : memref<32x8x32xf32, #tpu.memory_space<vmem>> -> memref<1x8x32xf32, #tpu.memory_space<vmem>>
        %dma_start3A_2117 = tpu.memref_squeeze %dma_start3A_2116 : memref<1x8x32xf32, #tpu.memory_space<vmem>> -> memref<8x32xf32, #tpu.memory_space<vmem>>
        %dma_start3A_2118 = arith.constant 0 : i32
        %dma_start3A_2119 = arith.constant 0 : i32
        %dma_start3A_2120 = tpu.memref_slice %arg4[%squeeze3A_2104, %dma_start3A_2118, %dma_start3A_2119] : memref<325000x8x32xf32, #tpu.memory_space<hbm>> -> memref<1x8x32xf32, #tpu.memory_space<hbm>>
        %dma_start3A_2121 = tpu.memref_squeeze %dma_start3A_2120 : memref<1x8x32xf32, #tpu.memory_space<hbm>> -> memref<8x32xf32, #tpu.memory_space<hbm>>
        tpu.enqueue_dma source(%dma_start3A_2121 : memref<8x32xf32, #tpu.memory_space<hbm>>) target(%dma_start3A_2117 : memref<8x32xf32, #tpu.memory_space<vmem>>) target_semaphore(%arg12 : memref<!tpu.dma_semaphore, #tpu.memory_space<semaphore_mem>>)
        %slice3A_2122 = vector.extract_strided_slice %get3A_2064 {offsets = [3], sizes = [1], strides = [1]} : vector<16xi32> to vector<1xi32>
        %squeeze3A_2123 = vector.extract %slice3A_2122[0] : i32 from vector<1xi32>
        %dma_start3A_2124 = arith.constant 3 : i32
        %dma_start3A_2125 = arith.constant 0 : i32
        %dma_start3A_2126 = arith.constant 0 : i32
        %dma_start3A_2127 = tpu.memref_slice %arg8[%dma_start3A_2124, %dma_start3A_2125, %dma_start3A_2126] : memref<32x8x32xf32, #tpu.memory_space<vmem>> -> memref<1x8x32xf32, #tpu.memory_space<vmem>>
        %dma_start3A_2128 = tpu.memref_squeeze %dma_start3A_2127 : memref<1x8x32xf32, #tpu.memory_space<vmem>> -> memref<8x32xf32, #tpu.memory_space<vmem>>
        %dma_start3A_2129 = arith.constant 0 : i32
        %dma_start3A_2130 = arith.constant 0 : i32
        %dma_start3A_2131 = tpu.memref_slice %arg4[%squeeze3A_2123, %dma_start3A_2129, %dma_start3A_2130] : memref<325000x8x32xf32, #tpu.memory_space<hbm>> -> memref<1x8x32xf32, #tpu.memory_space<hbm>>
        %dma_start3A_2132 = tpu.memref_squeeze %dma_start3A_2131 : memref<1x8x32xf32, #tpu.memory_space<hbm>> -> memref<8x32xf32, #tpu.memory_space<hbm>>
        %dma_start3A_2133 = arith.constant 0 : i32
        %dma_start3A_2134 = arith.constant 0 : i32
        %dma_start3A_2135 = tpu.memref_slice %arg8[%dma_start3A_2124, %dma_start3A_2133, %dma_start3A_2134] : memref<32x8x32xf32, #tpu.memory_space<vmem>> -> memref<1x8x32xf32, #tpu.memory_space<vmem>>
        %dma_start3A_2136 = tpu.memref_squeeze %dma_start3A_2135 : memref<1x8x32xf32, #tpu.memory_space<vmem>> -> memref<8x32xf32, #tpu.memory_space<vmem>>
        %dma_start3A_2137 = arith.constant 0 : i32
        %dma_start3A_2138 = arith.constant 0 : i32
        %dma_start3A_2139 = tpu.memref_slice %arg4[%squeeze3A_2123, %dma_start3A_2137, %dma_start3A_2138] : memref<325000x8x32xf32, #tpu.memory_space<hbm>> -> memref<1x8x32xf32, #tpu.memory_space<hbm>>
        %dma_start3A_2140 = tpu.memref_squeeze %dma_start3A_2139 : memref<1x8x32xf32, #tpu.memory_space<hbm>> -> memref<8x32xf32, #tpu.memory_space<hbm>>
        tpu.enqueue_dma source(%dma_start3A_2140 : memref<8x32xf32, #tpu.memory_space<hbm>>) target(%dma_start3A_2136 : memref<8x32xf32, #tpu.memory_space<vmem>>) target_semaphore(%arg12 : memref<!tpu.dma_semaphore, #tpu.memory_space<semaphore_mem>>)
        %slice3A_2141 = vector.extract_strided_slice %get3A_2064 {offsets = [4], sizes = [1], strides = [1]} : vector<16xi32> to vector<1xi32>
        %squeeze3A_2142 = vector.extract %slice3A_2141[0] : i32 from vector<1xi32>
        %dma_start3A_2143 = arith.constant 4 : i32
        %dma_start3A_2144 = arith.constant 0 : i32
        %dma_start3A_2145 = arith.constant 0 : i32
        %dma_start3A_2146 = tpu.memref_slice %arg8[%dma_start3A_2143, %dma_start3A_2144, %dma_start3A_2145] : memref<32x8x32xf32, #tpu.memory_space<vmem>> -> memref<1x8x32xf32, #tpu.memory_space<vmem>>
        %dma_start3A_2147 = tpu.memref_squeeze %dma_start3A_2146 : memref<1x8x32xf32, #tpu.memory_space<vmem>> -> memref<8x32xf32, #tpu.memory_space<vmem>>
        %dma_start3A_2148 = arith.constant 0 : i32
        %dma_start3A_2149 = arith.constant 0 : i32
        %dma_start3A_2150 = tpu.memref_slice %arg4[%squeeze3A_2142, %dma_start3A_2148, %dma_start3A_2149] : memref<325000x8x32xf32, #tpu.memory_space<hbm>> -> memref<1x8x32xf32, #tpu.memory_space<hbm>>
        %dma_start3A_2151 = tpu.memref_squeeze %dma_start3A_2150 : memref<1x8x32xf32, #tpu.memory_space<hbm>> -> memref<8x32xf32, #tpu.memory_space<hbm>>
        %dma_start3A_2152 = arith.constant 0 : i32
        %dma_start3A_2153 = arith.constant 0 : i32
        %dma_start3A_2154 = tpu.memref_slice %arg8[%dma_start3A_2143, %dma_start3A_2152, %dma_start3A_2153] : memref<32x8x32xf32, #tpu.memory_space<vmem>> -> memref<1x8x32xf32, #tpu.memory_space<vmem>>
        %dma_start3A_2155 = tpu.memref_squeeze %dma_start3A_2154 : memref<1x8x32xf32, #tpu.memory_space<vmem>> -> memref<8x32xf32, #tpu.memory_space<vmem>>
        %dma_start3A_2156 = arith.constant 0 : i32
        %dma_start3A_2157 = arith.constant 0 : i32
        %dma_start3A_2158 = tpu.memref_slice %arg4[%squeeze3A_2142, %dma_start3A_2156, %dma_start3A_2157] : memref<325000x8x32xf32, #tpu.memory_space<hbm>> -> memref<1x8x32xf32, #tpu.memory_space<hbm>>
        %dma_start3A_2159 = tpu.memref_squeeze %dma_start3A_2158 : memref<1x8x32xf32, #tpu.memory_space<hbm>> -> memref<8x32xf32, #tpu.memory_space<hbm>>
        tpu.enqueue_dma source(%dma_start3A_2159 : memref<8x32xf32, #tpu.memory_space<hbm>>) target(%dma_start3A_2155 : memref<8x32xf32, #tpu.memory_space<vmem>>) target_semaphore(%arg12 : memref<!tpu.dma_semaphore, #tpu.memory_space<semaphore_mem>>)
        %slice3A_2160 = vector.extract_strided_slice %get3A_2064 {offsets = [5], sizes = [1], strides = [1]} : vector<16xi32> to vector<1xi32>
        %squeeze3A_2161 = vector.extract %slice3A_2160[0] : i32 from vector<1xi32>
        %dma_start3A_2162 = arith.constant 5 : i32
        %dma_start3A_2163 = arith.constant 0 : i32
        %dma_start3A_2164 = arith.constant 0 : i32
        %dma_start3A_2165 = tpu.memref_slice %arg8[%dma_start3A_2162, %dma_start3A_2163, %dma_start3A_2164] : memref<32x8x32xf32, #tpu.memory_space<vmem>> -> memref<1x8x32xf32, #tpu.memory_space<vmem>>
        %dma_start3A_2166 = tpu.memref_squeeze %dma_start3A_2165 : memref<1x8x32xf32, #tpu.memory_space<vmem>> -> memref<8x32xf32, #tpu.memory_space<vmem>>
        %dma_start3A_2167 = arith.constant 0 : i32
        %dma_start3A_2168 = arith.constant 0 : i32
        %dma_start3A_2169 = tpu.memref_slice %arg4[%squeeze3A_2161, %dma_start3A_2167, %dma_start3A_2168] : memref<325000x8x32xf32, #tpu.memory_space<hbm>> -> memref<1x8x32xf32, #tpu.memory_space<hbm>>
        %dma_start3A_2170 = tpu.memref_squeeze %dma_start3A_2169 : memref<1x8x32xf32, #tpu.memory_space<hbm>> -> memref<8x32xf32, #tpu.memory_space<hbm>>
        %dma_start3A_2171 = arith.constant 0 : i32
        %dma_start3A_2172 = arith.constant 0 : i32
        %dma_start3A_2173 = tpu.memref_slice %arg8[%dma_start3A_2162, %dma_start3A_2171, %dma_start3A_2172] : memref<32x8x32xf32, #tpu.memory_space<vmem>> -> memref<1x8x32xf32, #tpu.memory_space<vmem>>
        %dma_start3A_2174 = tpu.memref_squeeze %dma_start3A_2173 : memref<1x8x32xf32, #tpu.memory_space<vmem>> -> memref<8x32xf32, #tpu.memory_space<vmem>>
        %dma_start3A_2175 = arith.constant 0 : i32
        %dma_start3A_2176 = arith.constant 0 : i32
        %dma_start3A_2177 = tpu.memref_slice %arg4[%squeeze3A_2161, %dma_start3A_2175, %dma_start3A_2176] : memref<325000x8x32xf32, #tpu.memory_space<hbm>> -> memref<1x8x32xf32, #tpu.memory_space<hbm>>
        %dma_start3A_2178 = tpu.memref_squeeze %dma_start3A_2177 : memref<1x8x32xf32, #tpu.memory_space<hbm>> -> memref<8x32xf32, #tpu.memory_space<hbm>>
        tpu.enqueue_dma source(%dma_start3A_2178 : memref<8x32xf32, #tpu.memory_space<hbm>>) target(%dma_start3A_2174 : memref<8x32xf32, #tpu.memory_space<vmem>>) target_semaphore(%arg12 : memref<!tpu.dma_semaphore, #tpu.memory_space<semaphore_mem>>)
        %slice3A_2179 = vector.extract_strided_slice %get3A_2064 {offsets = [6], sizes = [1], strides = [1]} : vector<16xi32> to vector<1xi32>
        %squeeze3A_2180 = vector.extract %slice3A_2179[0] : i32 from vector<1xi32>
        %dma_start3A_2181 = arith.constant 6 : i32
        %dma_start3A_2182 = arith.constant 0 : i32
        %dma_start3A_2183 = arith.constant 0 : i32
        %dma_start3A_2184 = tpu.memref_slice %arg8[%dma_start3A_2181, %dma_start3A_2182, %dma_start3A_2183] : memref<32x8x32xf32, #tpu.memory_space<vmem>> -> memref<1x8x32xf32, #tpu.memory_space<vmem>>
        %dma_start3A_2185 = tpu.memref_squeeze %dma_start3A_2184 : memref<1x8x32xf32, #tpu.memory_space<vmem>> -> memref<8x32xf32, #tpu.memory_space<vmem>>
        %dma_start3A_2186 = arith.constant 0 : i32
        %dma_start3A_2187 = arith.constant 0 : i32
        %dma_start3A_2188 = tpu.memref_slice %arg4[%squeeze3A_2180, %dma_start3A_2186, %dma_start3A_2187] : memref<325000x8x32xf32, #tpu.memory_space<hbm>> -> memref<1x8x32xf32, #tpu.memory_space<hbm>>
        %dma_start3A_2189 = tpu.memref_squeeze %dma_start3A_2188 : memref<1x8x32xf32, #tpu.memory_space<hbm>> -> memref<8x32xf32, #tpu.memory_space<hbm>>
        %dma_start3A_2190 = arith.constant 0 : i32
        %dma_start3A_2191 = arith.constant 0 : i32
        %dma_start3A_2192 = tpu.memref_slice %arg8[%dma_start3A_2181, %dma_start3A_2190, %dma_start3A_2191] : memref<32x8x32xf32, #tpu.memory_space<vmem>> -> memref<1x8x32xf32, #tpu.memory_space<vmem>>
        %dma_start3A_2193 = tpu.memref_squeeze %dma_start3A_2192 : memref<1x8x32xf32, #tpu.memory_space<vmem>> -> memref<8x32xf32, #tpu.memory_space<vmem>>
        %dma_start3A_2194 = arith.constant 0 : i32
        %dma_start3A_2195 = arith.constant 0 : i32
        %dma_start3A_2196 = tpu.memref_slice %arg4[%squeeze3A_2180, %dma_start3A_2194, %dma_start3A_2195] : memref<325000x8x32xf32, #tpu.memory_space<hbm>> -> memref<1x8x32xf32, #tpu.memory_space<hbm>>
        %dma_start3A_2197 = tpu.memref_squeeze %dma_start3A_2196 : memref<1x8x32xf32, #tpu.memory_space<hbm>> -> memref<8x32xf32, #tpu.memory_space<hbm>>
        tpu.enqueue_dma source(%dma_start3A_2197 : memref<8x32xf32, #tpu.memory_space<hbm>>) target(%dma_start3A_2193 : memref<8x32xf32, #tpu.memory_space<vmem>>) target_semaphore(%arg12 : memref<!tpu.dma_semaphore, #tpu.memory_space<semaphore_mem>>)
        %slice3A_2198 = vector.extract_strided_slice %get3A_2064 {offsets = [7], sizes = [1], strides = [1]} : vector<16xi32> to vector<1xi32>
        %squeeze3A_2199 = vector.extract %slice3A_2198[0] : i32 from vector<1xi32>
        %dma_start3A_2200 = arith.constant 7 : i32
        %dma_start3A_2201 = arith.constant 0 : i32
        %dma_start3A_2202 = arith.constant 0 : i32
        %dma_start3A_2203 = tpu.memref_slice %arg8[%dma_start3A_2200, %dma_start3A_2201, %dma_start3A_2202] : memref<32x8x32xf32, #tpu.memory_space<vmem>> -> memref<1x8x32xf32, #tpu.memory_space<vmem>>
        %dma_start3A_2204 = tpu.memref_squeeze %dma_start3A_2203 : memref<1x8x32xf32, #tpu.memory_space<vmem>> -> memref<8x32xf32, #tpu.memory_space<vmem>>
        %dma_start3A_2205 = arith.constant 0 : i32
        %dma_start3A_2206 = arith.constant 0 : i32
        %dma_start3A_2207 = tpu.memref_slice %arg4[%squeeze3A_2199, %dma_start3A_2205, %dma_start3A_2206] : memref<325000x8x32xf32, #tpu.memory_space<hbm>> -> memref<1x8x32xf32, #tpu.memory_space<hbm>>
        %dma_start3A_2208 = tpu.memref_squeeze %dma_start3A_2207 : memref<1x8x32xf32, #tpu.memory_space<hbm>> -> memref<8x32xf32, #tpu.memory_space<hbm>>
        %dma_start3A_2209 = arith.constant 0 : i32
        %dma_start3A_2210 = arith.constant 0 : i32
        %dma_start3A_2211 = tpu.memref_slice %arg8[%dma_start3A_2200, %dma_start3A_2209, %dma_start3A_2210] : memref<32x8x32xf32, #tpu.memory_space<vmem>> -> memref<1x8x32xf32, #tpu.memory_space<vmem>>
        %dma_start3A_2212 = tpu.memref_squeeze %dma_start3A_2211 : memref<1x8x32xf32, #tpu.memory_space<vmem>> -> memref<8x32xf32, #tpu.memory_space<vmem>>
        %dma_start3A_2213 = arith.constant 0 : i32
        %dma_start3A_2214 = arith.constant 0 : i32
        %dma_start3A_2215 = tpu.memref_slice %arg4[%squeeze3A_2199, %dma_start3A_2213, %dma_start3A_2214] : memref<325000x8x32xf32, #tpu.memory_space<hbm>> -> memref<1x8x32xf32, #tpu.memory_space<hbm>>
        %dma_start3A_2216 = tpu.memref_squeeze %dma_start3A_2215 : memref<1x8x32xf32, #tpu.memory_space<hbm>> -> memref<8x32xf32, #tpu.memory_space<hbm>>
        tpu.enqueue_dma source(%dma_start3A_2216 : memref<8x32xf32, #tpu.memory_space<hbm>>) target(%dma_start3A_2212 : memref<8x32xf32, #tpu.memory_space<vmem>>) target_semaphore(%arg12 : memref<!tpu.dma_semaphore, #tpu.memory_space<semaphore_mem>>)
        %slice3A_2217 = vector.extract_strided_slice %get3A_2064 {offsets = [8], sizes = [1], strides = [1]} : vector<16xi32> to vector<1xi32>
        %squeeze3A_2218 = vector.extract %slice3A_2217[0] : i32 from vector<1xi32>
        %dma_start3A_2219 = arith.constant 8 : i32
        %dma_start3A_2220 = arith.constant 0 : i32
        %dma_start3A_2221 = arith.constant 0 : i32
        %dma_start3A_2222 = tpu.memref_slice %arg8[%dma_start3A_2219, %dma_start3A_2220, %dma_start3A_2221] : memref<32x8x32xf32, #tpu.memory_space<vmem>> -> memref<1x8x32xf32, #tpu.memory_space<vmem>>
        %dma_start3A_2223 = tpu.memref_squeeze %dma_start3A_2222 : memref<1x8x32xf32, #tpu.memory_space<vmem>> -> memref<8x32xf32, #tpu.memory_space<vmem>>
        %dma_start3A_2224 = arith.constant 0 : i32
        %dma_start3A_2225 = arith.constant 0 : i32
        %dma_start3A_2226 = tpu.memref_slice %arg4[%squeeze3A_2218, %dma_start3A_2224, %dma_start3A_2225] : memref<325000x8x32xf32, #tpu.memory_space<hbm>> -> memref<1x8x32xf32, #tpu.memory_space<hbm>>
        %dma_start3A_2227 = tpu.memref_squeeze %dma_start3A_2226 : memref<1x8x32xf32, #tpu.memory_space<hbm>> -> memref<8x32xf32, #tpu.memory_space<hbm>>
        %dma_start3A_2228 = arith.constant 0 : i32
        %dma_start3A_2229 = arith.constant 0 : i32
        %dma_start3A_2230 = tpu.memref_slice %arg8[%dma_start3A_2219, %dma_start3A_2228, %dma_start3A_2229] : memref<32x8x32xf32, #tpu.memory_space<vmem>> -> memref<1x8x32xf32, #tpu.memory_space<vmem>>
        %dma_start3A_2231 = tpu.memref_squeeze %dma_start3A_2230 : memref<1x8x32xf32, #tpu.memory_space<vmem>> -> memref<8x32xf32, #tpu.memory_space<vmem>>
        %dma_start3A_2232 = arith.constant 0 : i32
        %dma_start3A_2233 = arith.constant 0 : i32
        %dma_start3A_2234 = tpu.memref_slice %arg4[%squeeze3A_2218, %dma_start3A_2232, %dma_start3A_2233] : memref<325000x8x32xf32, #tpu.memory_space<hbm>> -> memref<1x8x32xf32, #tpu.memory_space<hbm>>
        %dma_start3A_2235 = tpu.memref_squeeze %dma_start3A_2234 : memref<1x8x32xf32, #tpu.memory_space<hbm>> -> memref<8x32xf32, #tpu.memory_space<hbm>>
        tpu.enqueue_dma source(%dma_start3A_2235 : memref<8x32xf32, #tpu.memory_space<hbm>>) target(%dma_start3A_2231 : memref<8x32xf32, #tpu.memory_space<vmem>>) target_semaphore(%arg12 : memref<!tpu.dma_semaphore, #tpu.memory_space<semaphore_mem>>)
        %slice3A_2236 = vector.extract_strided_slice %get3A_2064 {offsets = [9], sizes = [1], strides = [1]} : vector<16xi32> to vector<1xi32>
        %squeeze3A_2237 = vector.extract %slice3A_2236[0] : i32 from vector<1xi32>
        %dma_start3A_2238 = arith.constant 9 : i32
        %dma_start3A_2239 = arith.constant 0 : i32
        %dma_start3A_2240 = arith.constant 0 : i32
        %dma_start3A_2241 = tpu.memref_slice %arg8[%dma_start3A_2238, %dma_start3A_2239, %dma_start3A_2240] : memref<32x8x32xf32, #tpu.memory_space<vmem>> -> memref<1x8x32xf32, #tpu.memory_space<vmem>>
        %dma_start3A_2242 = tpu.memref_squeeze %dma_start3A_2241 : memref<1x8x32xf32, #tpu.memory_space<vmem>> -> memref<8x32xf32, #tpu.memory_space<vmem>>
        %dma_start3A_2243 = arith.constant 0 : i32
        %dma_start3A_2244 = arith.constant 0 : i32
        %dma_start3A_2245 = tpu.memref_slice %arg4[%squeeze3A_2237, %dma_start3A_2243, %dma_start3A_2244] : memref<325000x8x32xf32, #tpu.memory_space<hbm>> -> memref<1x8x32xf32, #tpu.memory_space<hbm>>
        %dma_start3A_2246 = tpu.memref_squeeze %dma_start3A_2245 : memref<1x8x32xf32, #tpu.memory_space<hbm>> -> memref<8x32xf32, #tpu.memory_space<hbm>>
        %dma_start3A_2247 = arith.constant 0 : i32
        %dma_start3A_2248 = arith.constant 0 : i32
        %dma_start3A_2249 = tpu.memref_slice %arg8[%dma_start3A_2238, %dma_start3A_2247, %dma_start3A_2248] : memref<32x8x32xf32, #tpu.memory_space<vmem>> -> memref<1x8x32xf32, #tpu.memory_space<vmem>>
        %dma_start3A_2250 = tpu.memref_squeeze %dma_start3A_2249 : memref<1x8x32xf32, #tpu.memory_space<vmem>> -> memref<8x32xf32, #tpu.memory_space<vmem>>
        %dma_start3A_2251 = arith.constant 0 : i32
        %dma_start3A_2252 = arith.constant 0 : i32
        %dma_start3A_2253 = tpu.memref_slice %arg4[%squeeze3A_2237, %dma_start3A_2251, %dma_start3A_2252] : memref<325000x8x32xf32, #tpu.memory_space<hbm>> -> memref<1x8x32xf32, #tpu.memory_space<hbm>>
        %dma_start3A_2254 = tpu.memref_squeeze %dma_start3A_2253 : memref<1x8x32xf32, #tpu.memory_space<hbm>> -> memref<8x32xf32, #tpu.memory_space<hbm>>
        tpu.enqueue_dma source(%dma_start3A_2254 : memref<8x32xf32, #tpu.memory_space<hbm>>) target(%dma_start3A_2250 : memref<8x32xf32, #tpu.memory_space<vmem>>) target_semaphore(%arg12 : memref<!tpu.dma_semaphore, #tpu.memory_space<semaphore_mem>>)
        %slice3A_2255 = vector.extract_strided_slice %get3A_2064 {offsets = [10], sizes = [1], strides = [1]} : vector<16xi32> to vector<1xi32>
        %squeeze3A_2256 = vector.extract %slice3A_2255[0] : i32 from vector<1xi32>
        %dma_start3A_2257 = arith.constant 10 : i32
        %dma_start3A_2258 = arith.constant 0 : i32
        %dma_start3A_2259 = arith.constant 0 : i32
        %dma_start3A_2260 = tpu.memref_slice %arg8[%dma_start3A_2257, %dma_start3A_2258, %dma_start3A_2259] : memref<32x8x32xf32, #tpu.memory_space<vmem>> -> memref<1x8x32xf32, #tpu.memory_space<vmem>>
        %dma_start3A_2261 = tpu.memref_squeeze %dma_start3A_2260 : memref<1x8x32xf32, #tpu.memory_space<vmem>> -> memref<8x32xf32, #tpu.memory_space<vmem>>
        %dma_start3A_2262 = arith.constant 0 : i32
        %dma_start3A_2263 = arith.constant 0 : i32
        %dma_start3A_2264 = tpu.memref_slice %arg4[%squeeze3A_2256, %dma_start3A_2262, %dma_start3A_2263] : memref<325000x8x32xf32, #tpu.memory_space<hbm>> -> memref<1x8x32xf32, #tpu.memory_space<hbm>>
        %dma_start3A_2265 = tpu.memref_squeeze %dma_start3A_2264 : memref<1x8x32xf32, #tpu.memory_space<hbm>> -> memref<8x32xf32, #tpu.memory_space<hbm>>
        %dma_start3A_2266 = arith.constant 0 : i32
        %dma_start3A_2267 = arith.constant 0 : i32
        %dma_start3A_2268 = tpu.memref_slice %arg8[%dma_start3A_2257, %dma_start3A_2266, %dma_start3A_2267] : memref<32x8x32xf32, #tpu.memory_space<vmem>> -> memref<1x8x32xf32, #tpu.memory_space<vmem>>
        %dma_start3A_2269 = tpu.memref_squeeze %dma_start3A_2268 : memref<1x8x32xf32, #tpu.memory_space<vmem>> -> memref<8x32xf32, #tpu.memory_space<vmem>>
        %dma_start3A_2270 = arith.constant 0 : i32
        %dma_start3A_2271 = arith.constant 0 : i32
        %dma_start3A_2272 = tpu.memref_slice %arg4[%squeeze3A_2256, %dma_start3A_2270, %dma_start3A_2271] : memref<325000x8x32xf32, #tpu.memory_space<hbm>> -> memref<1x8x32xf32, #tpu.memory_space<hbm>>
        %dma_start3A_2273 = tpu.memref_squeeze %dma_start3A_2272 : memref<1x8x32xf32, #tpu.memory_space<hbm>> -> memref<8x32xf32, #tpu.memory_space<hbm>>
        tpu.enqueue_dma source(%dma_start3A_2273 : memref<8x32xf32, #tpu.memory_space<hbm>>) target(%dma_start3A_2269 : memref<8x32xf32, #tpu.memory_space<vmem>>) target_semaphore(%arg12 : memref<!tpu.dma_semaphore, #tpu.memory_space<semaphore_mem>>)
        %slice3A_2274 = vector.extract_strided_slice %get3A_2064 {offsets = [11], sizes = [1], strides = [1]} : vector<16xi32> to vector<1xi32>
        %squeeze3A_2275 = vector.extract %slice3A_2274[0] : i32 from vector<1xi32>
        %dma_start3A_2276 = arith.constant 11 : i32
        %dma_start3A_2277 = arith.constant 0 : i32
        %dma_start3A_2278 = arith.constant 0 : i32
        %dma_start3A_2279 = tpu.memref_slice %arg8[%dma_start3A_2276, %dma_start3A_2277, %dma_start3A_2278] : memref<32x8x32xf32, #tpu.memory_space<vmem>> -> memref<1x8x32xf32, #tpu.memory_space<vmem>>
        %dma_start3A_2280 = tpu.memref_squeeze %dma_start3A_2279 : memref<1x8x32xf32, #tpu.memory_space<vmem>> -> memref<8x32xf32, #tpu.memory_space<vmem>>
        %dma_start3A_2281 = arith.constant 0 : i32
        %dma_start3A_2282 = arith.constant 0 : i32
        %dma_start3A_2283 = tpu.memref_slice %arg4[%squeeze3A_2275, %dma_start3A_2281, %dma_start3A_2282] : memref<325000x8x32xf32, #tpu.memory_space<hbm>> -> memref<1x8x32xf32, #tpu.memory_space<hbm>>
        %dma_start3A_2284 = tpu.memref_squeeze %dma_start3A_2283 : memref<1x8x32xf32, #tpu.memory_space<hbm>> -> memref<8x32xf32, #tpu.memory_space<hbm>>
        %dma_start3A_2285 = arith.constant 0 : i32
        %dma_start3A_2286 = arith.constant 0 : i32
        %dma_start3A_2287 = tpu.memref_slice %arg8[%dma_start3A_2276, %dma_start3A_2285, %dma_start3A_2286] : memref<32x8x32xf32, #tpu.memory_space<vmem>> -> memref<1x8x32xf32, #tpu.memory_space<vmem>>
        %dma_start3A_2288 = tpu.memref_squeeze %dma_start3A_2287 : memref<1x8x32xf32, #tpu.memory_space<vmem>> -> memref<8x32xf32, #tpu.memory_space<vmem>>
        %dma_start3A_2289 = arith.constant 0 : i32
        %dma_start3A_2290 = arith.constant 0 : i32
        %dma_start3A_2291 = tpu.memref_slice %arg4[%squeeze3A_2275, %dma_start3A_2289, %dma_start3A_2290] : memref<325000x8x32xf32, #tpu.memory_space<hbm>> -> memref<1x8x32xf32, #tpu.memory_space<hbm>>
        %dma_start3A_2292 = tpu.memref_squeeze %dma_start3A_2291 : memref<1x8x32xf32, #tpu.memory_space<hbm>> -> memref<8x32xf32, #tpu.memory_space<hbm>>
        tpu.enqueue_dma source(%dma_start3A_2292 : memref<8x32xf32, #tpu.memory_space<hbm>>) target(%dma_start3A_2288 : memref<8x32xf32, #tpu.memory_space<vmem>>) target_semaphore(%arg12 : memref<!tpu.dma_semaphore, #tpu.memory_space<semaphore_mem>>)
        %slice3A_2293 = vector.extract_strided_slice %get3A_2064 {offsets = [12], sizes = [1], strides = [1]} : vector<16xi32> to vector<1xi32>
        %squeeze3A_2294 = vector.extract %slice3A_2293[0] : i32 from vector<1xi32>
        %dma_start3A_2295 = arith.constant 12 : i32
        %dma_start3A_2296 = arith.constant 0 : i32
        %dma_start3A_2297 = arith.constant 0 : i32
        %dma_start3A_2298 = tpu.memref_slice %arg8[%dma_start3A_2295, %dma_start3A_2296, %dma_start3A_2297] : memref<32x8x32xf32, #tpu.memory_space<vmem>> -> memref<1x8x32xf32, #tpu.memory_space<vmem>>
        %dma_start3A_2299 = tpu.memref_squeeze %dma_start3A_2298 : memref<1x8x32xf32, #tpu.memory_space<vmem>> -> memref<8x32xf32, #tpu.memory_space<vmem>>
        %dma_start3A_2300 = arith.constant 0 : i32
        %dma_start3A_2301 = arith.constant 0 : i32
        %dma_start3A_2302 = tpu.memref_slice %arg4[%squeeze3A_2294, %dma_start3A_2300, %dma_start3A_2301] : memref<325000x8x32xf32, #tpu.memory_space<hbm>> -> memref<1x8x32xf32, #tpu.memory_space<hbm>>
        %dma_start3A_2303 = tpu.memref_squeeze %dma_start3A_2302 : memref<1x8x32xf32, #tpu.memory_space<hbm>> -> memref<8x32xf32, #tpu.memory_space<hbm>>
        %dma_start3A_2304 = arith.constant 0 : i32
        %dma_start3A_2305 = arith.constant 0 : i32
        %dma_start3A_2306 = tpu.memref_slice %arg8[%dma_start3A_2295, %dma_start3A_2304, %dma_start3A_2305] : memref<32x8x32xf32, #tpu.memory_space<vmem>> -> memref<1x8x32xf32, #tpu.memory_space<vmem>>
        %dma_start3A_2307 = tpu.memref_squeeze %dma_start3A_2306 : memref<1x8x32xf32, #tpu.memory_space<vmem>> -> memref<8x32xf32, #tpu.memory_space<vmem>>
        %dma_start3A_2308 = arith.constant 0 : i32
        %dma_start3A_2309 = arith.constant 0 : i32
        %dma_start3A_2310 = tpu.memref_slice %arg4[%squeeze3A_2294, %dma_start3A_2308, %dma_start3A_2309] : memref<325000x8x32xf32, #tpu.memory_space<hbm>> -> memref<1x8x32xf32, #tpu.memory_space<hbm>>
        %dma_start3A_2311 = tpu.memref_squeeze %dma_start3A_2310 : memref<1x8x32xf32, #tpu.memory_space<hbm>> -> memref<8x32xf32, #tpu.memory_space<hbm>>
        tpu.enqueue_dma source(%dma_start3A_2311 : memref<8x32xf32, #tpu.memory_space<hbm>>) target(%dma_start3A_2307 : memref<8x32xf32, #tpu.memory_space<vmem>>) target_semaphore(%arg12 : memref<!tpu.dma_semaphore, #tpu.memory_space<semaphore_mem>>)
        %slice3A_2312 = vector.extract_strided_slice %get3A_2064 {offsets = [13], sizes = [1], strides = [1]} : vector<16xi32> to vector<1xi32>
        %squeeze3A_2313 = vector.extract %slice3A_2312[0] : i32 from vector<1xi32>
        %dma_start3A_2314 = arith.constant 13 : i32
        %dma_start3A_2315 = arith.constant 0 : i32
        %dma_start3A_2316 = arith.constant 0 : i32
        %dma_start3A_2317 = tpu.memref_slice %arg8[%dma_start3A_2314, %dma_start3A_2315, %dma_start3A_2316] : memref<32x8x32xf32, #tpu.memory_space<vmem>> -> memref<1x8x32xf32, #tpu.memory_space<vmem>>
        %dma_start3A_2318 = tpu.memref_squeeze %dma_start3A_2317 : memref<1x8x32xf32, #tpu.memory_space<vmem>> -> memref<8x32xf32, #tpu.memory_space<vmem>>
        %dma_start3A_2319 = arith.constant 0 : i32
        %dma_start3A_2320 = arith.constant 0 : i32
        %dma_start3A_2321 = tpu.memref_slice %arg4[%squeeze3A_2313, %dma_start3A_2319, %dma_start3A_2320] : memref<325000x8x32xf32, #tpu.memory_space<hbm>> -> memref<1x8x32xf32, #tpu.memory_space<hbm>>
        %dma_start3A_2322 = tpu.memref_squeeze %dma_start3A_2321 : memref<1x8x32xf32, #tpu.memory_space<hbm>> -> memref<8x32xf32, #tpu.memory_space<hbm>>
        %dma_start3A_2323 = arith.constant 0 : i32
        %dma_start3A_2324 = arith.constant 0 : i32
        %dma_start3A_2325 = tpu.memref_slice %arg8[%dma_start3A_2314, %dma_start3A_2323, %dma_start3A_2324] : memref<32x8x32xf32, #tpu.memory_space<vmem>> -> memref<1x8x32xf32, #tpu.memory_space<vmem>>
        %dma_start3A_2326 = tpu.memref_squeeze %dma_start3A_2325 : memref<1x8x32xf32, #tpu.memory_space<vmem>> -> memref<8x32xf32, #tpu.memory_space<vmem>>
        %dma_start3A_2327 = arith.constant 0 : i32
        %dma_start3A_2328 = arith.constant 0 : i32
        %dma_start3A_2329 = tpu.memref_slice %arg4[%squeeze3A_2313, %dma_start3A_2327, %dma_start3A_2328] : memref<325000x8x32xf32, #tpu.memory_space<hbm>> -> memref<1x8x32xf32, #tpu.memory_space<hbm>>
        %dma_start3A_2330 = tpu.memref_squeeze %dma_start3A_2329 : memref<1x8x32xf32, #tpu.memory_space<hbm>> -> memref<8x32xf32, #tpu.memory_space<hbm>>
        tpu.enqueue_dma source(%dma_start3A_2330 : memref<8x32xf32, #tpu.memory_space<hbm>>) target(%dma_start3A_2326 : memref<8x32xf32, #tpu.memory_space<vmem>>) target_semaphore(%arg12 : memref<!tpu.dma_semaphore, #tpu.memory_space<semaphore_mem>>)
        %slice3A_2331 = vector.extract_strided_slice %get3A_2064 {offsets = [14], sizes = [1], strides = [1]} : vector<16xi32> to vector<1xi32>
        %squeeze3A_2332 = vector.extract %slice3A_2331[0] : i32 from vector<1xi32>
        %dma_start3A_2333 = arith.constant 14 : i32
        %dma_start3A_2334 = arith.constant 0 : i32
        %dma_start3A_2335 = arith.constant 0 : i32
        %dma_start3A_2336 = tpu.memref_slice %arg8[%dma_start3A_2333, %dma_start3A_2334, %dma_start3A_2335] : memref<32x8x32xf32, #tpu.memory_space<vmem>> -> memref<1x8x32xf32, #tpu.memory_space<vmem>>
        %dma_start3A_2337 = tpu.memref_squeeze %dma_start3A_2336 : memref<1x8x32xf32, #tpu.memory_space<vmem>> -> memref<8x32xf32, #tpu.memory_space<vmem>>
        %dma_start3A_2338 = arith.constant 0 : i32
        %dma_start3A_2339 = arith.constant 0 : i32
        %dma_start3A_2340 = tpu.memref_slice %arg4[%squeeze3A_2332, %dma_start3A_2338, %dma_start3A_2339] : memref<325000x8x32xf32, #tpu.memory_space<hbm>> -> memref<1x8x32xf32, #tpu.memory_space<hbm>>
        %dma_start3A_2341 = tpu.memref_squeeze %dma_start3A_2340 : memref<1x8x32xf32, #tpu.memory_space<hbm>> -> memref<8x32xf32, #tpu.memory_space<hbm>>
        %dma_start3A_2342 = arith.constant 0 : i32
        %dma_start3A_2343 = arith.constant 0 : i32
        %dma_start3A_2344 = tpu.memref_slice %arg8[%dma_start3A_2333, %dma_start3A_2342, %dma_start3A_2343] : memref<32x8x32xf32, #tpu.memory_space<vmem>> -> memref<1x8x32xf32, #tpu.memory_space<vmem>>
        %dma_start3A_2345 = tpu.memref_squeeze %dma_start3A_2344 : memref<1x8x32xf32, #tpu.memory_space<vmem>> -> memref<8x32xf32, #tpu.memory_space<vmem>>
        %dma_start3A_2346 = arith.constant 0 : i32
        %dma_start3A_2347 = arith.constant 0 : i32
        %dma_start3A_2348 = tpu.memref_slice %arg4[%squeeze3A_2332, %dma_start3A_2346, %dma_start3A_2347] : memref<325000x8x32xf32, #tpu.memory_space<hbm>> -> memref<1x8x32xf32, #tpu.memory_space<hbm>>
        %dma_start3A_2349 = tpu.memref_squeeze %dma_start3A_2348 : memref<1x8x32xf32, #tpu.memory_space<hbm>> -> memref<8x32xf32, #tpu.memory_space<hbm>>
        tpu.enqueue_dma source(%dma_start3A_2349 : memref<8x32xf32, #tpu.memory_space<hbm>>) target(%dma_start3A_2345 : memref<8x32xf32, #tpu.memory_space<vmem>>) target_semaphore(%arg12 : memref<!tpu.dma_semaphore, #tpu.memory_space<semaphore_mem>>)
        %slice3A_2350 = vector.extract_strided_slice %get3A_2064 {offsets = [15], sizes = [1], strides = [1]} : vector<16xi32> to vector<1xi32>
        %squeeze3A_2351 = vector.extract %slice3A_2350[0] : i32 from vector<1xi32>
        %dma_start3A_2352 = arith.constant 15 : i32
        %dma_start3A_2353 = arith.constant 0 : i32
        %dma_start3A_2354 = arith.constant 0 : i32
        %dma_start3A_2355 = tpu.memref_slice %arg8[%dma_start3A_2352, %dma_start3A_2353, %dma_start3A_2354] : memref<32x8x32xf32, #tpu.memory_space<vmem>> -> memref<1x8x32xf32, #tpu.memory_space<vmem>>
        %dma_start3A_2356 = tpu.memref_squeeze %dma_start3A_2355 : memref<1x8x32xf32, #tpu.memory_space<vmem>> -> memref<8x32xf32, #tpu.memory_space<vmem>>
        %dma_start3A_2357 = arith.constant 0 : i32
        %dma_start3A_2358 = arith.constant 0 : i32
        %dma_start3A_2359 = tpu.memref_slice %arg4[%squeeze3A_2351, %dma_start3A_2357, %dma_start3A_2358] : memref<325000x8x32xf32, #tpu.memory_space<hbm>> -> memref<1x8x32xf32, #tpu.memory_space<hbm>>
        %dma_start3A_2360 = tpu.memref_squeeze %dma_start3A_2359 : memref<1x8x32xf32, #tpu.memory_space<hbm>> -> memref<8x32xf32, #tpu.memory_space<hbm>>
        %dma_start3A_2361 = arith.constant 0 : i32
        %dma_start3A_2362 = arith.constant 0 : i32
        %dma_start3A_2363 = tpu.memref_slice %arg8[%dma_start3A_2352, %dma_start3A_2361, %dma_start3A_2362] : memref<32x8x32xf32, #tpu.memory_space<vmem>> -> memref<1x8x32xf32, #tpu.memory_space<vmem>>
        %dma_start3A_2364 = tpu.memref_squeeze %dma_start3A_2363 : memref<1x8x32xf32, #tpu.memory_space<vmem>> -> memref<8x32xf32, #tpu.memory_space<vmem>>
        %dma_start3A_2365 = arith.constant 0 : i32
        %dma_start3A_2366 = arith.constant 0 : i32
        %dma_start3A_2367 = tpu.memref_slice %arg4[%squeeze3A_2351, %dma_start3A_2365, %dma_start3A_2366] : memref<325000x8x32xf32, #tpu.memory_space<hbm>> -> memref<1x8x32xf32, #tpu.memory_space<hbm>>
        %dma_start3A_2368 = tpu.memref_squeeze %dma_start3A_2367 : memref<1x8x32xf32, #tpu.memory_space<hbm>> -> memref<8x32xf32, #tpu.memory_space<hbm>>
        tpu.enqueue_dma source(%dma_start3A_2368 : memref<8x32xf32, #tpu.memory_space<hbm>>) target(%dma_start3A_2364 : memref<8x32xf32, #tpu.memory_space<vmem>>) target_semaphore(%arg12 : memref<!tpu.dma_semaphore, #tpu.memory_space<semaphore_mem>>)
        %add3A_2369 = arith.constant 16 : i32
        %add3A_2370 = arith.addi %add3A_627, %add3A_2369 : i32
        %get3A_2371 = arith.index_cast %add3A_2370 : i32 to index
        %get3A_2372 = tpu.vector_load %arg6[%get3A_2371] {strides = array<i32>} : memref<3328xi32, #tpu.memory_space<vmem>>, vector<16xi32>,
        %slice3A_2373 = vector.extract_strided_slice %get3A_2372 {offsets = [0], sizes = [1], strides = [1]} : vector<16xi32> to vector<1xi32>
        %squeeze3A_2374 = vector.extract %slice3A_2373[0] : i32 from vector<1xi32>
        %dma_start3A_2375 = arith.constant 16 : i32
        %dma_start3A_2376 = arith.constant 0 : i32
        %dma_start3A_2377 = arith.constant 0 : i32
        %dma_start3A_2378 = tpu.memref_slice %arg8[%dma_start3A_2375, %dma_start3A_2376, %dma_start3A_2377] : memref<32x8x32xf32, #tpu.memory_space<vmem>> -> memref<1x8x32xf32, #tpu.memory_space<vmem>>
        %dma_start3A_2379 = tpu.memref_squeeze %dma_start3A_2378 : memref<1x8x32xf32, #tpu.memory_space<vmem>> -> memref<8x32xf32, #tpu.memory_space<vmem>>
        %dma_start3A_2380 = arith.constant 0 : i32
        %dma_start3A_2381 = arith.constant 0 : i32
        %dma_start3A_2382 = tpu.memref_slice %arg4[%squeeze3A_2374, %dma_start3A_2380, %dma_start3A_2381] : memref<325000x8x32xf32, #tpu.memory_space<hbm>> -> memref<1x8x32xf32, #tpu.memory_space<hbm>>
        %dma_start3A_2383 = tpu.memref_squeeze %dma_start3A_2382 : memref<1x8x32xf32, #tpu.memory_space<hbm>> -> memref<8x32xf32, #tpu.memory_space<hbm>>
        %dma_start3A_2384 = arith.constant 0 : i32
        %dma_start3A_2385 = arith.constant 0 : i32
        %dma_start3A_2386 = tpu.memref_slice %arg8[%dma_start3A_2375, %dma_start3A_2384, %dma_start3A_2385] : memref<32x8x32xf32, #tpu.memory_space<vmem>> -> memref<1x8x32xf32, #tpu.memory_space<vmem>>
        %dma_start3A_2387 = tpu.memref_squeeze %dma_start3A_2386 : memref<1x8x32xf32, #tpu.memory_space<vmem>> -> memref<8x32xf32, #tpu.memory_space<vmem>>
        %dma_start3A_2388 = arith.constant 0 : i32
        %dma_start3A_2389 = arith.constant 0 : i32
        %dma_start3A_2390 = tpu.memref_slice %arg4[%squeeze3A_2374, %dma_start3A_2388, %dma_start3A_2389] : memref<325000x8x32xf32, #tpu.memory_space<hbm>> -> memref<1x8x32xf32, #tpu.memory_space<hbm>>
        %dma_start3A_2391 = tpu.memref_squeeze %dma_start3A_2390 : memref<1x8x32xf32, #tpu.memory_space<hbm>> -> memref<8x32xf32, #tpu.memory_space<hbm>>
        tpu.enqueue_dma source(%dma_start3A_2391 : memref<8x32xf32, #tpu.memory_space<hbm>>) target(%dma_start3A_2387 : memref<8x32xf32, #tpu.memory_space<vmem>>) target_semaphore(%arg12 : memref<!tpu.dma_semaphore, #tpu.memory_space<semaphore_mem>>)
        %slice3A_2392 = vector.extract_strided_slice %get3A_2372 {offsets = [1], sizes = [1], strides = [1]} : vector<16xi32> to vector<1xi32>
        %squeeze3A_2393 = vector.extract %slice3A_2392[0] : i32 from vector<1xi32>
        %dma_start3A_2394 = arith.constant 17 : i32
        %dma_start3A_2395 = arith.constant 0 : i32
        %dma_start3A_2396 = arith.constant 0 : i32
        %dma_start3A_2397 = tpu.memref_slice %arg8[%dma_start3A_2394, %dma_start3A_2395, %dma_start3A_2396] : memref<32x8x32xf32, #tpu.memory_space<vmem>> -> memref<1x8x32xf32, #tpu.memory_space<vmem>>
        %dma_start3A_2398 = tpu.memref_squeeze %dma_start3A_2397 : memref<1x8x32xf32, #tpu.memory_space<vmem>> -> memref<8x32xf32, #tpu.memory_space<vmem>>
        %dma_start3A_2399 = arith.constant 0 : i32
        %dma_start3A_2400 = arith.constant 0 : i32
        %dma_start3A_2401 = tpu.memref_slice %arg4[%squeeze3A_2393, %dma_start3A_2399, %dma_start3A_2400] : memref<325000x8x32xf32, #tpu.memory_space<hbm>> -> memref<1x8x32xf32, #tpu.memory_space<hbm>>
        %dma_start3A_2402 = tpu.memref_squeeze %dma_start3A_2401 : memref<1x8x32xf32, #tpu.memory_space<hbm>> -> memref<8x32xf32, #tpu.memory_space<hbm>>
        %dma_start3A_2403 = arith.constant 0 : i32
        %dma_start3A_2404 = arith.constant 0 : i32
        %dma_start3A_2405 = tpu.memref_slice %arg8[%dma_start3A_2394, %dma_start3A_2403, %dma_start3A_2404] : memref<32x8x32xf32, #tpu.memory_space<vmem>> -> memref<1x8x32xf32, #tpu.memory_space<vmem>>
        %dma_start3A_2406 = tpu.memref_squeeze %dma_start3A_2405 : memref<1x8x32xf32, #tpu.memory_space<vmem>> -> memref<8x32xf32, #tpu.memory_space<vmem>>
        %dma_start3A_2407 = arith.constant 0 : i32
        %dma_start3A_2408 = arith.constant 0 : i32
        %dma_start3A_2409 = tpu.memref_slice %arg4[%squeeze3A_2393, %dma_start3A_2407, %dma_start3A_2408] : memref<325000x8x32xf32, #tpu.memory_space<hbm>> -> memref<1x8x32xf32, #tpu.memory_space<hbm>>
        %dma_start3A_2410 = tpu.memref_squeeze %dma_start3A_2409 : memref<1x8x32xf32, #tpu.memory_space<hbm>> -> memref<8x32xf32, #tpu.memory_space<hbm>>
        tpu.enqueue_dma source(%dma_start3A_2410 : memref<8x32xf32, #tpu.memory_space<hbm>>) target(%dma_start3A_2406 : memref<8x32xf32, #tpu.memory_space<vmem>>) target_semaphore(%arg12 : memref<!tpu.dma_semaphore, #tpu.memory_space<semaphore_mem>>)
        %slice3A_2411 = vector.extract_strided_slice %get3A_2372 {offsets = [2], sizes = [1], strides = [1]} : vector<16xi32> to vector<1xi32>
        %squeeze3A_2412 = vector.extract %slice3A_2411[0] : i32 from vector<1xi32>
        %dma_start3A_2413 = arith.constant 18 : i32
        %dma_start3A_2414 = arith.constant 0 : i32
        %dma_start3A_2415 = arith.constant 0 : i32
        %dma_start3A_2416 = tpu.memref_slice %arg8[%dma_start3A_2413, %dma_start3A_2414, %dma_start3A_2415] : memref<32x8x32xf32, #tpu.memory_space<vmem>> -> memref<1x8x32xf32, #tpu.memory_space<vmem>>
        %dma_start3A_2417 = tpu.memref_squeeze %dma_start3A_2416 : memref<1x8x32xf32, #tpu.memory_space<vmem>> -> memref<8x32xf32, #tpu.memory_space<vmem>>
        %dma_start3A_2418 = arith.constant 0 : i32
        %dma_start3A_2419 = arith.constant 0 : i32
        %dma_start3A_2420 = tpu.memref_slice %arg4[%squeeze3A_2412, %dma_start3A_2418, %dma_start3A_2419] : memref<325000x8x32xf32, #tpu.memory_space<hbm>> -> memref<1x8x32xf32, #tpu.memory_space<hbm>>
        %dma_start3A_2421 = tpu.memref_squeeze %dma_start3A_2420 : memref<1x8x32xf32, #tpu.memory_space<hbm>> -> memref<8x32xf32, #tpu.memory_space<hbm>>
        %dma_start3A_2422 = arith.constant 0 : i32
        %dma_start3A_2423 = arith.constant 0 : i32
        %dma_start3A_2424 = tpu.memref_slice %arg8[%dma_start3A_2413, %dma_start3A_2422, %dma_start3A_2423] : memref<32x8x32xf32, #tpu.memory_space<vmem>> -> memref<1x8x32xf32, #tpu.memory_space<vmem>>
        %dma_start3A_2425 = tpu.memref_squeeze %dma_start3A_2424 : memref<1x8x32xf32, #tpu.memory_space<vmem>> -> memref<8x32xf32, #tpu.memory_space<vmem>>
        %dma_start3A_2426 = arith.constant 0 : i32
        %dma_start3A_2427 = arith.constant 0 : i32
        %dma_start3A_2428 = tpu.memref_slice %arg4[%squeeze3A_2412, %dma_start3A_2426, %dma_start3A_2427] : memref<325000x8x32xf32, #tpu.memory_space<hbm>> -> memref<1x8x32xf32, #tpu.memory_space<hbm>>
        %dma_start3A_2429 = tpu.memref_squeeze %dma_start3A_2428 : memref<1x8x32xf32, #tpu.memory_space<hbm>> -> memref<8x32xf32, #tpu.memory_space<hbm>>
        tpu.enqueue_dma source(%dma_start3A_2429 : memref<8x32xf32, #tpu.memory_space<hbm>>) target(%dma_start3A_2425 : memref<8x32xf32, #tpu.memory_space<vmem>>) target_semaphore(%arg12 : memref<!tpu.dma_semaphore, #tpu.memory_space<semaphore_mem>>)
        %slice3A_2430 = vector.extract_strided_slice %get3A_2372 {offsets = [3], sizes = [1], strides = [1]} : vector<16xi32> to vector<1xi32>
        %squeeze3A_2431 = vector.extract %slice3A_2430[0] : i32 from vector<1xi32>
        %dma_start3A_2432 = arith.constant 19 : i32
        %dma_start3A_2433 = arith.constant 0 : i32
        %dma_start3A_2434 = arith.constant 0 : i32
        %dma_start3A_2435 = tpu.memref_slice %arg8[%dma_start3A_2432, %dma_start3A_2433, %dma_start3A_2434] : memref<32x8x32xf32, #tpu.memory_space<vmem>> -> memref<1x8x32xf32, #tpu.memory_space<vmem>>
        %dma_start3A_2436 = tpu.memref_squeeze %dma_start3A_2435 : memref<1x8x32xf32, #tpu.memory_space<vmem>> -> memref<8x32xf32, #tpu.memory_space<vmem>>
        %dma_start3A_2437 = arith.constant 0 : i32
        %dma_start3A_2438 = arith.constant 0 : i32
        %dma_start3A_2439 = tpu.memref_slice %arg4[%squeeze3A_2431, %dma_start3A_2437, %dma_start3A_2438] : memref<325000x8x32xf32, #tpu.memory_space<hbm>> -> memref<1x8x32xf32, #tpu.memory_space<hbm>>
        %dma_start3A_2440 = tpu.memref_squeeze %dma_start3A_2439 : memref<1x8x32xf32, #tpu.memory_space<hbm>> -> memref<8x32xf32, #tpu.memory_space<hbm>>
        %dma_start3A_2441 = arith.constant 0 : i32
        %dma_start3A_2442 = arith.constant 0 : i32
        %dma_start3A_2443 = tpu.memref_slice %arg8[%dma_start3A_2432, %dma_start3A_2441, %dma_start3A_2442] : memref<32x8x32xf32, #tpu.memory_space<vmem>> -> memref<1x8x32xf32, #tpu.memory_space<vmem>>
        %dma_start3A_2444 = tpu.memref_squeeze %dma_start3A_2443 : memref<1x8x32xf32, #tpu.memory_space<vmem>> -> memref<8x32xf32, #tpu.memory_space<vmem>>
        %dma_start3A_2445 = arith.constant 0 : i32
        %dma_start3A_2446 = arith.constant 0 : i32
        %dma_start3A_2447 = tpu.memref_slice %arg4[%squeeze3A_2431, %dma_start3A_2445, %dma_start3A_2446] : memref<325000x8x32xf32, #tpu.memory_space<hbm>> -> memref<1x8x32xf32, #tpu.memory_space<hbm>>
        %dma_start3A_2448 = tpu.memref_squeeze %dma_start3A_2447 : memref<1x8x32xf32, #tpu.memory_space<hbm>> -> memref<8x32xf32, #tpu.memory_space<hbm>>
        tpu.enqueue_dma source(%dma_start3A_2448 : memref<8x32xf32, #tpu.memory_space<hbm>>) target(%dma_start3A_2444 : memref<8x32xf32, #tpu.memory_space<vmem>>) target_semaphore(%arg12 : memref<!tpu.dma_semaphore, #tpu.memory_space<semaphore_mem>>)
        %slice3A_2449 = vector.extract_strided_slice %get3A_2372 {offsets = [4], sizes = [1], strides = [1]} : vector<16xi32> to vector<1xi32>
        %squeeze3A_2450 = vector.extract %slice3A_2449[0] : i32 from vector<1xi32>
        %dma_start3A_2451 = arith.constant 20 : i32
        %dma_start3A_2452 = arith.constant 0 : i32
        %dma_start3A_2453 = arith.constant 0 : i32
        %dma_start3A_2454 = tpu.memref_slice %arg8[%dma_start3A_2451, %dma_start3A_2452, %dma_start3A_2453] : memref<32x8x32xf32, #tpu.memory_space<vmem>> -> memref<1x8x32xf32, #tpu.memory_space<vmem>>
        %dma_start3A_2455 = tpu.memref_squeeze %dma_start3A_2454 : memref<1x8x32xf32, #tpu.memory_space<vmem>> -> memref<8x32xf32, #tpu.memory_space<vmem>>
        %dma_start3A_2456 = arith.constant 0 : i32
        %dma_start3A_2457 = arith.constant 0 : i32
        %dma_start3A_2458 = tpu.memref_slice %arg4[%squeeze3A_2450, %dma_start3A_2456, %dma_start3A_2457] : memref<325000x8x32xf32, #tpu.memory_space<hbm>> -> memref<1x8x32xf32, #tpu.memory_space<hbm>>
        %dma_start3A_2459 = tpu.memref_squeeze %dma_start3A_2458 : memref<1x8x32xf32, #tpu.memory_space<hbm>> -> memref<8x32xf32, #tpu.memory_space<hbm>>
        %dma_start3A_2460 = arith.constant 0 : i32
        %dma_start3A_2461 = arith.constant 0 : i32
        %dma_start3A_2462 = tpu.memref_slice %arg8[%dma_start3A_2451, %dma_start3A_2460, %dma_start3A_2461] : memref<32x8x32xf32, #tpu.memory_space<vmem>> -> memref<1x8x32xf32, #tpu.memory_space<vmem>>
        %dma_start3A_2463 = tpu.memref_squeeze %dma_start3A_2462 : memref<1x8x32xf32, #tpu.memory_space<vmem>> -> memref<8x32xf32, #tpu.memory_space<vmem>>
        %dma_start3A_2464 = arith.constant 0 : i32
        %dma_start3A_2465 = arith.constant 0 : i32
        %dma_start3A_2466 = tpu.memref_slice %arg4[%squeeze3A_2450, %dma_start3A_2464, %dma_start3A_2465] : memref<325000x8x32xf32, #tpu.memory_space<hbm>> -> memref<1x8x32xf32, #tpu.memory_space<hbm>>
        %dma_start3A_2467 = tpu.memref_squeeze %dma_start3A_2466 : memref<1x8x32xf32, #tpu.memory_space<hbm>> -> memref<8x32xf32, #tpu.memory_space<hbm>>
        tpu.enqueue_dma source(%dma_start3A_2467 : memref<8x32xf32, #tpu.memory_space<hbm>>) target(%dma_start3A_2463 : memref<8x32xf32, #tpu.memory_space<vmem>>) target_semaphore(%arg12 : memref<!tpu.dma_semaphore, #tpu.memory_space<semaphore_mem>>)
        %slice3A_2468 = vector.extract_strided_slice %get3A_2372 {offsets = [5], sizes = [1], strides = [1]} : vector<16xi32> to vector<1xi32>
        %squeeze3A_2469 = vector.extract %slice3A_2468[0] : i32 from vector<1xi32>
        %dma_start3A_2470 = arith.constant 21 : i32
        %dma_start3A_2471 = arith.constant 0 : i32
        %dma_start3A_2472 = arith.constant 0 : i32
        %dma_start3A_2473 = tpu.memref_slice %arg8[%dma_start3A_2470, %dma_start3A_2471, %dma_start3A_2472] : memref<32x8x32xf32, #tpu.memory_space<vmem>> -> memref<1x8x32xf32, #tpu.memory_space<vmem>>
        %dma_start3A_2474 = tpu.memref_squeeze %dma_start3A_2473 : memref<1x8x32xf32, #tpu.memory_space<vmem>> -> memref<8x32xf32, #tpu.memory_space<vmem>>
        %dma_start3A_2475 = arith.constant 0 : i32
        %dma_start3A_2476 = arith.constant 0 : i32
        %dma_start3A_2477 = tpu.memref_slice %arg4[%squeeze3A_2469, %dma_start3A_2475, %dma_start3A_2476] : memref<325000x8x32xf32, #tpu.memory_space<hbm>> -> memref<1x8x32xf32, #tpu.memory_space<hbm>>
        %dma_start3A_2478 = tpu.memref_squeeze %dma_start3A_2477 : memref<1x8x32xf32, #tpu.memory_space<hbm>> -> memref<8x32xf32, #tpu.memory_space<hbm>>
        %dma_start3A_2479 = arith.constant 0 : i32
        %dma_start3A_2480 = arith.constant 0 : i32
        %dma_start3A_2481 = tpu.memref_slice %arg8[%dma_start3A_2470, %dma_start3A_2479, %dma_start3A_2480] : memref<32x8x32xf32, #tpu.memory_space<vmem>> -> memref<1x8x32xf32, #tpu.memory_space<vmem>>
        %dma_start3A_2482 = tpu.memref_squeeze %dma_start3A_2481 : memref<1x8x32xf32, #tpu.memory_space<vmem>> -> memref<8x32xf32, #tpu.memory_space<vmem>>
        %dma_start3A_2483 = arith.constant 0 : i32
        %dma_start3A_2484 = arith.constant 0 : i32
        %dma_start3A_2485 = tpu.memref_slice %arg4[%squeeze3A_2469, %dma_start3A_2483, %dma_start3A_2484] : memref<325000x8x32xf32, #tpu.memory_space<hbm>> -> memref<1x8x32xf32, #tpu.memory_space<hbm>>
        %dma_start3A_2486 = tpu.memref_squeeze %dma_start3A_2485 : memref<1x8x32xf32, #tpu.memory_space<hbm>> -> memref<8x32xf32, #tpu.memory_space<hbm>>
        tpu.enqueue_dma source(%dma_start3A_2486 : memref<8x32xf32, #tpu.memory_space<hbm>>) target(%dma_start3A_2482 : memref<8x32xf32, #tpu.memory_space<vmem>>) target_semaphore(%arg12 : memref<!tpu.dma_semaphore, #tpu.memory_space<semaphore_mem>>)
        %slice3A_2487 = vector.extract_strided_slice %get3A_2372 {offsets = [6], sizes = [1], strides = [1]} : vector<16xi32> to vector<1xi32>
        %squeeze3A_2488 = vector.extract %slice3A_2487[0] : i32 from vector<1xi32>
        %dma_start3A_2489 = arith.constant 22 : i32
        %dma_start3A_2490 = arith.constant 0 : i32
        %dma_start3A_2491 = arith.constant 0 : i32
        %dma_start3A_2492 = tpu.memref_slice %arg8[%dma_start3A_2489, %dma_start3A_2490, %dma_start3A_2491] : memref<32x8x32xf32, #tpu.memory_space<vmem>> -> memref<1x8x32xf32, #tpu.memory_space<vmem>>
        %dma_start3A_2493 = tpu.memref_squeeze %dma_start3A_2492 : memref<1x8x32xf32, #tpu.memory_space<vmem>> -> memref<8x32xf32, #tpu.memory_space<vmem>>
        %dma_start3A_2494 = arith.constant 0 : i32
        %dma_start3A_2495 = arith.constant 0 : i32
        %dma_start3A_2496 = tpu.memref_slice %arg4[%squeeze3A_2488, %dma_start3A_2494, %dma_start3A_2495] : memref<325000x8x32xf32, #tpu.memory_space<hbm>> -> memref<1x8x32xf32, #tpu.memory_space<hbm>>
        %dma_start3A_2497 = tpu.memref_squeeze %dma_start3A_2496 : memref<1x8x32xf32, #tpu.memory_space<hbm>> -> memref<8x32xf32, #tpu.memory_space<hbm>>
        %dma_start3A_2498 = arith.constant 0 : i32
        %dma_start3A_2499 = arith.constant 0 : i32
        %dma_start3A_2500 = tpu.memref_slice %arg8[%dma_start3A_2489, %dma_start3A_2498, %dma_start3A_2499] : memref<32x8x32xf32, #tpu.memory_space<vmem>> -> memref<1x8x32xf32, #tpu.memory_space<vmem>>
        %dma_start3A_2501 = tpu.memref_squeeze %dma_start3A_2500 : memref<1x8x32xf32, #tpu.memory_space<vmem>> -> memref<8x32xf32, #tpu.memory_space<vmem>>
        %dma_start3A_2502 = arith.constant 0 : i32
        %dma_start3A_2503 = arith.constant 0 : i32
        %dma_start3A_2504 = tpu.memref_slice %arg4[%squeeze3A_2488, %dma_start3A_2502, %dma_start3A_2503] : memref<325000x8x32xf32, #tpu.memory_space<hbm>> -> memref<1x8x32xf32, #tpu.memory_space<hbm>>
        %dma_start3A_2505 = tpu.memref_squeeze %dma_start3A_2504 : memref<1x8x32xf32, #tpu.memory_space<hbm>> -> memref<8x32xf32, #tpu.memory_space<hbm>>
        tpu.enqueue_dma source(%dma_start3A_2505 : memref<8x32xf32, #tpu.memory_space<hbm>>) target(%dma_start3A_2501 : memref<8x32xf32, #tpu.memory_space<vmem>>) target_semaphore(%arg12 : memref<!tpu.dma_semaphore, #tpu.memory_space<semaphore_mem>>)
        %slice3A_2506 = vector.extract_strided_slice %get3A_2372 {offsets = [7], sizes = [1], strides = [1]} : vector<16xi32> to vector<1xi32>
        %squeeze3A_2507 = vector.extract %slice3A_2506[0] : i32 from vector<1xi32>
        %dma_start3A_2508 = arith.constant 23 : i32
        %dma_start3A_2509 = arith.constant 0 : i32
        %dma_start3A_2510 = arith.constant 0 : i32
        %dma_start3A_2511 = tpu.memref_slice %arg8[%dma_start3A_2508, %dma_start3A_2509, %dma_start3A_2510] : memref<32x8x32xf32, #tpu.memory_space<vmem>> -> memref<1x8x32xf32, #tpu.memory_space<vmem>>
        %dma_start3A_2512 = tpu.memref_squeeze %dma_start3A_2511 : memref<1x8x32xf32, #tpu.memory_space<vmem>> -> memref<8x32xf32, #tpu.memory_space<vmem>>
        %dma_start3A_2513 = arith.constant 0 : i32
        %dma_start3A_2514 = arith.constant 0 : i32
        %dma_start3A_2515 = tpu.memref_slice %arg4[%squeeze3A_2507, %dma_start3A_2513, %dma_start3A_2514] : memref<325000x8x32xf32, #tpu.memory_space<hbm>> -> memref<1x8x32xf32, #tpu.memory_space<hbm>>
        %dma_start3A_2516 = tpu.memref_squeeze %dma_start3A_2515 : memref<1x8x32xf32, #tpu.memory_space<hbm>> -> memref<8x32xf32, #tpu.memory_space<hbm>>
        %dma_start3A_2517 = arith.constant 0 : i32
        %dma_start3A_2518 = arith.constant 0 : i32
        %dma_start3A_2519 = tpu.memref_slice %arg8[%dma_start3A_2508, %dma_start3A_2517, %dma_start3A_2518] : memref<32x8x32xf32, #tpu.memory_space<vmem>> -> memref<1x8x32xf32, #tpu.memory_space<vmem>>
        %dma_start3A_2520 = tpu.memref_squeeze %dma_start3A_2519 : memref<1x8x32xf32, #tpu.memory_space<vmem>> -> memref<8x32xf32, #tpu.memory_space<vmem>>
        %dma_start3A_2521 = arith.constant 0 : i32
        %dma_start3A_2522 = arith.constant 0 : i32
        %dma_start3A_2523 = tpu.memref_slice %arg4[%squeeze3A_2507, %dma_start3A_2521, %dma_start3A_2522] : memref<325000x8x32xf32, #tpu.memory_space<hbm>> -> memref<1x8x32xf32, #tpu.memory_space<hbm>>
        %dma_start3A_2524 = tpu.memref_squeeze %dma_start3A_2523 : memref<1x8x32xf32, #tpu.memory_space<hbm>> -> memref<8x32xf32, #tpu.memory_space<hbm>>
        tpu.enqueue_dma source(%dma_start3A_2524 : memref<8x32xf32, #tpu.memory_space<hbm>>) target(%dma_start3A_2520 : memref<8x32xf32, #tpu.memory_space<vmem>>) target_semaphore(%arg12 : memref<!tpu.dma_semaphore, #tpu.memory_space<semaphore_mem>>)
        %slice3A_2525 = vector.extract_strided_slice %get3A_2372 {offsets = [8], sizes = [1], strides = [1]} : vector<16xi32> to vector<1xi32>
        %squeeze3A_2526 = vector.extract %slice3A_2525[0] : i32 from vector<1xi32>
        %dma_start3A_2527 = arith.constant 24 : i32
        %dma_start3A_2528 = arith.constant 0 : i32
        %dma_start3A_2529 = arith.constant 0 : i32
        %dma_start3A_2530 = tpu.memref_slice %arg8[%dma_start3A_2527, %dma_start3A_2528, %dma_start3A_2529] : memref<32x8x32xf32, #tpu.memory_space<vmem>> -> memref<1x8x32xf32, #tpu.memory_space<vmem>>
        %dma_start3A_2531 = tpu.memref_squeeze %dma_start3A_2530 : memref<1x8x32xf32, #tpu.memory_space<vmem>> -> memref<8x32xf32, #tpu.memory_space<vmem>>
        %dma_start3A_2532 = arith.constant 0 : i32
        %dma_start3A_2533 = arith.constant 0 : i32
        %dma_start3A_2534 = tpu.memref_slice %arg4[%squeeze3A_2526, %dma_start3A_2532, %dma_start3A_2533] : memref<325000x8x32xf32, #tpu.memory_space<hbm>> -> memref<1x8x32xf32, #tpu.memory_space<hbm>>
        %dma_start3A_2535 = tpu.memref_squeeze %dma_start3A_2534 : memref<1x8x32xf32, #tpu.memory_space<hbm>> -> memref<8x32xf32, #tpu.memory_space<hbm>>
        %dma_start3A_2536 = arith.constant 0 : i32
        %dma_start3A_2537 = arith.constant 0 : i32
        %dma_start3A_2538 = tpu.memref_slice %arg8[%dma_start3A_2527, %dma_start3A_2536, %dma_start3A_2537] : memref<32x8x32xf32, #tpu.memory_space<vmem>> -> memref<1x8x32xf32, #tpu.memory_space<vmem>>
        %dma_start3A_2539 = tpu.memref_squeeze %dma_start3A_2538 : memref<1x8x32xf32, #tpu.memory_space<vmem>> -> memref<8x32xf32, #tpu.memory_space<vmem>>
        %dma_start3A_2540 = arith.constant 0 : i32
        %dma_start3A_2541 = arith.constant 0 : i32
        %dma_start3A_2542 = tpu.memref_slice %arg4[%squeeze3A_2526, %dma_start3A_2540, %dma_start3A_2541] : memref<325000x8x32xf32, #tpu.memory_space<hbm>> -> memref<1x8x32xf32, #tpu.memory_space<hbm>>
        %dma_start3A_2543 = tpu.memref_squeeze %dma_start3A_2542 : memref<1x8x32xf32, #tpu.memory_space<hbm>> -> memref<8x32xf32, #tpu.memory_space<hbm>>
        tpu.enqueue_dma source(%dma_start3A_2543 : memref<8x32xf32, #tpu.memory_space<hbm>>) target(%dma_start3A_2539 : memref<8x32xf32, #tpu.memory_space<vmem>>) target_semaphore(%arg12 : memref<!tpu.dma_semaphore, #tpu.memory_space<semaphore_mem>>)
        %slice3A_2544 = vector.extract_strided_slice %get3A_2372 {offsets = [9], sizes = [1], strides = [1]} : vector<16xi32> to vector<1xi32>
        %squeeze3A_2545 = vector.extract %slice3A_2544[0] : i32 from vector<1xi32>
        %dma_start3A_2546 = arith.constant 25 : i32
        %dma_start3A_2547 = arith.constant 0 : i32
        %dma_start3A_2548 = arith.constant 0 : i32
        %dma_start3A_2549 = tpu.memref_slice %arg8[%dma_start3A_2546, %dma_start3A_2547, %dma_start3A_2548] : memref<32x8x32xf32, #tpu.memory_space<vmem>> -> memref<1x8x32xf32, #tpu.memory_space<vmem>>
        %dma_start3A_2550 = tpu.memref_squeeze %dma_start3A_2549 : memref<1x8x32xf32, #tpu.memory_space<vmem>> -> memref<8x32xf32, #tpu.memory_space<vmem>>
        %dma_start3A_2551 = arith.constant 0 : i32
        %dma_start3A_2552 = arith.constant 0 : i32
        %dma_start3A_2553 = tpu.memref_slice %arg4[%squeeze3A_2545, %dma_start3A_2551, %dma_start3A_2552] : memref<325000x8x32xf32, #tpu.memory_space<hbm>> -> memref<1x8x32xf32, #tpu.memory_space<hbm>>
        %dma_start3A_2554 = tpu.memref_squeeze %dma_start3A_2553 : memref<1x8x32xf32, #tpu.memory_space<hbm>> -> memref<8x32xf32, #tpu.memory_space<hbm>>
        %dma_start3A_2555 = arith.constant 0 : i32
        %dma_start3A_2556 = arith.constant 0 : i32
        %dma_start3A_2557 = tpu.memref_slice %arg8[%dma_start3A_2546, %dma_start3A_2555, %dma_start3A_2556] : memref<32x8x32xf32, #tpu.memory_space<vmem>> -> memref<1x8x32xf32, #tpu.memory_space<vmem>>
        %dma_start3A_2558 = tpu.memref_squeeze %dma_start3A_2557 : memref<1x8x32xf32, #tpu.memory_space<vmem>> -> memref<8x32xf32, #tpu.memory_space<vmem>>
        %dma_start3A_2559 = arith.constant 0 : i32
        %dma_start3A_2560 = arith.constant 0 : i32
        %dma_start3A_2561 = tpu.memref_slice %arg4[%squeeze3A_2545, %dma_start3A_2559, %dma_start3A_2560] : memref<325000x8x32xf32, #tpu.memory_space<hbm>> -> memref<1x8x32xf32, #tpu.memory_space<hbm>>
        %dma_start3A_2562 = tpu.memref_squeeze %dma_start3A_2561 : memref<1x8x32xf32, #tpu.memory_space<hbm>> -> memref<8x32xf32, #tpu.memory_space<hbm>>
        tpu.enqueue_dma source(%dma_start3A_2562 : memref<8x32xf32, #tpu.memory_space<hbm>>) target(%dma_start3A_2558 : memref<8x32xf32, #tpu.memory_space<vmem>>) target_semaphore(%arg12 : memref<!tpu.dma_semaphore, #tpu.memory_space<semaphore_mem>>)
        %slice3A_2563 = vector.extract_strided_slice %get3A_2372 {offsets = [10], sizes = [1], strides = [1]} : vector<16xi32> to vector<1xi32>
        %squeeze3A_2564 = vector.extract %slice3A_2563[0] : i32 from vector<1xi32>
        %dma_start3A_2565 = arith.constant 26 : i32
        %dma_start3A_2566 = arith.constant 0 : i32
        %dma_start3A_2567 = arith.constant 0 : i32
        %dma_start3A_2568 = tpu.memref_slice %arg8[%dma_start3A_2565, %dma_start3A_2566, %dma_start3A_2567] : memref<32x8x32xf32, #tpu.memory_space<vmem>> -> memref<1x8x32xf32, #tpu.memory_space<vmem>>
        %dma_start3A_2569 = tpu.memref_squeeze %dma_start3A_2568 : memref<1x8x32xf32, #tpu.memory_space<vmem>> -> memref<8x32xf32, #tpu.memory_space<vmem>>
        %dma_start3A_2570 = arith.constant 0 : i32
        %dma_start3A_2571 = arith.constant 0 : i32
        %dma_start3A_2572 = tpu.memref_slice %arg4[%squeeze3A_2564, %dma_start3A_2570, %dma_start3A_2571] : memref<325000x8x32xf32, #tpu.memory_space<hbm>> -> memref<1x8x32xf32, #tpu.memory_space<hbm>>
        %dma_start3A_2573 = tpu.memref_squeeze %dma_start3A_2572 : memref<1x8x32xf32, #tpu.memory_space<hbm>> -> memref<8x32xf32, #tpu.memory_space<hbm>>
        %dma_start3A_2574 = arith.constant 0 : i32
        %dma_start3A_2575 = arith.constant 0 : i32
        %dma_start3A_2576 = tpu.memref_slice %arg8[%dma_start3A_2565, %dma_start3A_2574, %dma_start3A_2575] : memref<32x8x32xf32, #tpu.memory_space<vmem>> -> memref<1x8x32xf32, #tpu.memory_space<vmem>>
        %dma_start3A_2577 = tpu.memref_squeeze %dma_start3A_2576 : memref<1x8x32xf32, #tpu.memory_space<vmem>> -> memref<8x32xf32, #tpu.memory_space<vmem>>
        %dma_start3A_2578 = arith.constant 0 : i32
        %dma_start3A_2579 = arith.constant 0 : i32
        %dma_start3A_2580 = tpu.memref_slice %arg4[%squeeze3A_2564, %dma_start3A_2578, %dma_start3A_2579] : memref<325000x8x32xf32, #tpu.memory_space<hbm>> -> memref<1x8x32xf32, #tpu.memory_space<hbm>>
        %dma_start3A_2581 = tpu.memref_squeeze %dma_start3A_2580 : memref<1x8x32xf32, #tpu.memory_space<hbm>> -> memref<8x32xf32, #tpu.memory_space<hbm>>
        tpu.enqueue_dma source(%dma_start3A_2581 : memref<8x32xf32, #tpu.memory_space<hbm>>) target(%dma_start3A_2577 : memref<8x32xf32, #tpu.memory_space<vmem>>) target_semaphore(%arg12 : memref<!tpu.dma_semaphore, #tpu.memory_space<semaphore_mem>>)
        %slice3A_2582 = vector.extract_strided_slice %get3A_2372 {offsets = [11], sizes = [1], strides = [1]} : vector<16xi32> to vector<1xi32>
        %squeeze3A_2583 = vector.extract %slice3A_2582[0] : i32 from vector<1xi32>
        %dma_start3A_2584 = arith.constant 27 : i32
        %dma_start3A_2585 = arith.constant 0 : i32
        %dma_start3A_2586 = arith.constant 0 : i32
        %dma_start3A_2587 = tpu.memref_slice %arg8[%dma_start3A_2584, %dma_start3A_2585, %dma_start3A_2586] : memref<32x8x32xf32, #tpu.memory_space<vmem>> -> memref<1x8x32xf32, #tpu.memory_space<vmem>>
        %dma_start3A_2588 = tpu.memref_squeeze %dma_start3A_2587 : memref<1x8x32xf32, #tpu.memory_space<vmem>> -> memref<8x32xf32, #tpu.memory_space<vmem>>
        %dma_start3A_2589 = arith.constant 0 : i32
        %dma_start3A_2590 = arith.constant 0 : i32
        %dma_start3A_2591 = tpu.memref_slice %arg4[%squeeze3A_2583, %dma_start3A_2589, %dma_start3A_2590] : memref<325000x8x32xf32, #tpu.memory_space<hbm>> -> memref<1x8x32xf32, #tpu.memory_space<hbm>>
        %dma_start3A_2592 = tpu.memref_squeeze %dma_start3A_2591 : memref<1x8x32xf32, #tpu.memory_space<hbm>> -> memref<8x32xf32, #tpu.memory_space<hbm>>
        %dma_start3A_2593 = arith.constant 0 : i32
        %dma_start3A_2594 = arith.constant 0 : i32
        %dma_start3A_2595 = tpu.memref_slice %arg8[%dma_start3A_2584, %dma_start3A_2593, %dma_start3A_2594] : memref<32x8x32xf32, #tpu.memory_space<vmem>> -> memref<1x8x32xf32, #tpu.memory_space<vmem>>
        %dma_start3A_2596 = tpu.memref_squeeze %dma_start3A_2595 : memref<1x8x32xf32, #tpu.memory_space<vmem>> -> memref<8x32xf32, #tpu.memory_space<vmem>>
        %dma_start3A_2597 = arith.constant 0 : i32
        %dma_start3A_2598 = arith.constant 0 : i32
        %dma_start3A_2599 = tpu.memref_slice %arg4[%squeeze3A_2583, %dma_start3A_2597, %dma_start3A_2598] : memref<325000x8x32xf32, #tpu.memory_space<hbm>> -> memref<1x8x32xf32, #tpu.memory_space<hbm>>
        %dma_start3A_2600 = tpu.memref_squeeze %dma_start3A_2599 : memref<1x8x32xf32, #tpu.memory_space<hbm>> -> memref<8x32xf32, #tpu.memory_space<hbm>>
        tpu.enqueue_dma source(%dma_start3A_2600 : memref<8x32xf32, #tpu.memory_space<hbm>>) target(%dma_start3A_2596 : memref<8x32xf32, #tpu.memory_space<vmem>>) target_semaphore(%arg12 : memref<!tpu.dma_semaphore, #tpu.memory_space<semaphore_mem>>)
        %slice3A_2601 = vector.extract_strided_slice %get3A_2372 {offsets = [12], sizes = [1], strides = [1]} : vector<16xi32> to vector<1xi32>
        %squeeze3A_2602 = vector.extract %slice3A_2601[0] : i32 from vector<1xi32>
        %dma_start3A_2603 = arith.constant 28 : i32
        %dma_start3A_2604 = arith.constant 0 : i32
        %dma_start3A_2605 = arith.constant 0 : i32
        %dma_start3A_2606 = tpu.memref_slice %arg8[%dma_start3A_2603, %dma_start3A_2604, %dma_start3A_2605] : memref<32x8x32xf32, #tpu.memory_space<vmem>> -> memref<1x8x32xf32, #tpu.memory_space<vmem>>
        %dma_start3A_2607 = tpu.memref_squeeze %dma_start3A_2606 : memref<1x8x32xf32, #tpu.memory_space<vmem>> -> memref<8x32xf32, #tpu.memory_space<vmem>>
        %dma_start3A_2608 = arith.constant 0 : i32
        %dma_start3A_2609 = arith.constant 0 : i32
        %dma_start3A_2610 = tpu.memref_slice %arg4[%squeeze3A_2602, %dma_start3A_2608, %dma_start3A_2609] : memref<325000x8x32xf32, #tpu.memory_space<hbm>> -> memref<1x8x32xf32, #tpu.memory_space<hbm>>
        %dma_start3A_2611 = tpu.memref_squeeze %dma_start3A_2610 : memref<1x8x32xf32, #tpu.memory_space<hbm>> -> memref<8x32xf32, #tpu.memory_space<hbm>>
        %dma_start3A_2612 = arith.constant 0 : i32
        %dma_start3A_2613 = arith.constant 0 : i32
        %dma_start3A_2614 = tpu.memref_slice %arg8[%dma_start3A_2603, %dma_start3A_2612, %dma_start3A_2613] : memref<32x8x32xf32, #tpu.memory_space<vmem>> -> memref<1x8x32xf32, #tpu.memory_space<vmem>>
        %dma_start3A_2615 = tpu.memref_squeeze %dma_start3A_2614 : memref<1x8x32xf32, #tpu.memory_space<vmem>> -> memref<8x32xf32, #tpu.memory_space<vmem>>
        %dma_start3A_2616 = arith.constant 0 : i32
        %dma_start3A_2617 = arith.constant 0 : i32
        %dma_start3A_2618 = tpu.memref_slice %arg4[%squeeze3A_2602, %dma_start3A_2616, %dma_start3A_2617] : memref<325000x8x32xf32, #tpu.memory_space<hbm>> -> memref<1x8x32xf32, #tpu.memory_space<hbm>>
        %dma_start3A_2619 = tpu.memref_squeeze %dma_start3A_2618 : memref<1x8x32xf32, #tpu.memory_space<hbm>> -> memref<8x32xf32, #tpu.memory_space<hbm>>
        tpu.enqueue_dma source(%dma_start3A_2619 : memref<8x32xf32, #tpu.memory_space<hbm>>) target(%dma_start3A_2615 : memref<8x32xf32, #tpu.memory_space<vmem>>) target_semaphore(%arg12 : memref<!tpu.dma_semaphore, #tpu.memory_space<semaphore_mem>>)
        %slice3A_2620 = vector.extract_strided_slice %get3A_2372 {offsets = [13], sizes = [1], strides = [1]} : vector<16xi32> to vector<1xi32>
        %squeeze3A_2621 = vector.extract %slice3A_2620[0] : i32 from vector<1xi32>
        %dma_start3A_2622 = arith.constant 29 : i32
        %dma_start3A_2623 = arith.constant 0 : i32
        %dma_start3A_2624 = arith.constant 0 : i32
        %dma_start3A_2625 = tpu.memref_slice %arg8[%dma_start3A_2622, %dma_start3A_2623, %dma_start3A_2624] : memref<32x8x32xf32, #tpu.memory_space<vmem>> -> memref<1x8x32xf32, #tpu.memory_space<vmem>>
        %dma_start3A_2626 = tpu.memref_squeeze %dma_start3A_2625 : memref<1x8x32xf32, #tpu.memory_space<vmem>> -> memref<8x32xf32, #tpu.memory_space<vmem>>
        %dma_start3A_2627 = arith.constant 0 : i32
        %dma_start3A_2628 = arith.constant 0 : i32
        %dma_start3A_2629 = tpu.memref_slice %arg4[%squeeze3A_2621, %dma_start3A_2627, %dma_start3A_2628] : memref<325000x8x32xf32, #tpu.memory_space<hbm>> -> memref<1x8x32xf32, #tpu.memory_space<hbm>>
        %dma_start3A_2630 = tpu.memref_squeeze %dma_start3A_2629 : memref<1x8x32xf32, #tpu.memory_space<hbm>> -> memref<8x32xf32, #tpu.memory_space<hbm>>
        %dma_start3A_2631 = arith.constant 0 : i32
        %dma_start3A_2632 = arith.constant 0 : i32
        %dma_start3A_2633 = tpu.memref_slice %arg8[%dma_start3A_2622, %dma_start3A_2631, %dma_start3A_2632] : memref<32x8x32xf32, #tpu.memory_space<vmem>> -> memref<1x8x32xf32, #tpu.memory_space<vmem>>
        %dma_start3A_2634 = tpu.memref_squeeze %dma_start3A_2633 : memref<1x8x32xf32, #tpu.memory_space<vmem>> -> memref<8x32xf32, #tpu.memory_space<vmem>>
        %dma_start3A_2635 = arith.constant 0 : i32
        %dma_start3A_2636 = arith.constant 0 : i32
        %dma_start3A_2637 = tpu.memref_slice %arg4[%squeeze3A_2621, %dma_start3A_2635, %dma_start3A_2636] : memref<325000x8x32xf32, #tpu.memory_space<hbm>> -> memref<1x8x32xf32, #tpu.memory_space<hbm>>
        %dma_start3A_2638 = tpu.memref_squeeze %dma_start3A_2637 : memref<1x8x32xf32, #tpu.memory_space<hbm>> -> memref<8x32xf32, #tpu.memory_space<hbm>>
        tpu.enqueue_dma source(%dma_start3A_2638 : memref<8x32xf32, #tpu.memory_space<hbm>>) target(%dma_start3A_2634 : memref<8x32xf32, #tpu.memory_space<vmem>>) target_semaphore(%arg12 : memref<!tpu.dma_semaphore, #tpu.memory_space<semaphore_mem>>)
        %slice3A_2639 = vector.extract_strided_slice %get3A_2372 {offsets = [14], sizes = [1], strides = [1]} : vector<16xi32> to vector<1xi32>
        %squeeze3A_2640 = vector.extract %slice3A_2639[0] : i32 from vector<1xi32>
        %dma_start3A_2641 = arith.constant 30 : i32
        %dma_start3A_2642 = arith.constant 0 : i32
        %dma_start3A_2643 = arith.constant 0 : i32
        %dma_start3A_2644 = tpu.memref_slice %arg8[%dma_start3A_2641, %dma_start3A_2642, %dma_start3A_2643] : memref<32x8x32xf32, #tpu.memory_space<vmem>> -> memref<1x8x32xf32, #tpu.memory_space<vmem>>
        %dma_start3A_2645 = tpu.memref_squeeze %dma_start3A_2644 : memref<1x8x32xf32, #tpu.memory_space<vmem>> -> memref<8x32xf32, #tpu.memory_space<vmem>>
        %dma_start3A_2646 = arith.constant 0 : i32
        %dma_start3A_2647 = arith.constant 0 : i32
        %dma_start3A_2648 = tpu.memref_slice %arg4[%squeeze3A_2640, %dma_start3A_2646, %dma_start3A_2647] : memref<325000x8x32xf32, #tpu.memory_space<hbm>> -> memref<1x8x32xf32, #tpu.memory_space<hbm>>
        %dma_start3A_2649 = tpu.memref_squeeze %dma_start3A_2648 : memref<1x8x32xf32, #tpu.memory_space<hbm>> -> memref<8x32xf32, #tpu.memory_space<hbm>>
        %dma_start3A_2650 = arith.constant 0 : i32
        %dma_start3A_2651 = arith.constant 0 : i32
        %dma_start3A_2652 = tpu.memref_slice %arg8[%dma_start3A_2641, %dma_start3A_2650, %dma_start3A_2651] : memref<32x8x32xf32, #tpu.memory_space<vmem>> -> memref<1x8x32xf32, #tpu.memory_space<vmem>>
        %dma_start3A_2653 = tpu.memref_squeeze %dma_start3A_2652 : memref<1x8x32xf32, #tpu.memory_space<vmem>> -> memref<8x32xf32, #tpu.memory_space<vmem>>
        %dma_start3A_2654 = arith.constant 0 : i32
        %dma_start3A_2655 = arith.constant 0 : i32
        %dma_start3A_2656 = tpu.memref_slice %arg4[%squeeze3A_2640, %dma_start3A_2654, %dma_start3A_2655] : memref<325000x8x32xf32, #tpu.memory_space<hbm>> -> memref<1x8x32xf32, #tpu.memory_space<hbm>>
        %dma_start3A_2657 = tpu.memref_squeeze %dma_start3A_2656 : memref<1x8x32xf32, #tpu.memory_space<hbm>> -> memref<8x32xf32, #tpu.memory_space<hbm>>
        tpu.enqueue_dma source(%dma_start3A_2657 : memref<8x32xf32, #tpu.memory_space<hbm>>) target(%dma_start3A_2653 : memref<8x32xf32, #tpu.memory_space<vmem>>) target_semaphore(%arg12 : memref<!tpu.dma_semaphore, #tpu.memory_space<semaphore_mem>>)
        %slice3A_2658 = vector.extract_strided_slice %get3A_2372 {offsets = [15], sizes = [1], strides = [1]} : vector<16xi32> to vector<1xi32>
        %squeeze3A_2659 = vector.extract %slice3A_2658[0] : i32 from vector<1xi32>
        %dma_start3A_2660 = arith.constant 31 : i32
        %dma_start3A_2661 = arith.constant 0 : i32
        %dma_start3A_2662 = arith.constant 0 : i32
        %dma_start3A_2663 = tpu.memref_slice %arg8[%dma_start3A_2660, %dma_start3A_2661, %dma_start3A_2662] : memref<32x8x32xf32, #tpu.memory_space<vmem>> -> memref<1x8x32xf32, #tpu.memory_space<vmem>>
        %dma_start3A_2664 = tpu.memref_squeeze %dma_start3A_2663 : memref<1x8x32xf32, #tpu.memory_space<vmem>> -> memref<8x32xf32, #tpu.memory_space<vmem>>
        %dma_start3A_2665 = arith.constant 0 : i32
        %dma_start3A_2666 = arith.constant 0 : i32
        %dma_start3A_2667 = tpu.memref_slice %arg4[%squeeze3A_2659, %dma_start3A_2665, %dma_start3A_2666] : memref<325000x8x32xf32, #tpu.memory_space<hbm>> -> memref<1x8x32xf32, #tpu.memory_space<hbm>>
        %dma_start3A_2668 = tpu.memref_squeeze %dma_start3A_2667 : memref<1x8x32xf32, #tpu.memory_space<hbm>> -> memref<8x32xf32, #tpu.memory_space<hbm>>
        %dma_start3A_2669 = arith.constant 0 : i32
        %dma_start3A_2670 = arith.constant 0 : i32
        %dma_start3A_2671 = tpu.memref_slice %arg8[%dma_start3A_2660, %dma_start3A_2669, %dma_start3A_2670] : memref<32x8x32xf32, #tpu.memory_space<vmem>> -> memref<1x8x32xf32, #tpu.memory_space<vmem>>
        %dma_start3A_2672 = tpu.memref_squeeze %dma_start3A_2671 : memref<1x8x32xf32, #tpu.memory_space<vmem>> -> memref<8x32xf32, #tpu.memory_space<vmem>>
        %dma_start3A_2673 = arith.constant 0 : i32
        %dma_start3A_2674 = arith.constant 0 : i32
        %dma_start3A_2675 = tpu.memref_slice %arg4[%squeeze3A_2659, %dma_start3A_2673, %dma_start3A_2674] : memref<325000x8x32xf32, #tpu.memory_space<hbm>> -> memref<1x8x32xf32, #tpu.memory_space<hbm>>
        %dma_start3A_2676 = tpu.memref_squeeze %dma_start3A_2675 : memref<1x8x32xf32, #tpu.memory_space<hbm>> -> memref<8x32xf32, #tpu.memory_space<hbm>>
        tpu.enqueue_dma source(%dma_start3A_2676 : memref<8x32xf32, #tpu.memory_space<hbm>>) target(%dma_start3A_2672 : memref<8x32xf32, #tpu.memory_space<vmem>>) target_semaphore(%arg12 : memref<!tpu.dma_semaphore, #tpu.memory_space<semaphore_mem>>)
      } else {
      }
      %dma_wait3A_1652 = arith.constant 0 : i32
      %dma_wait3A_1653 = arith.constant 0 : i32
      %dma_wait3A_1654 = arith.constant 0 : i32
      %dma_wait3A_1655 = tpu.memref_slice %arg4[%dma_wait3A_1652, %dma_wait3A_1653, %dma_wait3A_1654] : memref<325000x8x32xf32, #tpu.memory_space<hbm>> -> memref<32x8x32xf32, #tpu.memory_space<hbm>>
      %dma_wait3A_1656 = arith.constant 0 : i32
      %dma_wait3A_1657 = arith.constant 0 : i32
      %dma_wait3A_1658 = arith.constant 0 : i32
      %dma_wait3A_1659 = tpu.memref_slice %arg4[%dma_wait3A_1656, %dma_wait3A_1657, %dma_wait3A_1658] : memref<325000x8x32xf32, #tpu.memory_space<hbm>> -> memref<32x8x32xf32, #tpu.memory_space<hbm>>
      tpu.wait_dma2 semaphore(%arg13 : memref<!tpu.dma_semaphore, #tpu.memory_space<semaphore_mem>>) src(%dma_wait3A_1659 : memref<32x8x32xf32, #tpu.memory_space<hbm>>) dst(%arg9 : memref<32x8x32xf32, #tpu.memory_space<vmem>>)
      %add3A_1660 = arith.constant 0 : i32
      %add3A_1661 = vector.broadcast %add3A_1660 : i32 to vector<16xi32>
      %add3A_1662 = arith.addi %iota3A, %add3A_1661 : vector<16xi32>
      %add3A_1663 = arith.constant 0 : i32
      %add3A_1664 = arith.addi %add3A_625, %add3A_1663 : i32
      %get3A_1665 = arith.index_cast %add3A_1664 : i32 to index
      %get3A_1666 = tpu.vector_load %arg7[%get3A_1665] {strides = array<i32>} : memref<3328xi32, #tpu.memory_space<vmem>>, vector<16xi32>,
      %broadcast_in_dim3A_1667 = arith.constant 0 : i32
      %broadcast_in_dim3A_1668 = vector.broadcast %broadcast_in_dim3A_1667 : i32 to vector<16xi32>
      %gather3A_1669 = tpu.vector_load_idx %arg9[%add3A_1662, %get3A_1666, %broadcast_in_dim3A_1668] : memref<32x8x32xf32, #tpu.memory_space<vmem>>[vector<16xi32>, vector<16xi32>, vector<16xi32>], vector<16xf32>,
      %add3A_1670 = arith.constant 0 : i32
      %add3A_1671 = vector.broadcast %add3A_1670 : i32 to vector<16xi32>
      %add3A_1672 = arith.addi %mul3A_5, %add3A_1671 : vector<16xi32>
      tpu.vector_store_idx %arg11[%add3A_1672], %gather3A_1669 : memref<1024xf32, #tpu.memory_space<vmem>>[vector<16xi32>], vector<16xf32>,
      %broadcast_in_dim3A_1673 = arith.constant 1 : i32
      %broadcast_in_dim3A_1674 = vector.broadcast %broadcast_in_dim3A_1673 : i32 to vector<16xi32>
      %gather3A_1675 = tpu.vector_load_idx %arg9[%add3A_1662, %get3A_1666, %broadcast_in_dim3A_1674] : memref<32x8x32xf32, #tpu.memory_space<vmem>>[vector<16xi32>, vector<16xi32>, vector<16xi32>], vector<16xf32>,
      %add3A_1676 = arith.constant 1 : i32
      %add3A_1677 = vector.broadcast %add3A_1676 : i32 to vector<16xi32>
      %add3A_1678 = arith.addi %mul3A_5, %add3A_1677 : vector<16xi32>
      tpu.vector_store_idx %arg11[%add3A_1678], %gather3A_1675 : memref<1024xf32, #tpu.memory_space<vmem>>[vector<16xi32>], vector<16xf32>,
      %broadcast_in_dim3A_1679 = arith.constant 2 : i32
      %broadcast_in_dim3A_1680 = vector.broadcast %broadcast_in_dim3A_1679 : i32 to vector<16xi32>
      %gather3A_1681 = tpu.vector_load_idx %arg9[%add3A_1662, %get3A_1666, %broadcast_in_dim3A_1680] : memref<32x8x32xf32, #tpu.memory_space<vmem>>[vector<16xi32>, vector<16xi32>, vector<16xi32>], vector<16xf32>,
      %add3A_1682 = arith.constant 2 : i32
      %add3A_1683 = vector.broadcast %add3A_1682 : i32 to vector<16xi32>
      %add3A_1684 = arith.addi %mul3A_5, %add3A_1683 : vector<16xi32>
      tpu.vector_store_idx %arg11[%add3A_1684], %gather3A_1681 : memref<1024xf32, #tpu.memory_space<vmem>>[vector<16xi32>], vector<16xf32>,
      %broadcast_in_dim3A_1685 = arith.constant 3 : i32
      %broadcast_in_dim3A_1686 = vector.broadcast %broadcast_in_dim3A_1685 : i32 to vector<16xi32>
      %gather3A_1687 = tpu.vector_load_idx %arg9[%add3A_1662, %get3A_1666, %broadcast_in_dim3A_1686] : memref<32x8x32xf32, #tpu.memory_space<vmem>>[vector<16xi32>, vector<16xi32>, vector<16xi32>], vector<16xf32>,
      %add3A_1688 = arith.constant 3 : i32
      %add3A_1689 = vector.broadcast %add3A_1688 : i32 to vector<16xi32>
      %add3A_1690 = arith.addi %mul3A_5, %add3A_1689 : vector<16xi32>
      tpu.vector_store_idx %arg11[%add3A_1690], %gather3A_1687 : memref<1024xf32, #tpu.memory_space<vmem>>[vector<16xi32>], vector<16xf32>,
      %broadcast_in_dim3A_1691 = arith.constant 4 : i32
      %broadcast_in_dim3A_1692 = vector.broadcast %broadcast_in_dim3A_1691 : i32 to vector<16xi32>
      %gather3A_1693 = tpu.vector_load_idx %arg9[%add3A_1662, %get3A_1666, %broadcast_in_dim3A_1692] : memref<32x8x32xf32, #tpu.memory_space<vmem>>[vector<16xi32>, vector<16xi32>, vector<16xi32>], vector<16xf32>,
      %add3A_1694 = arith.constant 4 : i32
      %add3A_1695 = vector.broadcast %add3A_1694 : i32 to vector<16xi32>
      %add3A_1696 = arith.addi %mul3A_5, %add3A_1695 : vector<16xi32>
      tpu.vector_store_idx %arg11[%add3A_1696], %gather3A_1693 : memref<1024xf32, #tpu.memory_space<vmem>>[vector<16xi32>], vector<16xf32>,
      %broadcast_in_dim3A_1697 = arith.constant 5 : i32
      %broadcast_in_dim3A_1698 = vector.broadcast %broadcast_in_dim3A_1697 : i32 to vector<16xi32>
      %gather3A_1699 = tpu.vector_load_idx %arg9[%add3A_1662, %get3A_1666, %broadcast_in_dim3A_1698] : memref<32x8x32xf32, #tpu.memory_space<vmem>>[vector<16xi32>, vector<16xi32>, vector<16xi32>], vector<16xf32>,
      %add3A_1700 = arith.constant 5 : i32
      %add3A_1701 = vector.broadcast %add3A_1700 : i32 to vector<16xi32>
      %add3A_1702 = arith.addi %mul3A_5, %add3A_1701 : vector<16xi32>
      tpu.vector_store_idx %arg11[%add3A_1702], %gather3A_1699 : memref<1024xf32, #tpu.memory_space<vmem>>[vector<16xi32>], vector<16xf32>,
      %broadcast_in_dim3A_1703 = arith.constant 6 : i32
      %broadcast_in_dim3A_1704 = vector.broadcast %broadcast_in_dim3A_1703 : i32 to vector<16xi32>
      %gather3A_1705 = tpu.vector_load_idx %arg9[%add3A_1662, %get3A_1666, %broadcast_in_dim3A_1704] : memref<32x8x32xf32, #tpu.memory_space<vmem>>[vector<16xi32>, vector<16xi32>, vector<16xi32>], vector<16xf32>,
      %add3A_1706 = arith.constant 6 : i32
      %add3A_1707 = vector.broadcast %add3A_1706 : i32 to vector<16xi32>
      %add3A_1708 = arith.addi %mul3A_5, %add3A_1707 : vector<16xi32>
      tpu.vector_store_idx %arg11[%add3A_1708], %gather3A_1705 : memref<1024xf32, #tpu.memory_space<vmem>>[vector<16xi32>], vector<16xf32>,
      %broadcast_in_dim3A_1709 = arith.constant 7 : i32
      %broadcast_in_dim3A_1710 = vector.broadcast %broadcast_in_dim3A_1709 : i32 to vector<16xi32>
      %gather3A_1711 = tpu.vector_load_idx %arg9[%add3A_1662, %get3A_1666, %broadcast_in_dim3A_1710] : memref<32x8x32xf32, #tpu.memory_space<vmem>>[vector<16xi32>, vector<16xi32>, vector<16xi32>], vector<16xf32>,
      %add3A_1712 = arith.constant 7 : i32
      %add3A_1713 = vector.broadcast %add3A_1712 : i32 to vector<16xi32>
      %add3A_1714 = arith.addi %mul3A_5, %add3A_1713 : vector<16xi32>
      tpu.vector_store_idx %arg11[%add3A_1714], %gather3A_1711 : memref<1024xf32, #tpu.memory_space<vmem>>[vector<16xi32>], vector<16xf32>,
      %broadcast_in_dim3A_1715 = arith.constant 8 : i32
      %broadcast_in_dim3A_1716 = vector.broadcast %broadcast_in_dim3A_1715 : i32 to vector<16xi32>
      %gather3A_1717 = tpu.vector_load_idx %arg9[%add3A_1662, %get3A_1666, %broadcast_in_dim3A_1716] : memref<32x8x32xf32, #tpu.memory_space<vmem>>[vector<16xi32>, vector<16xi32>, vector<16xi32>], vector<16xf32>,
      %add3A_1718 = arith.constant 8 : i32
      %add3A_1719 = vector.broadcast %add3A_1718 : i32 to vector<16xi32>
      %add3A_1720 = arith.addi %mul3A_5, %add3A_1719 : vector<16xi32>
      tpu.vector_store_idx %arg11[%add3A_1720], %gather3A_1717 : memref<1024xf32, #tpu.memory_space<vmem>>[vector<16xi32>], vector<16xf32>,
      %broadcast_in_dim3A_1721 = arith.constant 9 : i32
      %broadcast_in_dim3A_1722 = vector.broadcast %broadcast_in_dim3A_1721 : i32 to vector<16xi32>
      %gather3A_1723 = tpu.vector_load_idx %arg9[%add3A_1662, %get3A_1666, %broadcast_in_dim3A_1722] : memref<32x8x32xf32, #tpu.memory_space<vmem>>[vector<16xi32>, vector<16xi32>, vector<16xi32>], vector<16xf32>,
      %add3A_1724 = arith.constant 9 : i32
      %add3A_1725 = vector.broadcast %add3A_1724 : i32 to vector<16xi32>
      %add3A_1726 = arith.addi %mul3A_5, %add3A_1725 : vector<16xi32>
      tpu.vector_store_idx %arg11[%add3A_1726], %gather3A_1723 : memref<1024xf32, #tpu.memory_space<vmem>>[vector<16xi32>], vector<16xf32>,
      %broadcast_in_dim3A_1727 = arith.constant 10 : i32
      %broadcast_in_dim3A_1728 = vector.broadcast %broadcast_in_dim3A_1727 : i32 to vector<16xi32>
      %gather3A_1729 = tpu.vector_load_idx %arg9[%add3A_1662, %get3A_1666, %broadcast_in_dim3A_1728] : memref<32x8x32xf32, #tpu.memory_space<vmem>>[vector<16xi32>, vector<16xi32>, vector<16xi32>], vector<16xf32>,
      %add3A_1730 = arith.constant 10 : i32
      %add3A_1731 = vector.broadcast %add3A_1730 : i32 to vector<16xi32>
      %add3A_1732 = arith.addi %mul3A_5, %add3A_1731 : vector<16xi32>
      tpu.vector_store_idx %arg11[%add3A_1732], %gather3A_1729 : memref<1024xf32, #tpu.memory_space<vmem>>[vector<16xi32>], vector<16xf32>,
      %broadcast_in_dim3A_1733 = arith.constant 11 : i32
      %broadcast_in_dim3A_1734 = vector.broadcast %broadcast_in_dim3A_1733 : i32 to vector<16xi32>
      %gather3A_1735 = tpu.vector_load_idx %arg9[%add3A_1662, %get3A_1666, %broadcast_in_dim3A_1734] : memref<32x8x32xf32, #tpu.memory_space<vmem>>[vector<16xi32>, vector<16xi32>, vector<16xi32>], vector<16xf32>,
      %add3A_1736 = arith.constant 11 : i32
      %add3A_1737 = vector.broadcast %add3A_1736 : i32 to vector<16xi32>
      %add3A_1738 = arith.addi %mul3A_5, %add3A_1737 : vector<16xi32>
      tpu.vector_store_idx %arg11[%add3A_1738], %gather3A_1735 : memref<1024xf32, #tpu.memory_space<vmem>>[vector<16xi32>], vector<16xf32>,
      %broadcast_in_dim3A_1739 = arith.constant 12 : i32
      %broadcast_in_dim3A_1740 = vector.broadcast %broadcast_in_dim3A_1739 : i32 to vector<16xi32>
      %gather3A_1741 = tpu.vector_load_idx %arg9[%add3A_1662, %get3A_1666, %broadcast_in_dim3A_1740] : memref<32x8x32xf32, #tpu.memory_space<vmem>>[vector<16xi32>, vector<16xi32>, vector<16xi32>], vector<16xf32>,
      %add3A_1742 = arith.constant 12 : i32
      %add3A_1743 = vector.broadcast %add3A_1742 : i32 to vector<16xi32>
      %add3A_1744 = arith.addi %mul3A_5, %add3A_1743 : vector<16xi32>
      tpu.vector_store_idx %arg11[%add3A_1744], %gather3A_1741 : memref<1024xf32, #tpu.memory_space<vmem>>[vector<16xi32>], vector<16xf32>,
      %broadcast_in_dim3A_1745 = arith.constant 13 : i32
      %broadcast_in_dim3A_1746 = vector.broadcast %broadcast_in_dim3A_1745 : i32 to vector<16xi32>
      %gather3A_1747 = tpu.vector_load_idx %arg9[%add3A_1662, %get3A_1666, %broadcast_in_dim3A_1746] : memref<32x8x32xf32, #tpu.memory_space<vmem>>[vector<16xi32>, vector<16xi32>, vector<16xi32>], vector<16xf32>,
      %add3A_1748 = arith.constant 13 : i32
      %add3A_1749 = vector.broadcast %add3A_1748 : i32 to vector<16xi32>
      %add3A_1750 = arith.addi %mul3A_5, %add3A_1749 : vector<16xi32>
      tpu.vector_store_idx %arg11[%add3A_1750], %gather3A_1747 : memref<1024xf32, #tpu.memory_space<vmem>>[vector<16xi32>], vector<16xf32>,
      %broadcast_in_dim3A_1751 = arith.constant 14 : i32
      %broadcast_in_dim3A_1752 = vector.broadcast %broadcast_in_dim3A_1751 : i32 to vector<16xi32>
      %gather3A_1753 = tpu.vector_load_idx %arg9[%add3A_1662, %get3A_1666, %broadcast_in_dim3A_1752] : memref<32x8x32xf32, #tpu.memory_space<vmem>>[vector<16xi32>, vector<16xi32>, vector<16xi32>], vector<16xf32>,
      %add3A_1754 = arith.constant 14 : i32
      %add3A_1755 = vector.broadcast %add3A_1754 : i32 to vector<16xi32>
      %add3A_1756 = arith.addi %mul3A_5, %add3A_1755 : vector<16xi32>
      tpu.vector_store_idx %arg11[%add3A_1756], %gather3A_1753 : memref<1024xf32, #tpu.memory_space<vmem>>[vector<16xi32>], vector<16xf32>,
      %broadcast_in_dim3A_1757 = arith.constant 15 : i32
      %broadcast_in_dim3A_1758 = vector.broadcast %broadcast_in_dim3A_1757 : i32 to vector<16xi32>
      %gather3A_1759 = tpu.vector_load_idx %arg9[%add3A_1662, %get3A_1666, %broadcast_in_dim3A_1758] : memref<32x8x32xf32, #tpu.memory_space<vmem>>[vector<16xi32>, vector<16xi32>, vector<16xi32>], vector<16xf32>,
      %add3A_1760 = arith.constant 15 : i32
      %add3A_1761 = vector.broadcast %add3A_1760 : i32 to vector<16xi32>
      %add3A_1762 = arith.addi %mul3A_5, %add3A_1761 : vector<16xi32>
      tpu.vector_store_idx %arg11[%add3A_1762], %gather3A_1759 : memref<1024xf32, #tpu.memory_space<vmem>>[vector<16xi32>], vector<16xf32>,
      %broadcast_in_dim3A_1763 = arith.constant 16 : i32
      %broadcast_in_dim3A_1764 = vector.broadcast %broadcast_in_dim3A_1763 : i32 to vector<16xi32>
      %gather3A_1765 = tpu.vector_load_idx %arg9[%add3A_1662, %get3A_1666, %broadcast_in_dim3A_1764] : memref<32x8x32xf32, #tpu.memory_space<vmem>>[vector<16xi32>, vector<16xi32>, vector<16xi32>], vector<16xf32>,
      %add3A_1766 = arith.constant 16 : i32
      %add3A_1767 = vector.broadcast %add3A_1766 : i32 to vector<16xi32>
      %add3A_1768 = arith.addi %mul3A_5, %add3A_1767 : vector<16xi32>
      tpu.vector_store_idx %arg11[%add3A_1768], %gather3A_1765 : memref<1024xf32, #tpu.memory_space<vmem>>[vector<16xi32>], vector<16xf32>,
      %broadcast_in_dim3A_1769 = arith.constant 17 : i32
      %broadcast_in_dim3A_1770 = vector.broadcast %broadcast_in_dim3A_1769 : i32 to vector<16xi32>
      %gather3A_1771 = tpu.vector_load_idx %arg9[%add3A_1662, %get3A_1666, %broadcast_in_dim3A_1770] : memref<32x8x32xf32, #tpu.memory_space<vmem>>[vector<16xi32>, vector<16xi32>, vector<16xi32>], vector<16xf32>,
      %add3A_1772 = arith.constant 17 : i32
      %add3A_1773 = vector.broadcast %add3A_1772 : i32 to vector<16xi32>
      %add3A_1774 = arith.addi %mul3A_5, %add3A_1773 : vector<16xi32>
      tpu.vector_store_idx %arg11[%add3A_1774], %gather3A_1771 : memref<1024xf32, #tpu.memory_space<vmem>>[vector<16xi32>], vector<16xf32>,
      %broadcast_in_dim3A_1775 = arith.constant 18 : i32
      %broadcast_in_dim3A_1776 = vector.broadcast %broadcast_in_dim3A_1775 : i32 to vector<16xi32>
      %gather3A_1777 = tpu.vector_load_idx %arg9[%add3A_1662, %get3A_1666, %broadcast_in_dim3A_1776] : memref<32x8x32xf32, #tpu.memory_space<vmem>>[vector<16xi32>, vector<16xi32>, vector<16xi32>], vector<16xf32>,
      %add3A_1778 = arith.constant 18 : i32
      %add3A_1779 = vector.broadcast %add3A_1778 : i32 to vector<16xi32>
      %add3A_1780 = arith.addi %mul3A_5, %add3A_1779 : vector<16xi32>
      tpu.vector_store_idx %arg11[%add3A_1780], %gather3A_1777 : memref<1024xf32, #tpu.memory_space<vmem>>[vector<16xi32>], vector<16xf32>,
      %broadcast_in_dim3A_1781 = arith.constant 19 : i32
      %broadcast_in_dim3A_1782 = vector.broadcast %broadcast_in_dim3A_1781 : i32 to vector<16xi32>
      %gather3A_1783 = tpu.vector_load_idx %arg9[%add3A_1662, %get3A_1666, %broadcast_in_dim3A_1782] : memref<32x8x32xf32, #tpu.memory_space<vmem>>[vector<16xi32>, vector<16xi32>, vector<16xi32>], vector<16xf32>,
      %add3A_1784 = arith.constant 19 : i32
      %add3A_1785 = vector.broadcast %add3A_1784 : i32 to vector<16xi32>
      %add3A_1786 = arith.addi %mul3A_5, %add3A_1785 : vector<16xi32>
      tpu.vector_store_idx %arg11[%add3A_1786], %gather3A_1783 : memref<1024xf32, #tpu.memory_space<vmem>>[vector<16xi32>], vector<16xf32>,
      %broadcast_in_dim3A_1787 = arith.constant 20 : i32
      %broadcast_in_dim3A_1788 = vector.broadcast %broadcast_in_dim3A_1787 : i32 to vector<16xi32>
      %gather3A_1789 = tpu.vector_load_idx %arg9[%add3A_1662, %get3A_1666, %broadcast_in_dim3A_1788] : memref<32x8x32xf32, #tpu.memory_space<vmem>>[vector<16xi32>, vector<16xi32>, vector<16xi32>], vector<16xf32>,
      %add3A_1790 = arith.constant 20 : i32
      %add3A_1791 = vector.broadcast %add3A_1790 : i32 to vector<16xi32>
      %add3A_1792 = arith.addi %mul3A_5, %add3A_1791 : vector<16xi32>
      tpu.vector_store_idx %arg11[%add3A_1792], %gather3A_1789 : memref<1024xf32, #tpu.memory_space<vmem>>[vector<16xi32>], vector<16xf32>,
      %broadcast_in_dim3A_1793 = arith.constant 21 : i32
      %broadcast_in_dim3A_1794 = vector.broadcast %broadcast_in_dim3A_1793 : i32 to vector<16xi32>
      %gather3A_1795 = tpu.vector_load_idx %arg9[%add3A_1662, %get3A_1666, %broadcast_in_dim3A_1794] : memref<32x8x32xf32, #tpu.memory_space<vmem>>[vector<16xi32>, vector<16xi32>, vector<16xi32>], vector<16xf32>,
      %add3A_1796 = arith.constant 21 : i32
      %add3A_1797 = vector.broadcast %add3A_1796 : i32 to vector<16xi32>
      %add3A_1798 = arith.addi %mul3A_5, %add3A_1797 : vector<16xi32>
      tpu.vector_store_idx %arg11[%add3A_1798], %gather3A_1795 : memref<1024xf32, #tpu.memory_space<vmem>>[vector<16xi32>], vector<16xf32>,
      %broadcast_in_dim3A_1799 = arith.constant 22 : i32
      %broadcast_in_dim3A_1800 = vector.broadcast %broadcast_in_dim3A_1799 : i32 to vector<16xi32>
      %gather3A_1801 = tpu.vector_load_idx %arg9[%add3A_1662, %get3A_1666, %broadcast_in_dim3A_1800] : memref<32x8x32xf32, #tpu.memory_space<vmem>>[vector<16xi32>, vector<16xi32>, vector<16xi32>], vector<16xf32>,
      %add3A_1802 = arith.constant 22 : i32
      %add3A_1803 = vector.broadcast %add3A_1802 : i32 to vector<16xi32>
      %add3A_1804 = arith.addi %mul3A_5, %add3A_1803 : vector<16xi32>
      tpu.vector_store_idx %arg11[%add3A_1804], %gather3A_1801 : memref<1024xf32, #tpu.memory_space<vmem>>[vector<16xi32>], vector<16xf32>,
      %broadcast_in_dim3A_1805 = arith.constant 23 : i32
      %broadcast_in_dim3A_1806 = vector.broadcast %broadcast_in_dim3A_1805 : i32 to vector<16xi32>
      %gather3A_1807 = tpu.vector_load_idx %arg9[%add3A_1662, %get3A_1666, %broadcast_in_dim3A_1806] : memref<32x8x32xf32, #tpu.memory_space<vmem>>[vector<16xi32>, vector<16xi32>, vector<16xi32>], vector<16xf32>,
      %add3A_1808 = arith.constant 23 : i32
      %add3A_1809 = vector.broadcast %add3A_1808 : i32 to vector<16xi32>
      %add3A_1810 = arith.addi %mul3A_5, %add3A_1809 : vector<16xi32>
      tpu.vector_store_idx %arg11[%add3A_1810], %gather3A_1807 : memref<1024xf32, #tpu.memory_space<vmem>>[vector<16xi32>], vector<16xf32>,
      %broadcast_in_dim3A_1811 = arith.constant 24 : i32
      %broadcast_in_dim3A_1812 = vector.broadcast %broadcast_in_dim3A_1811 : i32 to vector<16xi32>
      %gather3A_1813 = tpu.vector_load_idx %arg9[%add3A_1662, %get3A_1666, %broadcast_in_dim3A_1812] : memref<32x8x32xf32, #tpu.memory_space<vmem>>[vector<16xi32>, vector<16xi32>, vector<16xi32>], vector<16xf32>,
      %add3A_1814 = arith.constant 24 : i32
      %add3A_1815 = vector.broadcast %add3A_1814 : i32 to vector<16xi32>
      %add3A_1816 = arith.addi %mul3A_5, %add3A_1815 : vector<16xi32>
      tpu.vector_store_idx %arg11[%add3A_1816], %gather3A_1813 : memref<1024xf32, #tpu.memory_space<vmem>>[vector<16xi32>], vector<16xf32>,
      %broadcast_in_dim3A_1817 = arith.constant 25 : i32
      %broadcast_in_dim3A_1818 = vector.broadcast %broadcast_in_dim3A_1817 : i32 to vector<16xi32>
      %gather3A_1819 = tpu.vector_load_idx %arg9[%add3A_1662, %get3A_1666, %broadcast_in_dim3A_1818] : memref<32x8x32xf32, #tpu.memory_space<vmem>>[vector<16xi32>, vector<16xi32>, vector<16xi32>], vector<16xf32>,
      %add3A_1820 = arith.constant 25 : i32
      %add3A_1821 = vector.broadcast %add3A_1820 : i32 to vector<16xi32>
      %add3A_1822 = arith.addi %mul3A_5, %add3A_1821 : vector<16xi32>
      tpu.vector_store_idx %arg11[%add3A_1822], %gather3A_1819 : memref<1024xf32, #tpu.memory_space<vmem>>[vector<16xi32>], vector<16xf32>,
      %broadcast_in_dim3A_1823 = arith.constant 26 : i32
      %broadcast_in_dim3A_1824 = vector.broadcast %broadcast_in_dim3A_1823 : i32 to vector<16xi32>
      %gather3A_1825 = tpu.vector_load_idx %arg9[%add3A_1662, %get3A_1666, %broadcast_in_dim3A_1824] : memref<32x8x32xf32, #tpu.memory_space<vmem>>[vector<16xi32>, vector<16xi32>, vector<16xi32>], vector<16xf32>,
      %add3A_1826 = arith.constant 26 : i32
      %add3A_1827 = vector.broadcast %add3A_1826 : i32 to vector<16xi32>
      %add3A_1828 = arith.addi %mul3A_5, %add3A_1827 : vector<16xi32>
      tpu.vector_store_idx %arg11[%add3A_1828], %gather3A_1825 : memref<1024xf32, #tpu.memory_space<vmem>>[vector<16xi32>], vector<16xf32>,
      %broadcast_in_dim3A_1829 = arith.constant 27 : i32
      %broadcast_in_dim3A_1830 = vector.broadcast %broadcast_in_dim3A_1829 : i32 to vector<16xi32>
      %gather3A_1831 = tpu.vector_load_idx %arg9[%add3A_1662, %get3A_1666, %broadcast_in_dim3A_1830] : memref<32x8x32xf32, #tpu.memory_space<vmem>>[vector<16xi32>, vector<16xi32>, vector<16xi32>], vector<16xf32>,
      %add3A_1832 = arith.constant 27 : i32
      %add3A_1833 = vector.broadcast %add3A_1832 : i32 to vector<16xi32>
      %add3A_1834 = arith.addi %mul3A_5, %add3A_1833 : vector<16xi32>
      tpu.vector_store_idx %arg11[%add3A_1834], %gather3A_1831 : memref<1024xf32, #tpu.memory_space<vmem>>[vector<16xi32>], vector<16xf32>,
      %broadcast_in_dim3A_1835 = arith.constant 28 : i32
      %broadcast_in_dim3A_1836 = vector.broadcast %broadcast_in_dim3A_1835 : i32 to vector<16xi32>
      %gather3A_1837 = tpu.vector_load_idx %arg9[%add3A_1662, %get3A_1666, %broadcast_in_dim3A_1836] : memref<32x8x32xf32, #tpu.memory_space<vmem>>[vector<16xi32>, vector<16xi32>, vector<16xi32>], vector<16xf32>,
      %add3A_1838 = arith.constant 28 : i32
      %add3A_1839 = vector.broadcast %add3A_1838 : i32 to vector<16xi32>
      %add3A_1840 = arith.addi %mul3A_5, %add3A_1839 : vector<16xi32>
      tpu.vector_store_idx %arg11[%add3A_1840], %gather3A_1837 : memref<1024xf32, #tpu.memory_space<vmem>>[vector<16xi32>], vector<16xf32>,
      %broadcast_in_dim3A_1841 = arith.constant 29 : i32
      %broadcast_in_dim3A_1842 = vector.broadcast %broadcast_in_dim3A_1841 : i32 to vector<16xi32>
      %gather3A_1843 = tpu.vector_load_idx %arg9[%add3A_1662, %get3A_1666, %broadcast_in_dim3A_1842] : memref<32x8x32xf32, #tpu.memory_space<vmem>>[vector<16xi32>, vector<16xi32>, vector<16xi32>], vector<16xf32>,
      %add3A_1844 = arith.constant 29 : i32
      %add3A_1845 = vector.broadcast %add3A_1844 : i32 to vector<16xi32>
      %add3A_1846 = arith.addi %mul3A_5, %add3A_1845 : vector<16xi32>
      tpu.vector_store_idx %arg11[%add3A_1846], %gather3A_1843 : memref<1024xf32, #tpu.memory_space<vmem>>[vector<16xi32>], vector<16xf32>,
      %broadcast_in_dim3A_1847 = arith.constant 30 : i32
      %broadcast_in_dim3A_1848 = vector.broadcast %broadcast_in_dim3A_1847 : i32 to vector<16xi32>
      %gather3A_1849 = tpu.vector_load_idx %arg9[%add3A_1662, %get3A_1666, %broadcast_in_dim3A_1848] : memref<32x8x32xf32, #tpu.memory_space<vmem>>[vector<16xi32>, vector<16xi32>, vector<16xi32>], vector<16xf32>,
      %add3A_1850 = arith.constant 30 : i32
      %add3A_1851 = vector.broadcast %add3A_1850 : i32 to vector<16xi32>
      %add3A_1852 = arith.addi %mul3A_5, %add3A_1851 : vector<16xi32>
      tpu.vector_store_idx %arg11[%add3A_1852], %gather3A_1849 : memref<1024xf32, #tpu.memory_space<vmem>>[vector<16xi32>], vector<16xf32>,
      %broadcast_in_dim3A_1853 = arith.constant 31 : i32
      %broadcast_in_dim3A_1854 = vector.broadcast %broadcast_in_dim3A_1853 : i32 to vector<16xi32>
      %gather3A_1855 = tpu.vector_load_idx %arg9[%add3A_1662, %get3A_1666, %broadcast_in_dim3A_1854] : memref<32x8x32xf32, #tpu.memory_space<vmem>>[vector<16xi32>, vector<16xi32>, vector<16xi32>], vector<16xf32>,
      %add3A_1856 = arith.constant 31 : i32
      %add3A_1857 = vector.broadcast %add3A_1856 : i32 to vector<16xi32>
      %add3A_1858 = arith.addi %mul3A_5, %add3A_1857 : vector<16xi32>
      tpu.vector_store_idx %arg11[%add3A_1858], %gather3A_1855 : memref<1024xf32, #tpu.memory_space<vmem>>[vector<16xi32>], vector<16xf32>,
      %add3A_1859 = arith.constant 16 : i32
      %add3A_1860 = vector.broadcast %add3A_1859 : i32 to vector<16xi32>
      %add3A_1861 = arith.addi %iota3A, %add3A_1860 : vector<16xi32>
      %add3A_1862 = arith.constant 16 : i32
      %add3A_1863 = arith.addi %add3A_625, %add3A_1862 : i32
      %get3A_1864 = arith.index_cast %add3A_1863 : i32 to index
      %get3A_1865 = tpu.vector_load %arg7[%get3A_1864] {strides = array<i32>} : memref<3328xi32, #tpu.memory_space<vmem>>, vector<16xi32>,
      %broadcast_in_dim3A_1866 = arith.constant 0 : i32
      %broadcast_in_dim3A_1867 = vector.broadcast %broadcast_in_dim3A_1866 : i32 to vector<16xi32>
      %gather3A_1868 = tpu.vector_load_idx %arg9[%add3A_1861, %get3A_1865, %broadcast_in_dim3A_1867] : memref<32x8x32xf32, #tpu.memory_space<vmem>>[vector<16xi32>, vector<16xi32>, vector<16xi32>], vector<16xf32>,
      %add3A_1869 = arith.constant 512 : i32
      %add3A_1870 = vector.broadcast %add3A_1869 : i32 to vector<16xi32>
      %add3A_1871 = arith.addi %mul3A_5, %add3A_1870 : vector<16xi32>
      tpu.vector_store_idx %arg11[%add3A_1871], %gather3A_1868 : memref<1024xf32, #tpu.memory_space<vmem>>[vector<16xi32>], vector<16xf32>,
      %broadcast_in_dim3A_1872 = arith.constant 1 : i32
      %broadcast_in_dim3A_1873 = vector.broadcast %broadcast_in_dim3A_1872 : i32 to vector<16xi32>
      %gather3A_1874 = tpu.vector_load_idx %arg9[%add3A_1861, %get3A_1865, %broadcast_in_dim3A_1873] : memref<32x8x32xf32, #tpu.memory_space<vmem>>[vector<16xi32>, vector<16xi32>, vector<16xi32>], vector<16xf32>,
      %add3A_1875 = arith.constant 513 : i32
      %add3A_1876 = vector.broadcast %add3A_1875 : i32 to vector<16xi32>
      %add3A_1877 = arith.addi %mul3A_5, %add3A_1876 : vector<16xi32>
      tpu.vector_store_idx %arg11[%add3A_1877], %gather3A_1874 : memref<1024xf32, #tpu.memory_space<vmem>>[vector<16xi32>], vector<16xf32>,
      %broadcast_in_dim3A_1878 = arith.constant 2 : i32
      %broadcast_in_dim3A_1879 = vector.broadcast %broadcast_in_dim3A_1878 : i32 to vector<16xi32>
      %gather3A_1880 = tpu.vector_load_idx %arg9[%add3A_1861, %get3A_1865, %broadcast_in_dim3A_1879] : memref<32x8x32xf32, #tpu.memory_space<vmem>>[vector<16xi32>, vector<16xi32>, vector<16xi32>], vector<16xf32>,
      %add3A_1881 = arith.constant 514 : i32
      %add3A_1882 = vector.broadcast %add3A_1881 : i32 to vector<16xi32>
      %add3A_1883 = arith.addi %mul3A_5, %add3A_1882 : vector<16xi32>
      tpu.vector_store_idx %arg11[%add3A_1883], %gather3A_1880 : memref<1024xf32, #tpu.memory_space<vmem>>[vector<16xi32>], vector<16xf32>,
      %broadcast_in_dim3A_1884 = arith.constant 3 : i32
      %broadcast_in_dim3A_1885 = vector.broadcast %broadcast_in_dim3A_1884 : i32 to vector<16xi32>
      %gather3A_1886 = tpu.vector_load_idx %arg9[%add3A_1861, %get3A_1865, %broadcast_in_dim3A_1885] : memref<32x8x32xf32, #tpu.memory_space<vmem>>[vector<16xi32>, vector<16xi32>, vector<16xi32>], vector<16xf32>,
      %add3A_1887 = arith.constant 515 : i32
      %add3A_1888 = vector.broadcast %add3A_1887 : i32 to vector<16xi32>
      %add3A_1889 = arith.addi %mul3A_5, %add3A_1888 : vector<16xi32>
      tpu.vector_store_idx %arg11[%add3A_1889], %gather3A_1886 : memref<1024xf32, #tpu.memory_space<vmem>>[vector<16xi32>], vector<16xf32>,
      %broadcast_in_dim3A_1890 = arith.constant 4 : i32
      %broadcast_in_dim3A_1891 = vector.broadcast %broadcast_in_dim3A_1890 : i32 to vector<16xi32>
      %gather3A_1892 = tpu.vector_load_idx %arg9[%add3A_1861, %get3A_1865, %broadcast_in_dim3A_1891] : memref<32x8x32xf32, #tpu.memory_space<vmem>>[vector<16xi32>, vector<16xi32>, vector<16xi32>], vector<16xf32>,
      %add3A_1893 = arith.constant 516 : i32
      %add3A_1894 = vector.broadcast %add3A_1893 : i32 to vector<16xi32>
      %add3A_1895 = arith.addi %mul3A_5, %add3A_1894 : vector<16xi32>
      tpu.vector_store_idx %arg11[%add3A_1895], %gather3A_1892 : memref<1024xf32, #tpu.memory_space<vmem>>[vector<16xi32>], vector<16xf32>,
      %broadcast_in_dim3A_1896 = arith.constant 5 : i32
      %broadcast_in_dim3A_1897 = vector.broadcast %broadcast_in_dim3A_1896 : i32 to vector<16xi32>
      %gather3A_1898 = tpu.vector_load_idx %arg9[%add3A_1861, %get3A_1865, %broadcast_in_dim3A_1897] : memref<32x8x32xf32, #tpu.memory_space<vmem>>[vector<16xi32>, vector<16xi32>, vector<16xi32>], vector<16xf32>,
      %add3A_1899 = arith.constant 517 : i32
      %add3A_1900 = vector.broadcast %add3A_1899 : i32 to vector<16xi32>
      %add3A_1901 = arith.addi %mul3A_5, %add3A_1900 : vector<16xi32>
      tpu.vector_store_idx %arg11[%add3A_1901], %gather3A_1898 : memref<1024xf32, #tpu.memory_space<vmem>>[vector<16xi32>], vector<16xf32>,
      %broadcast_in_dim3A_1902 = arith.constant 6 : i32
      %broadcast_in_dim3A_1903 = vector.broadcast %broadcast_in_dim3A_1902 : i32 to vector<16xi32>
      %gather3A_1904 = tpu.vector_load_idx %arg9[%add3A_1861, %get3A_1865, %broadcast_in_dim3A_1903] : memref<32x8x32xf32, #tpu.memory_space<vmem>>[vector<16xi32>, vector<16xi32>, vector<16xi32>], vector<16xf32>,
      %add3A_1905 = arith.constant 518 : i32
      %add3A_1906 = vector.broadcast %add3A_1905 : i32 to vector<16xi32>
      %add3A_1907 = arith.addi %mul3A_5, %add3A_1906 : vector<16xi32>
      tpu.vector_store_idx %arg11[%add3A_1907], %gather3A_1904 : memref<1024xf32, #tpu.memory_space<vmem>>[vector<16xi32>], vector<16xf32>,
      %broadcast_in_dim3A_1908 = arith.constant 7 : i32
      %broadcast_in_dim3A_1909 = vector.broadcast %broadcast_in_dim3A_1908 : i32 to vector<16xi32>
      %gather3A_1910 = tpu.vector_load_idx %arg9[%add3A_1861, %get3A_1865, %broadcast_in_dim3A_1909] : memref<32x8x32xf32, #tpu.memory_space<vmem>>[vector<16xi32>, vector<16xi32>, vector<16xi32>], vector<16xf32>,
      %add3A_1911 = arith.constant 519 : i32
      %add3A_1912 = vector.broadcast %add3A_1911 : i32 to vector<16xi32>
      %add3A_1913 = arith.addi %mul3A_5, %add3A_1912 : vector<16xi32>
      tpu.vector_store_idx %arg11[%add3A_1913], %gather3A_1910 : memref<1024xf32, #tpu.memory_space<vmem>>[vector<16xi32>], vector<16xf32>,
      %broadcast_in_dim3A_1914 = arith.constant 8 : i32
      %broadcast_in_dim3A_1915 = vector.broadcast %broadcast_in_dim3A_1914 : i32 to vector<16xi32>
      %gather3A_1916 = tpu.vector_load_idx %arg9[%add3A_1861, %get3A_1865, %broadcast_in_dim3A_1915] : memref<32x8x32xf32, #tpu.memory_space<vmem>>[vector<16xi32>, vector<16xi32>, vector<16xi32>], vector<16xf32>,
      %add3A_1917 = arith.constant 520 : i32
      %add3A_1918 = vector.broadcast %add3A_1917 : i32 to vector<16xi32>
      %add3A_1919 = arith.addi %mul3A_5, %add3A_1918 : vector<16xi32>
      tpu.vector_store_idx %arg11[%add3A_1919], %gather3A_1916 : memref<1024xf32, #tpu.memory_space<vmem>>[vector<16xi32>], vector<16xf32>,
      %broadcast_in_dim3A_1920 = arith.constant 9 : i32
      %broadcast_in_dim3A_1921 = vector.broadcast %broadcast_in_dim3A_1920 : i32 to vector<16xi32>
      %gather3A_1922 = tpu.vector_load_idx %arg9[%add3A_1861, %get3A_1865, %broadcast_in_dim3A_1921] : memref<32x8x32xf32, #tpu.memory_space<vmem>>[vector<16xi32>, vector<16xi32>, vector<16xi32>], vector<16xf32>,
      %add3A_1923 = arith.constant 521 : i32
      %add3A_1924 = vector.broadcast %add3A_1923 : i32 to vector<16xi32>
      %add3A_1925 = arith.addi %mul3A_5, %add3A_1924 : vector<16xi32>
      tpu.vector_store_idx %arg11[%add3A_1925], %gather3A_1922 : memref<1024xf32, #tpu.memory_space<vmem>>[vector<16xi32>], vector<16xf32>,
      %broadcast_in_dim3A_1926 = arith.constant 10 : i32
      %broadcast_in_dim3A_1927 = vector.broadcast %broadcast_in_dim3A_1926 : i32 to vector<16xi32>
      %gather3A_1928 = tpu.vector_load_idx %arg9[%add3A_1861, %get3A_1865, %broadcast_in_dim3A_1927] : memref<32x8x32xf32, #tpu.memory_space<vmem>>[vector<16xi32>, vector<16xi32>, vector<16xi32>], vector<16xf32>,
      %add3A_1929 = arith.constant 522 : i32
      %add3A_1930 = vector.broadcast %add3A_1929 : i32 to vector<16xi32>
      %add3A_1931 = arith.addi %mul3A_5, %add3A_1930 : vector<16xi32>
      tpu.vector_store_idx %arg11[%add3A_1931], %gather3A_1928 : memref<1024xf32, #tpu.memory_space<vmem>>[vector<16xi32>], vector<16xf32>,
      %broadcast_in_dim3A_1932 = arith.constant 11 : i32
      %broadcast_in_dim3A_1933 = vector.broadcast %broadcast_in_dim3A_1932 : i32 to vector<16xi32>
      %gather3A_1934 = tpu.vector_load_idx %arg9[%add3A_1861, %get3A_1865, %broadcast_in_dim3A_1933] : memref<32x8x32xf32, #tpu.memory_space<vmem>>[vector<16xi32>, vector<16xi32>, vector<16xi32>], vector<16xf32>,
      %add3A_1935 = arith.constant 523 : i32
      %add3A_1936 = vector.broadcast %add3A_1935 : i32 to vector<16xi32>
      %add3A_1937 = arith.addi %mul3A_5, %add3A_1936 : vector<16xi32>
      tpu.vector_store_idx %arg11[%add3A_1937], %gather3A_1934 : memref<1024xf32, #tpu.memory_space<vmem>>[vector<16xi32>], vector<16xf32>,
      %broadcast_in_dim3A_1938 = arith.constant 12 : i32
      %broadcast_in_dim3A_1939 = vector.broadcast %broadcast_in_dim3A_1938 : i32 to vector<16xi32>
      %gather3A_1940 = tpu.vector_load_idx %arg9[%add3A_1861, %get3A_1865, %broadcast_in_dim3A_1939] : memref<32x8x32xf32, #tpu.memory_space<vmem>>[vector<16xi32>, vector<16xi32>, vector<16xi32>], vector<16xf32>,
      %add3A_1941 = arith.constant 524 : i32
      %add3A_1942 = vector.broadcast %add3A_1941 : i32 to vector<16xi32>
      %add3A_1943 = arith.addi %mul3A_5, %add3A_1942 : vector<16xi32>
      tpu.vector_store_idx %arg11[%add3A_1943], %gather3A_1940 : memref<1024xf32, #tpu.memory_space<vmem>>[vector<16xi32>], vector<16xf32>,
      %broadcast_in_dim3A_1944 = arith.constant 13 : i32
      %broadcast_in_dim3A_1945 = vector.broadcast %broadcast_in_dim3A_1944 : i32 to vector<16xi32>
      %gather3A_1946 = tpu.vector_load_idx %arg9[%add3A_1861, %get3A_1865, %broadcast_in_dim3A_1945] : memref<32x8x32xf32, #tpu.memory_space<vmem>>[vector<16xi32>, vector<16xi32>, vector<16xi32>], vector<16xf32>,
      %add3A_1947 = arith.constant 525 : i32
      %add3A_1948 = vector.broadcast %add3A_1947 : i32 to vector<16xi32>
      %add3A_1949 = arith.addi %mul3A_5, %add3A_1948 : vector<16xi32>
      tpu.vector_store_idx %arg11[%add3A_1949], %gather3A_1946 : memref<1024xf32, #tpu.memory_space<vmem>>[vector<16xi32>], vector<16xf32>,
      %broadcast_in_dim3A_1950 = arith.constant 14 : i32
      %broadcast_in_dim3A_1951 = vector.broadcast %broadcast_in_dim3A_1950 : i32 to vector<16xi32>
      %gather3A_1952 = tpu.vector_load_idx %arg9[%add3A_1861, %get3A_1865, %broadcast_in_dim3A_1951] : memref<32x8x32xf32, #tpu.memory_space<vmem>>[vector<16xi32>, vector<16xi32>, vector<16xi32>], vector<16xf32>,
      %add3A_1953 = arith.constant 526 : i32
      %add3A_1954 = vector.broadcast %add3A_1953 : i32 to vector<16xi32>
      %add3A_1955 = arith.addi %mul3A_5, %add3A_1954 : vector<16xi32>
      tpu.vector_store_idx %arg11[%add3A_1955], %gather3A_1952 : memref<1024xf32, #tpu.memory_space<vmem>>[vector<16xi32>], vector<16xf32>,
      %broadcast_in_dim3A_1956 = arith.constant 15 : i32
      %broadcast_in_dim3A_1957 = vector.broadcast %broadcast_in_dim3A_1956 : i32 to vector<16xi32>
      %gather3A_1958 = tpu.vector_load_idx %arg9[%add3A_1861, %get3A_1865, %broadcast_in_dim3A_1957] : memref<32x8x32xf32, #tpu.memory_space<vmem>>[vector<16xi32>, vector<16xi32>, vector<16xi32>], vector<16xf32>,
      %add3A_1959 = arith.constant 527 : i32
      %add3A_1960 = vector.broadcast %add3A_1959 : i32 to vector<16xi32>
      %add3A_1961 = arith.addi %mul3A_5, %add3A_1960 : vector<16xi32>
      tpu.vector_store_idx %arg11[%add3A_1961], %gather3A_1958 : memref<1024xf32, #tpu.memory_space<vmem>>[vector<16xi32>], vector<16xf32>,
      %broadcast_in_dim3A_1962 = arith.constant 16 : i32
      %broadcast_in_dim3A_1963 = vector.broadcast %broadcast_in_dim3A_1962 : i32 to vector<16xi32>
      %gather3A_1964 = tpu.vector_load_idx %arg9[%add3A_1861, %get3A_1865, %broadcast_in_dim3A_1963] : memref<32x8x32xf32, #tpu.memory_space<vmem>>[vector<16xi32>, vector<16xi32>, vector<16xi32>], vector<16xf32>,
      %add3A_1965 = arith.constant 528 : i32
      %add3A_1966 = vector.broadcast %add3A_1965 : i32 to vector<16xi32>
      %add3A_1967 = arith.addi %mul3A_5, %add3A_1966 : vector<16xi32>
      tpu.vector_store_idx %arg11[%add3A_1967], %gather3A_1964 : memref<1024xf32, #tpu.memory_space<vmem>>[vector<16xi32>], vector<16xf32>,
      %broadcast_in_dim3A_1968 = arith.constant 17 : i32
      %broadcast_in_dim3A_1969 = vector.broadcast %broadcast_in_dim3A_1968 : i32 to vector<16xi32>
      %gather3A_1970 = tpu.vector_load_idx %arg9[%add3A_1861, %get3A_1865, %broadcast_in_dim3A_1969] : memref<32x8x32xf32, #tpu.memory_space<vmem>>[vector<16xi32>, vector<16xi32>, vector<16xi32>], vector<16xf32>,
      %add3A_1971 = arith.constant 529 : i32
      %add3A_1972 = vector.broadcast %add3A_1971 : i32 to vector<16xi32>
      %add3A_1973 = arith.addi %mul3A_5, %add3A_1972 : vector<16xi32>
      tpu.vector_store_idx %arg11[%add3A_1973], %gather3A_1970 : memref<1024xf32, #tpu.memory_space<vmem>>[vector<16xi32>], vector<16xf32>,
      %broadcast_in_dim3A_1974 = arith.constant 18 : i32
      %broadcast_in_dim3A_1975 = vector.broadcast %broadcast_in_dim3A_1974 : i32 to vector<16xi32>
      %gather3A_1976 = tpu.vector_load_idx %arg9[%add3A_1861, %get3A_1865, %broadcast_in_dim3A_1975] : memref<32x8x32xf32, #tpu.memory_space<vmem>>[vector<16xi32>, vector<16xi32>, vector<16xi32>], vector<16xf32>,
      %add3A_1977 = arith.constant 530 : i32
      %add3A_1978 = vector.broadcast %add3A_1977 : i32 to vector<16xi32>
      %add3A_1979 = arith.addi %mul3A_5, %add3A_1978 : vector<16xi32>
      tpu.vector_store_idx %arg11[%add3A_1979], %gather3A_1976 : memref<1024xf32, #tpu.memory_space<vmem>>[vector<16xi32>], vector<16xf32>,
      %broadcast_in_dim3A_1980 = arith.constant 19 : i32
      %broadcast_in_dim3A_1981 = vector.broadcast %broadcast_in_dim3A_1980 : i32 to vector<16xi32>
      %gather3A_1982 = tpu.vector_load_idx %arg9[%add3A_1861, %get3A_1865, %broadcast_in_dim3A_1981] : memref<32x8x32xf32, #tpu.memory_space<vmem>>[vector<16xi32>, vector<16xi32>, vector<16xi32>], vector<16xf32>,
      %add3A_1983 = arith.constant 531 : i32
      %add3A_1984 = vector.broadcast %add3A_1983 : i32 to vector<16xi32>
      %add3A_1985 = arith.addi %mul3A_5, %add3A_1984 : vector<16xi32>
      tpu.vector_store_idx %arg11[%add3A_1985], %gather3A_1982 : memref<1024xf32, #tpu.memory_space<vmem>>[vector<16xi32>], vector<16xf32>,
      %broadcast_in_dim3A_1986 = arith.constant 20 : i32
      %broadcast_in_dim3A_1987 = vector.broadcast %broadcast_in_dim3A_1986 : i32 to vector<16xi32>
      %gather3A_1988 = tpu.vector_load_idx %arg9[%add3A_1861, %get3A_1865, %broadcast_in_dim3A_1987] : memref<32x8x32xf32, #tpu.memory_space<vmem>>[vector<16xi32>, vector<16xi32>, vector<16xi32>], vector<16xf32>,
      %add3A_1989 = arith.constant 532 : i32
      %add3A_1990 = vector.broadcast %add3A_1989 : i32 to vector<16xi32>
      %add3A_1991 = arith.addi %mul3A_5, %add3A_1990 : vector<16xi32>
      tpu.vector_store_idx %arg11[%add3A_1991], %gather3A_1988 : memref<1024xf32, #tpu.memory_space<vmem>>[vector<16xi32>], vector<16xf32>,
      %broadcast_in_dim3A_1992 = arith.constant 21 : i32
      %broadcast_in_dim3A_1993 = vector.broadcast %broadcast_in_dim3A_1992 : i32 to vector<16xi32>
      %gather3A_1994 = tpu.vector_load_idx %arg9[%add3A_1861, %get3A_1865, %broadcast_in_dim3A_1993] : memref<32x8x32xf32, #tpu.memory_space<vmem>>[vector<16xi32>, vector<16xi32>, vector<16xi32>], vector<16xf32>,
      %add3A_1995 = arith.constant 533 : i32
      %add3A_1996 = vector.broadcast %add3A_1995 : i32 to vector<16xi32>
      %add3A_1997 = arith.addi %mul3A_5, %add3A_1996 : vector<16xi32>
      tpu.vector_store_idx %arg11[%add3A_1997], %gather3A_1994 : memref<1024xf32, #tpu.memory_space<vmem>>[vector<16xi32>], vector<16xf32>,
      %broadcast_in_dim3A_1998 = arith.constant 22 : i32
      %broadcast_in_dim3A_1999 = vector.broadcast %broadcast_in_dim3A_1998 : i32 to vector<16xi32>
      %gather3A_2000 = tpu.vector_load_idx %arg9[%add3A_1861, %get3A_1865, %broadcast_in_dim3A_1999] : memref<32x8x32xf32, #tpu.memory_space<vmem>>[vector<16xi32>, vector<16xi32>, vector<16xi32>], vector<16xf32>,
      %add3A_2001 = arith.constant 534 : i32
      %add3A_2002 = vector.broadcast %add3A_2001 : i32 to vector<16xi32>
      %add3A_2003 = arith.addi %mul3A_5, %add3A_2002 : vector<16xi32>
      tpu.vector_store_idx %arg11[%add3A_2003], %gather3A_2000 : memref<1024xf32, #tpu.memory_space<vmem>>[vector<16xi32>], vector<16xf32>,
      %broadcast_in_dim3A_2004 = arith.constant 23 : i32
      %broadcast_in_dim3A_2005 = vector.broadcast %broadcast_in_dim3A_2004 : i32 to vector<16xi32>
      %gather3A_2006 = tpu.vector_load_idx %arg9[%add3A_1861, %get3A_1865, %broadcast_in_dim3A_2005] : memref<32x8x32xf32, #tpu.memory_space<vmem>>[vector<16xi32>, vector<16xi32>, vector<16xi32>], vector<16xf32>,
      %add3A_2007 = arith.constant 535 : i32
      %add3A_2008 = vector.broadcast %add3A_2007 : i32 to vector<16xi32>
      %add3A_2009 = arith.addi %mul3A_5, %add3A_2008 : vector<16xi32>
      tpu.vector_store_idx %arg11[%add3A_2009], %gather3A_2006 : memref<1024xf32, #tpu.memory_space<vmem>>[vector<16xi32>], vector<16xf32>,
      %broadcast_in_dim3A_2010 = arith.constant 24 : i32
      %broadcast_in_dim3A_2011 = vector.broadcast %broadcast_in_dim3A_2010 : i32 to vector<16xi32>
      %gather3A_2012 = tpu.vector_load_idx %arg9[%add3A_1861, %get3A_1865, %broadcast_in_dim3A_2011] : memref<32x8x32xf32, #tpu.memory_space<vmem>>[vector<16xi32>, vector<16xi32>, vector<16xi32>], vector<16xf32>,
      %add3A_2013 = arith.constant 536 : i32
      %add3A_2014 = vector.broadcast %add3A_2013 : i32 to vector<16xi32>
      %add3A_2015 = arith.addi %mul3A_5, %add3A_2014 : vector<16xi32>
      tpu.vector_store_idx %arg11[%add3A_2015], %gather3A_2012 : memref<1024xf32, #tpu.memory_space<vmem>>[vector<16xi32>], vector<16xf32>,
      %broadcast_in_dim3A_2016 = arith.constant 25 : i32
      %broadcast_in_dim3A_2017 = vector.broadcast %broadcast_in_dim3A_2016 : i32 to vector<16xi32>
      %gather3A_2018 = tpu.vector_load_idx %arg9[%add3A_1861, %get3A_1865, %broadcast_in_dim3A_2017] : memref<32x8x32xf32, #tpu.memory_space<vmem>>[vector<16xi32>, vector<16xi32>, vector<16xi32>], vector<16xf32>,
      %add3A_2019 = arith.constant 537 : i32
      %add3A_2020 = vector.broadcast %add3A_2019 : i32 to vector<16xi32>
      %add3A_2021 = arith.addi %mul3A_5, %add3A_2020 : vector<16xi32>
      tpu.vector_store_idx %arg11[%add3A_2021], %gather3A_2018 : memref<1024xf32, #tpu.memory_space<vmem>>[vector<16xi32>], vector<16xf32>,
      %broadcast_in_dim3A_2022 = arith.constant 26 : i32
      %broadcast_in_dim3A_2023 = vector.broadcast %broadcast_in_dim3A_2022 : i32 to vector<16xi32>
      %gather3A_2024 = tpu.vector_load_idx %arg9[%add3A_1861, %get3A_1865, %broadcast_in_dim3A_2023] : memref<32x8x32xf32, #tpu.memory_space<vmem>>[vector<16xi32>, vector<16xi32>, vector<16xi32>], vector<16xf32>,
      %add3A_2025 = arith.constant 538 : i32
      %add3A_2026 = vector.broadcast %add3A_2025 : i32 to vector<16xi32>
      %add3A_2027 = arith.addi %mul3A_5, %add3A_2026 : vector<16xi32>
      tpu.vector_store_idx %arg11[%add3A_2027], %gather3A_2024 : memref<1024xf32, #tpu.memory_space<vmem>>[vector<16xi32>], vector<16xf32>,
      %broadcast_in_dim3A_2028 = arith.constant 27 : i32
      %broadcast_in_dim3A_2029 = vector.broadcast %broadcast_in_dim3A_2028 : i32 to vector<16xi32>
      %gather3A_2030 = tpu.vector_load_idx %arg9[%add3A_1861, %get3A_1865, %broadcast_in_dim3A_2029] : memref<32x8x32xf32, #tpu.memory_space<vmem>>[vector<16xi32>, vector<16xi32>, vector<16xi32>], vector<16xf32>,
      %add3A_2031 = arith.constant 539 : i32
      %add3A_2032 = vector.broadcast %add3A_2031 : i32 to vector<16xi32>
      %add3A_2033 = arith.addi %mul3A_5, %add3A_2032 : vector<16xi32>
      tpu.vector_store_idx %arg11[%add3A_2033], %gather3A_2030 : memref<1024xf32, #tpu.memory_space<vmem>>[vector<16xi32>], vector<16xf32>,
      %broadcast_in_dim3A_2034 = arith.constant 28 : i32
      %broadcast_in_dim3A_2035 = vector.broadcast %broadcast_in_dim3A_2034 : i32 to vector<16xi32>
      %gather3A_2036 = tpu.vector_load_idx %arg9[%add3A_1861, %get3A_1865, %broadcast_in_dim3A_2035] : memref<32x8x32xf32, #tpu.memory_space<vmem>>[vector<16xi32>, vector<16xi32>, vector<16xi32>], vector<16xf32>,
      %add3A_2037 = arith.constant 540 : i32
      %add3A_2038 = vector.broadcast %add3A_2037 : i32 to vector<16xi32>
      %add3A_2039 = arith.addi %mul3A_5, %add3A_2038 : vector<16xi32>
      tpu.vector_store_idx %arg11[%add3A_2039], %gather3A_2036 : memref<1024xf32, #tpu.memory_space<vmem>>[vector<16xi32>], vector<16xf32>,
      %broadcast_in_dim3A_2040 = arith.constant 29 : i32
      %broadcast_in_dim3A_2041 = vector.broadcast %broadcast_in_dim3A_2040 : i32 to vector<16xi32>
      %gather3A_2042 = tpu.vector_load_idx %arg9[%add3A_1861, %get3A_1865, %broadcast_in_dim3A_2041] : memref<32x8x32xf32, #tpu.memory_space<vmem>>[vector<16xi32>, vector<16xi32>, vector<16xi32>], vector<16xf32>,
      %add3A_2043 = arith.constant 541 : i32
      %add3A_2044 = vector.broadcast %add3A_2043 : i32 to vector<16xi32>
      %add3A_2045 = arith.addi %mul3A_5, %add3A_2044 : vector<16xi32>
      tpu.vector_store_idx %arg11[%add3A_2045], %gather3A_2042 : memref<1024xf32, #tpu.memory_space<vmem>>[vector<16xi32>], vector<16xf32>,
      %broadcast_in_dim3A_2046 = arith.constant 30 : i32
      %broadcast_in_dim3A_2047 = vector.broadcast %broadcast_in_dim3A_2046 : i32 to vector<16xi32>
      %gather3A_2048 = tpu.vector_load_idx %arg9[%add3A_1861, %get3A_1865, %broadcast_in_dim3A_2047] : memref<32x8x32xf32, #tpu.memory_space<vmem>>[vector<16xi32>, vector<16xi32>, vector<16xi32>], vector<16xf32>,
      %add3A_2049 = arith.constant 542 : i32
      %add3A_2050 = vector.broadcast %add3A_2049 : i32 to vector<16xi32>
      %add3A_2051 = arith.addi %mul3A_5, %add3A_2050 : vector<16xi32>
      tpu.vector_store_idx %arg11[%add3A_2051], %gather3A_2048 : memref<1024xf32, #tpu.memory_space<vmem>>[vector<16xi32>], vector<16xf32>,
      %broadcast_in_dim3A_2052 = arith.constant 31 : i32
      %broadcast_in_dim3A_2053 = vector.broadcast %broadcast_in_dim3A_2052 : i32 to vector<16xi32>
      %gather3A_2054 = tpu.vector_load_idx %arg9[%add3A_1861, %get3A_1865, %broadcast_in_dim3A_2053] : memref<32x8x32xf32, #tpu.memory_space<vmem>>[vector<16xi32>, vector<16xi32>, vector<16xi32>], vector<16xf32>,
      %add3A_2055 = arith.constant 543 : i32
      %add3A_2056 = vector.broadcast %add3A_2055 : i32 to vector<16xi32>
      %add3A_2057 = arith.addi %mul3A_5, %add3A_2056 : vector<16xi32>
      tpu.vector_store_idx %arg11[%add3A_2057], %gather3A_2054 : memref<1024xf32, #tpu.memory_space<vmem>>[vector<16xi32>], vector<16xf32>,
      %add3A_2058 = arith.addi %mul3A_2, %add3A_625 : i32
      %mul3A_2059 = arith.constant 32 : i32
      %mul3A_2060 = arith.muli %add3A_2058, %mul3A_2059 : i32
      "tpu.region"() ({
        %run_scoped3A = tpu.sem_alloc : memref<!tpu.dma_semaphore, #tpu.memory_space<semaphore_mem>>
        %dma_start3A_2061 = tpu.memref_slice %arg5[%mul3A_2060] : memref<3407872xf32, #tpu.memory_space<hbm>> -> memref<1024xf32, #tpu.memory_space<hbm>>
        %dma_start3A_2062 = tpu.memref_slice %arg5[%mul3A_2060] : memref<3407872xf32, #tpu.memory_space<hbm>> -> memref<1024xf32, #tpu.memory_space<hbm>>
        tpu.enqueue_dma source(%arg11 : memref<1024xf32, #tpu.memory_space<vmem>>) target(%dma_start3A_2062 : memref<1024xf32, #tpu.memory_space<hbm>>) target_semaphore(%run_scoped3A : memref<!tpu.dma_semaphore, #tpu.memory_space<semaphore_mem>>)
        %dma_wait3A_2063 = tpu.memref_slice %arg5[%mul3A_2060] : memref<3407872xf32, #tpu.memory_space<hbm>> -> memref<1024xf32, #tpu.memory_space<hbm>>
        %dma_wait3A_2064 = tpu.memref_slice %arg5[%mul3A_2060] : memref<3407872xf32, #tpu.memory_space<hbm>> -> memref<1024xf32, #tpu.memory_space<hbm>>
        tpu.wait_dma2 semaphore(%run_scoped3A : memref<!tpu.dma_semaphore, #tpu.memory_space<semaphore_mem>>) src(%arg11 : memref<1024xf32, #tpu.memory_space<vmem>>) dst(%dma_wait3A_2064 : memref<1024xf32, #tpu.memory_space<hbm>>)
        tpu.yield
      }) : () -> ()
    }
    %scan3A_618 = arith.constant 52 : i32
    return
  }
}

module attributes {stable_mosaic.version = 14 : i64} {
  func.func @_tc_fm_body(%arg0: i32, %arg1: memref<26x4096xf32, #tpu.memory_space<vmem>>, %arg2: memref<26x128xf32, #tpu.memory_space<vmem>>, %arg3: memref<26x26xf32, #tpu.memory_space<vmem>>, %arg4: memref<26x26xf32, #tpu.memory_space<vmem>>, %arg5: memref<4096x128xf32, #tpu.memory_space<vmem>>, %arg6: memref<1x1xf32, #tpu.memory_space<vmem>>, %arg7: memref<1x1x128xf32, #tpu.memory_space<vmem>>) attributes {dimension_semantics = [#tpu.dimension_semantics<arbitrary>], iteration_bounds = array<i64: 32>, scalar_prefetch = 0 : i64, scratch_operands = 0 : i64, tpu.core_type = #tpu.core_type<tc>, window_params = [{transform_indices = @transform_0, window_bounds = array<i64: 26, 4096>}, {transform_indices = @transform_1, window_bounds = array<i64: 26, 128>}, {pipeline_mode = #tpu.pipeline_mode<synchronous>, transform_indices = @transform_2, window_bounds = array<i64: 26, 26>}, {pipeline_mode = #tpu.pipeline_mode<synchronous>, transform_indices = @transform_3, window_bounds = array<i64: 26, 26>}, {pipeline_mode = #tpu.pipeline_mode<synchronous>, transform_indices = @transform_4, window_bounds = array<i64: 4096, 128>}, {pipeline_mode = #tpu.pipeline_mode<synchronous>, transform_indices = @transform_5, window_bounds = array<i64: 1, 1>}, {transform_indices = @transform_6, window_bounds = array<i64: 1, 1, 128>}]} {
    %get3A = arith.constant 0 : index
    %get3A_0 = arith.constant 0 : index
    %get3A_1 = vector.load %arg3[%get3A, %get3A_0] : memref<26x26xf32, #tpu.memory_space<vmem>>, vector<26x26xf32>
    %get3A_2 = arith.constant 0 : index
    %get3A_3 = arith.constant 0 : index
    %get3A_4 = vector.load %arg4[%get3A_2, %get3A_3] : memref<26x26xf32, #tpu.memory_space<vmem>>, vector<26x26xf32>
    %add3A = arith.addf %get3A_1, %get3A_4 : vector<26x26xf32>
    %mul3A = arith.constant 5.000000e-01 : f32
    %mul3A_5 = vector.broadcast %mul3A : f32 to vector<26x26xf32>
    %mul3A_6 = arith.mulf %mul3A_5, %add3A : vector<26x26xf32>
    %iota3A = tpu.iota {dimensions = array<i32: 0>} : vector<26x26xi32>
    %iota3A_7 = tpu.iota {dimensions = array<i32: 1>} : vector<26x26xi32>
    %eq3A = arith.cmpi eq, %iota3A, %iota3A_7 : vector<26x26xi32>
    %jit3A = arith.constant 0.000000e+00 : f32
    %broadcast_in_dim3A = vector.broadcast %jit3A : f32 to vector<26x26xf32>
    %select_n3A = arith.select %eq3A, %broadcast_in_dim3A, %mul3A_6 : vector<26x26xi1>, vector<26x26xf32>
    %get3A_8 = arith.constant 0 : index
    %get3A_9 = arith.constant 0 : index
    %get3A_10 = vector.load %arg1[%get3A_8, %get3A_9] : memref<26x4096xf32, #tpu.memory_space<vmem>>, vector<26x4096xf32>
    %dot_general3A = arith.constant dense<0.000000e+00> : vector<26x4096xf32>
    %dot_general3A_11 = tpu.matmul %select_n3A, %get3A_10, %dot_general3A {dimension_numbers = #tpu.dot_dimension_numbers<[1], [0], [0], [1], [0, 0, 1, 1], [], []>, transpose_lhs_hint = false} : vector<26x26xf32>, vector<26x4096xf32>, vector<26x4096xf32> -> vector<26x4096xf32>
    %mul3A_12 = arith.mulf %dot_general3A_11, %get3A_10 : vector<26x4096xf32>
    %reduce_sum3A = arith.constant dense<0.000000e+00> : vector<4096xf32>
    %reduce_sum3A_13 = vector.multi_reduction <add>, %mul3A_12, %reduce_sum3A [0] : vector<26x4096xf32> to vector<4096xf32>
    %broadcast_in_dim3A_14 = vector.shape_cast %reduce_sum3A_13 : vector<4096xf32> to vector<1x4096xf32>
    %get3A_15 = arith.constant 0 : index
    %get3A_16 = arith.constant 0 : index
    %get3A_17 = vector.load %arg5[%get3A_15, %get3A_16] : memref<4096x128xf32, #tpu.memory_space<vmem>>, vector<4096x128xf32>
    %dot_general3A_18 = arith.constant dense<0.000000e+00> : vector<1x128xf32>
    %dot_general3A_19 = tpu.matmul %broadcast_in_dim3A_14, %get3A_17, %dot_general3A_18 {dimension_numbers = #tpu.dot_dimension_numbers<[1], [0], [0], [1], [0, 0, 1, 1], [], []>, transpose_lhs_hint = false} : vector<1x4096xf32>, vector<4096x128xf32>, vector<1x128xf32> -> vector<1x128xf32>
    %get3A_20 = arith.constant 0 : index
    %get3A_21 = arith.constant 0 : index
    %get3A_22 = vector.load %arg2[%get3A_20, %get3A_21] : memref<26x128xf32, #tpu.memory_space<vmem>>, vector<26x128xf32>
    %reduce_sum3A_23 = arith.constant dense<0.000000e+00> : vector<128xf32>
    %reduce_sum3A_24 = vector.multi_reduction <add>, %get3A_22, %reduce_sum3A_23 [0] : vector<26x128xf32> to vector<128xf32>
    %broadcast_in_dim3A_25 = vector.shape_cast %reduce_sum3A_24 : vector<128xf32> to vector<1x128xf32>
    %add3A_26 = arith.addf %dot_general3A_19, %broadcast_in_dim3A_25 : vector<1x128xf32>
    %get3A_27 = arith.constant 0 : index
    %get3A_28 = arith.constant 0 : index
    %get3A_29 = vector.load %arg6[%get3A_27, %get3A_28] : memref<1x1xf32, #tpu.memory_space<vmem>>, vector<1x1xf32>
    %get3A_30 = vector.extract %get3A_29[0, 0] : f32 from vector<1x1xf32>
    %add3A_31 = vector.broadcast %get3A_30 : f32 to vector<1x128xf32>
    %add3A_32 = arith.addf %add3A_26, %add3A_31 : vector<1x128xf32>
    %reshape3A = vector.shape_cast %add3A_32 : vector<1x128xf32> to vector<1x1x128xf32>
    %swap3A = arith.constant 0 : index
    %swap3A_33 = arith.constant 0 : index
    %swap3A_34 = arith.constant 0 : index
    %swap3A_35 = vector.load %arg7[%swap3A, %swap3A_33, %swap3A_34] : memref<1x1x128xf32, #tpu.memory_space<vmem>>, vector<1x1x128xf32>
    tpu.vector_store %arg7[%swap3A, %swap3A_33, %swap3A_34], %reshape3A {strides = array<i32>} : memref<1x1x128xf32, #tpu.memory_space<vmem>>, vector<1x1x128xf32>,
    return
  }
  func.func @transform_0(%arg0: i32) -> (i32, i32) {
    %c0_i32 = arith.constant 0 : i32
    %c0_i32_0 = arith.constant 0 : i32
    return %c0_i32, %arg0 : i32, i32
  }
  func.func @transform_1(%arg0: i32) -> (i32, i32) {
    %c0_i32 = arith.constant 0 : i32
    %c0_i32_0 = arith.constant 0 : i32
    return %c0_i32, %arg0 : i32, i32
  }
  func.func @transform_2(%arg0: i32) -> (i32, i32) {
    %c0_i32 = arith.constant 0 : i32
    %c0_i32_0 = arith.constant 0 : i32
    %c0_i32_1 = arith.constant 0 : i32
    return %c0_i32, %c0_i32_0 : i32, i32
  }
  func.func @transform_3(%arg0: i32) -> (i32, i32) {
    %c0_i32 = arith.constant 0 : i32
    %c0_i32_0 = arith.constant 0 : i32
    %c0_i32_1 = arith.constant 0 : i32
    return %c0_i32, %c0_i32_0 : i32, i32
  }
  func.func @transform_4(%arg0: i32) -> (i32, i32) {
    %c0_i32 = arith.constant 0 : i32
    %c0_i32_0 = arith.constant 0 : i32
    %c0_i32_1 = arith.constant 0 : i32
    return %c0_i32, %c0_i32_0 : i32, i32
  }
  func.func @transform_5(%arg0: i32) -> (i32, i32) {
    %c0_i32 = arith.constant 0 : i32
    %c0_i32_0 = arith.constant 0 : i32
    %c0_i32_1 = arith.constant 0 : i32
    return %c0_i32, %c0_i32_0 : i32, i32
  }
  func.func @transform_6(%arg0: i32) -> (i32, i32, i32) {
    %c0_i32 = arith.constant 0 : i32
    %c0_i32_0 = arith.constant 0 : i32
    %c0_i32_1 = arith.constant 0 : i32
    return %arg0, %c0_i32, %c0_i32_0 : i32, i32, i32
  }
}

</mosaic_0001>

<sc_bundles>
// kernel: kernel.5.cloned.1.call-start
scs
__scs_entry_jumppad:
0x0: {  	(pc) =	sbr.rel $0x88, $3  }
0x1: {  	(tag) =	ssettag $0x0;
	lr =	simm.s32 $0x1  }
0x2: {  	[smem:$0x3F9C] =	sst lr;
	_ =	strace $0xD0000000  }
0x3: {  	_ = 	snop  }
0x4: {  	_ = 	snop  }
0x5: {  	_ = 	snop  }
0x6: {  	_ = 	snop  }
0x7: {  	_ = 	snop  }
__scs_overlays_trampoline_lowered:
0x8: {  	[smem:$0x3FAB] =	sst s0  }
0x9: {  	[smem:$0x3FAC] =	sst s1  }
0xa: {  	[smem:$0x3FAD] =	sst s2  }
0xb: {  	[smem:$0x3FAE] =	sst s3  }
0xc: {  	[smem:$0x3FAF] =	sst s4  }
0xd: {  	[smem:$0x3FB0] =	sst s5  }
0xe: {  	[smem:$0x3FB1] =	sst s6  }
0xf: {  	[smem:$0x3FB2] =	sst s7  }
0x10: {  	[smem:$0x3FB3] =	sst s8  }
0x11: {  	[smem:$0x3FB4] =	sst s9;
	s0 =	simm.s32 @!p0 $0x0  }
0x12: {  	s1 =	sld [smem:$0x3F9A];
	s0 =	simm.s32 @p0 $0x1  }
0x13: {  	[smem:$0x3FB5] =	sst s0;
	s0 =	simm.s32 @!p1 $0x0  }
0x14: {  	s2 =	sld [smem:$0x3F99];
	s0 =	simm.s32 @p1 $0x1  }
0x15: {  	[smem:$0x3FB6] =	sst s0;
	s0 =	simm.s32 @!p2 $0x0  }
0x16: {  	s3 =	sld [smem:$0x3FDB];
	s0 =	simm.s32 @p2 $0x1  }
0x17: {  	s4 =	simm.s32 $0x1BF5;
	[smem:$0x3FB8] =	sst s0  }
0x18: {  	s0 =	sld [smem:$0x3F9B];
	_ =	swait.ge [sflag:s4], $0x0  }
0x19: {  	s7 =	sld [smem:$0x3F9C]  }
0x1a: {  	s8 =	sadd.s32 $0xFFFFE003, lr  }
0x1b: {  	s9 =	sadd.s32 $0xFFFFFEF7, lr;
	s5 =	simm.s32 $0xFFFFFFFF;
	p2 =	slt.u32 s8, $0xFFFFF086  }
0x1c: {  	p1 =	slt.u32 s9, $0xF7A;
	s5 =	simm.s32 @!p2 $0x0  }
0x1d: {  	s5 =	simm.s32 @p1 $0x1;
	p0 =	seq.s32 s7, s2  }
0x1e: {  	s7 =	smul.u32 @!p0 $0xF7A, s2;
	p2 =	seq.s32 @!p0 s5, $0x0  }
0x1f: {  	s9 =	smul.u32 $0xF7A, s1;
	s8 =	simm.s32 @!p0 $0x1BF5;
	p2 =	por !p2, p0  }
0x20: {  	[sflag:s8] =	ssyncset.s32 @!p0 $0xFFFFF086;
	s6 =	sadd.s32 @!p0 s3, s7;
	s7 =	simm.s32 @!p0 $0x108  }
0x21: {  	s3 =	sadd.s32 s3, s9;
	s6 =	sadd.s32 @!p0 $0x88, s6;
	s7 =	simm.s32 @p2 $0x1082  }
0x22: {  	[simem:s7], [sflag:s8] =	dma.local @!p0 [hbm:s6], $0xF7A  }
0x23: {  	s9 =	sor.u32 $0xD0000000, s2;
	s6 =	simm.s32 $0x108;
	_ =	swait.ge @!p0 [sflag:s8], $0x0  }
0x24: {  	s3 =	sadd.s32 $0x88, s3;
	s6 =	simm.s32 @!p1 $0x1082;
	[sflag:s4] =	ssyncset.s32 $0xFFFFF086  }
0x25: {  	[simem:s6], [sflag:s4] =	dma.local [hbm:s3], $0xF7A  }
0x26: {  	[smem:$0x3F9C] =	sst s1;
	(tag) =	ssettag s2;
	_ =	strace s9  }
0x27: {  	s1 =	sld [smem:$0x3FAC]  }
0x28: {  	s2 =	sld [smem:$0x3FAD]  }
0x29: {  	s4 =	sld [smem:$0x3FAF]  }
0x2a: {  	p0 =	seq.s32 s5, $0x0;
	s5 =	sld [smem:$0x3FB0]  }
0x2b: {  	s6 =	sld [smem:$0x3FB1]  }
0x2c: {  	s7 =	sld [smem:$0x3FB2]  }
0x2d: {  	s3 =	simm.s32 $0x108;
	s8 =	sld [smem:$0x3FB3]  }
0x2e: {  	s3 =	simm.s32 @!p0 $0x1082;
	s9 =	sld [smem:$0x3FB4]  }
0x2f: {  	lr =	sadd.s32 s0, s3;
	s0 =	sld [smem:$0x3FAB]  }
0x30: {  	s3 =	sld [smem:$0x3FAE]  }
0x31: {  	[smem:$0x3FB7] =	sst s10  }
0x32: {  	s10 =	sld [smem:$0x3FB5];
	_ =	sdelay $0x3  }
0x33: {  	p0 =	seq.s32 s10, $0x1;
	s10 =	sld [smem:$0x3FB7];
	_ =	sdelay $0x3  }
0x34: {  	[smem:$0x3FB7] =	sst s10  }
0x35: {  	s10 =	sld [smem:$0x3FB6];
	_ =	sdelay $0x3  }
0x36: {  	p1 =	seq.s32 s10, $0x1;
	s10 =	sld [smem:$0x3FB7];
	_ =	sdelay $0x3  }
0x37: {  	[smem:$0x3FB7] =	sst s10  }
0x38: {  	s10 =	sld [smem:$0x3FB8]  }
0x39: {  	_ = 	snop;
	(pc) =	sbr.ind lr, $3  }
0x3a: {  	_ = 	snop  }
0x3b: {  	_ = 	snop  }
0x3c: {  	p2 =	seq.s32 s10, $0x1;
	s10 =	sld [smem:$0x3FB7]  }
0x3d: {  	_ =	shalt  }
0x3e: {  	_ =	shalt  }
0x3f: {  	_ =	shalt  }
0x40: {  	_ =	shalt  }
0x41: {  	_ =	shalt  }
0x42: {  	_ =	shalt  }
0x43: {  	_ =	shalt  }
0x44: {  	_ =	shalt  }
0x45: {  	_ =	shalt  }
0x46: {  	_ =	shalt  }
0x47: {  	_ =	shalt  }
0x48: {  	_ =	shalt  }
0x49: {  	_ =	shalt  }
0x4a: {  	_ =	shalt  }
0x4b: {  	_ =	shalt  }
0x4c: {  	_ =	shalt  }
0x4d: {  	_ =	shalt  }
0x4e: {  	_ =	shalt  }
0x4f: {  	_ =	shalt  }
0x50: {  	_ =	shalt  }
0x51: {  	_ =	shalt  }
0x52: {  	_ =	shalt  }
0x53: {  	_ =	shalt  }
0x54: {  	_ =	shalt  }
0x55: {  	_ =	shalt  }
0x56: {  	_ =	shalt  }
0x57: {  	_ =	shalt  }
0x58: {  	_ =	shalt  }
0x59: {  	_ =	shalt  }
0x5a: {  	_ =	shalt  }
0x5b: {  	_ =	shalt  }
0x5c: {  	_ =	shalt  }
0x5d: {  	_ =	shalt  }
0x5e: {  	_ =	shalt  }
0x5f: {  	_ =	shalt  }
0x60: {  	_ =	shalt  }
0x61: {  	_ =	shalt  }
0x62: {  	_ =	shalt  }
0x63: {  	_ =	shalt  }
0x64: {  	_ =	shalt  }
0x65: {  	_ =	shalt  }
0x66: {  	_ =	shalt  }
0x67: {  	_ =	shalt  }
0x68: {  	_ =	shalt  }
0x69: {  	_ =	shalt  }
0x6a: {  	_ =	shalt  }
0x6b: {  	_ =	shalt  }
0x6c: {  	_ =	shalt  }
0x6d: {  	_ =	shalt  }
0x6e: {  	_ =	shalt  }
0x6f: {  	_ =	shalt  }
0x70: {  	_ =	shalt  }
0x71: {  	_ =	shalt  }
0x72: {  	_ =	shalt  }
0x73: {  	_ =	shalt  }
0x74: {  	_ =	shalt  }
0x75: {  	_ =	shalt  }
0x76: {  	_ =	shalt  }
0x77: {  	_ =	shalt  }
0x78: {  	_ =	shalt  }
0x79: {  	_ =	shalt  }
0x7a: {  	_ =	shalt  }
0x7b: {  	_ =	shalt  }
0x7c: {  	_ =	shalt  }
0x7d: {  	_ =	shalt  }
0x7e: {  	_ =	shalt  }
0x7f: {  	_ =	shalt  }
0x80: {  	_ =	shalt  }
0x81: {  	_ =	shalt  }
0x82: {  	_ =	shalt  }
0x83: {  	_ =	shalt  }
0x84: {  	_ =	shalt  }
0x85: {  	_ =	shalt  }
0x86: {  	_ =	shalt  }
0x87: {  	_ =	shalt  }
.Lfunc_end0:
.L_simem_size_0:
called_computation_lowered:
.L_overlay_start_0:
0x88: {  	s2 =	sld [smem:$0x3FD9]  }
0x89: {  	s3 =	sld [smem:$0x3FFE];
	_ =	sdelay $0x1  }
0x8a: {  	s1 =	srdreg.scid  }
0x8b: {  	s0 =	sand.u32 $0x1, s1  }
0x8c: {  	s17 =	sshll.u32 s0, $0xA;
	s2 =	sadd.s32 s3, s2  }
0x8d: {  	s2 =	sadd.s32 s2, s17  }
0x8e: {  	[smem:$0x3FC3] =	sst s2  }
0x8f: {  	_ = 	snop  }
0x90: {  	(tm) =	ssettm $0x1  }
0x91: {  	s18 =	sld [smem:$0x3FFB];
	_ =	sdelay $0x3  }
0x92: {  	_ =	strace s18  }
0x93: {  	s2 =	sld [smem:$0x3FFC];
	_ =	sdelay $0x3  }
0x94: {  	_ =	strace s2  }
0x95: {  	s2 =	sld [smem:$0x3FFD];
	_ =	sdelay $0x3  }
0x96: {  	_ =	strace s2  }
0x97: {  	_ =	strace $0x8FFFFFFF  }
0x98: {  	s19 =	sld [smem:$0x3FDB];
	_ =	sdelay $0x1  }
0x99: {  	s20 =	simm.s32 $_scs_section_size  }
0x9a: {  	s4 =	simm.s32 $_size__tile_overlayer_lowered;
	s5 =	simm.s32 $_tile_overlayer_lowered  }
0x9b: {  	s6 =	simm.s32 $0x1BFF;
	s21 =	sshll.u32 s5, $0x1;
	s3 =	sadd.s32 s20, s19  }
0x9c: {  	s22 =	simm.s32 $0x0;
	s4 =	sshll.u32 s4, $0x1;
	s5 =	sadd.s32 s21, s3  }
0x9d: {  	[timem:s22], [sflag:s6] =	dma.local [hbm:s5], s4  }
0x9e: {  	_ =	swait.ge [sflag:s6], s4  }
0x9f: {  	s4 =	ssub.s32 $0x0, s4;
	[sflag:s6] =	ssyncset.done $0x0  }
0xa0: {  	[sflag:s6] =	ssyncadd.s32 s4;
	_ =	sdelay $0x1  }
0xa1: {  	s23 =	simm.s32 $0x1B8B  }
0xa2: {  	_ =	swait.ge [sflag:s23], $0x1  }
0xa3: {  	[sflag:s23] =	ssyncset.done $0x0  }
0xa4: {  	[sflag:s23] =	ssyncadd.s32 $0xFFFFFFFF  }
0xa5: {  	s4 =	sld [smem:$0x0]  }
0xa6: {  	s5 =	sand.u32 $0xFFFFFFFE, s1  }
0xa7: {  	p0 =	sne.s32 s1, s5  }
0xa8: {  	s5 =	sshll.u32 @p0 s5, $0xE  }
0xa9: {  	s5 =	sadd.s32 @p0 $0x11B8D, s5;
	s6 =	sshll.u32 @p0 s4, $0x11  }
0xaa: {  	s5 =	sor.u32 @p0 s6, s5  }
0xab: {  	[sflag:s5] =	ssyncadd.remote.s32 @p0 $0x1;
	_ =	sdelay $0x1  }
0xac: {  	s5 =	simm.s32 @p0 $0x1B8D  }
0xad: {  	_ =	swait.eq @p0 [sflag:s5], $0x1  }
0xae: {  	[sflag:s5] =	ssyncadd.s32 @p0 $0xFFFFFFFF  }
0xaf: {  	s6 =	sshll.u32 @!p0 s1, $0xE  }
0xb0: {  	s6 =	sor.u32 @!p0 $0x4000, s6;
	s5 =	simm.s32 @!p0 $0x1B8D  }
0xb1: {  	s4 =	sshll.u32 @!p0 s4, $0x11;
	s6 =	sadd.s32 @!p0 $0x11B8D, s6;
	_ =	swait.eq @!p0 [sflag:s5], $0x1  }
0xb2: {  	s4 =	sor.u32 @!p0 s4, s6;
	[sflag:s5] =	ssyncadd.s32 @!p0 $0xFFFFFFFF  }
0xb3: {  	s25 =	simm.s32 $0x1B8E;
	s24 =	sld [smem:$0x3FFE];
	[sflag:s4] =	ssyncadd.remote.s32 @!p0 $0x1  }
0xb4: {  	s26 =	simm.s32 $execute0_lowered;
	[smem:$0x3FD2] =	sst s25  }
0xb5: {  	s5 =	sshll.u32 s26, $0x1;
	_ =	strace $0x80000049;
	[dreg:$0x1] =	wrdreg $0xFFFFFFFF  }
0xb6: {  	s28 =	simm.s32 $_size_execute0_lowered;
	s3 =	sadd.s32 s3, s5;
	[dreg:$0x0] =	wrdreg $0x0  }
0xb7: {  	s5 =	sshll.u32 s28, $0x1;
	[dreg:$0x2] =	wrdreg s3  }
0xb8: {  	[dreg:$0x3] =	wrdreg s5  }
0xb9: {  	[dreg:$0x4] =	wrdreg $0xC0  }
0xba: {  	_ =	task [dreg:s22], $0x5FFFF  }
0xbb: {  	[dreg:$0x1] =	wrdreg $0xFFFFFFFF  }
0xbc: {  	[dreg:$0x0] =	wrdreg $0x60  }
0xbd: {  	[dreg:$0x2] =	wrdreg s24  }
0xbe: {  	[dreg:$0x3] =	wrdreg $0x9  }
0xbf: {  	_ =	task.clear_ibuf [dreg:s22], $0x4FFFF;
	_ =	strace $0x90000049  }
0xc0: {  	s29 =	simm.s32 $0x9;
	_ =	strace $0x8000004B  }
0xc1: {  	_ =	swait.ge [sflag:s29], $0x1  }
0xc2: {  	[sflag:s29] =	ssyncadd.s32 $0xFFFFFFFF  }
0xc3: {  	_ =	strace $0x9000004B  }
0xc4: {  	_ =	sfence  }
0xc5: {  	s30 =	sld [smem:$0x0];
	_ =	sdelay $0x2  }
0xc6: {  	s31 =	sshll.u32 s1, $0xD;
	s1 =	sshrl.u32 s1, $0x2  }
0xc7: {  	s4 =	sand.u32 $0x4000, s31;
	s1 =	sadd.s32 s1, s30  }
0xc8: {  	s0 =	sor.u32 s4, s0;
	s1 =	sshll.u32 s1, $0x11  }
0xc9: {  	s0 =	sor.u32 s1, s0  }
0xca: {  	s0 =	sadd.s32 $0x8F2B, s0  }
0xcb: {  	[sflag:s0] =	ssyncadd.remote.s32 $0x1  }
0xcc: {  	_ =	sfence.sel $0xFFFF  }
0xcd: {  	[dreg:$0x0] =	wrdreg $0xFFFFFFFF;
	(pc) =	sbr.abs _section_cstart, $3  }
0xce: {  	[dreg:$0x1] =	wrdreg $0xFFFFFFFF  }
0xcf: {  	_ =	task.clear_ibuf [dreg:s22], $0x2FFFF;
	_ =	strace $0x9FFFFFFF  }
0xd0: {  	(tm) =	ssettm $0x7FFFFFFF  }
0xd1: {  	_ =	shalt  }
tec
execute0_lowered:
.L_overlay_start_1:
0x0: {  	(tag) =	ssettag $0x1  }
0x1: {  	v1 =	vlaneseq.u32  }
0x2: {  	v0 =	vmul.u32 $0x400, v1;
	v1 =	vmul.u32 $0x20, v1  }
0x3: {  	s2 =	simm.s32 $0x0  }
0x4: {  	[smem:$0x7FF] =	sst s2;
	v5 =	vor.u32 $0x1, v1  }
0x5: {  	s4 =	rddreg [dreg:$0x0];
	_ =	strace $0x8000004A;
	v7 =	vor.u32 $0x2, v1;
	[tilespmem:$0x1FC60] =	vst v5  }
0x6: {  	v9 =	vor.u32 $0x3, v0;
	[tilespmem:$0x1FC70] =	vst v7  }
0x7: {  	v10 =	vor.u32 $0x3, v1;
	[tilespmem:$0x1FC80] =	vst v9  }
0x8: {  	v11 =	vor.u32 $0x4, v0;
	[tilespmem:$0x1FC90] =	vst v10  }
0x9: {  	v12 =	vor.u32 $0x4, v1;
	[tilespmem:$0x1FCA0] =	vst v11  }
0xa: {  	v13 =	vor.u32 $0x5, v0;
	[tilespmem:$0x1FCB0] =	vst v12  }
0xb: {  	v14 =	vor.u32 $0x5, v1;
	[tilespmem:$0x1FCC0] =	vst v13  }
0xc: {  	v15 =	vor.u32 $0x6, v0;
	[tilespmem:$0x1FCD0] =	vst v14  }
0xd: {  	v16 =	vor.u32 $0x6, v1;
	[tilespmem:$0x1FCE0] =	vst v15  }
0xe: {  	v17 =	vor.u32 $0x7, v0;
	[tilespmem:$0x1FCF0] =	vst v16  }
0xf: {  	v18 =	vor.u32 $0x7, v1;
	[tilespmem:$0x1FD00] =	vst v17  }
0x10: {  	v19 =	vor.u32 $0x8, v0;
	[tilespmem:$0x1FD10] =	vst v18  }
0x11: {  	v20 =	vor.u32 $0x8, v1;
	[tilespmem:$0x1FD20] =	vst v19  }
0x12: {  	v21 =	vor.u32 $0x9, v0;
	[tilespmem:$0x1FD30] =	vst v20  }
0x13: {  	v22 =	vor.u32 $0x9, v1;
	[tilespmem:$0x1FD40] =	vst v21  }
0x14: {  	v23 =	vor.u32 $0xA, v0;
	[tilespmem:$0x1FD50] =	vst v22  }
0x15: {  	v24 =	vor.u32 $0xA, v1;
	[tilespmem:$0x1FD60] =	vst v23  }
0x16: {  	v25 =	vor.u32 $0xB, v0;
	[tilespmem:$0x1FD70] =	vst v24  }
0x17: {  	v26 =	vor.u32 $0xB, v1;
	[tilespmem:$0x1FD80] =	vst v25  }
0x18: {  	v27 =	vor.u32 $0xC, v0;
	[tilespmem:$0x1FD90] =	vst v26  }
0x19: {  	v28 =	vor.u32 $0xC, v1;
	[tilespmem:$0x1FDA0] =	vst v27  }
0x1a: {  	v29 =	vor.u32 $0xD, v0;
	[tilespmem:$0x1FDB0] =	vst v28  }
0x1b: {  	v30 =	vor.u32 $0xD, v1;
	[tilespmem:$0x1FDC0] =	vst v29  }
0x1c: {  	v31 =	vor.u32 $0xE, v0;
	[tilespmem:$0x1FDD0] =	vst v30  }
0x1d: {  	v32 =	vor.u32 $0xE, v1;
	[tilespmem:$0x1FDE0] =	vst v31  }
0x1e: {  	v33 =	vor.u32 $0xF, v0;
	[tilespmem:$0x1FDF0] =	vst v32  }
0x1f: {  	v34 =	vor.u32 $0xF, v1;
	[tilespmem:$0x1FE00] =	vst v33  }
0x20: {  	v35 =	vor.u32 $0x10, v0;
	[tilespmem:$0x1FE10] =	vst v34  }
0x21: {  	v36 =	vor.u32 $0x10, v1;
	[tilespmem:$0x1FE20] =	vst v35  }
0x22: {  	v37 =	vor.u32 $0x11, v0;
	[tilespmem:$0x1FE30] =	vst v36  }
0x23: {  	v38 =	vor.u32 $0x11, v1;
	[tilespmem:$0x1FE40] =	vst v37  }
0x24: {  	v39 =	vor.u32 $0x12, v0;
	[tilespmem:$0x1FE50] =	vst v38  }
0x25: {  	v40 =	vor.u32 $0x12, v1;
	[tilespmem:$0x1FE60] =	vst v39  }
0x26: {  	v41 =	vor.u32 $0x13, v0;
	[tilespmem:$0x1FE70] =	vst v40  }
0x27: {  	v42 =	vor.u32 $0x13, v1;
	[tilespmem:$0x1FE80] =	vst v41  }
0x28: {  	v43 =	vor.u32 $0x14, v0;
	[tilespmem:$0x1FE90] =	vst v42  }
0x29: {  	v44 =	vor.u32 $0x14, v1;
	[tilespmem:$0x1FEA0] =	vst v43  }
0x2a: {  	v45 =	vor.u32 $0x15, v0;
	[tilespmem:$0x1FEB0] =	vst v44  }
0x2b: {  	v46 =	vor.u32 $0x15, v1;
	[tilespmem:$0x1FEC0] =	vst v45  }
0x2c: {  	v47 =	vor.u32 $0x16, v0;
	[tilespmem:$0x1FED0] =	vst v46  }
0x2d: {  	s0 =	srdreg.scid;
	s9 =	stileid.u32;
	s11 =	simm.s32 $0x1A00;
	v48 =	vor.u32 $0x16, v1;
	[tilespmem:$0x1FEE0] =	vst v47  }
0x2e: {  	s18 =	simm.s32 $0x9A00;
	s10 =	simm.s32 $0x9E00;
	s12 =	simm.s32 $0xE600;
	v49 =	vor.u32 $0x17, v0;
	[tilespmem:$0x1FEF0] =	vst v48  }
0x2f: {  	s13 =	simm.s32 $0xEA00;
	s14 =	simm.s32 $0xEE00;
	s15 =	simm.s32 $0xF200;
	v50 =	vor.u32 $0x17, v1;
	[tilespmem:$0x1FF00] =	vst v49  }
0x30: {  	s16 =	simm.s32 $0xF600;
	s17 =	simm.s32 $0xFA00;
	s19 =	simm.s32 $0xFE00;
	v51 =	vor.u32 $0x18, v0;
	[tilespmem:$0x1FF10] =	vst v50  }
0x31: {  	s20 =	simm.s32 $0x10200;
	s21 =	simm.s32 $0x10600;
	s22 =	simm.s32 $0x10A00;
	v52 =	vor.u32 $0x18, v1;
	[tilespmem:$0x1FF20] =	vst v51  }
0x32: {  	s23 =	simm.s32 $0x10E00;
	s28 =	simm.s32 $0x11A00;
	s29 =	simm.s32 $0x2;
	v53 =	vor.u32 $0x19, v0;
	[tilespmem:$0x1FF30] =	vst v52  }
0x33: {  	s30 =	simm.s32 $0x11E00;
	s0 =	sand.u32 $0x1, s0;
	s6 =	smul.u32 $0x1A00, s9;
	v54 =	vor.u32 $0x19, v1;
	[tilespmem:$0x1FF40] =	vst v53  }
0x34: {  	s1 =	sshll.u32 s9, $0x1;
	s3 =	sadd.s32 $0x56C00, s4;
	s24 =	smul.u32 $0x6800, s9;
	v55 =	vor.u32 $0x1A, v0;
	[tilespmem:$0x1FF50] =	vst v54  }
0x35: {  	s1 =	sor.u32 s0, s1;
	s5 =	ssub.s32 $0x2, s0;
	s8 =	smul.u32 $0xD00, s0;
	v56 =	vor.u32 $0x1A, v1;
	[tilespmem:$0x1FF60] =	vst v55  }
0x36: {  	s9 =	simm.s32 $0x3;
	s1 =	smul.u32 $0xD00, s1;
	s7 =	sshrl.u32 s5, $0x1;
	v57 =	vor.u32 $0x1B, v0;
	[tilespmem:$0x1FF70] =	vst v56  }
0x37: {  	s0 =	smul.u32 $0x3400, s0;
	v58 =	vor.u32 $0x1B, v1;
	s5 =	ssub.s32 s5, s7;
	s6 =	sadd.s32 s8, s6;
	[tilespmem:$0x1FF80] =	vst v57  }
0x38: {  	v59 =	vor.u32 $0x1C, v0;
	[tilespmem:$0x1FF90] =	vst v58;
	s1 =	sshrl.u32 s1, $0x3;
	s6 =	sshll.u32 s6, $0x2;
	s5 =	smax.u32 s5, $0x1  }
0x39: {  	v60 =	vor.u32 $0x1C, v1;
	[tilespmem:$0x1FFA0] =	vst v59;
	s1 =	sadd.s32 s1, s4;
	s4 =	sadd.s32 $0x2809800, s4;
	[dreg:$0x4] =	wrdreg s5  }
.Ltmp0:
0x3a: {  	v61 =	vor.u32 $0x1D, v0;
	[tilespmem:$0x1FFB0] =	vst v60;
	s5 =	simm.s32 $0xDE00;
	s25 =	sadd.s32 $0x2806400, s1;
	(pc) =	sbr.rel .LBB2_1-.Ltmp0, $4  }
0x3b: {  	v62 =	vor.u32 $0x1D, v1;
	[tilespmem:$0x1FFC0] =	vst v61;
	s1 =	sadd.s32 $0x2803000, s1;
	s26 =	sadd.s32 s24, s4;
	s31 =	sadd.s32 s6, s4  }
0x3c: {  	v63 =	vor.u32 $0x1E, v0;
	[tilespmem:$0x1FFD0] =	vst v62;
	s6 =	simm.s32 $0xE200;
	s24 =	simm.s32 $0x11200;
	[dreg:$0x2] =	wrdreg s25  }
0x3d: {  	v8 =	vor.u32 $0x2, v0;
	[tilespmem:$0x1FFE0] =	vst v63;
	[dreg:$0x3] =	wrdreg s1;
	s7 =	sadd.s32 s0, s26;
	s8 =	sadd.s32 $0x80, s31  }
0x3e: {  	v6 =	vor.u32 $0x1, v0;
	[tilespmem:$0x1FFF0] =	vst v8;
	s25 =	simm.s32 $0x11600;
	s26 =	simm.s32 $0x1;
	s1 =	simm.s32 $0x0  }
.LBB2_5:
0x3f: {  	s1 =	rddreg [dreg:$0x5]  }
0x40: {  	s0 =	rddreg [dreg:$0x4];
	s1 =	sadd.s32 $0x1, s1  }
0x41: {  	p0 =	sne.s32 s1, s0  }
.Ltmp1:
0x42: {  	_ = 	snop;
	(pc) =	sbr.rel @!p0 .LBB2_6-.Ltmp1, $1  }
0x43: {  	_ =	sdelay $0x3  }
.LBB2_1:
0x44: {  	[dreg:$0x5] =	wrdreg s1  }
0x45: {  	s0 =	rddreg [dreg:$0x2]  }
0x46: {  	[tilespmem:s2], [sflag:$0x3] =	stream.linear.gather [hbm4b:s0+s2], $0xD00, $0x38;
	[tilespmem:$0x12200] =	vst v63  }
0x47: {  	_ =	swait.ge [sflag:s9], $0xD00  }
0x48: {  	[sflag:s9] =	ssyncset.done $0x0  }
0x49: {  	s4 =	simm.s32 $0xD00;
	s1 =	rddreg [dreg:$0x3];
	[sflag:s9] =	ssyncadd.s32 $0xFFFFF300  }
0x4a: {  	[tilespmem:s4], [sflag:$0x3] =	stream.linear.gather [hbm4b:s1+s2], $0xD00, $0x38;
	[tilespmem:$0x12200] =	vst v63  }
0x4b: {  	_ =	swait.ge [sflag:s9], $0xD00  }
0x4c: {  	[sflag:s9] =	ssyncset.done $0x0  }
0x4d: {  	[sflag:s9] =	ssyncadd.s32 $0xFFFFF300  }
0x4e: {  	v2 =	vld [tilespmem:$0x0];
	_ =	sdelay $0x4  }
0x4f: {  	v2 =	vshll.u32 v2, $0x7  }
0x50: {  	(v2sf) =	vpush v2, $0x0;
	_ =	sdelay $0x1  }
0x51: {  	(v2sf) =	vpush v2, $0x1;
	_ =	sdelay $0x2  }
0x52: {  	(v2sf) =	vpush v2, $0x2;
	_ =	sdelay $0x2  }
0x53: {  	(v2sf) =	vpush v2, $0x3;
	_ =	sdelay $0x6  }
0x54: {  	s4 =	spop (v2sf);
	(v2sf) =	vpush v2, $0x4;
	_ =	sdelay $0x1  }
0x55: {  	s1 =	sand.u32 $0x1FFFFF80, s4;
	s0 =	spop (v2sf);
	(v2sf) =	vpush v2, $0x5  }
0x56: {  	s1 =	sadd.s32 s3, s1  }
0x57: {  	[tilespmem:s11], [sflag:$0x1] =	stream.linear.gather [hbm4b:s1+s2], $0x400, $0x38;
	[tilespmem:$0x12200] =	vst v63  }
0x58: {  	s1 =	sand.u32 $0x1FFFFF80, s0;
	s0 =	spop (v2sf);
	(v2sf) =	vpush v2, $0x6  }
0x59: {  	s4 =	simm.s32 $0x1E00;
	s1 =	sadd.s32 s3, s1  }
0x5a: {  	[tilespmem:s4], [sflag:$0x1] =	stream.linear.gather [hbm4b:s1+s2], $0x400, $0x38;
	[tilespmem:$0x12200] =	vst v63  }
0x5b: {  	s1 =	sand.u32 $0x1FFFFF80, s0;
	s0 =	spop (v2sf);
	(v2sf) =	vpush v2, $0x7;
	_ =	sdelay $0x3  }
0x5c: {  	s4 =	simm.s32 $0x2200;
	s1 =	sadd.s32 s3, s1  }
0x5d: {  	[tilespmem:s4], [sflag:$0x1] =	stream.linear.gather [hbm4b:s1+s2], $0x400, $0x38;
	[tilespmem:$0x12200] =	vst v63  }
0x5e: {  	s1 =	sand.u32 $0x1FFFFF80, s0  }
0x5f: {  	s4 =	simm.s32 $0x2600;
	s1 =	sadd.s32 s3, s1;
	s0 =	spop (v2sf);
	(v2sf) =	vpush v2, $0x8  }
0x60: {  	[tilespmem:s4], [sflag:$0x1] =	stream.linear.gather [hbm4b:s1+s2], $0x400, $0x38;
	[tilespmem:$0x12200] =	vst v63  }
0x61: {  	s1 =	sand.u32 $0x1FFFFF80, s0;
	s0 =	spop (v2sf);
	(v2sf) =	vpush v2, $0x9  }
0x62: {  	s4 =	simm.s32 $0x2A00;
	s1 =	sadd.s32 s3, s1  }
0x63: {  	[tilespmem:s4], [sflag:$0x1] =	stream.linear.gather [hbm4b:s1+s2], $0x400, $0x38;
	[tilespmem:$0x12200] =	vst v63  }
0x64: {  	s1 =	sand.u32 $0x1FFFFF80, s0;
	s0 =	spop (v2sf);
	(v2sf) =	vpush v2, $0xA  }
0x65: {  	s4 =	simm.s32 $0x2E00;
	s1 =	sadd.s32 s3, s1  }
0x66: {  	[tilespmem:s4], [sflag:$0x1] =	stream.linear.gather [hbm4b:s1+s2], $0x400, $0x38;
	[tilespmem:$0x12200] =	vst v63  }
0x67: {  	s1 =	sand.u32 $0x1FFFFF80, s0;
	s0 =	spop (v2sf);
	(v2sf) =	vpush v2, $0xB;
	_ =	sdelay $0x3  }
0x68: {  	s4 =	simm.s32 $0x3200;
	s1 =	sadd.s32 s3, s1  }
0x69: {  	[tilespmem:s4], [sflag:$0x1] =	stream.linear.gather [hbm4b:s1+s2], $0x400, $0x38;
	[tilespmem:$0x12200] =	vst v63  }
0x6a: {  	s1 =	sand.u32 $0x1FFFFF80, s0  }
0x6b: {  	s4 =	simm.s32 $0x3600;
	s1 =	sadd.s32 s3, s1;
	s0 =	spop (v2sf);
	(v2sf) =	vpush v2, $0xC  }
0x6c: {  	[tilespmem:s4], [sflag:$0x1] =	stream.linear.gather [hbm4b:s1+s2], $0x400, $0x38;
	[tilespmem:$0x12200] =	vst v63  }
0x6d: {  	s1 =	sand.u32 $0x1FFFFF80, s0;
	s0 =	spop (v2sf);
	(v2sf) =	vpush v2, $0xD  }
0x6e: {  	s4 =	simm.s32 $0x3A00;
	s1 =	sadd.s32 s3, s1  }
0x6f: {  	[tilespmem:s4], [sflag:$0x1] =	stream.linear.gather [hbm4b:s1+s2], $0x400, $0x38;
	[tilespmem:$0x12200] =	vst v63  }
0x70: {  	s1 =	sand.u32 $0x1FFFFF80, s0;
	s0 =	spop (v2sf);
	(v2sf) =	vpush v2, $0xE  }
0x71: {  	s4 =	simm.s32 $0x3E00;
	s1 =	sadd.s32 s3, s1  }
0x72: {  	[tilespmem:s4], [sflag:$0x1] =	stream.linear.gather [hbm4b:s1+s2], $0x400, $0x38;
	[tilespmem:$0x12200] =	vst v63  }
0x73: {  	s1 =	sand.u32 $0x1FFFFF80, s0;
	s0 =	spop (v2sf);
	(v2sf) =	vpush v2, $0xF;
	_ =	sdelay $0x1  }
0x74: {  	s4 =	simm.s32 $0x4200;
	s1 =	sadd.s32 s3, s1  }
0x75: {  	[tilespmem:s4], [sflag:$0x1] =	stream.linear.gather [hbm4b:s1+s2], $0x400, $0x38;
	[tilespmem:$0x12200] =	vst v63  }
0x76: {  	s1 =	sand.u32 $0x1FFFFF80, s0  }
0x77: {  	s4 =	simm.s32 $0x4600;
	s1 =	sadd.s32 s3, s1  }
0x78: {  	[tilespmem:s4], [sflag:$0x1] =	stream.linear.gather [hbm4b:s1+s2], $0x400, $0x38;
	[tilespmem:$0x12200] =	vst v63  }
0x79: {  	s0 =	spop (v2sf)  }
0x7a: {  	s1 =	sand.u32 $0x1FFFFF80, s0  }
0x7b: {  	s4 =	simm.s32 $0x4A00;
	s0 =	spop (v2sf);
	s1 =	sadd.s32 s3, s1  }
0x7c: {  	[tilespmem:s4], [sflag:$0x1] =	stream.linear.gather [hbm4b:s1+s2], $0x400, $0x38;
	[tilespmem:$0x12200] =	vst v63  }
0x7d: {  	s1 =	sand.u32 $0x1FFFFF80, s0  }
0x7e: {  	s4 =	simm.s32 $0x4E00;
	s0 =	spop (v2sf);
	s1 =	sadd.s32 s3, s1  }
0x7f: {  	[tilespmem:s4], [sflag:$0x1] =	stream.linear.gather [hbm4b:s1+s2], $0x400, $0x38;
	[tilespmem:$0x12200] =	vst v63  }
0x80: {  	s1 =	sand.u32 $0x1FFFFF80, s0  }
0x81: {  	s4 =	simm.s32 $0x5200;
	s0 =	spop (v2sf);
	s1 =	sadd.s32 s3, s1  }
0x82: {  	[tilespmem:s4], [sflag:$0x1] =	stream.linear.gather [hbm4b:s1+s2], $0x400, $0x38;
	[tilespmem:$0x12200] =	vst v63  }
0x83: {  	s1 =	sand.u32 $0x1FFFFF80, s0  }
0x84: {  	s4 =	simm.s32 $0x5600;
	s1 =	sadd.s32 s3, s1  }
0x85: {  	[tilespmem:s4], [sflag:$0x1] =	stream.linear.gather [hbm4b:s1+s2], $0x400, $0x38;
	[tilespmem:$0x12200] =	vst v63  }
0x86: {  	v2 =	vld [tilespmem:$0x10];
	_ =	sdelay $0x4  }
0x87: {  	v2 =	vshll.u32 v2, $0x7  }
0x88: {  	(v2sf) =	vpush v2, $0x0;
	_ =	sdelay $0x1  }
0x89: {  	(v2sf) =	vpush v2, $0x1;
	_ =	sdelay $0x2  }
0x8a: {  	(v2sf) =	vpush v2, $0x2;
	_ =	sdelay $0x2  }
0x8b: {  	(v2sf) =	vpush v2, $0x3;
	_ =	sdelay $0x6  }
0x8c: {  	s0 =	spop (v2sf);
	(v2sf) =	vpush v2, $0x4;
	_ =	sdelay $0x1  }
0x8d: {  	s1 =	sand.u32 $0x1FFFFF80, s0;
	s0 =	spop (v2sf);
	(v2sf) =	vpush v2, $0x5  }
0x8e: {  	s4 =	simm.s32 $0x5A00;
	s1 =	sadd.s32 s3, s1  }
0x8f: {  	[tilespmem:s4], [sflag:$0x1] =	stream.linear.gather [hbm4b:s1+s2], $0x400, $0x38;
	[tilespmem:$0x12200] =	vst v63  }
0x90: {  	s1 =	sand.u32 $0x1FFFFF80, s0;
	s0 =	spop (v2sf);
	(v2sf) =	vpush v2, $0x6  }
0x91: {  	s4 =	simm.s32 $0x5E00;
	s1 =	sadd.s32 s3, s1  }
0x92: {  	[tilespmem:s4], [sflag:$0x1] =	stream.linear.gather [hbm4b:s1+s2], $0x400, $0x38;
	[tilespmem:$0x12200] =	vst v63  }
0x93: {  	s1 =	sand.u32 $0x1FFFFF80, s0;
	s0 =	spop (v2sf);
	(v2sf) =	vpush v2, $0x7;
	_ =	sdelay $0x3  }
0x94: {  	s4 =	simm.s32 $0x6200;
	s1 =	sadd.s32 s3, s1  }
0x95: {  	[tilespmem:s4], [sflag:$0x1] =	stream.linear.gather [hbm4b:s1+s2], $0x400, $0x38;
	[tilespmem:$0x12200] =	vst v63  }
0x96: {  	s1 =	sand.u32 $0x1FFFFF80, s0  }
0x97: {  	s4 =	simm.s32 $0x6600;
	s1 =	sadd.s32 s3, s1;
	s0 =	spop (v2sf);
	(v2sf) =	vpush v2, $0x8  }
0x98: {  	[tilespmem:s4], [sflag:$0x1] =	stream.linear.gather [hbm4b:s1+s2], $0x400, $0x38;
	[tilespmem:$0x12200] =	vst v63  }
0x99: {  	s1 =	sand.u32 $0x1FFFFF80, s0;
	s0 =	spop (v2sf);
	(v2sf) =	vpush v2, $0x9  }
0x9a: {  	s4 =	simm.s32 $0x6A00;
	s1 =	sadd.s32 s3, s1  }
0x9b: {  	[tilespmem:s4], [sflag:$0x1] =	stream.linear.gather [hbm4b:s1+s2], $0x400, $0x38;
	[tilespmem:$0x12200] =	vst v63  }
0x9c: {  	s1 =	sand.u32 $0x1FFFFF80, s0;
	s0 =	spop (v2sf);
	(v2sf) =	vpush v2, $0xA  }
0x9d: {  	s4 =	simm.s32 $0x6E00;
	s1 =	sadd.s32 s3, s1  }
0x9e: {  	[tilespmem:s4], [sflag:$0x1] =	stream.linear.gather [hbm4b:s1+s2], $0x400, $0x38;
	[tilespmem:$0x12200] =	vst v63  }
0x9f: {  	s1 =	sand.u32 $0x1FFFFF80, s0;
	s0 =	spop (v2sf);
	(v2sf) =	vpush v2, $0xB;
	_ =	sdelay $0x3  }
0xa0: {  	s4 =	simm.s32 $0x7200;
	s1 =	sadd.s32 s3, s1  }
0xa1: {  	[tilespmem:s4], [sflag:$0x1] =	stream.linear.gather [hbm4b:s1+s2], $0x400, $0x38;
	[tilespmem:$0x12200] =	vst v63  }
0xa2: {  	s1 =	sand.u32 $0x1FFFFF80, s0  }
0xa3: {  	s4 =	simm.s32 $0x7600;
	s1 =	sadd.s32 s3, s1;
	s0 =	spop (v2sf);
	(v2sf) =	vpush v2, $0xC  }
0xa4: {  	[tilespmem:s4], [sflag:$0x1] =	stream.linear.gather [hbm4b:s1+s2], $0x400, $0x38;
	[tilespmem:$0x12200] =	vst v63  }
0xa5: {  	s1 =	sand.u32 $0x1FFFFF80, s0;
	s0 =	spop (v2sf);
	(v2sf) =	vpush v2, $0xD  }
0xa6: {  	s4 =	simm.s32 $0x7A00;
	s1 =	sadd.s32 s3, s1  }
0xa7: {  	[tilespmem:s4], [sflag:$0x1] =	stream.linear.gather [hbm4b:s1+s2], $0x400, $0x38;
	[tilespmem:$0x12200] =	vst v63  }
0xa8: {  	s1 =	sand.u32 $0x1FFFFF80, s0;
	s0 =	spop (v2sf);
	(v2sf) =	vpush v2, $0xE  }
0xa9: {  	s4 =	simm.s32 $0x7E00;
	s1 =	sadd.s32 s3, s1  }
0xaa: {  	[tilespmem:s4], [sflag:$0x1] =	stream.linear.gather [hbm4b:s1+s2], $0x400, $0x38;
	[tilespmem:$0x12200] =	vst v63  }
0xab: {  	s1 =	sand.u32 $0x1FFFFF80, s0;
	s0 =	spop (v2sf);
	(v2sf) =	vpush v2, $0xF;
	_ =	sdelay $0x1  }
0xac: {  	s4 =	simm.s32 $0x8200;
	s1 =	sadd.s32 s3, s1  }
0xad: {  	[tilespmem:s4], [sflag:$0x1] =	stream.linear.gather [hbm4b:s1+s2], $0x400, $0x38;
	[tilespmem:$0x12200] =	vst v63  }
0xae: {  	s1 =	sand.u32 $0x1FFFFF80, s0  }
0xaf: {  	s4 =	simm.s32 $0x8600;
	s1 =	sadd.s32 s3, s1  }
0xb0: {  	[tilespmem:s4], [sflag:$0x1] =	stream.linear.gather [hbm4b:s1+s2], $0x400, $0x38;
	[tilespmem:$0x12200] =	vst v63  }
0xb1: {  	s0 =	spop (v2sf)  }
0xb2: {  	s1 =	sand.u32 $0x1FFFFF80, s0  }
0xb3: {  	s4 =	simm.s32 $0x8A00;
	s0 =	spop (v2sf);
	s1 =	sadd.s32 s3, s1  }
0xb4: {  	[tilespmem:s4], [sflag:$0x1] =	stream.linear.gather [hbm4b:s1+s2], $0x400, $0x38;
	[tilespmem:$0x12200] =	vst v63  }
0xb5: {  	s1 =	sand.u32 $0x1FFFFF80, s0  }
0xb6: {  	s4 =	simm.s32 $0x8E00;
	s0 =	spop (v2sf);
	s1 =	sadd.s32 s3, s1  }
0xb7: {  	[tilespmem:s4], [sflag:$0x1] =	stream.linear.gather [hbm4b:s1+s2], $0x400, $0x38;
	[tilespmem:$0x12200] =	vst v63  }
0xb8: {  	s1 =	sand.u32 $0x1FFFFF80, s0;
	s4 =	simm.s32 $0x9200  }
.Ltmp2:
0xb9: {  	s0 =	spop (v2sf);
	s1 =	sadd.s32 s3, s1;
	(pc) =	sbr.rel .LBB2_2-.Ltmp2, $4  }
0xba: {  	[tilespmem:s4], [sflag:$0x1] =	stream.linear.gather [hbm4b:s1+s2], $0x400, $0x38;
	[tilespmem:$0x12200] =	vst v63  }
0xbb: {  	s1 =	sand.u32 $0x1FFFFF80, s0  }
0xbc: {  	s31 =	simm.s32 $0x0;
	s4 =	simm.s32 $0x9600;
	s1 =	sadd.s32 s3, s1  }
0xbd: {  	[tilespmem:s4], [sflag:$0x1] =	stream.linear.gather [hbm4b:s1+s2], $0x400, $0x38;
	[tilespmem:$0x12200] =	vst v63  }
.LBB2_4:
0xbe: {  	_ =	swait.ge [sflag:s29], $0x8000  }
0xbf: {  	[sflag:s29] =	ssyncset.done $0x0  }
0xc0: {  	[sflag:s29] =	ssyncadd.s32 $0xFFFF8000  }
0xc1: {  	v4 =	vld [tilespmem:s1+$0xD20];
	_ =	sdelay $0x4  }
0xc2: {  	v4 =	vshll.u32 v4, $0x7  }
0xc3: {  	v5 =	vadd.s32 v0, v4;
	_ =	sdelay $0x4  }
0xc4: {  	v5 =	vld.idx.msk [tilespmem:v5+s18+$0x0], $0xffff  }
0xc5: {  	v2 =	vmov v6;
	v6 =	vadd.s32 v6, v4;
	_ =	sdelay $0x3  }
0xc6: {  	[tilespmem:v1+s30+$0x0] =	vst.idx.msk $0xffff, v5  }
0xc7: {  	v5 =	vld.idx.msk [tilespmem:v6+s18+$0x0], $0xffff  }
0xc8: {  	v6 =	vadd.s32 v8, v4;
	v8 =	vld [tilespmem:$0x1FC60];
	_ =	sdelay $0x4  }
0xc9: {  	v9 =	vld [tilespmem:$0x1FC80]  }
0xca: {  	v7 =	vld [tilespmem:$0x1FC70];
	_ =	sdelay $0x1  }
0xcb: {  	[tilespmem:v8+s30+$0x0] =	vst.idx.msk $0xffff, v5  }
0xcc: {  	v5 =	vld.idx.msk [tilespmem:v6+s18+$0x0], $0xffff  }
0xcd: {  	v6 =	vadd.s32 v9, v4  }
0xce: {  	v11 =	vld [tilespmem:$0x1FCA0]  }
0xcf: {  	v10 =	vld [tilespmem:$0x1FC90];
	_ =	sdelay $0x1  }
0xd0: {  	[tilespmem:v7+s30+$0x0] =	vst.idx.msk $0xffff, v5  }
0xd1: {  	v5 =	vld.idx.msk [tilespmem:v6+s18+$0x0], $0xffff  }
0xd2: {  	v6 =	vadd.s32 v11, v4  }
0xd3: {  	v13 =	vld [tilespmem:$0x1FCC0]  }
0xd4: {  	v12 =	vld [tilespmem:$0x1FCB0];
	_ =	sdelay $0x1  }
0xd5: {  	[tilespmem:v10+s30+$0x0] =	vst.idx.msk $0xffff, v5  }
0xd6: {  	v5 =	vld.idx.msk [tilespmem:v6+s18+$0x0], $0xffff  }
0xd7: {  	v6 =	vadd.s32 v13, v4  }
0xd8: {  	v15 =	vld [tilespmem:$0x1FCE0]  }
0xd9: {  	v14 =	vld [tilespmem:$0x1FCD0];
	_ =	sdelay $0x1  }
0xda: {  	[tilespmem:v12+s30+$0x0] =	vst.idx.msk $0xffff, v5  }
0xdb: {  	v5 =	vld.idx.msk [tilespmem:v6+s18+$0x0], $0xffff  }
0xdc: {  	v6 =	vadd.s32 v15, v4  }
0xdd: {  	v17 =	vld [tilespmem:$0x1FD00]  }
0xde: {  	v16 =	vld [tilespmem:$0x1FCF0];
	_ =	sdelay $0x1  }
0xdf: {  	[tilespmem:v14+s30+$0x0] =	vst.idx.msk $0xffff, v5  }
0xe0: {  	v5 =	vld.idx.msk [tilespmem:v6+s18+$0x0], $0xffff  }
0xe1: {  	v6 =	vadd.s32 v17, v4  }
0xe2: {  	v19 =	vld [tilespmem:$0x1FD20]  }
0xe3: {  	v18 =	vld [tilespmem:$0x1FD10];
	_ =	sdelay $0x1  }
0xe4: {  	[tilespmem:v16+s30+$0x0] =	vst.idx.msk $0xffff, v5  }
0xe5: {  	v5 =	vld.idx.msk [tilespmem:v6+s18+$0x0], $0xffff  }
0xe6: {  	v6 =	vadd.s32 v19, v4  }
0xe7: {  	v21 =	vld [tilespmem:$0x1FD40]  }
0xe8: {  	v20 =	vld [tilespmem:$0x1FD30];
	_ =	sdelay $0x1  }
0xe9: {  	[tilespmem:v18+s30+$0x0] =	vst.idx.msk $0xffff, v5  }
0xea: {  	v5 =	vld.idx.msk [tilespmem:v6+s18+$0x0], $0xffff  }
0xeb: {  	v6 =	vadd.s32 v21, v4  }
0xec: {  	v23 =	vld [tilespmem:$0x1FD60]  }
0xed: {  	v22 =	vld [tilespmem:$0x1FD50];
	_ =	sdelay $0x1  }
0xee: {  	[tilespmem:v20+s30+$0x0] =	vst.idx.msk $0xffff, v5  }
0xef: {  	v5 =	vld.idx.msk [tilespmem:v6+s18+$0x0], $0xffff  }
0xf0: {  	v6 =	vadd.s32 v23, v4  }
0xf1: {  	v25 =	vld [tilespmem:$0x1FD80]  }
0xf2: {  	v24 =	vld [tilespmem:$0x1FD70];
	_ =	sdelay $0x1  }
0xf3: {  	[tilespmem:v22+s30+$0x0] =	vst.idx.msk $0xffff, v5  }
0xf4: {  	v5 =	vld.idx.msk [tilespmem:v6+s18+$0x0], $0xffff  }
0xf5: {  	v6 =	vadd.s32 v25, v4  }
0xf6: {  	v27 =	vld [tilespmem:$0x1FDA0]  }
0xf7: {  	v26 =	vld [tilespmem:$0x1FD90];
	_ =	sdelay $0x1  }
0xf8: {  	[tilespmem:v24+s30+$0x0] =	vst.idx.msk $0xffff, v5  }
0xf9: {  	v5 =	vld.idx.msk [tilespmem:v6+s18+$0x0], $0xffff  }
0xfa: {  	v6 =	vadd.s32 v27, v4  }
0xfb: {  	v29 =	vld [tilespmem:$0x1FDC0]  }
0xfc: {  	v28 =	vld [tilespmem:$0x1FDB0];
	_ =	sdelay $0x1  }
0xfd: {  	[tilespmem:v26+s30+$0x0] =	vst.idx.msk $0xffff, v5  }
0xfe: {  	v5 =	vld.idx.msk [tilespmem:v6+s18+$0x0], $0xffff  }
0xff: {  	v6 =	vadd.s32 v29, v4  }
0x100: {  	v31 =	vld [tilespmem:$0x1FDE0]  }
0x101: {  	v30 =	vld [tilespmem:$0x1FDD0];
	_ =	sdelay $0x1  }
0x102: {  	[tilespmem:v28+s30+$0x0] =	vst.idx.msk $0xffff, v5  }
0x103: {  	v5 =	vld.idx.msk [tilespmem:v6+s18+$0x0], $0xffff  }
0x104: {  	v6 =	vadd.s32 v31, v4  }
0x105: {  	v33 =	vld [tilespmem:$0x1FE00]  }
0x106: {  	v32 =	vld [tilespmem:$0x1FDF0];
	_ =	sdelay $0x1  }
0x107: {  	[tilespmem:v30+s30+$0x0] =	vst.idx.msk $0xffff, v5  }
0x108: {  	v5 =	vld.idx.msk [tilespmem:v6+s18+$0x0], $0xffff  }
0x109: {  	v6 =	vadd.s32 v33, v4  }
0x10a: {  	v35 =	vld [tilespmem:$0x1FE20]  }
0x10b: {  	v34 =	vld [tilespmem:$0x1FE10];
	_ =	sdelay $0x1  }
0x10c: {  	[tilespmem:v32+s30+$0x0] =	vst.idx.msk $0xffff, v5  }
0x10d: {  	v5 =	vld.idx.msk [tilespmem:v6+s18+$0x0], $0xffff  }
0x10e: {  	v6 =	vadd.s32 v35, v4  }
0x10f: {  	v37 =	vld [tilespmem:$0x1FE40]  }
0x110: {  	v36 =	vld [tilespmem:$0x1FE30];
	_ =	sdelay $0x1  }
0x111: {  	[tilespmem:v34+s30+$0x0] =	vst.idx.msk $0xffff, v5  }
0x112: {  	v5 =	vld.idx.msk [tilespmem:v6+s18+$0x0], $0xffff  }
0x113: {  	v6 =	vadd.s32 v37, v4  }
0x114: {  	v39 =	vld [tilespmem:$0x1FE60]  }
0x115: {  	v38 =	vld [tilespmem:$0x1FE50];
	_ =	sdelay $0x1  }
0x116: {  	[tilespmem:v36+s30+$0x0] =	vst.idx.msk $0xffff, v5  }
0x117: {  	v5 =	vld.idx.msk [tilespmem:v6+s18+$0x0], $0xffff  }
0x118: {  	v6 =	vadd.s32 v39, v4  }
0x119: {  	v41 =	vld [tilespmem:$0x1FE80]  }
0x11a: {  	v40 =	vld [tilespmem:$0x1FE70];
	_ =	sdelay $0x1  }
0x11b: {  	[tilespmem:v38+s30+$0x0] =	vst.idx.msk $0xffff, v5  }
0x11c: {  	v5 =	vld.idx.msk [tilespmem:v6+s18+$0x0], $0xffff  }
0x11d: {  	v6 =	vadd.s32 v41, v4  }
0x11e: {  	v43 =	vld [tilespmem:$0x1FEA0]  }
0x11f: {  	v42 =	vld [tilespmem:$0x1FE90];
	_ =	sdelay $0x1  }
0x120: {  	[tilespmem:v40+s30+$0x0] =	vst.idx.msk $0xffff, v5  }
0x121: {  	v5 =	vld.idx.msk [tilespmem:v6+s18+$0x0], $0xffff  }
0x122: {  	v6 =	vadd.s32 v43, v4  }
0x123: {  	v45 =	vld [tilespmem:$0x1FEC0]  }
0x124: {  	v44 =	vld [tilespmem:$0x1FEB0];
	_ =	sdelay $0x1  }
0x125: {  	[tilespmem:v42+s30+$0x0] =	vst.idx.msk $0xffff, v5  }
0x126: {  	v5 =	vld.idx.msk [tilespmem:v6+s18+$0x0], $0xffff  }
0x127: {  	v6 =	vadd.s32 v45, v4  }
0x128: {  	v47 =	vld [tilespmem:$0x1FEE0]  }
0x129: {  	v46 =	vld [tilespmem:$0x1FED0];
	_ =	sdelay $0x1  }
0x12a: {  	[tilespmem:v44+s30+$0x0] =	vst.idx.msk $0xffff, v5  }
0x12b: {  	v5 =	vld.idx.msk [tilespmem:v6+s18+$0x0], $0xffff  }
0x12c: {  	v6 =	vadd.s32 v47, v4  }
0x12d: {  	v49 =	vld [tilespmem:$0x1FF00]  }
0x12e: {  	v48 =	vld [tilespmem:$0x1FEF0];
	_ =	sdelay $0x1  }
0x12f: {  	[tilespmem:v46+s30+$0x0] =	vst.idx.msk $0xffff, v5  }
0x130: {  	v5 =	vld.idx.msk [tilespmem:v6+s18+$0x0], $0xffff  }
0x131: {  	v6 =	vadd.s32 v49, v4  }
0x132: {  	v51 =	vld [tilespmem:$0x1FF20]  }
0x133: {  	v50 =	vld [tilespmem:$0x1FF10];
	_ =	sdelay $0x1  }
0x134: {  	[tilespmem:v48+s30+$0x0] =	vst.idx.msk $0xffff, v5  }
0x135: {  	v5 =	vld.idx.msk [tilespmem:v6+s18+$0x0], $0xffff  }
0x136: {  	v6 =	vadd.s32 v51, v4  }
0x137: {  	v53 =	vld [tilespmem:$0x1FF40]  }
0x138: {  	v52 =	vld [tilespmem:$0x1FF30];
	_ =	sdelay $0x1  }
0x139: {  	[tilespmem:v50+s30+$0x0] =	vst.idx.msk $0xffff, v5  }
0x13a: {  	v5 =	vld.idx.msk [tilespmem:v6+s18+$0x0], $0xffff  }
0x13b: {  	v6 =	vadd.s32 v53, v4  }
0x13c: {  	v55 =	vld [tilespmem:$0x1FF60]  }
0x13d: {  	v54 =	vld [tilespmem:$0x1FF50];
	_ =	sdelay $0x1  }
0x13e: {  	[tilespmem:v52+s30+$0x0] =	vst.idx.msk $0xffff, v5  }
0x13f: {  	v5 =	vld.idx.msk [tilespmem:v6+s18+$0x0], $0xffff  }
0x140: {  	v6 =	vadd.s32 v55, v4  }
0x141: {  	v57 =	vld [tilespmem:$0x1FF80]  }
0x142: {  	v56 =	vld [tilespmem:$0x1FF70];
	_ =	sdelay $0x1  }
0x143: {  	[tilespmem:v54+s30+$0x0] =	vst.idx.msk $0xffff, v5  }
0x144: {  	v5 =	vld.idx.msk [tilespmem:v6+s18+$0x0], $0xffff  }
0x145: {  	v6 =	vadd.s32 v57, v4  }
0x146: {  	v59 =	vld [tilespmem:$0x1FFA0]  }
0x147: {  	v58 =	vld [tilespmem:$0x1FF90];
	_ =	sdelay $0x1  }
0x148: {  	[tilespmem:v56+s30+$0x0] =	vst.idx.msk $0xffff, v5  }
0x149: {  	v5 =	vld.idx.msk [tilespmem:v6+s18+$0x0], $0xffff  }
0x14a: {  	v6 =	vadd.s32 v59, v4  }
0x14b: {  	v61 =	vld [tilespmem:$0x1FFC0]  }
0x14c: {  	v60 =	vld [tilespmem:$0x1FFB0];
	_ =	sdelay $0x1  }
0x14d: {  	[tilespmem:v58+s30+$0x0] =	vst.idx.msk $0xffff, v5  }
0x14e: {  	v5 =	vld.idx.msk [tilespmem:v6+s18+$0x0], $0xffff  }
0x14f: {  	v6 =	vadd.s32 v61, v4  }
0x150: {  	v63 =	vld [tilespmem:$0x1FFE0]  }
0x151: {  	v62 =	vld [tilespmem:$0x1FFD0];
	_ =	sdelay $0x1  }
0x152: {  	[tilespmem:v60+s30+$0x0] =	vst.idx.msk $0xffff, v5  }
0x153: {  	v5 =	vld.idx.msk [tilespmem:v6+s18+$0x0], $0xffff  }
0x154: {  	v6 =	vadd.s32 v63, v4;
	_ =	sdelay $0x3  }
0x155: {  	[tilespmem:v62+s30+$0x0] =	vst.idx.msk $0xffff, v5  }
0x156: {  	v5 =	vld.idx.msk [tilespmem:v6+s18+$0x0], $0xffff  }
0x157: {  	v6 =	vld [tilespmem:$0x1F830];
	_ =	sdelay $0x4  }
0x158: {  	v4 =	vadd.s32 v6, v4;
	v6 =	vld [tilespmem:$0x1F840];
	_ =	sdelay $0x7  }
0x159: {  	[tilespmem:v6+s30+$0x0] =	vst.idx.msk $0xffff, v5;
	v5 =	vld [tilespmem:$0x1F850];
	_ =	sdelay $0x2  }
0x15a: {  	v4 =	vld.idx.msk [tilespmem:v4+s18+$0x0], $0xffff;
	_ =	sdelay $0x4  }
0x15b: {  	[tilespmem:v5+s30+$0x0] =	vst.idx.msk $0xffff, v4  }
0x15c: {  	v4 =	vld [tilespmem:s1+$0xD30]  }
0x15d: {  	v5 =	vld [tilespmem:$0x1F860];
	_ =	sdelay $0x1  }
0x15e: {  	v3 =	vld [tilespmem:$0x1F870];
	_ =	sdelay $0x1  }
0x15f: {  	v4 =	vshll.u32 v4, $0x7  }
0x160: {  	v5 =	vadd.s32 v5, v4;
	_ =	sdelay $0x1  }
0x161: {  	v6 =	vadd.s32 v3, v4;
	v3 =	vld [tilespmem:$0x1F880];
	_ =	sdelay $0x2  }
0x162: {  	v5 =	vld.idx.msk [tilespmem:v5+s18+$0x0], $0xffff;
	_ =	sdelay $0x4  }
0x163: {  	[tilespmem:v3+s30+$0x0] =	vst.idx.msk $0xffff, v5;
	v3 =	vld [tilespmem:$0x1F890];
	_ =	sdelay $0x3  }
0x164: {  	v5 =	vld.idx.msk [tilespmem:v6+s18+$0x0], $0xffff  }
0x165: {  	v6 =	vadd.s32 v3, v4;
	v3 =	vld [tilespmem:$0x1F8A0];
	_ =	sdelay $0x7  }
0x166: {  	[tilespmem:v3+s30+$0x0] =	vst.idx.msk $0xffff, v5;
	v3 =	vld [tilespmem:$0x1F8B0];
	_ =	sdelay $0x3  }
0x167: {  	v5 =	vld.idx.msk [tilespmem:v6+s18+$0x0], $0xffff  }
0x168: {  	v6 =	vadd.s32 v3, v4;
	v3 =	vld [tilespmem:$0x1F8C0];
	_ =	sdelay $0x7  }
0x169: {  	[tilespmem:v3+s30+$0x0] =	vst.idx.msk $0xffff, v5;
	v3 =	vld [tilespmem:$0x1F8D0];
	_ =	sdelay $0x3  }
0x16a: {  	v5 =	vld.idx.msk [tilespmem:v6+s18+$0x0], $0xffff  }
0x16b: {  	v6 =	vadd.s32 v3, v4;
	v3 =	vld [tilespmem:$0x1F8E0];
	_ =	sdelay $0x7  }
0x16c: {  	[tilespmem:v3+s30+$0x0] =	vst.idx.msk $0xffff, v5;
	v3 =	vld [tilespmem:$0x1F8F0];
	_ =	sdelay $0x3  }
0x16d: {  	v5 =	vld.idx.msk [tilespmem:v6+s18+$0x0], $0xffff  }
0x16e: {  	v6 =	vadd.s32 v3, v4;
	v3 =	vld [tilespmem:$0x1F900];
	_ =	sdelay $0x7  }
0x16f: {  	[tilespmem:v3+s30+$0x0] =	vst.idx.msk $0xffff, v5;
	v3 =	vld [tilespmem:$0x1F910];
	_ =	sdelay $0x3  }
0x170: {  	v5 =	vld.idx.msk [tilespmem:v6+s18+$0x0], $0xffff  }
0x171: {  	v6 =	vadd.s32 v3, v4;
	v3 =	vld [tilespmem:$0x1F920];
	_ =	sdelay $0x7  }
0x172: {  	[tilespmem:v3+s30+$0x0] =	vst.idx.msk $0xffff, v5;
	v3 =	vld [tilespmem:$0x1F930];
	_ =	sdelay $0x3  }
0x173: {  	v5 =	vld.idx.msk [tilespmem:v6+s18+$0x0], $0xffff  }
0x174: {  	v6 =	vadd.s32 v3, v4;
	v3 =	vld [tilespmem:$0x1F940];
	_ =	sdelay $0x7  }
0x175: {  	[tilespmem:v3+s30+$0x0] =	vst.idx.msk $0xffff, v5;
	v3 =	vld [tilespmem:$0x1F950];
	_ =	sdelay $0x3  }
0x176: {  	v5 =	vld.idx.msk [tilespmem:v6+s18+$0x0], $0xffff  }
0x177: {  	v6 =	vadd.s32 v3, v4;
	v3 =	vld [tilespmem:$0x1F960];
	_ =	sdelay $0x7  }
0x178: {  	[tilespmem:v3+s30+$0x0] =	vst.idx.msk $0xffff, v5;
	v3 =	vld [tilespmem:$0x1F970];
	_ =	sdelay $0x3  }
0x179: {  	v5 =	vld.idx.msk [tilespmem:v6+s18+$0x0], $0xffff  }
0x17a: {  	v6 =	vadd.s32 v3, v4;
	v3 =	vld [tilespmem:$0x1F980];
	_ =	sdelay $0x7  }
0x17b: {  	[tilespmem:v3+s30+$0x0] =	vst.idx.msk $0xffff, v5;
	v3 =	vld [tilespmem:$0x1F990];
	_ =	sdelay $0x3  }
0x17c: {  	v5 =	vld.idx.msk [tilespmem:v6+s18+$0x0], $0xffff  }
0x17d: {  	v6 =	vadd.s32 v3, v4;
	v3 =	vld [tilespmem:$0x1F9A0];
	_ =	sdelay $0x7  }
0x17e: {  	[tilespmem:v3+s30+$0x0] =	vst.idx.msk $0xffff, v5;
	v3 =	vld [tilespmem:$0x1F9B0];
	_ =	sdelay $0x3  }
0x17f: {  	v5 =	vld.idx.msk [tilespmem:v6+s18+$0x0], $0xffff  }
0x180: {  	v6 =	vadd.s32 v3, v4;
	v3 =	vld [tilespmem:$0x1F9C0];
	_ =	sdelay $0x7  }
0x181: {  	[tilespmem:v3+s30+$0x0] =	vst.idx.msk $0xffff, v5;
	v3 =	vld [tilespmem:$0x1F9D0];
	_ =	sdelay $0x3  }
0x182: {  	v5 =	vld.idx.msk [tilespmem:v6+s18+$0x0], $0xffff  }
0x183: {  	v6 =	vadd.s32 v3, v4;
	v3 =	vld [tilespmem:$0x1F9E0];
	_ =	sdelay $0x7  }
0x184: {  	[tilespmem:v3+s30+$0x0] =	vst.idx.msk $0xffff, v5;
	v3 =	vld [tilespmem:$0x1F9F0];
	_ =	sdelay $0x3  }
0x185: {  	v5 =	vld.idx.msk [tilespmem:v6+s18+$0x0], $0xffff  }
0x186: {  	v6 =	vadd.s32 v3, v4;
	v3 =	vld [tilespmem:$0x1FA00];
	_ =	sdelay $0x7  }
0x187: {  	[tilespmem:v3+s30+$0x0] =	vst.idx.msk $0xffff, v5;
	v3 =	vld [tilespmem:$0x1FA10];
	_ =	sdelay $0x3  }
0x188: {  	v5 =	vld.idx.msk [tilespmem:v6+s18+$0x0], $0xffff  }
0x189: {  	v6 =	vadd.s32 v3, v4;
	v3 =	vld [tilespmem:$0x1FA20];
	_ =	sdelay $0x7  }
0x18a: {  	[tilespmem:v3+s30+$0x0] =	vst.idx.msk $0xffff, v5;
	v3 =	vld [tilespmem:$0x1FA30];
	_ =	sdelay $0x3  }
0x18b: {  	v5 =	vld.idx.msk [tilespmem:v6+s18+$0x0], $0xffff  }
0x18c: {  	v6 =	vadd.s32 v3, v4;
	v3 =	vld [tilespmem:$0x1FA40];
	_ =	sdelay $0x7  }
0x18d: {  	[tilespmem:v3+s30+$0x0] =	vst.idx.msk $0xffff, v5;
	v3 =	vld [tilespmem:$0x1FA50];
	_ =	sdelay $0x3  }
0x18e: {  	v5 =	vld.idx.msk [tilespmem:v6+s18+$0x0], $0xffff  }
0x18f: {  	v6 =	vadd.s32 v3, v4;
	v3 =	vld [tilespmem:$0x1FA60];
	_ =	sdelay $0x7  }
0x190: {  	[tilespmem:v3+s30+$0x0] =	vst.idx.msk $0xffff, v5;
	v3 =	vld [tilespmem:$0x1FA70];
	_ =	sdelay $0x3  }
0x191: {  	v5 =	vld.idx.msk [tilespmem:v6+s18+$0x0], $0xffff  }
0x192: {  	v6 =	vadd.s32 v3, v4;
	v3 =	vld [tilespmem:$0x1FA80];
	_ =	sdelay $0x7  }
0x193: {  	[tilespmem:v3+s30+$0x0] =	vst.idx.msk $0xffff, v5;
	v3 =	vld [tilespmem:$0x1FA90];
	_ =	sdelay $0x3  }
0x194: {  	v5 =	vld.idx.msk [tilespmem:v6+s18+$0x0], $0xffff  }
0x195: {  	v6 =	vadd.s32 v3, v4;
	v3 =	vld [tilespmem:$0x1FAA0];
	_ =	sdelay $0x7  }
0x196: {  	[tilespmem:v3+s30+$0x0] =	vst.idx.msk $0xffff, v5;
	v3 =	vld [tilespmem:$0x1FAB0];
	_ =	sdelay $0x3  }
0x197: {  	v5 =	vld.idx.msk [tilespmem:v6+s18+$0x0], $0xffff  }
0x198: {  	v6 =	vadd.s32 v3, v4;
	v3 =	vld [tilespmem:$0x1FAC0];
	_ =	sdelay $0x7  }
0x199: {  	[tilespmem:v3+s30+$0x0] =	vst.idx.msk $0xffff, v5;
	v3 =	vld [tilespmem:$0x1FAD0];
	_ =	sdelay $0x3  }
0x19a: {  	v5 =	vld.idx.msk [tilespmem:v6+s18+$0x0], $0xffff  }
0x19b: {  	v6 =	vadd.s32 v3, v4;
	v3 =	vld [tilespmem:$0x1FAE0];
	_ =	sdelay $0x7  }
0x19c: {  	[tilespmem:v3+s30+$0x0] =	vst.idx.msk $0xffff, v5;
	v3 =	vld [tilespmem:$0x1FAF0];
	_ =	sdelay $0x3  }
0x19d: {  	v5 =	vld.idx.msk [tilespmem:v6+s18+$0x0], $0xffff  }
0x19e: {  	v6 =	vadd.s32 v3, v4;
	v3 =	vld [tilespmem:$0x1FB00];
	_ =	sdelay $0x7  }
0x19f: {  	[tilespmem:v3+s30+$0x0] =	vst.idx.msk $0xffff, v5;
	v3 =	vld [tilespmem:$0x1FB10];
	_ =	sdelay $0x3  }
0x1a0: {  	v5 =	vld.idx.msk [tilespmem:v6+s18+$0x0], $0xffff  }
0x1a1: {  	v6 =	vadd.s32 v3, v4;
	v3 =	vld [tilespmem:$0x1FB20];
	_ =	sdelay $0x7  }
0x1a2: {  	[tilespmem:v3+s30+$0x0] =	vst.idx.msk $0xffff, v5;
	v3 =	vld [tilespmem:$0x1FB30];
	_ =	sdelay $0x3  }
0x1a3: {  	v5 =	vld.idx.msk [tilespmem:v6+s18+$0x0], $0xffff  }
0x1a4: {  	v6 =	vadd.s32 v3, v4;
	v3 =	vld [tilespmem:$0x1FB40];
	_ =	sdelay $0x7  }
0x1a5: {  	[tilespmem:v3+s30+$0x0] =	vst.idx.msk $0xffff, v5;
	v3 =	vld [tilespmem:$0x1FB50];
	_ =	sdelay $0x3  }
0x1a6: {  	v5 =	vld.idx.msk [tilespmem:v6+s18+$0x0], $0xffff  }
0x1a7: {  	v6 =	vadd.s32 v3, v4;
	v3 =	vld [tilespmem:$0x1FB60];
	_ =	sdelay $0x7  }
0x1a8: {  	[tilespmem:v3+s30+$0x0] =	vst.idx.msk $0xffff, v5;
	v3 =	vld [tilespmem:$0x1FB70];
	_ =	sdelay $0x3  }
0x1a9: {  	v5 =	vld.idx.msk [tilespmem:v6+s18+$0x0], $0xffff  }
0x1aa: {  	v6 =	vadd.s32 v3, v4;
	v3 =	vld [tilespmem:$0x1FB80];
	_ =	sdelay $0x7  }
0x1ab: {  	[tilespmem:v3+s30+$0x0] =	vst.idx.msk $0xffff, v5;
	v3 =	vld [tilespmem:$0x1FB90];
	_ =	sdelay $0x3  }
0x1ac: {  	v5 =	vld.idx.msk [tilespmem:v6+s18+$0x0], $0xffff  }
0x1ad: {  	v6 =	vadd.s32 v3, v4;
	v3 =	vld [tilespmem:$0x1FBA0];
	_ =	sdelay $0x7  }
0x1ae: {  	[tilespmem:v3+s30+$0x0] =	vst.idx.msk $0xffff, v5;
	v3 =	vld [tilespmem:$0x1FBB0];
	_ =	sdelay $0x3  }
0x1af: {  	v5 =	vld.idx.msk [tilespmem:v6+s18+$0x0], $0xffff  }
0x1b0: {  	v6 =	vadd.s32 v3, v4;
	v3 =	vld [tilespmem:$0x1FBC0];
	_ =	sdelay $0x7  }
0x1b1: {  	[tilespmem:v3+s30+$0x0] =	vst.idx.msk $0xffff, v5;
	v3 =	vld [tilespmem:$0x1FBD0];
	_ =	sdelay $0x3  }
0x1b2: {  	v5 =	vld.idx.msk [tilespmem:v6+s18+$0x0], $0xffff  }
0x1b3: {  	v6 =	vadd.s32 v3, v4;
	v3 =	vld [tilespmem:$0x1FBE0];
	_ =	sdelay $0x7  }
0x1b4: {  	[tilespmem:v3+s30+$0x0] =	vst.idx.msk $0xffff, v5;
	v3 =	vld [tilespmem:$0x1FBF0];
	_ =	sdelay $0x3  }
0x1b5: {  	v5 =	vld.idx.msk [tilespmem:v6+s18+$0x0], $0xffff  }
0x1b6: {  	v6 =	vadd.s32 v3, v4;
	v3 =	vld [tilespmem:$0x1FC00];
	_ =	sdelay $0x7  }
0x1b7: {  	[tilespmem:v3+s30+$0x0] =	vst.idx.msk $0xffff, v5;
	v3 =	vld [tilespmem:$0x1FC10];
	_ =	sdelay $0x3  }
0x1b8: {  	v5 =	vld.idx.msk [tilespmem:v6+s18+$0x0], $0xffff  }
0x1b9: {  	v6 =	vadd.s32 v3, v4;
	v3 =	vld [tilespmem:$0x1FC20];
	_ =	sdelay $0x7  }
0x1ba: {  	[tilespmem:v3+s30+$0x0] =	vst.idx.msk $0xffff, v5;
	v3 =	vld [tilespmem:$0x1FC40]  }
0x1bb: {  	v5 =	vld.idx.msk [tilespmem:v6+s18+$0x0], $0xffff  }
0x1bc: {  	v6 =	vmov v2;
	v2 =	vld [tilespmem:$0x1FC30];
	_ =	sdelay $0x4  }
0x1bd: {  	v2 =	vadd.s32 v2, v4;
	_ =	sdelay $0x1  }
0x1be: {  	[tilespmem:v3+s30+$0x0] =	vst.idx.msk $0xffff, v5;
	v3 =	vld [tilespmem:$0x1FC50];
	_ =	sdelay $0x2  }
0x1bf: {  	v2 =	vld.idx.msk [tilespmem:v2+s18+$0x0], $0xffff;
	_ =	sdelay $0x2  }
0x1c0: {  	s0 =	sadd.s32 s31, s8;
	s31 =	sadd.s32 $0x100, s31  }
0x1c1: {  	p0 =	sne.s32 s31, $0x3400  }
.Ltmp3:
0x1c2: {  	[tilespmem:v3+s30+$0x0] =	vst.idx.msk $0xffff, v2;
	(pc) =	sbr.rel @!p0 .LBB2_5-.Ltmp3, $4  }
0x1c3: {  	[hbm4b:s0+s2] =	stream.linear.scatter [tilespmem:s30], [sflag:$0x3], $0x400, $0x38;
	[tilespmem:$0x12200] =	vst v63  }
0x1c4: {  	v5 =	vmov v8;
	v8 =	vld [tilespmem:$0x1FFF0];
	_ =	swait.ge [sflag:s9], $0x400  }
0x1c5: {  	[sflag:s9] =	ssyncset.done $0x0  }
0x1c6: {  	[sflag:s9] =	ssyncadd.s32 $0xFFFFFC00  }
.LBB2_2:
0x1c7: {  	s1 =	sshra.s32 s31, $0x2  }
0x1c8: {  	v2 =	vld [tilespmem:s1+$0x20];
	_ =	sdelay $0x4  }
0x1c9: {  	v2 =	vshll.u32 v2, $0x7  }
0x1ca: {  	(v2sf) =	vpush v2, $0x0;
	_ =	sdelay $0x2  }
0x1cb: {  	(v2sf) =	vpush v2, $0x1;
	_ =	sdelay $0x2  }
0x1cc: {  	(v2sf) =	vpush v2, $0x2;
	_ =	sdelay $0x4  }
0x1cd: {  	(v2sf) =	vpush v2, $0x3;
	_ =	sdelay $0x3  }
0x1ce: {  	s0 =	spop (v2sf);
	(v2sf) =	vpush v2, $0x4;
	_ =	sdelay $0x1  }
0x1cf: {  	s0 =	sand.u32 $0x1FFFFF80, s0  }
0x1d0: {  	s4 =	spop (v2sf);
	s0 =	sadd.s32 s3, s0  }
0x1d1: {  	(v2sf) =	vpush v2, $0x5;
	[tilespmem:s18], [sflag:$0x2] =	stream.linear.gather [hbm4b:s0+s2], $0x400, $0x38;
	[tilespmem:$0x12200] =	vst v63  }
0x1d2: {  	s0 =	sand.u32 $0x1FFFFF80, s4  }
0x1d3: {  	s4 =	spop (v2sf);
	s0 =	sadd.s32 s3, s0  }
0x1d4: {  	[tilespmem:s10], [sflag:$0x2] =	stream.linear.gather [hbm4b:s0+s2], $0x400, $0x38;
	[tilespmem:$0x12200] =	vst v63  }
0x1d5: {  	(v2sf) =	vpush v2, $0x6;
	s0 =	sand.u32 $0x1FFFFF80, s4  }
0x1d6: {  	s4 =	simm.s32 $0xA200;
	s0 =	sadd.s32 s3, s0  }
0x1d7: {  	[tilespmem:s4], [sflag:$0x2] =	stream.linear.gather [hbm4b:s0+s2], $0x400, $0x38;
	[tilespmem:$0x12200] =	vst v63  }
0x1d8: {  	s4 =	spop (v2sf)  }
0x1d9: {  	(v2sf) =	vpush v2, $0x7;
	s0 =	sand.u32 $0x1FFFFF80, s4  }
0x1da: {  	s4 =	simm.s32 $0xA600;
	s0 =	sadd.s32 s3, s0  }
0x1db: {  	[tilespmem:s4], [sflag:$0x2] =	stream.linear.gather [hbm4b:s0+s2], $0x400, $0x38;
	[tilespmem:$0x12200] =	vst v63  }
0x1dc: {  	s4 =	spop (v2sf)  }
0x1dd: {  	(v2sf) =	vpush v2, $0x8;
	s0 =	sand.u32 $0x1FFFFF80, s4  }
0x1de: {  	s4 =	simm.s32 $0xAA00;
	s0 =	sadd.s32 s3, s0  }
0x1df: {  	[tilespmem:s4], [sflag:$0x2] =	stream.linear.gather [hbm4b:s0+s2], $0x400, $0x38;
	[tilespmem:$0x12200] =	vst v63  }
0x1e0: {  	s4 =	spop (v2sf)  }
0x1e1: {  	(v2sf) =	vpush v2, $0x9;
	s0 =	sand.u32 $0x1FFFFF80, s4  }
0x1e2: {  	s4 =	simm.s32 $0xAE00;
	s0 =	sadd.s32 s3, s0  }
0x1e3: {  	[tilespmem:s4], [sflag:$0x2] =	stream.linear.gather [hbm4b:s0+s2], $0x400, $0x38;
	[tilespmem:$0x12200] =	vst v63  }
0x1e4: {  	s4 =	spop (v2sf)  }
0x1e5: {  	(v2sf) =	vpush v2, $0xA;
	s0 =	sand.u32 $0x1FFFFF80, s4  }
0x1e6: {  	s4 =	simm.s32 $0xB200;
	s0 =	sadd.s32 s3, s0  }
0x1e7: {  	[tilespmem:s4], [sflag:$0x2] =	stream.linear.gather [hbm4b:s0+s2], $0x400, $0x38;
	[tilespmem:$0x12200] =	vst v63  }
0x1e8: {  	s4 =	spop (v2sf)  }
0x1e9: {  	(v2sf) =	vpush v2, $0xB;
	s0 =	sand.u32 $0x1FFFFF80, s4  }
0x1ea: {  	s4 =	simm.s32 $0xB600;
	s0 =	sadd.s32 s3, s0  }
0x1eb: {  	[tilespmem:s4], [sflag:$0x2] =	stream.linear.gather [hbm4b:s0+s2], $0x400, $0x38;
	[tilespmem:$0x12200] =	vst v63  }
0x1ec: {  	s4 =	spop (v2sf)  }
0x1ed: {  	(v2sf) =	vpush v2, $0xC;
	s0 =	sand.u32 $0x1FFFFF80, s4  }
0x1ee: {  	s4 =	simm.s32 $0xBA00;
	s0 =	sadd.s32 s3, s0  }
0x1ef: {  	[tilespmem:s4], [sflag:$0x2] =	stream.linear.gather [hbm4b:s0+s2], $0x400, $0x38;
	[tilespmem:$0x12200] =	vst v63  }
0x1f0: {  	s4 =	spop (v2sf)  }
0x1f1: {  	(v2sf) =	vpush v2, $0xD;
	s0 =	sand.u32 $0x1FFFFF80, s4  }
0x1f2: {  	s4 =	simm.s32 $0xBE00;
	s0 =	sadd.s32 s3, s0  }
0x1f3: {  	[tilespmem:s4], [sflag:$0x2] =	stream.linear.gather [hbm4b:s0+s2], $0x400, $0x38;
	[tilespmem:$0x12200] =	vst v63  }
0x1f4: {  	s4 =	spop (v2sf)  }
0x1f5: {  	(v2sf) =	vpush v2, $0xE;
	s0 =	sand.u32 $0x1FFFFF80, s4  }
0x1f6: {  	s4 =	simm.s32 $0xC200;
	s0 =	sadd.s32 s3, s0  }
0x1f7: {  	[tilespmem:s4], [sflag:$0x2] =	stream.linear.gather [hbm4b:s0+s2], $0x400, $0x38;
	[tilespmem:$0x12200] =	vst v63  }
0x1f8: {  	s4 =	spop (v2sf)  }
0x1f9: {  	(v2sf) =	vpush v2, $0xF;
	s0 =	sand.u32 $0x1FFFFF80, s4  }
0x1fa: {  	s4 =	simm.s32 $0xC600;
	s0 =	sadd.s32 s3, s0  }
0x1fb: {  	[tilespmem:s4], [sflag:$0x2] =	stream.linear.gather [hbm4b:s0+s2], $0x400, $0x38;
	[tilespmem:$0x12200] =	vst v63  }
0x1fc: {  	s4 =	spop (v2sf)  }
0x1fd: {  	s0 =	sand.u32 $0x1FFFFF80, s4  }
0x1fe: {  	s4 =	simm.s32 $0xCA00;
	s0 =	sadd.s32 s3, s0  }
0x1ff: {  	[tilespmem:s4], [sflag:$0x2] =	stream.linear.gather [hbm4b:s0+s2], $0x400, $0x38;
	[tilespmem:$0x12200] =	vst v63  }
0x200: {  	s4 =	spop (v2sf)  }
0x201: {  	s0 =	sand.u32 $0x1FFFFF80, s4  }
0x202: {  	s4 =	simm.s32 $0xCE00;
	s0 =	sadd.s32 s3, s0  }
0x203: {  	[tilespmem:s4], [sflag:$0x2] =	stream.linear.gather [hbm4b:s0+s2], $0x400, $0x38;
	[tilespmem:$0x12200] =	vst v63  }
0x204: {  	s4 =	spop (v2sf)  }
0x205: {  	s0 =	sand.u32 $0x1FFFFF80, s4  }
0x206: {  	s4 =	simm.s32 $0xD200;
	s0 =	sadd.s32 s3, s0  }
0x207: {  	[tilespmem:s4], [sflag:$0x2] =	stream.linear.gather [hbm4b:s0+s2], $0x400, $0x38;
	[tilespmem:$0x12200] =	vst v63  }
0x208: {  	s4 =	spop (v2sf)  }
0x209: {  	s0 =	sand.u32 $0x1FFFFF80, s4  }
0x20a: {  	s4 =	simm.s32 $0xD600;
	s0 =	sadd.s32 s3, s0  }
0x20b: {  	[tilespmem:s4], [sflag:$0x2] =	stream.linear.gather [hbm4b:s0+s2], $0x400, $0x38;
	[tilespmem:$0x12200] =	vst v63  }
0x20c: {  	v2 =	vld [tilespmem:s1+$0x30];
	_ =	sdelay $0x4  }
0x20d: {  	v2 =	vshll.u32 v2, $0x7  }
0x20e: {  	(v2sf) =	vpush v2, $0x0;
	_ =	sdelay $0x3  }
0x20f: {  	(v2sf) =	vpush v2, $0x1;
	_ =	sdelay $0x1  }
0x210: {  	(v2sf) =	vpush v2, $0x2;
	_ =	sdelay $0x2  }
0x211: {  	(v2sf) =	vpush v2, $0x3;
	_ =	sdelay $0x5  }
0x212: {  	s4 =	spop (v2sf);
	(v2sf) =	vpush v2, $0x4  }
0x213: {  	s0 =	sand.u32 $0x1FFFFF80, s4  }
0x214: {  	s4 =	simm.s32 $0xDA00;
	s0 =	sadd.s32 s3, s0  }
0x215: {  	[tilespmem:s4], [sflag:$0x2] =	stream.linear.gather [hbm4b:s0+s2], $0x400, $0x38;
	[tilespmem:$0x12200] =	vst v63  }
0x216: {  	s4 =	spop (v2sf);
	(v2sf) =	vpush v2, $0x5;
	_ =	sdelay $0x1  }
0x217: {  	s0 =	sand.u32 $0x1FFFFF80, s4;
	s4 =	spop (v2sf);
	(v2sf) =	vpush v2, $0x6  }
0x218: {  	s0 =	sadd.s32 s3, s0  }
0x219: {  	[tilespmem:s5], [sflag:$0x2] =	stream.linear.gather [hbm4b:s0+s2], $0x400, $0x38;
	[tilespmem:$0x12200] =	vst v63  }
0x21a: {  	s0 =	sand.u32 $0x1FFFFF80, s4;
	s4 =	spop (v2sf);
	(v2sf) =	vpush v2, $0x7;
	_ =	sdelay $0x3  }
0x21b: {  	s0 =	sadd.s32 s3, s0  }
0x21c: {  	[tilespmem:s6], [sflag:$0x2] =	stream.linear.gather [hbm4b:s0+s2], $0x400, $0x38;
	[tilespmem:$0x12200] =	vst v63  }
0x21d: {  	s0 =	sand.u32 $0x1FFFFF80, s4;
	s4 =	spop (v2sf);
	(v2sf) =	vpush v2, $0x8  }
0x21e: {  	s0 =	sadd.s32 s3, s0  }
0x21f: {  	[tilespmem:s12], [sflag:$0x2] =	stream.linear.gather [hbm4b:s0+s2], $0x400, $0x38;
	[tilespmem:$0x12200] =	vst v63  }
0x220: {  	s0 =	sand.u32 $0x1FFFFF80, s4  }
0x221: {  	s0 =	sadd.s32 s3, s0;
	s4 =	spop (v2sf);
	(v2sf) =	vpush v2, $0x9  }
0x222: {  	[tilespmem:s13], [sflag:$0x2] =	stream.linear.gather [hbm4b:s0+s2], $0x400, $0x38;
	[tilespmem:$0x12200] =	vst v63  }
0x223: {  	s0 =	sand.u32 $0x1FFFFF80, s4;
	s4 =	spop (v2sf);
	(v2sf) =	vpush v2, $0xA  }
0x224: {  	s0 =	sadd.s32 s3, s0  }
0x225: {  	[tilespmem:s14], [sflag:$0x2] =	stream.linear.gather [hbm4b:s0+s2], $0x400, $0x38;
	[tilespmem:$0x12200] =	vst v63  }
0x226: {  	s0 =	sand.u32 $0x1FFFFF80, s4;
	s4 =	spop (v2sf);
	(v2sf) =	vpush v2, $0xB;
	_ =	sdelay $0x3  }
0x227: {  	s0 =	sadd.s32 s3, s0  }
0x228: {  	[tilespmem:s15], [sflag:$0x2] =	stream.linear.gather [hbm4b:s0+s2], $0x400, $0x38;
	[tilespmem:$0x12200] =	vst v63  }
0x229: {  	s0 =	sand.u32 $0x1FFFFF80, s4;
	s4 =	spop (v2sf);
	(v2sf) =	vpush v2, $0xC  }
0x22a: {  	s0 =	sadd.s32 s3, s0  }
0x22b: {  	[tilespmem:s16], [sflag:$0x2] =	stream.linear.gather [hbm4b:s0+s2], $0x400, $0x38;
	[tilespmem:$0x12200] =	vst v63  }
0x22c: {  	s0 =	sand.u32 $0x1FFFFF80, s4  }
0x22d: {  	s0 =	sadd.s32 s3, s0;
	s4 =	spop (v2sf);
	(v2sf) =	vpush v2, $0xD  }
0x22e: {  	[tilespmem:s17], [sflag:$0x2] =	stream.linear.gather [hbm4b:s0+s2], $0x400, $0x38;
	[tilespmem:$0x12200] =	vst v63  }
0x22f: {  	s0 =	sand.u32 $0x1FFFFF80, s4;
	s4 =	spop (v2sf);
	(v2sf) =	vpush v2, $0xE  }
0x230: {  	s0 =	sadd.s32 s3, s0  }
0x231: {  	[tilespmem:s19], [sflag:$0x2] =	stream.linear.gather [hbm4b:s0+s2], $0x400, $0x38;
	[tilespmem:$0x12200] =	vst v63  }
0x232: {  	s0 =	sand.u32 $0x1FFFFF80, s4;
	s4 =	spop (v2sf);
	(v2sf) =	vpush v2, $0xF  }
0x233: {  	s0 =	sadd.s32 s3, s0  }
0x234: {  	[tilespmem:s20], [sflag:$0x2] =	stream.linear.gather [hbm4b:s0+s2], $0x400, $0x38;
	[tilespmem:$0x12200] =	vst v63  }
0x235: {  	s0 =	sand.u32 $0x1FFFFF80, s4  }
0x236: {  	s0 =	sadd.s32 s3, s0  }
0x237: {  	[tilespmem:s21], [sflag:$0x2] =	stream.linear.gather [hbm4b:s0+s2], $0x400, $0x38;
	[tilespmem:$0x12200] =	vst v63  }
0x238: {  	s4 =	spop (v2sf)  }
0x239: {  	s0 =	sand.u32 $0x1FFFFF80, s4  }
0x23a: {  	s0 =	sadd.s32 s3, s0  }
0x23b: {  	[tilespmem:s22], [sflag:$0x2] =	stream.linear.gather [hbm4b:s0+s2], $0x400, $0x38;
	[tilespmem:$0x12200] =	vst v63  }
0x23c: {  	s4 =	spop (v2sf)  }
0x23d: {  	s0 =	sand.u32 $0x1FFFFF80, s4  }
0x23e: {  	s4 =	spop (v2sf);
	s0 =	sadd.s32 s3, s0  }
0x23f: {  	[tilespmem:s23], [sflag:$0x2] =	stream.linear.gather [hbm4b:s0+s2], $0x400, $0x38;
	[tilespmem:$0x12200] =	vst v63  }
0x240: {  	s0 =	sand.u32 $0x1FFFFF80, s4  }
0x241: {  	s4 =	spop (v2sf);
	s0 =	sadd.s32 s3, s0  }
0x242: {  	[tilespmem:s24], [sflag:$0x2] =	stream.linear.gather [hbm4b:s0+s2], $0x400, $0x38;
	[tilespmem:$0x12200] =	vst v63  }
0x243: {  	s0 =	sand.u32 $0x1FFFFF80, s4  }
0x244: {  	s0 =	sadd.s32 s3, s0  }
0x245: {  	[tilespmem:s25], [sflag:$0x2] =	stream.linear.gather [hbm4b:s0+s2], $0x400, $0x38;
	[tilespmem:$0x12200] =	vst v63  }
0x246: {  	_ =	swait.ge [sflag:s26], $0x8000  }
0x247: {  	[sflag:s26] =	ssyncset.done $0x0  }
0x248: {  	[sflag:s26] =	ssyncadd.s32 $0xFFFF8000  }
0x249: {  	v2 =	vld [tilespmem:s1+$0xD00];
	_ =	sdelay $0x4  }
0x24a: {  	v2 =	vshll.u32 v2, $0x7  }
0x24b: {  	v3 =	vadd.s32 v0, v2;
	_ =	sdelay $0x4  }
0x24c: {  	v3 =	vld.idx.msk [tilespmem:v3+s11+$0x0], $0xffff  }
0x24d: {  	v4 =	vadd.s32 v6, v2;
	_ =	sdelay $0x3  }
0x24e: {  	[tilespmem:v1+s28+$0x0] =	vst.idx.msk $0xffff, v3  }
0x24f: {  	v3 =	vld.idx.msk [tilespmem:v4+s11+$0x0], $0xffff  }
0x250: {  	v4 =	vadd.s32 v8, v2;
	_ =	sdelay $0x3  }
0x251: {  	[tilespmem:v5+s28+$0x0] =	vst.idx.msk $0xffff, v3  }
0x252: {  	v3 =	vld.idx.msk [tilespmem:v4+s11+$0x0], $0xffff  }
0x253: {  	v4 =	vadd.s32 v9, v2;
	_ =	sdelay $0x3  }
0x254: {  	[tilespmem:v7+s28+$0x0] =	vst.idx.msk $0xffff, v3  }
0x255: {  	v3 =	vld.idx.msk [tilespmem:v4+s11+$0x0], $0xffff  }
0x256: {  	v4 =	vadd.s32 v11, v2;
	_ =	sdelay $0x3  }
0x257: {  	[tilespmem:v10+s28+$0x0] =	vst.idx.msk $0xffff, v3  }
0x258: {  	v3 =	vld.idx.msk [tilespmem:v4+s11+$0x0], $0xffff  }
0x259: {  	v4 =	vadd.s32 v13, v2;
	_ =	sdelay $0x3  }
0x25a: {  	[tilespmem:v12+s28+$0x0] =	vst.idx.msk $0xffff, v3  }
0x25b: {  	v3 =	vld.idx.msk [tilespmem:v4+s11+$0x0], $0xffff  }
0x25c: {  	v4 =	vadd.s32 v15, v2;
	_ =	sdelay $0x3  }
0x25d: {  	[tilespmem:v14+s28+$0x0] =	vst.idx.msk $0xffff, v3  }
0x25e: {  	v3 =	vld.idx.msk [tilespmem:v4+s11+$0x0], $0xffff  }
0x25f: {  	v4 =	vadd.s32 v17, v2;
	_ =	sdelay $0x3  }
0x260: {  	[tilespmem:v16+s28+$0x0] =	vst.idx.msk $0xffff, v3  }
0x261: {  	v3 =	vld.idx.msk [tilespmem:v4+s11+$0x0], $0xffff  }
0x262: {  	v4 =	vadd.s32 v19, v2;
	_ =	sdelay $0x3  }
0x263: {  	[tilespmem:v18+s28+$0x0] =	vst.idx.msk $0xffff, v3  }
0x264: {  	v3 =	vld.idx.msk [tilespmem:v4+s11+$0x0], $0xffff  }
0x265: {  	v4 =	vadd.s32 v21, v2;
	_ =	sdelay $0x3  }
0x266: {  	[tilespmem:v20+s28+$0x0] =	vst.idx.msk $0xffff, v3  }
0x267: {  	v3 =	vld.idx.msk [tilespmem:v4+s11+$0x0], $0xffff  }
0x268: {  	v4 =	vadd.s32 v23, v2;
	_ =	sdelay $0x3  }
0x269: {  	[tilespmem:v22+s28+$0x0] =	vst.idx.msk $0xffff, v3  }
0x26a: {  	v3 =	vld.idx.msk [tilespmem:v4+s11+$0x0], $0xffff  }
0x26b: {  	v4 =	vadd.s32 v25, v2;
	_ =	sdelay $0x3  }
0x26c: {  	[tilespmem:v24+s28+$0x0] =	vst.idx.msk $0xffff, v3  }
0x26d: {  	v3 =	vld.idx.msk [tilespmem:v4+s11+$0x0], $0xffff  }
0x26e: {  	v4 =	vadd.s32 v27, v2;
	_ =	sdelay $0x3  }
0x26f: {  	[tilespmem:v26+s28+$0x0] =	vst.idx.msk $0xffff, v3  }
0x270: {  	v3 =	vld.idx.msk [tilespmem:v4+s11+$0x0], $0xffff  }
0x271: {  	v4 =	vadd.s32 v29, v2;
	_ =	sdelay $0x3  }
0x272: {  	[tilespmem:v28+s28+$0x0] =	vst.idx.msk $0xffff, v3  }
0x273: {  	v3 =	vld.idx.msk [tilespmem:v4+s11+$0x0], $0xffff  }
0x274: {  	v4 =	vadd.s32 v31, v2;
	_ =	sdelay $0x3  }
0x275: {  	[tilespmem:v30+s28+$0x0] =	vst.idx.msk $0xffff, v3  }
0x276: {  	v3 =	vld.idx.msk [tilespmem:v4+s11+$0x0], $0xffff  }
0x277: {  	v4 =	vadd.s32 v33, v2;
	_ =	sdelay $0x3  }
0x278: {  	[tilespmem:v32+s28+$0x0] =	vst.idx.msk $0xffff, v3  }
0x279: {  	v3 =	vld.idx.msk [tilespmem:v4+s11+$0x0], $0xffff  }
0x27a: {  	v4 =	vadd.s32 v35, v2;
	_ =	sdelay $0x3  }
0x27b: {  	[tilespmem:v34+s28+$0x0] =	vst.idx.msk $0xffff, v3  }
0x27c: {  	v3 =	vld.idx.msk [tilespmem:v4+s11+$0x0], $0xffff  }
0x27d: {  	v4 =	vadd.s32 v37, v2;
	_ =	sdelay $0x3  }
0x27e: {  	[tilespmem:v36+s28+$0x0] =	vst.idx.msk $0xffff, v3  }
0x27f: {  	v3 =	vld.idx.msk [tilespmem:v4+s11+$0x0], $0xffff  }
0x280: {  	v4 =	vadd.s32 v39, v2;
	_ =	sdelay $0x3  }
0x281: {  	[tilespmem:v38+s28+$0x0] =	vst.idx.msk $0xffff, v3  }
0x282: {  	v3 =	vld.idx.msk [tilespmem:v4+s11+$0x0], $0xffff  }
0x283: {  	v4 =	vadd.s32 v41, v2;
	_ =	sdelay $0x3  }
0x284: {  	[tilespmem:v40+s28+$0x0] =	vst.idx.msk $0xffff, v3  }
0x285: {  	v3 =	vld.idx.msk [tilespmem:v4+s11+$0x0], $0xffff  }
0x286: {  	v4 =	vadd.s32 v43, v2;
	_ =	sdelay $0x3  }
0x287: {  	[tilespmem:v42+s28+$0x0] =	vst.idx.msk $0xffff, v3  }
0x288: {  	v3 =	vld.idx.msk [tilespmem:v4+s11+$0x0], $0xffff  }
0x289: {  	v4 =	vadd.s32 v45, v2;
	_ =	sdelay $0x3  }
0x28a: {  	[tilespmem:v44+s28+$0x0] =	vst.idx.msk $0xffff, v3  }
0x28b: {  	v3 =	vld.idx.msk [tilespmem:v4+s11+$0x0], $0xffff  }
0x28c: {  	v4 =	vadd.s32 v47, v2;
	_ =	sdelay $0x3  }
0x28d: {  	[tilespmem:v46+s28+$0x0] =	vst.idx.msk $0xffff, v3  }
0x28e: {  	v3 =	vld.idx.msk [tilespmem:v4+s11+$0x0], $0xffff  }
0x28f: {  	v4 =	vadd.s32 v49, v2;
	_ =	sdelay $0x3  }
0x290: {  	[tilespmem:v48+s28+$0x0] =	vst.idx.msk $0xffff, v3  }
0x291: {  	v3 =	vld.idx.msk [tilespmem:v4+s11+$0x0], $0xffff  }
0x292: {  	v4 =	vadd.s32 v51, v2;
	_ =	sdelay $0x3  }
0x293: {  	[tilespmem:v50+s28+$0x0] =	vst.idx.msk $0xffff, v3  }
0x294: {  	v3 =	vld.idx.msk [tilespmem:v4+s11+$0x0], $0xffff  }
0x295: {  	v4 =	vadd.s32 v53, v2;
	_ =	sdelay $0x3  }
0x296: {  	[tilespmem:v52+s28+$0x0] =	vst.idx.msk $0xffff, v3  }
0x297: {  	v3 =	vld.idx.msk [tilespmem:v4+s11+$0x0], $0xffff  }
0x298: {  	v4 =	vadd.s32 v55, v2;
	_ =	sdelay $0x3  }
0x299: {  	[tilespmem:v54+s28+$0x0] =	vst.idx.msk $0xffff, v3  }
0x29a: {  	v3 =	vld.idx.msk [tilespmem:v4+s11+$0x0], $0xffff  }
0x29b: {  	v4 =	vadd.s32 v57, v2;
	_ =	sdelay $0x3  }
0x29c: {  	[tilespmem:v56+s28+$0x0] =	vst.idx.msk $0xffff, v3  }
0x29d: {  	v3 =	vld.idx.msk [tilespmem:v4+s11+$0x0], $0xffff  }
0x29e: {  	v4 =	vadd.s32 v59, v2;
	_ =	sdelay $0x3  }
0x29f: {  	[tilespmem:v58+s28+$0x0] =	vst.idx.msk $0xffff, v3  }
0x2a0: {  	v3 =	vld.idx.msk [tilespmem:v4+s11+$0x0], $0xffff  }
0x2a1: {  	v4 =	vadd.s32 v61, v2;
	_ =	sdelay $0x3  }
0x2a2: {  	[tilespmem:v60+s28+$0x0] =	vst.idx.msk $0xffff, v3  }
0x2a3: {  	v3 =	vld.idx.msk [tilespmem:v4+s11+$0x0], $0xffff  }
0x2a4: {  	v4 =	vadd.s32 v63, v2;
	_ =	sdelay $0x3  }
0x2a5: {  	[tilespmem:v62+s28+$0x0] =	vst.idx.msk $0xffff, v3  }
0x2a6: {  	v5 =	vor.u32 $0x1F, v0;
	v3 =	vld.idx.msk [tilespmem:v4+s11+$0x0], $0xffff;
	v4 =	vor.u32 $0x1E, v1  }
0x2a7: {  	v2 =	vadd.s32 v5, v2;
	_ =	sdelay $0x3  }
0x2a8: {  	[tilespmem:v4+s28+$0x0] =	vst.idx.msk $0xffff, v3  }
0x2a9: {  	v3 =	vor.u32 $0x1F, v1;
	v2 =	vld.idx.msk [tilespmem:v2+s11+$0x0], $0xffff;
	_ =	sdelay $0x4  }
0x2aa: {  	[tilespmem:v3+s28+$0x0] =	vst.idx.msk $0xffff, v2  }
0x2ab: {  	v2 =	vld [tilespmem:s1+$0xD10];
	_ =	sdelay $0x4  }
0x2ac: {  	[tilespmem:$0x1F850] =	vst v3;
	v3 =	vshll.u32 v2, $0x7;
	v2 =	vor.u32 $0x4000, v0  }
0x2ad: {  	[tilespmem:$0x1F860] =	vst v2;
	v2 =	vadd.s32 v2, v3;
	_ =	sdelay $0x3  }
0x2ae: {  	[tilespmem:$0x1F830] =	vst v5  }
0x2af: {  	v5 =	vor.u32 $0x4001, v0;
	[tilespmem:$0x1F840] =	vst v4;
	v4 =	vor.u32 $0x200, v1;
	v2 =	vld.idx.msk [tilespmem:v2+s11+$0x0], $0xffff  }
0x2b0: {  	[tilespmem:$0x1F870] =	vst v5;
	v5 =	vadd.s32 v5, v3;
	_ =	sdelay $0x3  }
0x2b1: {  	[tilespmem:v4+s28+$0x0] =	vst.idx.msk $0xffff, v2  }
0x2b2: {  	[tilespmem:$0x1F880] =	vst v4;
	v4 =	vor.u32 $0x201, v1;
	v2 =	vld.idx.msk [tilespmem:v5+s11+$0x0], $0xffff;
	v5 =	vor.u32 $0x4002, v0  }
0x2b3: {  	v7 =	vadd.s32 v5, v3;
	_ =	sdelay $0x2  }
0x2b4: {  	[tilespmem:$0x1F8A0] =	vst v4  }
0x2b5: {  	[tilespmem:v4+s28+$0x0] =	vst.idx.msk $0xffff, v2  }
0x2b6: {  	[tilespmem:$0x1F890] =	vst v5;
	v5 =	vor.u32 $0x4003, v0;
	v4 =	vor.u32 $0x202, v1;
	v2 =	vld.idx.msk [tilespmem:v7+s11+$0x0], $0xffff  }
0x2b7: {  	v9 =	vadd.s32 v5, v3;
	_ =	sdelay $0x2  }
0x2b8: {  	[tilespmem:$0x1F8B0] =	vst v5  }
0x2b9: {  	[tilespmem:v4+s28+$0x0] =	vst.idx.msk $0xffff, v2  }
0x2ba: {  	v5 =	vor.u32 $0x4004, v0;
	[tilespmem:$0x1F8C0] =	vst v4;
	v4 =	vor.u32 $0x203, v1;
	v2 =	vld.idx.msk [tilespmem:v9+s11+$0x0], $0xffff  }
0x2bb: {  	v11 =	vadd.s32 v5, v3;
	_ =	sdelay $0x2  }
0x2bc: {  	[tilespmem:$0x1F8D0] =	vst v5  }
0x2bd: {  	[tilespmem:v4+s28+$0x0] =	vst.idx.msk $0xffff, v2  }
0x2be: {  	v5 =	vor.u32 $0x4005, v0;
	[tilespmem:$0x1F8E0] =	vst v4;
	v4 =	vor.u32 $0x204, v1;
	v2 =	vld.idx.msk [tilespmem:v11+s11+$0x0], $0xffff  }
0x2bf: {  	v62 =	vadd.s32 v5, v3;
	_ =	sdelay $0x2  }
0x2c0: {  	[tilespmem:$0x1F8F0] =	vst v5  }
0x2c1: {  	[tilespmem:v4+s28+$0x0] =	vst.idx.msk $0xffff, v2  }
0x2c2: {  	v5 =	vor.u32 $0x4006, v0;
	[tilespmem:$0x1F900] =	vst v4;
	v4 =	vor.u32 $0x205, v1;
	v2 =	vld.idx.msk [tilespmem:v62+s11+$0x0], $0xffff  }
0x2c3: {  	v63 =	vadd.s32 v5, v3;
	_ =	sdelay $0x2  }
0x2c4: {  	[tilespmem:$0x1F910] =	vst v5  }
0x2c5: {  	[tilespmem:v4+s28+$0x0] =	vst.idx.msk $0xffff, v2  }
0x2c6: {  	v5 =	vor.u32 $0x4007, v0;
	[tilespmem:$0x1F920] =	vst v4;
	v4 =	vor.u32 $0x206, v1;
	v2 =	vld.idx.msk [tilespmem:v63+s11+$0x0], $0xffff  }
0x2c7: {  	v14 =	vadd.s32 v5, v3;
	_ =	sdelay $0x2  }
0x2c8: {  	[tilespmem:$0x1F930] =	vst v5  }
0x2c9: {  	[tilespmem:v4+s28+$0x0] =	vst.idx.msk $0xffff, v2  }
0x2ca: {  	v5 =	vor.u32 $0x4008, v0;
	[tilespmem:$0x1F940] =	vst v4;
	v4 =	vor.u32 $0x207, v1;
	v2 =	vld.idx.msk [tilespmem:v14+s11+$0x0], $0xffff  }
0x2cb: {  	v15 =	vadd.s32 v5, v3;
	_ =	sdelay $0x2  }
0x2cc: {  	[tilespmem:$0x1F950] =	vst v5  }
0x2cd: {  	[tilespmem:v4+s28+$0x0] =	vst.idx.msk $0xffff, v2  }
0x2ce: {  	v5 =	vor.u32 $0x4009, v0;
	[tilespmem:$0x1F960] =	vst v4;
	v4 =	vor.u32 $0x208, v1;
	v2 =	vld.idx.msk [tilespmem:v15+s11+$0x0], $0xffff  }
0x2cf: {  	v18 =	vadd.s32 v5, v3;
	_ =	sdelay $0x2  }
0x2d0: {  	[tilespmem:$0x1F970] =	vst v5  }
0x2d1: {  	[tilespmem:v4+s28+$0x0] =	vst.idx.msk $0xffff, v2  }
0x2d2: {  	v5 =	vor.u32 $0x400A, v0;
	[tilespmem:$0x1F980] =	vst v4;
	v4 =	vor.u32 $0x209, v1;
	v2 =	vld.idx.msk [tilespmem:v18+s11+$0x0], $0xffff  }
0x2d3: {  	v19 =	vadd.s32 v5, v3;
	_ =	sdelay $0x2  }
0x2d4: {  	[tilespmem:$0x1F990] =	vst v5  }
0x2d5: {  	[tilespmem:v4+s28+$0x0] =	vst.idx.msk $0xffff, v2  }
0x2d6: {  	v5 =	vor.u32 $0x400B, v0;
	[tilespmem:$0x1F9A0] =	vst v4;
	v4 =	vor.u32 $0x20A, v1;
	v2 =	vld.idx.msk [tilespmem:v19+s11+$0x0], $0xffff  }
0x2d7: {  	v22 =	vadd.s32 v5, v3;
	_ =	sdelay $0x2  }
0x2d8: {  	[tilespmem:$0x1F9B0] =	vst v5  }
0x2d9: {  	[tilespmem:v4+s28+$0x0] =	vst.idx.msk $0xffff, v2  }
0x2da: {  	v5 =	vor.u32 $0x400C, v0;
	[tilespmem:$0x1F9C0] =	vst v4;
	v4 =	vor.u32 $0x20B, v1;
	v2 =	vld.idx.msk [tilespmem:v22+s11+$0x0], $0xffff  }
0x2db: {  	v23 =	vadd.s32 v5, v3;
	_ =	sdelay $0x2  }
0x2dc: {  	[tilespmem:$0x1F9D0] =	vst v5  }
0x2dd: {  	[tilespmem:v4+s28+$0x0] =	vst.idx.msk $0xffff, v2  }
0x2de: {  	v5 =	vor.u32 $0x400D, v0;
	[tilespmem:$0x1F9E0] =	vst v4;
	v4 =	vor.u32 $0x20C, v1;
	v2 =	vld.idx.msk [tilespmem:v23+s11+$0x0], $0xffff  }
0x2df: {  	v26 =	vadd.s32 v5, v3;
	_ =	sdelay $0x2  }
0x2e0: {  	[tilespmem:$0x1F9F0] =	vst v5  }
0x2e1: {  	[tilespmem:v4+s28+$0x0] =	vst.idx.msk $0xffff, v2  }
0x2e2: {  	v5 =	vor.u32 $0x400E, v0;
	[tilespmem:$0x1FA00] =	vst v4;
	v4 =	vor.u32 $0x20D, v1;
	v2 =	vld.idx.msk [tilespmem:v26+s11+$0x0], $0xffff  }
0x2e3: {  	v27 =	vadd.s32 v5, v3;
	_ =	sdelay $0x2  }
0x2e4: {  	[tilespmem:$0x1FA10] =	vst v5  }
0x2e5: {  	[tilespmem:v4+s28+$0x0] =	vst.idx.msk $0xffff, v2  }
0x2e6: {  	v5 =	vor.u32 $0x400F, v0;
	[tilespmem:$0x1FA20] =	vst v4;
	v4 =	vor.u32 $0x20E, v1;
	v2 =	vld.idx.msk [tilespmem:v27+s11+$0x0], $0xffff  }
0x2e7: {  	v30 =	vadd.s32 v5, v3;
	_ =	sdelay $0x2  }
0x2e8: {  	[tilespmem:$0x1FA30] =	vst v5  }
0x2e9: {  	[tilespmem:v4+s28+$0x0] =	vst.idx.msk $0xffff, v2  }
0x2ea: {  	v5 =	vor.u32 $0x4010, v0;
	[tilespmem:$0x1FA40] =	vst v4;
	v4 =	vor.u32 $0x20F, v1;
	v2 =	vld.idx.msk [tilespmem:v30+s11+$0x0], $0xffff  }
0x2eb: {  	v31 =	vadd.s32 v5, v3;
	_ =	sdelay $0x2  }
0x2ec: {  	[tilespmem:$0x1FA50] =	vst v5  }
0x2ed: {  	[tilespmem:v4+s28+$0x0] =	vst.idx.msk $0xffff, v2  }
0x2ee: {  	v5 =	vor.u32 $0x4011, v0;
	[tilespmem:$0x1FA60] =	vst v4;
	v4 =	vor.u32 $0x210, v1;
	v2 =	vld.idx.msk [tilespmem:v31+s11+$0x0], $0xffff  }
0x2ef: {  	v34 =	vadd.s32 v5, v3;
	_ =	sdelay $0x2  }
0x2f0: {  	[tilespmem:$0x1FA70] =	vst v5  }
0x2f1: {  	[tilespmem:v4+s28+$0x0] =	vst.idx.msk $0xffff, v2  }
0x2f2: {  	v5 =	vor.u32 $0x4012, v0;
	[tilespmem:$0x1FA80] =	vst v4;
	v4 =	vor.u32 $0x211, v1;
	v2 =	vld.idx.msk [tilespmem:v34+s11+$0x0], $0xffff  }
0x2f3: {  	v35 =	vadd.s32 v5, v3;
	_ =	sdelay $0x2  }
0x2f4: {  	[tilespmem:$0x1FA90] =	vst v5  }
0x2f5: {  	[tilespmem:v4+s28+$0x0] =	vst.idx.msk $0xffff, v2  }
0x2f6: {  	v5 =	vor.u32 $0x4013, v0;
	[tilespmem:$0x1FAA0] =	vst v4;
	v4 =	vor.u32 $0x212, v1;
	v2 =	vld.idx.msk [tilespmem:v35+s11+$0x0], $0xffff  }
0x2f7: {  	v38 =	vadd.s32 v5, v3;
	_ =	sdelay $0x2  }
0x2f8: {  	[tilespmem:$0x1FAB0] =	vst v5  }
0x2f9: {  	[tilespmem:v4+s28+$0x0] =	vst.idx.msk $0xffff, v2  }
0x2fa: {  	v5 =	vor.u32 $0x4014, v0;
	[tilespmem:$0x1FAC0] =	vst v4;
	v4 =	vor.u32 $0x213, v1;
	v2 =	vld.idx.msk [tilespmem:v38+s11+$0x0], $0xffff  }
0x2fb: {  	v39 =	vadd.s32 v5, v3;
	_ =	sdelay $0x2  }
0x2fc: {  	[tilespmem:$0x1FAD0] =	vst v5  }
0x2fd: {  	[tilespmem:v4+s28+$0x0] =	vst.idx.msk $0xffff, v2  }
0x2fe: {  	v5 =	vor.u32 $0x4015, v0;
	[tilespmem:$0x1FAE0] =	vst v4;
	v4 =	vor.u32 $0x214, v1;
	v2 =	vld.idx.msk [tilespmem:v39+s11+$0x0], $0xffff  }
0x2ff: {  	v42 =	vadd.s32 v5, v3;
	_ =	sdelay $0x2  }
0x300: {  	[tilespmem:$0x1FAF0] =	vst v5  }
0x301: {  	[tilespmem:v4+s28+$0x0] =	vst.idx.msk $0xffff, v2  }
0x302: {  	v5 =	vor.u32 $0x4016, v0;
	[tilespmem:$0x1FB00] =	vst v4;
	v4 =	vor.u32 $0x215, v1;
	v2 =	vld.idx.msk [tilespmem:v42+s11+$0x0], $0xffff  }
0x303: {  	v43 =	vadd.s32 v5, v3;
	_ =	sdelay $0x2  }
0x304: {  	[tilespmem:$0x1FB10] =	vst v5  }
0x305: {  	[tilespmem:v4+s28+$0x0] =	vst.idx.msk $0xffff, v2  }
0x306: {  	v5 =	vor.u32 $0x4017, v0;
	[tilespmem:$0x1FB20] =	vst v4;
	v4 =	vor.u32 $0x216, v1;
	v2 =	vld.idx.msk [tilespmem:v43+s11+$0x0], $0xffff  }
0x307: {  	v46 =	vadd.s32 v5, v3;
	_ =	sdelay $0x2  }
0x308: {  	[tilespmem:$0x1FB30] =	vst v5  }
0x309: {  	[tilespmem:v4+s28+$0x0] =	vst.idx.msk $0xffff, v2  }
0x30a: {  	v5 =	vor.u32 $0x4018, v0;
	[tilespmem:$0x1FB40] =	vst v4;
	v4 =	vor.u32 $0x217, v1;
	v2 =	vld.idx.msk [tilespmem:v46+s11+$0x0], $0xffff  }
0x30b: {  	v47 =	vadd.s32 v5, v3;
	_ =	sdelay $0x2  }
0x30c: {  	[tilespmem:$0x1FB50] =	vst v5  }
0x30d: {  	[tilespmem:v4+s28+$0x0] =	vst.idx.msk $0xffff, v2  }
0x30e: {  	v5 =	vor.u32 $0x4019, v0;
	[tilespmem:$0x1FB60] =	vst v4;
	v4 =	vor.u32 $0x218, v1;
	v2 =	vld.idx.msk [tilespmem:v47+s11+$0x0], $0xffff  }
0x30f: {  	v50 =	vadd.s32 v5, v3;
	_ =	sdelay $0x2  }
0x310: {  	[tilespmem:$0x1FB70] =	vst v5  }
0x311: {  	[tilespmem:v4+s28+$0x0] =	vst.idx.msk $0xffff, v2  }
0x312: {  	v5 =	vor.u32 $0x401A, v0;
	[tilespmem:$0x1FB80] =	vst v4;
	v4 =	vor.u32 $0x219, v1;
	v2 =	vld.idx.msk [tilespmem:v50+s11+$0x0], $0xffff  }
0x313: {  	v51 =	vadd.s32 v5, v3;
	_ =	sdelay $0x2  }
0x314: {  	[tilespmem:$0x1FB90] =	vst v5  }
0x315: {  	[tilespmem:v4+s28+$0x0] =	vst.idx.msk $0xffff, v2  }
0x316: {  	v5 =	vor.u32 $0x401B, v0;
	[tilespmem:$0x1FBA0] =	vst v4;
	v4 =	vor.u32 $0x21A, v1;
	v2 =	vld.idx.msk [tilespmem:v51+s11+$0x0], $0xffff  }
0x317: {  	v54 =	vadd.s32 v5, v3;
	_ =	sdelay $0x2  }
0x318: {  	[tilespmem:$0x1FBB0] =	vst v5  }
0x319: {  	[tilespmem:v4+s28+$0x0] =	vst.idx.msk $0xffff, v2  }
0x31a: {  	v5 =	vor.u32 $0x401C, v0;
	[tilespmem:$0x1FBC0] =	vst v4;
	v4 =	vor.u32 $0x21B, v1;
	v2 =	vld.idx.msk [tilespmem:v54+s11+$0x0], $0xffff  }
0x31b: {  	v55 =	vadd.s32 v5, v3;
	_ =	sdelay $0x2  }
0x31c: {  	[tilespmem:$0x1FBD0] =	vst v5  }
0x31d: {  	[tilespmem:v4+s28+$0x0] =	vst.idx.msk $0xffff, v2  }
0x31e: {  	v5 =	vor.u32 $0x401D, v0;
	[tilespmem:$0x1FBE0] =	vst v4;
	v4 =	vor.u32 $0x21C, v1;
	v2 =	vld.idx.msk [tilespmem:v55+s11+$0x0], $0xffff  }
0x31f: {  	v58 =	vadd.s32 v5, v3;
	_ =	sdelay $0x2  }
0x320: {  	[tilespmem:$0x1FBF0] =	vst v5  }
0x321: {  	[tilespmem:v4+s28+$0x0] =	vst.idx.msk $0xffff, v2  }
0x322: {  	v5 =	vor.u32 $0x401E, v0;
	[tilespmem:$0x1FC00] =	vst v4;
	v4 =	vor.u32 $0x21D, v1;
	v2 =	vld.idx.msk [tilespmem:v58+s11+$0x0], $0xffff  }
0x323: {  	v59 =	vadd.s32 v5, v3;
	_ =	sdelay $0x2  }
0x324: {  	[tilespmem:$0x1FC10] =	vst v5  }
0x325: {  	[tilespmem:v4+s28+$0x0] =	vst.idx.msk $0xffff, v2  }
0x326: {  	v5 =	vor.u32 $0x401F, v0;
	[tilespmem:$0x1FC20] =	vst v4;
	v2 =	vor.u32 $0x21E, v1;
	v4 =	vld.idx.msk [tilespmem:v59+s11+$0x0], $0xffff  }
0x327: {  	v3 =	vadd.s32 v5, v3;
	_ =	sdelay $0x3  }
0x328: {  	[tilespmem:v2+s28+$0x0] =	vst.idx.msk $0xffff, v4  }
0x329: {  	[tilespmem:$0x1FC40] =	vst v2;
	v2 =	vor.u32 $0x21F, v1;
	v4 =	vld.idx.msk [tilespmem:v3+s11+$0x0], $0xffff;
	_ =	sdelay $0x2  }
0x32a: {  	[tilespmem:$0x1FC30] =	vst v5  }
0x32b: {  	p0 =	seq.s32 s31, $0x3300;
	[tilespmem:$0x1FC50] =	vst v2  }
.Ltmp4:
0x32c: {  	s4 =	sadd.s32 s31, s7;
	[tilespmem:v2+s28+$0x0] =	vst.idx.msk $0xffff, v4;
	(pc) =	sbr.rel @p0 .LBB2_4-.Ltmp4, $4  }
0x32d: {  	[hbm4b:s4+s2] =	stream.linear.scatter [tilespmem:s28], [sflag:$0x3], $0x400, $0x38;
	[tilespmem:$0x12200] =	vst v63  }
0x32e: {  	_ =	swait.ge [sflag:s9], $0x400  }
0x32f: {  	[sflag:s9] =	ssyncset.done $0x0  }
0x330: {  	[sflag:s9] =	ssyncadd.s32 $0xFFFFFC00  }
0x331: {  	v4 =	vld [tilespmem:s1+$0x40];
	_ =	sdelay $0x4  }
0x332: {  	v4 =	vshll.u32 v4, $0x7  }
0x333: {  	(v2sf) =	vpush v4, $0x0;
	_ =	sdelay $0x1  }
0x334: {  	(v2sf) =	vpush v4, $0x1;
	_ =	sdelay $0x4  }
0x335: {  	(v2sf) =	vpush v4, $0x2;
	_ =	sdelay $0x1  }
0x336: {  	(v2sf) =	vpush v4, $0x3;
	_ =	sdelay $0x5  }
0x337: {  	s0 =	spop (v2sf);
	(v2sf) =	vpush v4, $0x4  }
0x338: {  	s0 =	sand.u32 $0x1FFFFF80, s0  }
0x339: {  	s4 =	spop (v2sf);
	(v2sf) =	vpush v4, $0x5;
	s0 =	sadd.s32 s3, s0  }
0x33a: {  	[tilespmem:s11], [sflag:$0x1] =	stream.linear.gather [hbm4b:s0+s2], $0x400, $0x38;
	[tilespmem:$0x12200] =	vst v63  }
0x33b: {  	s0 =	sand.u32 $0x1FFFFF80, s4  }
0x33c: {  	s10 =	simm.s32 $0x1E00;
	s0 =	sadd.s32 s3, s0  }
0x33d: {  	[tilespmem:s10], [sflag:$0x1] =	stream.linear.gather [hbm4b:s0+s2], $0x400, $0x38;
	[tilespmem:$0x12200] =	vst v63  }
0x33e: {  	s10 =	spop (v2sf);
	(v2sf) =	vpush v4, $0x6;
	_ =	sdelay $0x1  }
0x33f: {  	s0 =	sand.u32 $0x1FFFFF80, s10;
	s10 =	spop (v2sf);
	(v2sf) =	vpush v4, $0x7;
	_ =	sdelay $0x2  }
0x340: {  	s4 =	simm.s32 $0x2200;
	s0 =	sadd.s32 s3, s0  }
0x341: {  	[tilespmem:s4], [sflag:$0x1] =	stream.linear.gather [hbm4b:s0+s2], $0x400, $0x38;
	[tilespmem:$0x12200] =	vst v63  }
0x342: {  	s0 =	sand.u32 $0x1FFFFF80, s10  }
0x343: {  	s4 =	simm.s32 $0x2600;
	s0 =	sadd.s32 s3, s0;
	s10 =	spop (v2sf);
	(v2sf) =	vpush v4, $0x8  }
0x344: {  	[tilespmem:s4], [sflag:$0x1] =	stream.linear.gather [hbm4b:s0+s2], $0x400, $0x38;
	[tilespmem:$0x12200] =	vst v63  }
0x345: {  	s0 =	sand.u32 $0x1FFFFF80, s10;
	s10 =	spop (v2sf);
	(v2sf) =	vpush v4, $0x9;
	_ =	sdelay $0x1  }
0x346: {  	s4 =	simm.s32 $0x2A00;
	s0 =	sadd.s32 s3, s0  }
0x347: {  	[tilespmem:s4], [sflag:$0x1] =	stream.linear.gather [hbm4b:s0+s2], $0x400, $0x38;
	[tilespmem:$0x12200] =	vst v63  }
0x348: {  	s0 =	sand.u32 $0x1FFFFF80, s10  }
0x349: {  	s4 =	simm.s32 $0x2E00;
	s0 =	sadd.s32 s3, s0;
	s10 =	spop (v2sf);
	(v2sf) =	vpush v4, $0xA  }
0x34a: {  	[tilespmem:s4], [sflag:$0x1] =	stream.linear.gather [hbm4b:s0+s2], $0x400, $0x38;
	[tilespmem:$0x12200] =	vst v63  }
0x34b: {  	s0 =	sand.u32 $0x1FFFFF80, s10;
	s10 =	spop (v2sf);
	(v2sf) =	vpush v4, $0xB;
	_ =	sdelay $0x2  }
0x34c: {  	s4 =	simm.s32 $0x3200;
	s0 =	sadd.s32 s3, s0  }
0x34d: {  	[tilespmem:s4], [sflag:$0x1] =	stream.linear.gather [hbm4b:s0+s2], $0x400, $0x38;
	[tilespmem:$0x12200] =	vst v63  }
0x34e: {  	s0 =	sand.u32 $0x1FFFFF80, s10  }
0x34f: {  	s4 =	simm.s32 $0x3600;
	s0 =	sadd.s32 s3, s0;
	s10 =	spop (v2sf);
	(v2sf) =	vpush v4, $0xC  }
0x350: {  	[tilespmem:s4], [sflag:$0x1] =	stream.linear.gather [hbm4b:s0+s2], $0x400, $0x38;
	[tilespmem:$0x12200] =	vst v63  }
0x351: {  	s0 =	sand.u32 $0x1FFFFF80, s10;
	s10 =	spop (v2sf);
	(v2sf) =	vpush v4, $0xD;
	_ =	sdelay $0x1  }
0x352: {  	s4 =	simm.s32 $0x3A00;
	s0 =	sadd.s32 s3, s0  }
0x353: {  	[tilespmem:s4], [sflag:$0x1] =	stream.linear.gather [hbm4b:s0+s2], $0x400, $0x38;
	[tilespmem:$0x12200] =	vst v63  }
0x354: {  	s0 =	sand.u32 $0x1FFFFF80, s10  }
0x355: {  	s4 =	simm.s32 $0x3E00;
	s0 =	sadd.s32 s3, s0;
	s10 =	spop (v2sf);
	(v2sf) =	vpush v4, $0xE  }
0x356: {  	[tilespmem:s4], [sflag:$0x1] =	stream.linear.gather [hbm4b:s0+s2], $0x400, $0x38;
	[tilespmem:$0x12200] =	vst v63  }
0x357: {  	s0 =	sand.u32 $0x1FFFFF80, s10;
	s10 =	spop (v2sf);
	(v2sf) =	vpush v4, $0xF  }
0x358: {  	s4 =	simm.s32 $0x4200;
	s0 =	sadd.s32 s3, s0  }
0x359: {  	[tilespmem:s4], [sflag:$0x1] =	stream.linear.gather [hbm4b:s0+s2], $0x400, $0x38;
	[tilespmem:$0x12200] =	vst v63  }
0x35a: {  	s0 =	sand.u32 $0x1FFFFF80, s10  }
0x35b: {  	s4 =	simm.s32 $0x4600;
	s0 =	sadd.s32 s3, s0  }
0x35c: {  	[tilespmem:s4], [sflag:$0x1] =	stream.linear.gather [hbm4b:s0+s2], $0x400, $0x38;
	[tilespmem:$0x12200] =	vst v63  }
0x35d: {  	s10 =	spop (v2sf)  }
0x35e: {  	s0 =	sand.u32 $0x1FFFFF80, s10  }
0x35f: {  	s4 =	simm.s32 $0x4A00;
	s10 =	spop (v2sf);
	s0 =	sadd.s32 s3, s0  }
0x360: {  	[tilespmem:s4], [sflag:$0x1] =	stream.linear.gather [hbm4b:s0+s2], $0x400, $0x38;
	[tilespmem:$0x12200] =	vst v63  }
0x361: {  	s0 =	sand.u32 $0x1FFFFF80, s10  }
0x362: {  	s4 =	simm.s32 $0x4E00;
	s0 =	sadd.s32 s3, s0  }
0x363: {  	[tilespmem:s4], [sflag:$0x1] =	stream.linear.gather [hbm4b:s0+s2], $0x400, $0x38;
	[tilespmem:$0x12200] =	vst v63  }
0x364: {  	s10 =	spop (v2sf)  }
0x365: {  	s0 =	sand.u32 $0x1FFFFF80, s10  }
0x366: {  	s4 =	simm.s32 $0x5200;
	s10 =	spop (v2sf);
	s0 =	sadd.s32 s3, s0  }
0x367: {  	[tilespmem:s4], [sflag:$0x1] =	stream.linear.gather [hbm4b:s0+s2], $0x400, $0x38;
	[tilespmem:$0x12200] =	vst v63  }
0x368: {  	s0 =	sand.u32 $0x1FFFFF80, s10  }
0x369: {  	s4 =	simm.s32 $0x5600;
	s0 =	sadd.s32 s3, s0  }
0x36a: {  	[tilespmem:s4], [sflag:$0x1] =	stream.linear.gather [hbm4b:s0+s2], $0x400, $0x38;
	[tilespmem:$0x12200] =	vst v63  }
0x36b: {  	v4 =	vld [tilespmem:s1+$0x50];
	_ =	sdelay $0x4  }
0x36c: {  	v4 =	vshll.u32 v4, $0x7  }
0x36d: {  	(v2sf) =	vpush v4, $0x0;
	_ =	sdelay $0x1  }
0x36e: {  	(v2sf) =	vpush v4, $0x1;
	_ =	sdelay $0x2  }
0x36f: {  	(v2sf) =	vpush v4, $0x2;
	_ =	sdelay $0x2  }
0x370: {  	(v2sf) =	vpush v4, $0x3;
	_ =	sdelay $0x6  }
0x371: {  	s10 =	spop (v2sf);
	(v2sf) =	vpush v4, $0x4;
	_ =	sdelay $0x1  }
0x372: {  	s0 =	sand.u32 $0x1FFFFF80, s10;
	s10 =	spop (v2sf);
	(v2sf) =	vpush v4, $0x5  }
0x373: {  	s4 =	simm.s32 $0x5A00;
	s0 =	sadd.s32 s3, s0  }
0x374: {  	[tilespmem:s4], [sflag:$0x1] =	stream.linear.gather [hbm4b:s0+s2], $0x400, $0x38;
	[tilespmem:$0x12200] =	vst v63  }
0x375: {  	s0 =	sand.u32 $0x1FFFFF80, s10;
	s10 =	spop (v2sf);
	(v2sf) =	vpush v4, $0x6  }
0x376: {  	s4 =	simm.s32 $0x5E00;
	s0 =	sadd.s32 s3, s0  }
0x377: {  	[tilespmem:s4], [sflag:$0x1] =	stream.linear.gather [hbm4b:s0+s2], $0x400, $0x38;
	[tilespmem:$0x12200] =	vst v63  }
0x378: {  	s0 =	sand.u32 $0x1FFFFF80, s10;
	s10 =	spop (v2sf);
	(v2sf) =	vpush v4, $0x7;
	_ =	sdelay $0x3  }
0x379: {  	s4 =	simm.s32 $0x6200;
	s0 =	sadd.s32 s3, s0  }
0x37a: {  	[tilespmem:s4], [sflag:$0x1] =	stream.linear.gather [hbm4b:s0+s2], $0x400, $0x38;
	[tilespmem:$0x12200] =	vst v63  }
0x37b: {  	s0 =	sand.u32 $0x1FFFFF80, s10  }
0x37c: {  	s4 =	simm.s32 $0x6600;
	s0 =	sadd.s32 s3, s0;
	s10 =	spop (v2sf);
	(v2sf) =	vpush v4, $0x8  }
0x37d: {  	[tilespmem:s4], [sflag:$0x1] =	stream.linear.gather [hbm4b:s0+s2], $0x400, $0x38;
	[tilespmem:$0x12200] =	vst v63  }
0x37e: {  	s0 =	sand.u32 $0x1FFFFF80, s10;
	s10 =	spop (v2sf);
	(v2sf) =	vpush v4, $0x9  }
0x37f: {  	s4 =	simm.s32 $0x6A00;
	s0 =	sadd.s32 s3, s0  }
0x380: {  	[tilespmem:s4], [sflag:$0x1] =	stream.linear.gather [hbm4b:s0+s2], $0x400, $0x38;
	[tilespmem:$0x12200] =	vst v63  }
0x381: {  	s0 =	sand.u32 $0x1FFFFF80, s10;
	s10 =	spop (v2sf);
	(v2sf) =	vpush v4, $0xA  }
0x382: {  	s4 =	simm.s32 $0x6E00;
	s0 =	sadd.s32 s3, s0  }
0x383: {  	[tilespmem:s4], [sflag:$0x1] =	stream.linear.gather [hbm4b:s0+s2], $0x400, $0x38;
	[tilespmem:$0x12200] =	vst v63  }
0x384: {  	s0 =	sand.u32 $0x1FFFFF80, s10;
	s10 =	spop (v2sf);
	(v2sf) =	vpush v4, $0xB;
	_ =	sdelay $0x3  }
0x385: {  	s4 =	simm.s32 $0x7200;
	s0 =	sadd.s32 s3, s0  }
0x386: {  	[tilespmem:s4], [sflag:$0x1] =	stream.linear.gather [hbm4b:s0+s2], $0x400, $0x38;
	[tilespmem:$0x12200] =	vst v63  }
0x387: {  	s0 =	sand.u32 $0x1FFFFF80, s10  }
0x388: {  	s4 =	simm.s32 $0x7600;
	s0 =	sadd.s32 s3, s0;
	s10 =	spop (v2sf);
	(v2sf) =	vpush v4, $0xC  }
0x389: {  	[tilespmem:s4], [sflag:$0x1] =	stream.linear.gather [hbm4b:s0+s2], $0x400, $0x38;
	[tilespmem:$0x12200] =	vst v63  }
0x38a: {  	s0 =	sand.u32 $0x1FFFFF80, s10;
	s10 =	spop (v2sf);
	(v2sf) =	vpush v4, $0xD  }
0x38b: {  	s4 =	simm.s32 $0x7A00;
	s0 =	sadd.s32 s3, s0  }
0x38c: {  	[tilespmem:s4], [sflag:$0x1] =	stream.linear.gather [hbm4b:s0+s2], $0x400, $0x38;
	[tilespmem:$0x12200] =	vst v63  }
0x38d: {  	s0 =	sand.u32 $0x1FFFFF80, s10;
	s10 =	spop (v2sf);
	(v2sf) =	vpush v4, $0xE  }
0x38e: {  	s4 =	simm.s32 $0x7E00;
	s0 =	sadd.s32 s3, s0  }
0x38f: {  	[tilespmem:s4], [sflag:$0x1] =	stream.linear.gather [hbm4b:s0+s2], $0x400, $0x38;
	[tilespmem:$0x12200] =	vst v63  }
0x390: {  	s0 =	sand.u32 $0x1FFFFF80, s10;
	s10 =	spop (v2sf);
	(v2sf) =	vpush v4, $0xF;
	_ =	sdelay $0x1  }
0x391: {  	s4 =	simm.s32 $0x8200;
	s0 =	sadd.s32 s3, s0  }
0x392: {  	[tilespmem:s4], [sflag:$0x1] =	stream.linear.gather [hbm4b:s0+s2], $0x400, $0x38;
	[tilespmem:$0x12200] =	vst v63  }
0x393: {  	s0 =	sand.u32 $0x1FFFFF80, s10  }
0x394: {  	s4 =	simm.s32 $0x8600;
	s0 =	sadd.s32 s3, s0  }
0x395: {  	[tilespmem:s4], [sflag:$0x1] =	stream.linear.gather [hbm4b:s0+s2], $0x400, $0x38;
	[tilespmem:$0x12200] =	vst v63  }
0x396: {  	s10 =	spop (v2sf)  }
0x397: {  	s0 =	sand.u32 $0x1FFFFF80, s10  }
0x398: {  	s4 =	simm.s32 $0x8A00;
	s10 =	spop (v2sf);
	s0 =	sadd.s32 s3, s0  }
0x399: {  	[tilespmem:s4], [sflag:$0x1] =	stream.linear.gather [hbm4b:s0+s2], $0x400, $0x38;
	[tilespmem:$0x12200] =	vst v63  }
0x39a: {  	s0 =	sand.u32 $0x1FFFFF80, s10  }
0x39b: {  	s4 =	simm.s32 $0x8E00;
	s10 =	spop (v2sf);
	s0 =	sadd.s32 s3, s0  }
0x39c: {  	[tilespmem:s4], [sflag:$0x1] =	stream.linear.gather [hbm4b:s0+s2], $0x400, $0x38;
	[tilespmem:$0x12200] =	vst v63  }
0x39d: {  	s0 =	sand.u32 $0x1FFFFF80, s10;
	s4 =	simm.s32 $0x9200  }
.Ltmp5:
0x39e: {  	s10 =	spop (v2sf);
	s0 =	sadd.s32 s3, s0;
	(pc) =	sbr.rel .LBB2_4-.Ltmp5, $4  }
0x39f: {  	[tilespmem:s4], [sflag:$0x1] =	stream.linear.gather [hbm4b:s0+s2], $0x400, $0x38;
	[tilespmem:$0x12200] =	vst v63  }
0x3a0: {  	s0 =	sand.u32 $0x1FFFFF80, s10  }
0x3a1: {  	s4 =	simm.s32 $0x9600;
	s10 =	simm.s32 $0x9E00;
	s0 =	sadd.s32 s3, s0  }
0x3a2: {  	[tilespmem:s4], [sflag:$0x1] =	stream.linear.gather [hbm4b:s0+s2], $0x400, $0x38;
	[tilespmem:$0x12200] =	vst v63  }
.LBB2_6:
0x3a3: {  	_ =	sfence.sel $0x180000  }
0x3a4: {  	[bflag:$0x0] =	sbarrier.arrive $0xFFFF  }
0x3a5: {  	_ =	strace $0x9000004A  }
0x3a6: {  	s0 =	stileid.u32;
	[bflag:$0x2] =	sbarrier.arrive $0xFFFF  }
0x3a7: {  	p0 =	sne.s32 s0, $0x0;
	s0 =	rddreg [dreg:$0x1]  }
0x3a8: {  	s0 =	sadd.s32 @!p0 $0x100000, s0  }
0x3a9: {  	[sflag:s0] =	ssyncadd.tile.s32 @!p0 $0x1;
	_ =	shalt  }
.Lfunc_end2:
_tile_overlayer_lowered:
.L_overlay_start_2:
0x3aa: {  	(tag) =	ssettag $0x2  }
0x3ab: {  	s0 =	rddreg [dreg:$0x0];
	s2 =	stileid.u32  }
0x3ac: {  	s1 =	rddreg [dreg:$0x1];
	p0 =	sne.s32 s2, $0x0  }
0x3ad: {  	s3 =	rddreg [dreg:$0x2];
	[bflag:$0x3] =	sbarrier.arrive $0xFFFF;
	s2 =	simm.s32 @!p0 $0x1C03  }
0x3ae: {  	[timem:s3], [sflag:s2] =	dma.local @!p0 [hbm:s0], s1  }
0x3af: {  	s0 =	simm.s32 @!p0 $0x3  }
0x3b0: {  	_ =	swait.ge @!p0 [sflag:s0], s1  }
0x3b1: {  	s1 =	ssub.s32 @!p0 $0x0, s1;
	[sflag:s0] =	ssyncset.done @!p0 $0x0  }
0x3b2: {  	[sflag:s0] =	ssyncadd.s32 @!p0 s1  }
0x3b3: {  	[bflag:$0x3] =	sbarrier.arrive $0xFFFF  }
0x3b4: {  	_ =	shalt  }

// kernel: kernel.8.cloned.1.call-start
scs
__scs_entry_jumppad:
0x0: {  	(pc) =	sbr.rel $0x88, $3  }
0x1: {  	(tag) =	ssettag $0x0;
	lr =	simm.s32 $0x1  }
0x2: {  	[smem:$0x3F9C] =	sst lr;
	_ =	strace $0xD0000000  }
0x3: {  	_ = 	snop  }
0x4: {  	_ = 	snop  }
0x5: {  	_ = 	snop  }
0x6: {  	_ = 	snop  }
0x7: {  	_ = 	snop  }
__scs_overlays_trampoline_lowered:
0x8: {  	[smem:$0x3FAB] =	sst s0  }
0x9: {  	[smem:$0x3FAC] =	sst s1  }
0xa: {  	[smem:$0x3FAD] =	sst s2  }
0xb: {  	[smem:$0x3FAE] =	sst s3  }
0xc: {  	[smem:$0x3FAF] =	sst s4  }
0xd: {  	[smem:$0x3FB0] =	sst s5  }
0xe: {  	[smem:$0x3FB1] =	sst s6  }
0xf: {  	[smem:$0x3FB2] =	sst s7  }
0x10: {  	[smem:$0x3FB3] =	sst s8  }
0x11: {  	[smem:$0x3FB4] =	sst s9;
	s0 =	simm.s32 @!p0 $0x0  }
0x12: {  	s1 =	sld [smem:$0x3F9A];
	s0 =	simm.s32 @p0 $0x1  }
0x13: {  	[smem:$0x3FB5] =	sst s0;
	s0 =	simm.s32 @!p1 $0x0  }
0x14: {  	s2 =	sld [smem:$0x3F99];
	s0 =	simm.s32 @p1 $0x1  }
0x15: {  	[smem:$0x3FB6] =	sst s0;
	s0 =	simm.s32 @!p2 $0x0  }
0x16: {  	s3 =	sld [smem:$0x3FDB];
	s0 =	simm.s32 @p2 $0x1  }
0x17: {  	s4 =	simm.s32 $0x1BF5;
	[smem:$0x3FB8] =	sst s0  }
0x18: {  	s0 =	sld [smem:$0x3F9B];
	_ =	swait.ge [sflag:s4], $0x0  }
0x19: {  	s7 =	sld [smem:$0x3F9C]  }
0x1a: {  	s8 =	sadd.s32 $0xFFFFE003, lr  }
0x1b: {  	s9 =	sadd.s32 $0xFFFFFEF7, lr;
	s5 =	simm.s32 $0xFFFFFFFF;
	p2 =	slt.u32 s8, $0xFFFFF086  }
0x1c: {  	p1 =	slt.u32 s9, $0xF7A;
	s5 =	simm.s32 @!p2 $0x0  }
0x1d: {  	s5 =	simm.s32 @p1 $0x1;
	p0 =	seq.s32 s7, s2  }
0x1e: {  	s7 =	smul.u32 @!p0 $0xF7A, s2;
	p2 =	seq.s32 @!p0 s5, $0x0  }
0x1f: {  	s9 =	smul.u32 $0xF7A, s1;
	s8 =	simm.s32 @!p0 $0x1BF5;
	p2 =	por !p2, p0  }
0x20: {  	[sflag:s8] =	ssyncset.s32 @!p0 $0xFFFFF086;
	s6 =	sadd.s32 @!p0 s3, s7;
	s7 =	simm.s32 @!p0 $0x108  }
0x21: {  	s3 =	sadd.s32 s3, s9;
	s6 =	sadd.s32 @!p0 $0x88, s6;
	s7 =	simm.s32 @p2 $0x1082  }
0x22: {  	[simem:s7], [sflag:s8] =	dma.local @!p0 [hbm:s6], $0xF7A  }
0x23: {  	s9 =	sor.u32 $0xD0000000, s2;
	s6 =	simm.s32 $0x108;
	_ =	swait.ge @!p0 [sflag:s8], $0x0  }
0x24: {  	s3 =	sadd.s32 $0x88, s3;
	s6 =	simm.s32 @!p1 $0x1082;
	[sflag:s4] =	ssyncset.s32 $0xFFFFF086  }
0x25: {  	[simem:s6], [sflag:s4] =	dma.local [hbm:s3], $0xF7A  }
0x26: {  	[smem:$0x3F9C] =	sst s1;
	(tag) =	ssettag s2;
	_ =	strace s9  }
0x27: {  	s1 =	sld [smem:$0x3FAC]  }
0x28: {  	s2 =	sld [smem:$0x3FAD]  }
0x29: {  	s4 =	sld [smem:$0x3FAF]  }
0x2a: {  	p0 =	seq.s32 s5, $0x0;
	s5 =	sld [smem:$0x3FB0]  }
0x2b: {  	s6 =	sld [smem:$0x3FB1]  }
0x2c: {  	s7 =	sld [smem:$0x3FB2]  }
0x2d: {  	s3 =	simm.s32 $0x108;
	s8 =	sld [smem:$0x3FB3]  }
0x2e: {  	s3 =	simm.s32 @!p0 $0x1082;
	s9 =	sld [smem:$0x3FB4]  }
0x2f: {  	lr =	sadd.s32 s0, s3;
	s0 =	sld [smem:$0x3FAB]  }
0x30: {  	s3 =	sld [smem:$0x3FAE]  }
0x31: {  	[smem:$0x3FB7] =	sst s10  }
0x32: {  	s10 =	sld [smem:$0x3FB5];
	_ =	sdelay $0x3  }
0x33: {  	p0 =	seq.s32 s10, $0x1;
	s10 =	sld [smem:$0x3FB7];
	_ =	sdelay $0x3  }
0x34: {  	[smem:$0x3FB7] =	sst s10  }
0x35: {  	s10 =	sld [smem:$0x3FB6];
	_ =	sdelay $0x3  }
0x36: {  	p1 =	seq.s32 s10, $0x1;
	s10 =	sld [smem:$0x3FB7];
	_ =	sdelay $0x3  }
0x37: {  	[smem:$0x3FB7] =	sst s10  }
0x38: {  	s10 =	sld [smem:$0x3FB8]  }
0x39: {  	_ = 	snop;
	(pc) =	sbr.ind lr, $3  }
0x3a: {  	_ = 	snop  }
0x3b: {  	_ = 	snop  }
0x3c: {  	p2 =	seq.s32 s10, $0x1;
	s10 =	sld [smem:$0x3FB7]  }
0x3d: {  	_ =	shalt  }
0x3e: {  	_ =	shalt  }
0x3f: {  	_ =	shalt  }
0x40: {  	_ =	shalt  }
0x41: {  	_ =	shalt  }
0x42: {  	_ =	shalt  }
0x43: {  	_ =	shalt  }
0x44: {  	_ =	shalt  }
0x45: {  	_ =	shalt  }
0x46: {  	_ =	shalt  }
0x47: {  	_ =	shalt  }
0x48: {  	_ =	shalt  }
0x49: {  	_ =	shalt  }
0x4a: {  	_ =	shalt  }
0x4b: {  	_ =	shalt  }
0x4c: {  	_ =	shalt  }
0x4d: {  	_ =	shalt  }
0x4e: {  	_ =	shalt  }
0x4f: {  	_ =	shalt  }
0x50: {  	_ =	shalt  }
0x51: {  	_ =	shalt  }
0x52: {  	_ =	shalt  }
0x53: {  	_ =	shalt  }
0x54: {  	_ =	shalt  }
0x55: {  	_ =	shalt  }
0x56: {  	_ =	shalt  }
0x57: {  	_ =	shalt  }
0x58: {  	_ =	shalt  }
0x59: {  	_ =	shalt  }
0x5a: {  	_ =	shalt  }
0x5b: {  	_ =	shalt  }
0x5c: {  	_ =	shalt  }
0x5d: {  	_ =	shalt  }
0x5e: {  	_ =	shalt  }
0x5f: {  	_ =	shalt  }
0x60: {  	_ =	shalt  }
0x61: {  	_ =	shalt  }
0x62: {  	_ =	shalt  }
0x63: {  	_ =	shalt  }
0x64: {  	_ =	shalt  }
0x65: {  	_ =	shalt  }
0x66: {  	_ =	shalt  }
0x67: {  	_ =	shalt  }
0x68: {  	_ =	shalt  }
0x69: {  	_ =	shalt  }
0x6a: {  	_ =	shalt  }
0x6b: {  	_ =	shalt  }
0x6c: {  	_ =	shalt  }
0x6d: {  	_ =	shalt  }
0x6e: {  	_ =	shalt  }
0x6f: {  	_ =	shalt  }
0x70: {  	_ =	shalt  }
0x71: {  	_ =	shalt  }
0x72: {  	_ =	shalt  }
0x73: {  	_ =	shalt  }
0x74: {  	_ =	shalt  }
0x75: {  	_ =	shalt  }
0x76: {  	_ =	shalt  }
0x77: {  	_ =	shalt  }
0x78: {  	_ =	shalt  }
0x79: {  	_ =	shalt  }
0x7a: {  	_ =	shalt  }
0x7b: {  	_ =	shalt  }
0x7c: {  	_ =	shalt  }
0x7d: {  	_ =	shalt  }
0x7e: {  	_ =	shalt  }
0x7f: {  	_ =	shalt  }
0x80: {  	_ =	shalt  }
0x81: {  	_ =	shalt  }
0x82: {  	_ =	shalt  }
0x83: {  	_ =	shalt  }
0x84: {  	_ =	shalt  }
0x85: {  	_ =	shalt  }
0x86: {  	_ =	shalt  }
0x87: {  	_ =	shalt  }
.Lfunc_end0:
.L_simem_size_0:
called_computation.1_lowered:
.L_overlay_start_0:
0x88: {  	s2 =	sld [smem:$0x3FD9]  }
0x89: {  	s3 =	sld [smem:$0x3FFE];
	_ =	sdelay $0x1  }
0x8a: {  	s1 =	srdreg.scid  }
0x8b: {  	s0 =	sand.u32 $0x1, s1  }
0x8c: {  	s16 =	sshll.u32 s0, $0xA;
	s2 =	sadd.s32 s3, s2  }
0x8d: {  	s2 =	sadd.s32 s2, s16  }
0x8e: {  	[smem:$0x3FC3] =	sst s2  }
0x8f: {  	_ = 	snop  }
0x90: {  	(tm) =	ssettm $0x1  }
0x91: {  	s17 =	sld [smem:$0x3FFB];
	_ =	sdelay $0x3  }
0x92: {  	_ =	strace s17  }
0x93: {  	s2 =	sld [smem:$0x3FFC];
	_ =	sdelay $0x3  }
0x94: {  	_ =	strace s2  }
0x95: {  	s2 =	sld [smem:$0x3FFD];
	_ =	sdelay $0x3  }
0x96: {  	_ =	strace s2  }
0x97: {  	_ =	strace $0x8FFFFFFF  }
0x98: {  	s18 =	sld [smem:$0x3FDB];
	_ =	sdelay $0x1  }
0x99: {  	s19 =	simm.s32 $_scs_section_size  }
0x9a: {  	s4 =	simm.s32 $_size__tile_overlayer_lowered;
	s5 =	simm.s32 $_tile_overlayer_lowered  }
0x9b: {  	s22 =	simm.s32 $0x1BFF;
	s21 =	sshll.u32 s5, $0x1;
	s2 =	sadd.s32 s19, s18  }
0x9c: {  	s6 =	simm.s32 $0x0;
	s20 =	sshll.u32 s4, $0x1;
	s4 =	sadd.s32 s21, s2  }
0x9d: {  	[timem:s6], [sflag:s22] =	dma.local [hbm:s4], s20  }
0x9e: {  	_ =	swait.ge [sflag:s22], s20  }
0x9f: {  	s3 =	ssub.s32 $0x0, s20;
	[sflag:s22] =	ssyncset.done $0x0  }
0xa0: {  	[sflag:s22] =	ssyncadd.s32 s3;
	_ =	sdelay $0x1  }
0xa1: {  	s23 =	simm.s32 $0x1B8B  }
0xa2: {  	_ =	swait.ge [sflag:s23], $0x1  }
0xa3: {  	[sflag:s23] =	ssyncset.done $0x0  }
0xa4: {  	s25 =	simm.s32 $0x1B8E;
	s24 =	sld [smem:$0x3FFE];
	[sflag:s23] =	ssyncadd.s32 $0xFFFFFFFF  }
0xa5: {  	s26 =	simm.s32 $execute0_lowered;
	[smem:$0x3FD2] =	sst s25  }
0xa6: {  	s4 =	sshll.u32 s26, $0x1;
	_ =	strace $0x80000046;
	[dreg:$0x1] =	wrdreg $0xFFFFFFFF  }
0xa7: {  	s28 =	simm.s32 $_size_execute0_lowered;
	s2 =	sadd.s32 s2, s4;
	[dreg:$0x0] =	wrdreg $0x0  }
0xa8: {  	s4 =	sshll.u32 s28, $0x1;
	[dreg:$0x2] =	wrdreg s2  }
0xa9: {  	[dreg:$0x3] =	wrdreg s4  }
0xaa: {  	[dreg:$0x4] =	wrdreg $0xC0  }
0xab: {  	_ =	task [dreg:s6], $0x5FFFF  }
0xac: {  	[dreg:$0x1] =	wrdreg $0xFFFFFFFF  }
0xad: {  	[dreg:$0x0] =	wrdreg $0x60  }
0xae: {  	[dreg:$0x2] =	wrdreg s24  }
0xaf: {  	[dreg:$0x3] =	wrdreg $0xA  }
0xb0: {  	_ =	task.clear_ibuf [dreg:s6], $0x4FFFF;
	_ =	strace $0x90000046  }
0xb1: {  	s29 =	simm.s32 $0xA;
	_ =	strace $0x80000048  }
0xb2: {  	_ =	swait.ge [sflag:s29], $0x1  }
0xb3: {  	[sflag:s29] =	ssyncadd.s32 $0xFFFFFFFF  }
0xb4: {  	_ =	strace $0x90000048  }
0xb5: {  	_ =	sfence  }
0xb6: {  	s30 =	sld [smem:$0x0];
	_ =	sdelay $0x2  }
0xb7: {  	s31 =	sshll.u32 s1, $0xD;
	s1 =	sshrl.u32 s1, $0x2  }
0xb8: {  	s3 =	sand.u32 $0x4000, s31;
	s1 =	sadd.s32 s1, s30  }
0xb9: {  	s0 =	sor.u32 s3, s0;
	s1 =	sshll.u32 s1, $0x11  }
0xba: {  	s0 =	sor.u32 s1, s0  }
0xbb: {  	s0 =	sadd.s32 $0x8F2B, s0  }
0xbc: {  	[sflag:s0] =	ssyncadd.remote.s32 $0x1  }
0xbd: {  	_ =	sfence.sel $0xFFFF  }
0xbe: {  	[dreg:$0x0] =	wrdreg $0xFFFFFFFF;
	(pc) =	sbr.abs _section_cstart, $3  }
0xbf: {  	[dreg:$0x1] =	wrdreg $0xFFFFFFFF  }
0xc0: {  	_ =	task.clear_ibuf [dreg:s6], $0x2FFFF;
	_ =	strace $0x9FFFFFFF  }
0xc1: {  	(tm) =	ssettm $0x7FFFFFFF  }
tec
execute0_lowered:
.L_overlay_start_1:
0x0: {  	(tag) =	ssettag $0x1  }
0x1: {  	s1 =	srdreg.scid  }
0x2: {  	s0 =	stileid.u32;
	s4 =	rddreg [dreg:$0x0]  }
0x3: {  	s2 =	simm.s32 $0x0;
	s9 =	simm.s32 $0xD00;
	s10 =	simm.s32 $0x1  }
0x4: {  	s3 =	sand.u32 $0x1, s1;
	s30 =	sshll.u32 s0, $0x1;
	s6 =	smul.u32 $0x1A00, s0  }
0x5: {  	s11 =	simm.s32 $0x0;
	s1 =	sor.u32 s3, s30;
	s7 =	smul.u32 $0xD00, s3  }
0x6: {  	[smem:$0x7FF] =	sst s2;
	s8 =	ssub.s32 $0x2, s3;
	s5 =	smul.u32 $0xD00, s1  }
0x7: {  	s3 =	sadd.s32 $0x4200, s4;
	s1 =	rddreg [dreg:$0x1];
	_ =	strace $0x80000047  }
0x8: {  	s31 =	sshrl.u32 s8, $0x1;
	s6 =	sadd.s32 s7, s6;
	s5 =	sshrl.u32 s5, $0x3  }
0x9: {  	s7 =	ssub.s32 s8, s31;
	s6 =	sshrl.u32 s6, $0x3;
	s5 =	sadd.s32 s5, s4  }
0xa: {  	s8 =	simm.s32 $0x80;
	s6 =	sadd.s32 s6, s4;
	s4 =	sadd.s32 $0xE00, s5  }
0xb: {  	s5 =	smax.u32 s7, $0x1;
	s6 =	sadd.s32 $0x53800, s6;
	s7 =	simm.s32 $0x2  }
.LBB2_1:
0xc: {  	[tilespmem:s2], [sflag:$0x2] =	stream.linear.gather [hbm4b:s4+s2], $0xD00, $0x38;
	[tilespmem:$0xD80] =	vst v63  }
0xd: {  	_ =	swait.ge [sflag:s7], $0xD00  }
0xe: {  	[sflag:s7] =	ssyncset.done $0x0  }
0xf: {  	[sflag:s7] =	ssyncadd.s32 $0xFFFFF300  }
0x10: {  	[tilespmem:s9], [sflag:$0x1] =	stream.indirect.gather [hbm4b:s3+s8], $0x1, s2, s8, $0xb8;
	[tilespmem:$0xD80] =	vst v63  }
0x11: {  	_ =	swait.ge [sflag:s10], $0x80  }
0x12: {  	[sflag:s10] =	ssyncset.done $0x0  }
0x13: {  	s12 =	sadd.s32 $0x0, s6;
	[sflag:s10] =	ssyncadd.s32 $0xFFFFFF80  }
0x14: {  	[hbm4b:s12+s2] =	stream.linear.scatter [tilespmem:s9], [sflag:$0x2], $0x80, $0x38;
	[tilespmem:$0xD80] =	vst v63  }
0x15: {  	_ =	swait.ge [sflag:s7], $0x80  }
0x16: {  	s13 =	simm.s32 $0x0;
	s12 =	simm.s32 $0x10;
	[sflag:s7] =	ssyncset.done $0x0  }
.LBB2_2:
0x17: {  	p0 =	sne.s32 s12, $0x190;
	[sflag:s7] =	ssyncadd.s32 $0xFFFFFF80;
	s13 =	sadd.s32 $0x80, s13  }
0x18: {  	[tilespmem:s9], [sflag:$0x1] =	stream.indirect.gather [hbm4b:s3+s8], $0x1, s13, s8, $0xb8;
	[tilespmem:$0xD80] =	vst v63  }
0x19: {  	s14 =	smov.u32 s12;
	s12 =	sadd.s32 $0x10, s12;
	_ =	swait.ge [sflag:s10], $0x80  }
.Ltmp0:
0x1a: {  	[sflag:s10] =	ssyncset.done $0x0;
	(pc) =	sbr.rel @p0 .LBB2_2-.Ltmp0, $4  }
0x1b: {  	s14 =	sadd.s32 s14, s6;
	[sflag:s10] =	ssyncadd.s32 $0xFFFFFF80  }
0x1c: {  	[hbm4b:s14+s2] =	stream.linear.scatter [tilespmem:s9], [sflag:$0x2], $0x80, $0x38;
	[tilespmem:$0xD80] =	vst v63  }
0x1d: {  	_ =	swait.ge [sflag:s7], $0x80  }
0x1e: {  	[sflag:s7] =	ssyncset.done $0x0  }
0x1f: {  	s11 =	sadd.s32 $0x1, s11  }
0x20: {  	p0 =	sne.s32 s11, s5  }
.Ltmp1:
0x21: {  	_ = 	snop;
	(pc) =	sbr.rel @p0 .LBB2_1-.Ltmp1, $2  }
0x22: {  	_ =	sdelay $0x2  }
0x23: {  	[sflag:s7] =	ssyncadd.s32 $0xFFFFFF80  }
0x24: {  	_ =	sfence.sel $0x180000  }
0x25: {  	[bflag:$0x0] =	sbarrier.arrive $0xFFFF  }
0x26: {  	p0 =	sne.s32 s0, $0x0;
	_ =	strace $0x90000047  }
0x27: {  	s0 =	sadd.s32 @!p0 $0x100000, s1;
	[bflag:$0x2] =	sbarrier.arrive $0xFFFF  }
0x28: {  	[sflag:s0] =	ssyncadd.tile.s32 @!p0 $0x1;
	_ =	shalt  }
.Lfunc_end2:
_tile_overlayer_lowered:
.L_overlay_start_2:
0x29: {  	(tag) =	ssettag $0x2  }
0x2a: {  	s0 =	rddreg [dreg:$0x0];
	s2 =	stileid.u32  }
0x2b: {  	s1 =	rddreg [dreg:$0x1];
	p0 =	sne.s32 s2, $0x0  }
0x2c: {  	s3 =	rddreg [dreg:$0x2];
	[bflag:$0x3] =	sbarrier.arrive $0xFFFF;
	s2 =	simm.s32 @!p0 $0x1C02  }
0x2d: {  	[timem:s3], [sflag:s2] =	dma.local @!p0 [hbm:s0], s1  }
0x2e: {  	s0 =	simm.s32 @!p0 $0x2  }
0x2f: {  	_ =	swait.ge @!p0 [sflag:s0], s1  }
0x30: {  	s1 =	ssub.s32 @!p0 $0x0, s1;
	[sflag:s0] =	ssyncset.done @!p0 $0x0  }
0x31: {  	[sflag:s0] =	ssyncadd.s32 @!p0 s1  }
0x32: {  	[bflag:$0x3] =	sbarrier.arrive $0xFFFF  }
0x33: {  	_ =	shalt  }

</sc_bundles>
